<compile_context>
chip_gen: v7x
topology: tpu7x:2x2x1
jax: 0.10.2.dev20260603
libtpu: 0.0.44.dev20260713+nightly
codegen_flags: <defaults>
</compile_context>

<pallas_src>
import functools

import jax
import jax.numpy as jnp
from jax import lax
from jax.experimental import pallas as pl
from jax.experimental.pallas import tpu as pltpu
from jax.experimental.pallas import tpu_sc as plsc

D = 256
NC = 2
NS = 16
NW = NC * NS
PER_W = 6272
WIN = 64
KWIN = 4000
NBUF = 5


def _sc_kernel(keys_hbm, pe_hbm, out_hbm,
               winner_v, kbufs, ibuf, vbuf, bufs, ksems, gsems, ssems):
    wid = lax.axis_index("s") * NC + lax.axis_index("c")
    nslots = 2 * out_hbm.shape[0]
    nkeys = keys_hbm.shape[0]
    base = wid * PER_W
    nrows = jnp.minimum(PER_W, nslots - base)
    hi = base + nrows
    lanes = lax.iota(jnp.int32, 16)
    zeros16 = jnp.zeros((16,), jnp.float32)

    scope_a = jax.named_scope("phase_a_winner")
    scope_a.__enter__()

    def init_body(t, _):
        winner_v[pl.ds(t * 16, 16)] = jnp.full((16,), -1, jnp.int32)
        return 0
    lax.fori_loop(0, PER_W // 16, init_body, 0)

    nk = nkeys // KWIN

    def kload(w, p):
        pltpu.async_copy(keys_hbm.at[pl.ds(w * KWIN, KWIN)], kbufs[p],
                         ksems[p])

    def kwait(p):
        pltpu.make_async_copy(keys_hbm.at[pl.ds(0, KWIN)], kbufs[p],
                              ksems[p]).wait()

    def kproc(w, p):
        kbuf = kbufs[p]

        nrows_u = nrows.astype(jnp.uint32)
        UNR = 10

        def chunkn(tn, _):
            kbs = [kbuf[pl.ds((tn * UNR + u) * 16, 16)] - base
                   for u in range(UNR)]
            for u in range(UNR):
                t = tn * UNR + u
                mr = kbs[u].astype(jnp.uint32) < nrows_u
                iv = (w * KWIN + t * 16) + lanes
                plsc.store_scatter(winner_v, [kbs[u]], iv, mask=mr)
            return 0
        lax.fori_loop(0, KWIN // (16 * UNR), chunkn, 0)

    kload(0, 0)

    def kpipe(i2, _):
        w0 = i2 * 2
        kwait(0)

        @pl.when(w0 + 1 < nk)
        def _():
            kload(w0 + 1, 1)
        kproc(w0, 0)
        kwait(1)

        @pl.when(w0 + 2 < nk)
        def _():
            kload(w0 + 2, 0)
        kproc(w0 + 1, 1)
        return 0
    lax.fori_loop(0, nk // 2, kpipe, 0)
    scope_a.__exit__(None, None, None)

    def _dg(v, idxvec):
        return lax.gather(
            v, idxvec[:, None],
            dimension_numbers=lax.GatherDimensionNumbers(
                offset_dims=(), collapsed_slice_dims=(0,),
                start_index_map=(0,)),
            slice_sizes=(1,),
            mode=lax.GatherScatterMode.PROMISE_IN_BOUNDS)

    emap = (lanes % 8) * 2
    omap = emap + 1
    half = lanes < 8

    def remap(w, _):
        for h in range(WIN // 32):
            wa = winner_v[pl.ds(w * WIN + h * 32, 16)]
            wb = winner_v[pl.ds(w * WIN + h * 32 + 16, 16)]
            ra = (base + w * WIN + h * 32) + lanes
            rb = ra + 16
            ia = jnp.where(wa < 0, ra, wa)
            ib = jnp.where(wb < 0, rb, wb)
            evens = jnp.where(half, _dg(ia, emap), _dg(ib, emap))
            odds = jnp.where(half, _dg(ia, omap), _dg(ib, omap))
            ibuf[pl.ds(w * WIN + h * 16, 16)] = evens
            ibuf[pl.ds(w * WIN + WIN // 2 + h * 16, 16)] = odds
            vbuf[pl.ds(w * WIN + h * 16, 16)] = jnp.where(
                half, _dg(wa, emap), _dg(wb, emap))
            vbuf[pl.ds(w * WIN + WIN // 2 + h * 16, 16)] = jnp.where(
                half, _dg(wa, omap), _dg(wb, omap))
        return 0
    lax.fori_loop(0, PER_W // WIN, remap, 0)

    scope_g = jax.named_scope("phase_b_gather")
    scope_g.__enter__()
    nwin = nrows // WIN

    def gissue(w, p):
        pltpu.async_copy(pe_hbm.at[ibuf.at[pl.ds(w * WIN, WIN)]], bufs[p],
                         gsems[p])

    def gwait(p):
        pltpu.make_async_copy(pe_hbm.at[ibuf.at[pl.ds(0, WIN)]], bufs[p],
                              gsems[p]).wait()

    def sissue(w, p):
        node_st = pl.multiple_of((base + w * WIN) // 2, 8)
        pltpu.async_copy(bufs[p].at[pl.ds(0, WIN // 2), :],
                         out_hbm.at[pl.ds(node_st, WIN // 2), pl.ds(0, D)],
                         ssems[p])
        pltpu.async_copy(bufs[p].at[pl.ds(WIN // 2, WIN // 2), :],
                         out_hbm.at[pl.ds(node_st, WIN // 2), pl.ds(D, D)],
                         ssems[p])

    def swait(p):
        for _ in range(2):
            pltpu.make_async_copy(
                bufs[p].at[pl.ds(0, WIN // 2), :],
                out_hbm.at[pl.ds(0, WIN // 2), pl.ds(0, D)],
                ssems[p]).wait()

    def zerofix(w, p):
        buf = bufs[p]
        for c in range(WIN // 16):
            wv = vbuf[pl.ds(w * WIN + c * 16, 16)]
            bits = jnp.sum(jnp.where(wv < 0, jnp.int32(1), jnp.int32(0))
                           << lanes)

            @pl.when(bits != 0)
            def _():
                def zrow(l, _):
                    @pl.when(((bits >> l) & 1) == 1)
                    def _():
                        for k in range(D // 16):
                            buf[c * 16 + l, pl.ds(k * 16, 16)] = zeros16
                    return 0
                lax.fori_loop(0, 16, zrow, 0)

    for p in range(NBUF - 1):
        gissue(p, p)

    def pipe(i, _):
        for p in range(NBUF):
            w = i * NBUF + p

            @pl.when(w < nwin)
            def _(w=w, p=p):
                gwait(p)
                q = (p + NBUF - 1) % NBUF

                @pl.when(w + NBUF - 1 < nwin)
                def _():
                    @pl.when(w >= 1)
                    def _():
                        swait(q)
                    gissue(w + NBUF - 1, q)
                zerofix(w, p)
                sissue(w, p)
        return 0
    lax.fori_loop(0, (PER_W // WIN + NBUF - 1) // NBUF, pipe, 0)
    for p in range(NBUF):
        swait(p)
    scope_g.__exit__(None, None, None)


def _sc_call(keys, pe):
    nodes = keys.shape[0] // 2
    call = functools.partial(
        pl.kernel,
        out_type=jax.ShapeDtypeStruct((nodes, 2 * D), jnp.float32),
        mesh=plsc.VectorSubcoreMesh(core_axis_name="c", subcore_axis_name="s"),
        compiler_params=pltpu.CompilerParams(needs_layout_passes=False),
        scratch_types=[
            pltpu.VMEM((PER_W,), jnp.int32),
            [pltpu.VMEM((KWIN,), jnp.int32)] * 2,
            pltpu.VMEM((PER_W,), jnp.int32),
            pltpu.VMEM((PER_W,), jnp.int32),
            [pltpu.VMEM((WIN, D), jnp.float32)] * NBUF,
            [pltpu.SemaphoreType.DMA] * 2,
            [pltpu.SemaphoreType.DMA] * NBUF,
            [pltpu.SemaphoreType.DMA] * NBUF,
        ],
    )(_sc_kernel)
    return call(keys, pe)


def kernel(x, pe):
    keys = x[:, 0] * 2 + x[:, 1]
    return _sc_call(keys, pe)

# --- scband reference (transcript-rebuilt; emitter-appended) ---
"""Pipeline reference for scband-positional-encoding-82557861364078 (READ-ONLY COPY).

The authoritative reference and input builder live on the scoring server;
editing this copy changes nothing except your own understanding.
"""

import jax, jax.numpy as jnp
import numpy as np
import math

D_MODEL = 256
MAX_LEN = 200000
N_BASE = 10000
NUM_NODES = 100000


def _make_pe():
    position = jnp.arange(MAX_LEN, dtype=jnp.float32)[:, None]
    div_term = jnp.exp(jnp.arange(0, D_MODEL, 2, dtype=jnp.float32) * (-math.log(N_BASE) / D_MODEL))
    pe = jnp.zeros((MAX_LEN, D_MODEL), dtype=jnp.float32)
    pe = pe.at[:, 0::2].set(jnp.sin(position * div_term))
    pe = pe.at[:, 1::2].set(jnp.cos(position * div_term))
    return pe


def setup_inputs(seed: int = 0) -> dict:
    key = jax.random.key(seed)
    k1, k2 = jax.random.split(key)
    # Column 0: node index in [0, NUM_NODES); column 1: over/under flag in {0,1}.
    col0 = jax.random.randint(k1, (2 * NUM_NODES,), 0, NUM_NODES, dtype=jnp.int32)
    col1 = jax.random.randint(k2, (2 * NUM_NODES,), 0, 2, dtype=jnp.int32)
    x = jnp.stack([col0, col1], axis=1)
    pe = _make_pe()  # precomputed positional buffer (module buffer)
    return {"x": x, "pe": pe}


def reference(x, pe):
    num_nodes = x.shape[0] // 2
    node_embeddings = jnp.zeros((num_nodes, 2, D_MODEL), dtype=pe.dtype)
    # scatter-overwrite: node_embeddings[x[:,0], x[:,1]] = pe[:num_nodes*2]
    node_embeddings = node_embeddings.at[x[:, 0], x[:, 1]].set(pe[: num_nodes * 2])
    return node_embeddings.reshape(num_nodes, 2 * D_MODEL)

if __name__ == "__main__":
    import jax
    _d = setup_inputs()
    print(jax.jit(kernel)(*tuple(_d.values())))

</pallas_src>

<mosaic_0001>
#map = affine_map<(d0, d1) -> (0)>
#map1 = affine_map<(d0, d1) -> (0, 0)>
module attributes {stable_mosaic.version = 14 : i64} {
  func.func @_sc_kernel(%arg0: i32, %arg1: i32, %arg2: memref<200000xi32, #tpu.memory_space<hbm>>, %arg3: memref<200000x256xf32, #tpu.memory_space<hbm>>, %arg4: memref<100000x512xf32, #tpu.memory_space<hbm>>, %arg5: memref<6272xi32, #tpu.memory_space<vmem>>, %arg6: memref<4000xi32, #tpu.memory_space<vmem>>, %arg7: memref<4000xi32, #tpu.memory_space<vmem>>, %arg8: memref<6272xi32, #tpu.memory_space<vmem>>, %arg9: memref<6272xi32, #tpu.memory_space<vmem>>, %arg10: memref<64x256xf32, #tpu.memory_space<vmem>>, %arg11: memref<64x256xf32, #tpu.memory_space<vmem>>, %arg12: memref<64x256xf32, #tpu.memory_space<vmem>>, %arg13: memref<64x256xf32, #tpu.memory_space<vmem>>, %arg14: memref<64x256xf32, #tpu.memory_space<vmem>>, %arg15: memref<!tpu.dma_semaphore, #tpu.memory_space<semaphore_mem>>, %arg16: memref<!tpu.dma_semaphore, #tpu.memory_space<semaphore_mem>>, %arg17: memref<!tpu.dma_semaphore, #tpu.memory_space<semaphore_mem>>, %arg18: memref<!tpu.dma_semaphore, #tpu.memory_space<semaphore_mem>>, %arg19: memref<!tpu.dma_semaphore, #tpu.memory_space<semaphore_mem>>, %arg20: memref<!tpu.dma_semaphore, #tpu.memory_space<semaphore_mem>>, %arg21: memref<!tpu.dma_semaphore, #tpu.memory_space<semaphore_mem>>, %arg22: memref<!tpu.dma_semaphore, #tpu.memory_space<semaphore_mem>>, %arg23: memref<!tpu.dma_semaphore, #tpu.memory_space<semaphore_mem>>, %arg24: memref<!tpu.dma_semaphore, #tpu.memory_space<semaphore_mem>>, %arg25: memref<!tpu.dma_semaphore, #tpu.memory_space<semaphore_mem>>, %arg26: memref<!tpu.dma_semaphore, #tpu.memory_space<semaphore_mem>>) attributes {dimension_semantics = [#tpu.dimension_semantics<core_parallel>, #tpu.dimension_semantics<subcore_parallel>], iteration_bounds = array<i64: 2, 16>, scalar_prefetch = 0 : i64, scratch_operands = 22 : i64, tpu.core_type = #tpu.core_type<sc_vector_subcore>, window_params = [{transform_indices = #map}, {transform_indices = #map1}, {transform_indices = #map1}]} {
    %mul3A = arith.constant 2 : i32
    %mul3A_0 = arith.muli %arg1, %mul3A : i32
    %add3A = arith.addi %mul3A_0, %arg0 : i32
    %mul3A_1 = arith.constant 6272 : i32
    %mul3A_2 = arith.muli %add3A, %mul3A_1 : i32
    %sub3A = arith.constant 200000 : i32
    %sub3A_3 = arith.subi %sub3A, %mul3A_2 : i32
    %min3A = arith.constant 6272 : i32
    %min3A_4 = arith.minsi %min3A, %sub3A_3 : i32
    %add3A_5 = arith.addi %mul3A_2, %min3A_4 : i32
    %iota3A = tpu.iota {dimensions = array<i32: 0>} : vector<16xi32>
    %broadcast_in_dim3A = arith.constant 0.000000e+00 : f32
    %broadcast_in_dim3A_6 = vector.broadcast %broadcast_in_dim3A : f32 to vector<16xf32>
    "tpu.trace_start"() <{level = 10 : i32, message = "phase_a_winner"}> : () -> ()
    %scan3A = arith.constant 0 : i32
    %scan3A_7 = arith.constant 0 : i32
    %scan3A_8 = arith.constant 392 : i32
    %scan3A_9 = arith.addi %scan3A_7, %scan3A_8 : i32
    %scan3A_10 = arith.constant 1 : i32
    %scan3A_11 = scf.for %scan3A_222 = %scan3A_7 to %scan3A_9 step %scan3A_10 iter_args(%scan3A_223 = %scan3A) -> (i32)  : i32 {
      %broadcast_in_dim3A_224 = arith.constant -1 : i32
      %broadcast_in_dim3A_225 = vector.broadcast %broadcast_in_dim3A_224 : i32 to vector<16xi32>
      %mul3A_226 = arith.constant 16 : i32
      %mul3A_227 = arith.muli %scan3A_222, %mul3A_226 : i32
      %swap3A = arith.index_cast %mul3A_227 : i32 to index
      %swap3A_228 = tpu.vector_load %arg5[%swap3A] {strides = array<i32>} : memref<6272xi32, #tpu.memory_space<vmem>>, vector<16xi32>,
      tpu.vector_store %arg5[%swap3A], %broadcast_in_dim3A_225 {strides = array<i32>} : memref<6272xi32, #tpu.memory_space<vmem>>, vector<16xi32>,
      %scan3A_229 = arith.constant 0 : i32
      scf.yield %scan3A_229 : i32
    }
    %scan3A_12 = arith.constant 392 : i32
    %dma_start3A = arith.constant 0 : i32
    %dma_start3A_13 = tpu.memref_slice %arg2[%dma_start3A] : memref<200000xi32, #tpu.memory_space<hbm>> -> memref<4000xi32, #tpu.memory_space<hbm>>
    %dma_start3A_14 = arith.constant 0 : i32
    %dma_start3A_15 = tpu.memref_slice %arg2[%dma_start3A_14] : memref<200000xi32, #tpu.memory_space<hbm>> -> memref<4000xi32, #tpu.memory_space<hbm>>
    tpu.enqueue_dma source(%dma_start3A_15 : memref<4000xi32, #tpu.memory_space<hbm>>) target(%arg6 : memref<4000xi32, #tpu.memory_space<vmem>>) target_semaphore(%arg15 : memref<!tpu.dma_semaphore, #tpu.memory_space<semaphore_mem>>)
    %scan3A_16 = arith.constant 0 : i32
    %scan3A_17 = arith.constant 0 : i32
    %scan3A_18 = arith.constant 25 : i32
    %scan3A_19 = arith.addi %scan3A_17, %scan3A_18 : i32
    %scan3A_20 = arith.constant 1 : i32
    %scan3A_21 = scf.for %scan3A_222 = %scan3A_17 to %scan3A_19 step %scan3A_20 iter_args(%scan3A_223 = %scan3A_16) -> (i32)  : i32 {
      %mul3A_224 = arith.constant 2 : i32
      %mul3A_225 = arith.muli %scan3A_222, %mul3A_224 : i32
      %dma_wait3A_226 = arith.constant 0 : i32
      %dma_wait3A_227 = tpu.memref_slice %arg2[%dma_wait3A_226] : memref<200000xi32, #tpu.memory_space<hbm>> -> memref<4000xi32, #tpu.memory_space<hbm>>
      %dma_wait3A_228 = arith.constant 0 : i32
      %dma_wait3A_229 = tpu.memref_slice %arg2[%dma_wait3A_228] : memref<200000xi32, #tpu.memory_space<hbm>> -> memref<4000xi32, #tpu.memory_space<hbm>>
      tpu.wait_dma2 semaphore(%arg15 : memref<!tpu.dma_semaphore, #tpu.memory_space<semaphore_mem>>) src(%dma_wait3A_229 : memref<4000xi32, #tpu.memory_space<hbm>>) dst(%arg6 : memref<4000xi32, #tpu.memory_space<vmem>>)
      %add3A_230 = arith.constant 1 : i32
      %add3A_231 = arith.addi %mul3A_225, %add3A_230 : i32
      %lt3A_232 = arith.constant 50 : i32
      %lt3A_233 = arith.cmpi slt, %add3A_231, %lt3A_232 : i32
      %convert_element_type3A = arith.extui %lt3A_233 : i1 to i32
      %cond3A = arith.constant 0 : i32
      %cond3A_234 = arith.cmpi ne, %convert_element_type3A, %cond3A : i32
      scf.if %cond3A_234 {
        %add3A_263 = arith.constant 1 : i32
        %add3A_264 = arith.addi %mul3A_225, %add3A_263 : i32
        %mul3A_265 = arith.constant 4000 : i32
        %mul3A_266 = arith.muli %add3A_264, %mul3A_265 : i32
        %dma_start3A_267 = tpu.memref_slice %arg2[%mul3A_266] : memref<200000xi32, #tpu.memory_space<hbm>> -> memref<4000xi32, #tpu.memory_space<hbm>>
        %dma_start3A_268 = tpu.memref_slice %arg2[%mul3A_266] : memref<200000xi32, #tpu.memory_space<hbm>> -> memref<4000xi32, #tpu.memory_space<hbm>>
        tpu.enqueue_dma source(%dma_start3A_268 : memref<4000xi32, #tpu.memory_space<hbm>>) target(%arg7 : memref<4000xi32, #tpu.memory_space<vmem>>) target_semaphore(%arg16 : memref<!tpu.dma_semaphore, #tpu.memory_space<semaphore_mem>>)
      } else {
      }
      %scan3A_235 = arith.constant 0 : i32
      %scan3A_236 = arith.constant 0 : i32
      %scan3A_237 = arith.constant 25 : i32
      %scan3A_238 = arith.addi %scan3A_236, %scan3A_237 : i32
      %scan3A_239 = arith.constant 1 : i32
      %scan3A_240 = scf.for %scan3A_263 = %scan3A_236 to %scan3A_238 step %scan3A_239 iter_args(%scan3A_264 = %scan3A_235) -> (i32)  : i32 {
        %mul3A_265 = arith.constant 10 : i32
        %mul3A_266 = arith.muli %scan3A_263, %mul3A_265 : i32
        %add3A_267 = arith.constant 0 : i32
        %add3A_268 = arith.addi %mul3A_266, %add3A_267 : i32
        %mul3A_269 = arith.constant 16 : i32
        %mul3A_270 = arith.muli %add3A_268, %mul3A_269 : i32
        %get3A = arith.index_cast %mul3A_270 : i32 to index
        %get3A_271 = tpu.vector_load %arg6[%get3A] {strides = array<i32>} : memref<4000xi32, #tpu.memory_space<vmem>>, vector<16xi32>,
        %sub3A_272 = vector.broadcast %mul3A_2 : i32 to vector<16xi32>
        %sub3A_273 = arith.subi %get3A_271, %sub3A_272 : vector<16xi32>
        %mul3A_274 = arith.constant 10 : i32
        %mul3A_275 = arith.muli %scan3A_263, %mul3A_274 : i32
        %add3A_276 = arith.constant 1 : i32
        %add3A_277 = arith.addi %mul3A_275, %add3A_276 : i32
        %mul3A_278 = arith.constant 16 : i32
        %mul3A_279 = arith.muli %add3A_277, %mul3A_278 : i32
        %get3A_280 = arith.index_cast %mul3A_279 : i32 to index
        %get3A_281 = tpu.vector_load %arg6[%get3A_280] {strides = array<i32>} : memref<4000xi32, #tpu.memory_space<vmem>>, vector<16xi32>,
        %sub3A_282 = vector.broadcast %mul3A_2 : i32 to vector<16xi32>
        %sub3A_283 = arith.subi %get3A_281, %sub3A_282 : vector<16xi32>
        %mul3A_284 = arith.constant 10 : i32
        %mul3A_285 = arith.muli %scan3A_263, %mul3A_284 : i32
        %add3A_286 = arith.constant 2 : i32
        %add3A_287 = arith.addi %mul3A_285, %add3A_286 : i32
        %mul3A_288 = arith.constant 16 : i32
        %mul3A_289 = arith.muli %add3A_287, %mul3A_288 : i32
        %get3A_290 = arith.index_cast %mul3A_289 : i32 to index
        %get3A_291 = tpu.vector_load %arg6[%get3A_290] {strides = array<i32>} : memref<4000xi32, #tpu.memory_space<vmem>>, vector<16xi32>,
        %sub3A_292 = vector.broadcast %mul3A_2 : i32 to vector<16xi32>
        %sub3A_293 = arith.subi %get3A_291, %sub3A_292 : vector<16xi32>
        %mul3A_294 = arith.constant 10 : i32
        %mul3A_295 = arith.muli %scan3A_263, %mul3A_294 : i32
        %add3A_296 = arith.constant 3 : i32
        %add3A_297 = arith.addi %mul3A_295, %add3A_296 : i32
        %mul3A_298 = arith.constant 16 : i32
        %mul3A_299 = arith.muli %add3A_297, %mul3A_298 : i32
        %get3A_300 = arith.index_cast %mul3A_299 : i32 to index
        %get3A_301 = tpu.vector_load %arg6[%get3A_300] {strides = array<i32>} : memref<4000xi32, #tpu.memory_space<vmem>>, vector<16xi32>,
        %sub3A_302 = vector.broadcast %mul3A_2 : i32 to vector<16xi32>
        %sub3A_303 = arith.subi %get3A_301, %sub3A_302 : vector<16xi32>
        %mul3A_304 = arith.constant 10 : i32
        %mul3A_305 = arith.muli %scan3A_263, %mul3A_304 : i32
        %add3A_306 = arith.constant 4 : i32
        %add3A_307 = arith.addi %mul3A_305, %add3A_306 : i32
        %mul3A_308 = arith.constant 16 : i32
        %mul3A_309 = arith.muli %add3A_307, %mul3A_308 : i32
        %get3A_310 = arith.index_cast %mul3A_309 : i32 to index
        %get3A_311 = tpu.vector_load %arg6[%get3A_310] {strides = array<i32>} : memref<4000xi32, #tpu.memory_space<vmem>>, vector<16xi32>,
        %sub3A_312 = vector.broadcast %mul3A_2 : i32 to vector<16xi32>
        %sub3A_313 = arith.subi %get3A_311, %sub3A_312 : vector<16xi32>
        %mul3A_314 = arith.constant 10 : i32
        %mul3A_315 = arith.muli %scan3A_263, %mul3A_314 : i32
        %add3A_316 = arith.constant 5 : i32
        %add3A_317 = arith.addi %mul3A_315, %add3A_316 : i32
        %mul3A_318 = arith.constant 16 : i32
        %mul3A_319 = arith.muli %add3A_317, %mul3A_318 : i32
        %get3A_320 = arith.index_cast %mul3A_319 : i32 to index
        %get3A_321 = tpu.vector_load %arg6[%get3A_320] {strides = array<i32>} : memref<4000xi32, #tpu.memory_space<vmem>>, vector<16xi32>,
        %sub3A_322 = vector.broadcast %mul3A_2 : i32 to vector<16xi32>
        %sub3A_323 = arith.subi %get3A_321, %sub3A_322 : vector<16xi32>
        %mul3A_324 = arith.constant 10 : i32
        %mul3A_325 = arith.muli %scan3A_263, %mul3A_324 : i32
        %add3A_326 = arith.constant 6 : i32
        %add3A_327 = arith.addi %mul3A_325, %add3A_326 : i32
        %mul3A_328 = arith.constant 16 : i32
        %mul3A_329 = arith.muli %add3A_327, %mul3A_328 : i32
        %get3A_330 = arith.index_cast %mul3A_329 : i32 to index
        %get3A_331 = tpu.vector_load %arg6[%get3A_330] {strides = array<i32>} : memref<4000xi32, #tpu.memory_space<vmem>>, vector<16xi32>,
        %sub3A_332 = vector.broadcast %mul3A_2 : i32 to vector<16xi32>
        %sub3A_333 = arith.subi %get3A_331, %sub3A_332 : vector<16xi32>
        %mul3A_334 = arith.constant 10 : i32
        %mul3A_335 = arith.muli %scan3A_263, %mul3A_334 : i32
        %add3A_336 = arith.constant 7 : i32
        %add3A_337 = arith.addi %mul3A_335, %add3A_336 : i32
        %mul3A_338 = arith.constant 16 : i32
        %mul3A_339 = arith.muli %add3A_337, %mul3A_338 : i32
        %get3A_340 = arith.index_cast %mul3A_339 : i32 to index
        %get3A_341 = tpu.vector_load %arg6[%get3A_340] {strides = array<i32>} : memref<4000xi32, #tpu.memory_space<vmem>>, vector<16xi32>,
        %sub3A_342 = vector.broadcast %mul3A_2 : i32 to vector<16xi32>
        %sub3A_343 = arith.subi %get3A_341, %sub3A_342 : vector<16xi32>
        %mul3A_344 = arith.constant 10 : i32
        %mul3A_345 = arith.muli %scan3A_263, %mul3A_344 : i32
        %add3A_346 = arith.constant 8 : i32
        %add3A_347 = arith.addi %mul3A_345, %add3A_346 : i32
        %mul3A_348 = arith.constant 16 : i32
        %mul3A_349 = arith.muli %add3A_347, %mul3A_348 : i32
        %get3A_350 = arith.index_cast %mul3A_349 : i32 to index
        %get3A_351 = tpu.vector_load %arg6[%get3A_350] {strides = array<i32>} : memref<4000xi32, #tpu.memory_space<vmem>>, vector<16xi32>,
        %sub3A_352 = vector.broadcast %mul3A_2 : i32 to vector<16xi32>
        %sub3A_353 = arith.subi %get3A_351, %sub3A_352 : vector<16xi32>
        %mul3A_354 = arith.constant 10 : i32
        %mul3A_355 = arith.muli %scan3A_263, %mul3A_354 : i32
        %add3A_356 = arith.constant 9 : i32
        %add3A_357 = arith.addi %mul3A_355, %add3A_356 : i32
        %mul3A_358 = arith.constant 16 : i32
        %mul3A_359 = arith.muli %add3A_357, %mul3A_358 : i32
        %get3A_360 = arith.index_cast %mul3A_359 : i32 to index
        %get3A_361 = tpu.vector_load %arg6[%get3A_360] {strides = array<i32>} : memref<4000xi32, #tpu.memory_space<vmem>>, vector<16xi32>,
        %sub3A_362 = vector.broadcast %mul3A_2 : i32 to vector<16xi32>
        %sub3A_363 = arith.subi %get3A_361, %sub3A_362 : vector<16xi32>
        %mul3A_364 = arith.constant 10 : i32
        %mul3A_365 = arith.muli %scan3A_263, %mul3A_364 : i32
        %add3A_366 = arith.constant 0 : i32
        %add3A_367 = arith.addi %mul3A_365, %add3A_366 : i32
        %lt3A_368 = vector.broadcast %min3A_4 : i32 to vector<16xi32>
        %lt3A_369 = arith.cmpi ult, %sub3A_273, %lt3A_368 : vector<16xi32>
        %mul3A_370 = arith.constant 4000 : i32
        %mul3A_371 = arith.muli %mul3A_225, %mul3A_370 : i32
        %mul3A_372 = arith.constant 16 : i32
        %mul3A_373 = arith.muli %add3A_367, %mul3A_372 : i32
        %add3A_374 = arith.addi %mul3A_371, %mul3A_373 : i32
        %add3A_375 = vector.broadcast %add3A_374 : i32 to vector<16xi32>
        %add3A_376 = arith.addi %add3A_375, %iota3A : vector<16xi32>
        tpu.vector_store_idx %arg5[%sub3A_273], %add3A_376 masked %lt3A_369 : memref<6272xi32, #tpu.memory_space<vmem>>[vector<16xi32>], vector<16xi32>, vector<16xi1>
        %mul3A_377 = arith.constant 10 : i32
        %mul3A_378 = arith.muli %scan3A_263, %mul3A_377 : i32
        %add3A_379 = arith.constant 1 : i32
        %add3A_380 = arith.addi %mul3A_378, %add3A_379 : i32
        %lt3A_381 = vector.broadcast %min3A_4 : i32 to vector<16xi32>
        %lt3A_382 = arith.cmpi ult, %sub3A_283, %lt3A_381 : vector<16xi32>
        %mul3A_383 = arith.constant 4000 : i32
        %mul3A_384 = arith.muli %mul3A_225, %mul3A_383 : i32
        %mul3A_385 = arith.constant 16 : i32
        %mul3A_386 = arith.muli %add3A_380, %mul3A_385 : i32
        %add3A_387 = arith.addi %mul3A_384, %mul3A_386 : i32
        %add3A_388 = vector.broadcast %add3A_387 : i32 to vector<16xi32>
        %add3A_389 = arith.addi %add3A_388, %iota3A : vector<16xi32>
        tpu.vector_store_idx %arg5[%sub3A_283], %add3A_389 masked %lt3A_382 : memref<6272xi32, #tpu.memory_space<vmem>>[vector<16xi32>], vector<16xi32>, vector<16xi1>
        %mul3A_390 = arith.constant 10 : i32
        %mul3A_391 = arith.muli %scan3A_263, %mul3A_390 : i32
        %add3A_392 = arith.constant 2 : i32
        %add3A_393 = arith.addi %mul3A_391, %add3A_392 : i32
        %lt3A_394 = vector.broadcast %min3A_4 : i32 to vector<16xi32>
        %lt3A_395 = arith.cmpi ult, %sub3A_293, %lt3A_394 : vector<16xi32>
        %mul3A_396 = arith.constant 4000 : i32
        %mul3A_397 = arith.muli %mul3A_225, %mul3A_396 : i32
        %mul3A_398 = arith.constant 16 : i32
        %mul3A_399 = arith.muli %add3A_393, %mul3A_398 : i32
        %add3A_400 = arith.addi %mul3A_397, %mul3A_399 : i32
        %add3A_401 = vector.broadcast %add3A_400 : i32 to vector<16xi32>
        %add3A_402 = arith.addi %add3A_401, %iota3A : vector<16xi32>
        tpu.vector_store_idx %arg5[%sub3A_293], %add3A_402 masked %lt3A_395 : memref<6272xi32, #tpu.memory_space<vmem>>[vector<16xi32>], vector<16xi32>, vector<16xi1>
        %mul3A_403 = arith.constant 10 : i32
        %mul3A_404 = arith.muli %scan3A_263, %mul3A_403 : i32
        %add3A_405 = arith.constant 3 : i32
        %add3A_406 = arith.addi %mul3A_404, %add3A_405 : i32
        %lt3A_407 = vector.broadcast %min3A_4 : i32 to vector<16xi32>
        %lt3A_408 = arith.cmpi ult, %sub3A_303, %lt3A_407 : vector<16xi32>
        %mul3A_409 = arith.constant 4000 : i32
        %mul3A_410 = arith.muli %mul3A_225, %mul3A_409 : i32
        %mul3A_411 = arith.constant 16 : i32
        %mul3A_412 = arith.muli %add3A_406, %mul3A_411 : i32
        %add3A_413 = arith.addi %mul3A_410, %mul3A_412 : i32
        %add3A_414 = vector.broadcast %add3A_413 : i32 to vector<16xi32>
        %add3A_415 = arith.addi %add3A_414, %iota3A : vector<16xi32>
        tpu.vector_store_idx %arg5[%sub3A_303], %add3A_415 masked %lt3A_408 : memref<6272xi32, #tpu.memory_space<vmem>>[vector<16xi32>], vector<16xi32>, vector<16xi1>
        %mul3A_416 = arith.constant 10 : i32
        %mul3A_417 = arith.muli %scan3A_263, %mul3A_416 : i32
        %add3A_418 = arith.constant 4 : i32
        %add3A_419 = arith.addi %mul3A_417, %add3A_418 : i32
        %lt3A_420 = vector.broadcast %min3A_4 : i32 to vector<16xi32>
        %lt3A_421 = arith.cmpi ult, %sub3A_313, %lt3A_420 : vector<16xi32>
        %mul3A_422 = arith.constant 4000 : i32
        %mul3A_423 = arith.muli %mul3A_225, %mul3A_422 : i32
        %mul3A_424 = arith.constant 16 : i32
        %mul3A_425 = arith.muli %add3A_419, %mul3A_424 : i32
        %add3A_426 = arith.addi %mul3A_423, %mul3A_425 : i32
        %add3A_427 = vector.broadcast %add3A_426 : i32 to vector<16xi32>
        %add3A_428 = arith.addi %add3A_427, %iota3A : vector<16xi32>
        tpu.vector_store_idx %arg5[%sub3A_313], %add3A_428 masked %lt3A_421 : memref<6272xi32, #tpu.memory_space<vmem>>[vector<16xi32>], vector<16xi32>, vector<16xi1>
        %mul3A_429 = arith.constant 10 : i32
        %mul3A_430 = arith.muli %scan3A_263, %mul3A_429 : i32
        %add3A_431 = arith.constant 5 : i32
        %add3A_432 = arith.addi %mul3A_430, %add3A_431 : i32
        %lt3A_433 = vector.broadcast %min3A_4 : i32 to vector<16xi32>
        %lt3A_434 = arith.cmpi ult, %sub3A_323, %lt3A_433 : vector<16xi32>
        %mul3A_435 = arith.constant 4000 : i32
        %mul3A_436 = arith.muli %mul3A_225, %mul3A_435 : i32
        %mul3A_437 = arith.constant 16 : i32
        %mul3A_438 = arith.muli %add3A_432, %mul3A_437 : i32
        %add3A_439 = arith.addi %mul3A_436, %mul3A_438 : i32
        %add3A_440 = vector.broadcast %add3A_439 : i32 to vector<16xi32>
        %add3A_441 = arith.addi %add3A_440, %iota3A : vector<16xi32>
        tpu.vector_store_idx %arg5[%sub3A_323], %add3A_441 masked %lt3A_434 : memref<6272xi32, #tpu.memory_space<vmem>>[vector<16xi32>], vector<16xi32>, vector<16xi1>
        %mul3A_442 = arith.constant 10 : i32
        %mul3A_443 = arith.muli %scan3A_263, %mul3A_442 : i32
        %add3A_444 = arith.constant 6 : i32
        %add3A_445 = arith.addi %mul3A_443, %add3A_444 : i32
        %lt3A_446 = vector.broadcast %min3A_4 : i32 to vector<16xi32>
        %lt3A_447 = arith.cmpi ult, %sub3A_333, %lt3A_446 : vector<16xi32>
        %mul3A_448 = arith.constant 4000 : i32
        %mul3A_449 = arith.muli %mul3A_225, %mul3A_448 : i32
        %mul3A_450 = arith.constant 16 : i32
        %mul3A_451 = arith.muli %add3A_445, %mul3A_450 : i32
        %add3A_452 = arith.addi %mul3A_449, %mul3A_451 : i32
        %add3A_453 = vector.broadcast %add3A_452 : i32 to vector<16xi32>
        %add3A_454 = arith.addi %add3A_453, %iota3A : vector<16xi32>
        tpu.vector_store_idx %arg5[%sub3A_333], %add3A_454 masked %lt3A_447 : memref<6272xi32, #tpu.memory_space<vmem>>[vector<16xi32>], vector<16xi32>, vector<16xi1>
        %mul3A_455 = arith.constant 10 : i32
        %mul3A_456 = arith.muli %scan3A_263, %mul3A_455 : i32
        %add3A_457 = arith.constant 7 : i32
        %add3A_458 = arith.addi %mul3A_456, %add3A_457 : i32
        %lt3A_459 = vector.broadcast %min3A_4 : i32 to vector<16xi32>
        %lt3A_460 = arith.cmpi ult, %sub3A_343, %lt3A_459 : vector<16xi32>
        %mul3A_461 = arith.constant 4000 : i32
        %mul3A_462 = arith.muli %mul3A_225, %mul3A_461 : i32
        %mul3A_463 = arith.constant 16 : i32
        %mul3A_464 = arith.muli %add3A_458, %mul3A_463 : i32
        %add3A_465 = arith.addi %mul3A_462, %mul3A_464 : i32
        %add3A_466 = vector.broadcast %add3A_465 : i32 to vector<16xi32>
        %add3A_467 = arith.addi %add3A_466, %iota3A : vector<16xi32>
        tpu.vector_store_idx %arg5[%sub3A_343], %add3A_467 masked %lt3A_460 : memref<6272xi32, #tpu.memory_space<vmem>>[vector<16xi32>], vector<16xi32>, vector<16xi1>
        %mul3A_468 = arith.constant 10 : i32
        %mul3A_469 = arith.muli %scan3A_263, %mul3A_468 : i32
        %add3A_470 = arith.constant 8 : i32
        %add3A_471 = arith.addi %mul3A_469, %add3A_470 : i32
        %lt3A_472 = vector.broadcast %min3A_4 : i32 to vector<16xi32>
        %lt3A_473 = arith.cmpi ult, %sub3A_353, %lt3A_472 : vector<16xi32>
        %mul3A_474 = arith.constant 4000 : i32
        %mul3A_475 = arith.muli %mul3A_225, %mul3A_474 : i32
        %mul3A_476 = arith.constant 16 : i32
        %mul3A_477 = arith.muli %add3A_471, %mul3A_476 : i32
        %add3A_478 = arith.addi %mul3A_475, %mul3A_477 : i32
        %add3A_479 = vector.broadcast %add3A_478 : i32 to vector<16xi32>
        %add3A_480 = arith.addi %add3A_479, %iota3A : vector<16xi32>
        tpu.vector_store_idx %arg5[%sub3A_353], %add3A_480 masked %lt3A_473 : memref<6272xi32, #tpu.memory_space<vmem>>[vector<16xi32>], vector<16xi32>, vector<16xi1>
        %mul3A_481 = arith.constant 10 : i32
        %mul3A_482 = arith.muli %scan3A_263, %mul3A_481 : i32
        %add3A_483 = arith.constant 9 : i32
        %add3A_484 = arith.addi %mul3A_482, %add3A_483 : i32
        %lt3A_485 = vector.broadcast %min3A_4 : i32 to vector<16xi32>
        %lt3A_486 = arith.cmpi ult, %sub3A_363, %lt3A_485 : vector<16xi32>
        %mul3A_487 = arith.constant 4000 : i32
        %mul3A_488 = arith.muli %mul3A_225, %mul3A_487 : i32
        %mul3A_489 = arith.constant 16 : i32
        %mul3A_490 = arith.muli %add3A_484, %mul3A_489 : i32
        %add3A_491 = arith.addi %mul3A_488, %mul3A_490 : i32
        %add3A_492 = vector.broadcast %add3A_491 : i32 to vector<16xi32>
        %add3A_493 = arith.addi %add3A_492, %iota3A : vector<16xi32>
        tpu.vector_store_idx %arg5[%sub3A_363], %add3A_493 masked %lt3A_486 : memref<6272xi32, #tpu.memory_space<vmem>>[vector<16xi32>], vector<16xi32>, vector<16xi1>
        %scan3A_494 = arith.constant 0 : i32
        scf.yield %scan3A_494 : i32
      }
      %scan3A_241 = arith.constant 25 : i32
      %dma_wait3A_242 = arith.constant 0 : i32
      %dma_wait3A_243 = tpu.memref_slice %arg2[%dma_wait3A_242] : memref<200000xi32, #tpu.memory_space<hbm>> -> memref<4000xi32, #tpu.memory_space<hbm>>
      %dma_wait3A_244 = arith.constant 0 : i32
      %dma_wait3A_245 = tpu.memref_slice %arg2[%dma_wait3A_244] : memref<200000xi32, #tpu.memory_space<hbm>> -> memref<4000xi32, #tpu.memory_space<hbm>>
      tpu.wait_dma2 semaphore(%arg16 : memref<!tpu.dma_semaphore, #tpu.memory_space<semaphore_mem>>) src(%dma_wait3A_245 : memref<4000xi32, #tpu.memory_space<hbm>>) dst(%arg7 : memref<4000xi32, #tpu.memory_space<vmem>>)
      %add3A_246 = arith.constant 2 : i32
      %add3A_247 = arith.addi %mul3A_225, %add3A_246 : i32
      %lt3A_248 = arith.constant 50 : i32
      %lt3A_249 = arith.cmpi slt, %add3A_247, %lt3A_248 : i32
      %convert_element_type3A_250 = arith.extui %lt3A_249 : i1 to i32
      %cond3A_251 = arith.constant 0 : i32
      %cond3A_252 = arith.cmpi ne, %convert_element_type3A_250, %cond3A_251 : i32
      scf.if %cond3A_252 {
        %add3A_263 = arith.constant 2 : i32
        %add3A_264 = arith.addi %mul3A_225, %add3A_263 : i32
        %mul3A_265 = arith.constant 4000 : i32
        %mul3A_266 = arith.muli %add3A_264, %mul3A_265 : i32
        %dma_start3A_267 = tpu.memref_slice %arg2[%mul3A_266] : memref<200000xi32, #tpu.memory_space<hbm>> -> memref<4000xi32, #tpu.memory_space<hbm>>
        %dma_start3A_268 = tpu.memref_slice %arg2[%mul3A_266] : memref<200000xi32, #tpu.memory_space<hbm>> -> memref<4000xi32, #tpu.memory_space<hbm>>
        tpu.enqueue_dma source(%dma_start3A_268 : memref<4000xi32, #tpu.memory_space<hbm>>) target(%arg6 : memref<4000xi32, #tpu.memory_space<vmem>>) target_semaphore(%arg15 : memref<!tpu.dma_semaphore, #tpu.memory_space<semaphore_mem>>)
      } else {
      }
      %add3A_253 = arith.constant 1 : i32
      %add3A_254 = arith.addi %mul3A_225, %add3A_253 : i32
      %scan3A_255 = arith.constant 0 : i32
      %scan3A_256 = arith.constant 0 : i32
      %scan3A_257 = arith.constant 25 : i32
      %scan3A_258 = arith.addi %scan3A_256, %scan3A_257 : i32
      %scan3A_259 = arith.constant 1 : i32
      %scan3A_260 = scf.for %scan3A_263 = %scan3A_256 to %scan3A_258 step %scan3A_259 iter_args(%scan3A_264 = %scan3A_255) -> (i32)  : i32 {
        %mul3A_265 = arith.constant 10 : i32
        %mul3A_266 = arith.muli %scan3A_263, %mul3A_265 : i32
        %add3A_267 = arith.constant 0 : i32
        %add3A_268 = arith.addi %mul3A_266, %add3A_267 : i32
        %mul3A_269 = arith.constant 16 : i32
        %mul3A_270 = arith.muli %add3A_268, %mul3A_269 : i32
        %get3A = arith.index_cast %mul3A_270 : i32 to index
        %get3A_271 = tpu.vector_load %arg7[%get3A] {strides = array<i32>} : memref<4000xi32, #tpu.memory_space<vmem>>, vector<16xi32>,
        %sub3A_272 = vector.broadcast %mul3A_2 : i32 to vector<16xi32>
        %sub3A_273 = arith.subi %get3A_271, %sub3A_272 : vector<16xi32>
        %mul3A_274 = arith.constant 10 : i32
        %mul3A_275 = arith.muli %scan3A_263, %mul3A_274 : i32
        %add3A_276 = arith.constant 1 : i32
        %add3A_277 = arith.addi %mul3A_275, %add3A_276 : i32
        %mul3A_278 = arith.constant 16 : i32
        %mul3A_279 = arith.muli %add3A_277, %mul3A_278 : i32
        %get3A_280 = arith.index_cast %mul3A_279 : i32 to index
        %get3A_281 = tpu.vector_load %arg7[%get3A_280] {strides = array<i32>} : memref<4000xi32, #tpu.memory_space<vmem>>, vector<16xi32>,
        %sub3A_282 = vector.broadcast %mul3A_2 : i32 to vector<16xi32>
        %sub3A_283 = arith.subi %get3A_281, %sub3A_282 : vector<16xi32>
        %mul3A_284 = arith.constant 10 : i32
        %mul3A_285 = arith.muli %scan3A_263, %mul3A_284 : i32
        %add3A_286 = arith.constant 2 : i32
        %add3A_287 = arith.addi %mul3A_285, %add3A_286 : i32
        %mul3A_288 = arith.constant 16 : i32
        %mul3A_289 = arith.muli %add3A_287, %mul3A_288 : i32
        %get3A_290 = arith.index_cast %mul3A_289 : i32 to index
        %get3A_291 = tpu.vector_load %arg7[%get3A_290] {strides = array<i32>} : memref<4000xi32, #tpu.memory_space<vmem>>, vector<16xi32>,
        %sub3A_292 = vector.broadcast %mul3A_2 : i32 to vector<16xi32>
        %sub3A_293 = arith.subi %get3A_291, %sub3A_292 : vector<16xi32>
        %mul3A_294 = arith.constant 10 : i32
        %mul3A_295 = arith.muli %scan3A_263, %mul3A_294 : i32
        %add3A_296 = arith.constant 3 : i32
        %add3A_297 = arith.addi %mul3A_295, %add3A_296 : i32
        %mul3A_298 = arith.constant 16 : i32
        %mul3A_299 = arith.muli %add3A_297, %mul3A_298 : i32
        %get3A_300 = arith.index_cast %mul3A_299 : i32 to index
        %get3A_301 = tpu.vector_load %arg7[%get3A_300] {strides = array<i32>} : memref<4000xi32, #tpu.memory_space<vmem>>, vector<16xi32>,
        %sub3A_302 = vector.broadcast %mul3A_2 : i32 to vector<16xi32>
        %sub3A_303 = arith.subi %get3A_301, %sub3A_302 : vector<16xi32>
        %mul3A_304 = arith.constant 10 : i32
        %mul3A_305 = arith.muli %scan3A_263, %mul3A_304 : i32
        %add3A_306 = arith.constant 4 : i32
        %add3A_307 = arith.addi %mul3A_305, %add3A_306 : i32
        %mul3A_308 = arith.constant 16 : i32
        %mul3A_309 = arith.muli %add3A_307, %mul3A_308 : i32
        %get3A_310 = arith.index_cast %mul3A_309 : i32 to index
        %get3A_311 = tpu.vector_load %arg7[%get3A_310] {strides = array<i32>} : memref<4000xi32, #tpu.memory_space<vmem>>, vector<16xi32>,
        %sub3A_312 = vector.broadcast %mul3A_2 : i32 to vector<16xi32>
        %sub3A_313 = arith.subi %get3A_311, %sub3A_312 : vector<16xi32>
        %mul3A_314 = arith.constant 10 : i32
        %mul3A_315 = arith.muli %scan3A_263, %mul3A_314 : i32
        %add3A_316 = arith.constant 5 : i32
        %add3A_317 = arith.addi %mul3A_315, %add3A_316 : i32
        %mul3A_318 = arith.constant 16 : i32
        %mul3A_319 = arith.muli %add3A_317, %mul3A_318 : i32
        %get3A_320 = arith.index_cast %mul3A_319 : i32 to index
        %get3A_321 = tpu.vector_load %arg7[%get3A_320] {strides = array<i32>} : memref<4000xi32, #tpu.memory_space<vmem>>, vector<16xi32>,
        %sub3A_322 = vector.broadcast %mul3A_2 : i32 to vector<16xi32>
        %sub3A_323 = arith.subi %get3A_321, %sub3A_322 : vector<16xi32>
        %mul3A_324 = arith.constant 10 : i32
        %mul3A_325 = arith.muli %scan3A_263, %mul3A_324 : i32
        %add3A_326 = arith.constant 6 : i32
        %add3A_327 = arith.addi %mul3A_325, %add3A_326 : i32
        %mul3A_328 = arith.constant 16 : i32
        %mul3A_329 = arith.muli %add3A_327, %mul3A_328 : i32
        %get3A_330 = arith.index_cast %mul3A_329 : i32 to index
        %get3A_331 = tpu.vector_load %arg7[%get3A_330] {strides = array<i32>} : memref<4000xi32, #tpu.memory_space<vmem>>, vector<16xi32>,
        %sub3A_332 = vector.broadcast %mul3A_2 : i32 to vector<16xi32>
        %sub3A_333 = arith.subi %get3A_331, %sub3A_332 : vector<16xi32>
        %mul3A_334 = arith.constant 10 : i32
        %mul3A_335 = arith.muli %scan3A_263, %mul3A_334 : i32
        %add3A_336 = arith.constant 7 : i32
        %add3A_337 = arith.addi %mul3A_335, %add3A_336 : i32
        %mul3A_338 = arith.constant 16 : i32
        %mul3A_339 = arith.muli %add3A_337, %mul3A_338 : i32
        %get3A_340 = arith.index_cast %mul3A_339 : i32 to index
        %get3A_341 = tpu.vector_load %arg7[%get3A_340] {strides = array<i32>} : memref<4000xi32, #tpu.memory_space<vmem>>, vector<16xi32>,
        %sub3A_342 = vector.broadcast %mul3A_2 : i32 to vector<16xi32>
        %sub3A_343 = arith.subi %get3A_341, %sub3A_342 : vector<16xi32>
        %mul3A_344 = arith.constant 10 : i32
        %mul3A_345 = arith.muli %scan3A_263, %mul3A_344 : i32
        %add3A_346 = arith.constant 8 : i32
        %add3A_347 = arith.addi %mul3A_345, %add3A_346 : i32
        %mul3A_348 = arith.constant 16 : i32
        %mul3A_349 = arith.muli %add3A_347, %mul3A_348 : i32
        %get3A_350 = arith.index_cast %mul3A_349 : i32 to index
        %get3A_351 = tpu.vector_load %arg7[%get3A_350] {strides = array<i32>} : memref<4000xi32, #tpu.memory_space<vmem>>, vector<16xi32>,
        %sub3A_352 = vector.broadcast %mul3A_2 : i32 to vector<16xi32>
        %sub3A_353 = arith.subi %get3A_351, %sub3A_352 : vector<16xi32>
        %mul3A_354 = arith.constant 10 : i32
        %mul3A_355 = arith.muli %scan3A_263, %mul3A_354 : i32
        %add3A_356 = arith.constant 9 : i32
        %add3A_357 = arith.addi %mul3A_355, %add3A_356 : i32
        %mul3A_358 = arith.constant 16 : i32
        %mul3A_359 = arith.muli %add3A_357, %mul3A_358 : i32
        %get3A_360 = arith.index_cast %mul3A_359 : i32 to index
        %get3A_361 = tpu.vector_load %arg7[%get3A_360] {strides = array<i32>} : memref<4000xi32, #tpu.memory_space<vmem>>, vector<16xi32>,
        %sub3A_362 = vector.broadcast %mul3A_2 : i32 to vector<16xi32>
        %sub3A_363 = arith.subi %get3A_361, %sub3A_362 : vector<16xi32>
        %mul3A_364 = arith.constant 10 : i32
        %mul3A_365 = arith.muli %scan3A_263, %mul3A_364 : i32
        %add3A_366 = arith.constant 0 : i32
        %add3A_367 = arith.addi %mul3A_365, %add3A_366 : i32
        %lt3A_368 = vector.broadcast %min3A_4 : i32 to vector<16xi32>
        %lt3A_369 = arith.cmpi ult, %sub3A_273, %lt3A_368 : vector<16xi32>
        %mul3A_370 = arith.constant 4000 : i32
        %mul3A_371 = arith.muli %add3A_254, %mul3A_370 : i32
        %mul3A_372 = arith.constant 16 : i32
        %mul3A_373 = arith.muli %add3A_367, %mul3A_372 : i32
        %add3A_374 = arith.addi %mul3A_371, %mul3A_373 : i32
        %add3A_375 = vector.broadcast %add3A_374 : i32 to vector<16xi32>
        %add3A_376 = arith.addi %add3A_375, %iota3A : vector<16xi32>
        tpu.vector_store_idx %arg5[%sub3A_273], %add3A_376 masked %lt3A_369 : memref<6272xi32, #tpu.memory_space<vmem>>[vector<16xi32>], vector<16xi32>, vector<16xi1>
        %mul3A_377 = arith.constant 10 : i32
        %mul3A_378 = arith.muli %scan3A_263, %mul3A_377 : i32
        %add3A_379 = arith.constant 1 : i32
        %add3A_380 = arith.addi %mul3A_378, %add3A_379 : i32
        %lt3A_381 = vector.broadcast %min3A_4 : i32 to vector<16xi32>
        %lt3A_382 = arith.cmpi ult, %sub3A_283, %lt3A_381 : vector<16xi32>
        %mul3A_383 = arith.constant 4000 : i32
        %mul3A_384 = arith.muli %add3A_254, %mul3A_383 : i32
        %mul3A_385 = arith.constant 16 : i32
        %mul3A_386 = arith.muli %add3A_380, %mul3A_385 : i32
        %add3A_387 = arith.addi %mul3A_384, %mul3A_386 : i32
        %add3A_388 = vector.broadcast %add3A_387 : i32 to vector<16xi32>
        %add3A_389 = arith.addi %add3A_388, %iota3A : vector<16xi32>
        tpu.vector_store_idx %arg5[%sub3A_283], %add3A_389 masked %lt3A_382 : memref<6272xi32, #tpu.memory_space<vmem>>[vector<16xi32>], vector<16xi32>, vector<16xi1>
        %mul3A_390 = arith.constant 10 : i32
        %mul3A_391 = arith.muli %scan3A_263, %mul3A_390 : i32
        %add3A_392 = arith.constant 2 : i32
        %add3A_393 = arith.addi %mul3A_391, %add3A_392 : i32
        %lt3A_394 = vector.broadcast %min3A_4 : i32 to vector<16xi32>
        %lt3A_395 = arith.cmpi ult, %sub3A_293, %lt3A_394 : vector<16xi32>
        %mul3A_396 = arith.constant 4000 : i32
        %mul3A_397 = arith.muli %add3A_254, %mul3A_396 : i32
        %mul3A_398 = arith.constant 16 : i32
        %mul3A_399 = arith.muli %add3A_393, %mul3A_398 : i32
        %add3A_400 = arith.addi %mul3A_397, %mul3A_399 : i32
        %add3A_401 = vector.broadcast %add3A_400 : i32 to vector<16xi32>
        %add3A_402 = arith.addi %add3A_401, %iota3A : vector<16xi32>
        tpu.vector_store_idx %arg5[%sub3A_293], %add3A_402 masked %lt3A_395 : memref<6272xi32, #tpu.memory_space<vmem>>[vector<16xi32>], vector<16xi32>, vector<16xi1>
        %mul3A_403 = arith.constant 10 : i32
        %mul3A_404 = arith.muli %scan3A_263, %mul3A_403 : i32
        %add3A_405 = arith.constant 3 : i32
        %add3A_406 = arith.addi %mul3A_404, %add3A_405 : i32
        %lt3A_407 = vector.broadcast %min3A_4 : i32 to vector<16xi32>
        %lt3A_408 = arith.cmpi ult, %sub3A_303, %lt3A_407 : vector<16xi32>
        %mul3A_409 = arith.constant 4000 : i32
        %mul3A_410 = arith.muli %add3A_254, %mul3A_409 : i32
        %mul3A_411 = arith.constant 16 : i32
        %mul3A_412 = arith.muli %add3A_406, %mul3A_411 : i32
        %add3A_413 = arith.addi %mul3A_410, %mul3A_412 : i32
        %add3A_414 = vector.broadcast %add3A_413 : i32 to vector<16xi32>
        %add3A_415 = arith.addi %add3A_414, %iota3A : vector<16xi32>
        tpu.vector_store_idx %arg5[%sub3A_303], %add3A_415 masked %lt3A_408 : memref<6272xi32, #tpu.memory_space<vmem>>[vector<16xi32>], vector<16xi32>, vector<16xi1>
        %mul3A_416 = arith.constant 10 : i32
        %mul3A_417 = arith.muli %scan3A_263, %mul3A_416 : i32
        %add3A_418 = arith.constant 4 : i32
        %add3A_419 = arith.addi %mul3A_417, %add3A_418 : i32
        %lt3A_420 = vector.broadcast %min3A_4 : i32 to vector<16xi32>
        %lt3A_421 = arith.cmpi ult, %sub3A_313, %lt3A_420 : vector<16xi32>
        %mul3A_422 = arith.constant 4000 : i32
        %mul3A_423 = arith.muli %add3A_254, %mul3A_422 : i32
        %mul3A_424 = arith.constant 16 : i32
        %mul3A_425 = arith.muli %add3A_419, %mul3A_424 : i32
        %add3A_426 = arith.addi %mul3A_423, %mul3A_425 : i32
        %add3A_427 = vector.broadcast %add3A_426 : i32 to vector<16xi32>
        %add3A_428 = arith.addi %add3A_427, %iota3A : vector<16xi32>
        tpu.vector_store_idx %arg5[%sub3A_313], %add3A_428 masked %lt3A_421 : memref<6272xi32, #tpu.memory_space<vmem>>[vector<16xi32>], vector<16xi32>, vector<16xi1>
        %mul3A_429 = arith.constant 10 : i32
        %mul3A_430 = arith.muli %scan3A_263, %mul3A_429 : i32
        %add3A_431 = arith.constant 5 : i32
        %add3A_432 = arith.addi %mul3A_430, %add3A_431 : i32
        %lt3A_433 = vector.broadcast %min3A_4 : i32 to vector<16xi32>
        %lt3A_434 = arith.cmpi ult, %sub3A_323, %lt3A_433 : vector<16xi32>
        %mul3A_435 = arith.constant 4000 : i32
        %mul3A_436 = arith.muli %add3A_254, %mul3A_435 : i32
        %mul3A_437 = arith.constant 16 : i32
        %mul3A_438 = arith.muli %add3A_432, %mul3A_437 : i32
        %add3A_439 = arith.addi %mul3A_436, %mul3A_438 : i32
        %add3A_440 = vector.broadcast %add3A_439 : i32 to vector<16xi32>
        %add3A_441 = arith.addi %add3A_440, %iota3A : vector<16xi32>
        tpu.vector_store_idx %arg5[%sub3A_323], %add3A_441 masked %lt3A_434 : memref<6272xi32, #tpu.memory_space<vmem>>[vector<16xi32>], vector<16xi32>, vector<16xi1>
        %mul3A_442 = arith.constant 10 : i32
        %mul3A_443 = arith.muli %scan3A_263, %mul3A_442 : i32
        %add3A_444 = arith.constant 6 : i32
        %add3A_445 = arith.addi %mul3A_443, %add3A_444 : i32
        %lt3A_446 = vector.broadcast %min3A_4 : i32 to vector<16xi32>
        %lt3A_447 = arith.cmpi ult, %sub3A_333, %lt3A_446 : vector<16xi32>
        %mul3A_448 = arith.constant 4000 : i32
        %mul3A_449 = arith.muli %add3A_254, %mul3A_448 : i32
        %mul3A_450 = arith.constant 16 : i32
        %mul3A_451 = arith.muli %add3A_445, %mul3A_450 : i32
        %add3A_452 = arith.addi %mul3A_449, %mul3A_451 : i32
        %add3A_453 = vector.broadcast %add3A_452 : i32 to vector<16xi32>
        %add3A_454 = arith.addi %add3A_453, %iota3A : vector<16xi32>
        tpu.vector_store_idx %arg5[%sub3A_333], %add3A_454 masked %lt3A_447 : memref<6272xi32, #tpu.memory_space<vmem>>[vector<16xi32>], vector<16xi32>, vector<16xi1>
        %mul3A_455 = arith.constant 10 : i32
        %mul3A_456 = arith.muli %scan3A_263, %mul3A_455 : i32
        %add3A_457 = arith.constant 7 : i32
        %add3A_458 = arith.addi %mul3A_456, %add3A_457 : i32
        %lt3A_459 = vector.broadcast %min3A_4 : i32 to vector<16xi32>
        %lt3A_460 = arith.cmpi ult, %sub3A_343, %lt3A_459 : vector<16xi32>
        %mul3A_461 = arith.constant 4000 : i32
        %mul3A_462 = arith.muli %add3A_254, %mul3A_461 : i32
        %mul3A_463 = arith.constant 16 : i32
        %mul3A_464 = arith.muli %add3A_458, %mul3A_463 : i32
        %add3A_465 = arith.addi %mul3A_462, %mul3A_464 : i32
        %add3A_466 = vector.broadcast %add3A_465 : i32 to vector<16xi32>
        %add3A_467 = arith.addi %add3A_466, %iota3A : vector<16xi32>
        tpu.vector_store_idx %arg5[%sub3A_343], %add3A_467 masked %lt3A_460 : memref<6272xi32, #tpu.memory_space<vmem>>[vector<16xi32>], vector<16xi32>, vector<16xi1>
        %mul3A_468 = arith.constant 10 : i32
        %mul3A_469 = arith.muli %scan3A_263, %mul3A_468 : i32
        %add3A_470 = arith.constant 8 : i32
        %add3A_471 = arith.addi %mul3A_469, %add3A_470 : i32
        %lt3A_472 = vector.broadcast %min3A_4 : i32 to vector<16xi32>
        %lt3A_473 = arith.cmpi ult, %sub3A_353, %lt3A_472 : vector<16xi32>
        %mul3A_474 = arith.constant 4000 : i32
        %mul3A_475 = arith.muli %add3A_254, %mul3A_474 : i32
        %mul3A_476 = arith.constant 16 : i32
        %mul3A_477 = arith.muli %add3A_471, %mul3A_476 : i32
        %add3A_478 = arith.addi %mul3A_475, %mul3A_477 : i32
        %add3A_479 = vector.broadcast %add3A_478 : i32 to vector<16xi32>
        %add3A_480 = arith.addi %add3A_479, %iota3A : vector<16xi32>
        tpu.vector_store_idx %arg5[%sub3A_353], %add3A_480 masked %lt3A_473 : memref<6272xi32, #tpu.memory_space<vmem>>[vector<16xi32>], vector<16xi32>, vector<16xi1>
        %mul3A_481 = arith.constant 10 : i32
        %mul3A_482 = arith.muli %scan3A_263, %mul3A_481 : i32
        %add3A_483 = arith.constant 9 : i32
        %add3A_484 = arith.addi %mul3A_482, %add3A_483 : i32
        %lt3A_485 = vector.broadcast %min3A_4 : i32 to vector<16xi32>
        %lt3A_486 = arith.cmpi ult, %sub3A_363, %lt3A_485 : vector<16xi32>
        %mul3A_487 = arith.constant 4000 : i32
        %mul3A_488 = arith.muli %add3A_254, %mul3A_487 : i32
        %mul3A_489 = arith.constant 16 : i32
        %mul3A_490 = arith.muli %add3A_484, %mul3A_489 : i32
        %add3A_491 = arith.addi %mul3A_488, %mul3A_490 : i32
        %add3A_492 = vector.broadcast %add3A_491 : i32 to vector<16xi32>
        %add3A_493 = arith.addi %add3A_492, %iota3A : vector<16xi32>
        tpu.vector_store_idx %arg5[%sub3A_363], %add3A_493 masked %lt3A_486 : memref<6272xi32, #tpu.memory_space<vmem>>[vector<16xi32>], vector<16xi32>, vector<16xi1>
        %scan3A_494 = arith.constant 0 : i32
        scf.yield %scan3A_494 : i32
      }
      %scan3A_261 = arith.constant 25 : i32
      %scan3A_262 = arith.constant 0 : i32
      scf.yield %scan3A_262 : i32
    }
    %scan3A_22 = arith.constant 25 : i32
    %jit3A = arith.constant 8 : i32
    "tpu.trace_stop"() : () -> ()
    %eq3A = arith.constant 0 : i32
    %eq3A_23 = arith.cmpi eq, %jit3A, %eq3A : i32
    %jit3A_24 = arith.constant 1 : i32
    %select_n3A = arith.select %eq3A_23, %jit3A_24, %jit3A : i32
    %rem3A = vector.broadcast %select_n3A : i32 to vector<16xi32>
    %rem3A_25 = arith.remsi %iota3A, %rem3A : vector<16xi32>
    %ne3A = arith.constant 0 : i32
    %ne3A_26 = vector.broadcast %ne3A : i32 to vector<16xi32>
    %ne3A_27 = arith.cmpi ne, %rem3A_25, %ne3A_26 : vector<16xi32>
    %lt3A = arith.constant 0 : i32
    %lt3A_28 = vector.broadcast %lt3A : i32 to vector<16xi32>
    %lt3A_29 = arith.cmpi slt, %rem3A_25, %lt3A_28 : vector<16xi32>
    %lt3A_30 = arith.constant 0 : i32
    %lt3A_31 = arith.cmpi slt, %select_n3A, %lt3A_30 : i32
    %ne3A_32 = vector.broadcast %lt3A_31 : i1 to vector<16xi1>
    %ne3A_33 = vector.broadcast %ne3A_32 : vector<16xi1> to vector<16xi1>
    %ne3A_34 = arith.xori %lt3A_29, %ne3A_33 : vector<16xi1>
    %and3A = arith.andi %ne3A_34, %ne3A_27 : vector<16xi1>
    %add3A_35 = vector.broadcast %select_n3A : i32 to vector<16xi32>
    %add3A_36 = arith.addi %rem3A_25, %add3A_35 : vector<16xi32>
    %select_n3A_37 = arith.select %and3A, %add3A_36, %rem3A_25 : vector<16xi1>, vector<16xi32>
    %mul3A_38 = arith.constant 2 : i32
    %mul3A_39 = vector.broadcast %mul3A_38 : i32 to vector<16xi32>
    %mul3A_40 = arith.muli %select_n3A_37, %mul3A_39 : vector<16xi32>
    %add3A_41 = arith.constant 1 : i32
    %add3A_42 = vector.broadcast %add3A_41 : i32 to vector<16xi32>
    %add3A_43 = arith.addi %mul3A_40, %add3A_42 : vector<16xi32>
    %lt3A_44 = arith.constant 8 : i32
    %lt3A_45 = vector.broadcast %lt3A_44 : i32 to vector<16xi32>
    %lt3A_46 = arith.cmpi slt, %iota3A, %lt3A_45 : vector<16xi32>
    %scan3A_47 = arith.constant 0 : i32
    %scan3A_48 = arith.constant 0 : i32
    %scan3A_49 = arith.constant 98 : i32
    %scan3A_50 = arith.addi %scan3A_48, %scan3A_49 : i32
    %scan3A_51 = arith.constant 1 : i32
    %scan3A_52 = scf.for %scan3A_222 = %scan3A_48 to %scan3A_50 step %scan3A_51 iter_args(%scan3A_223 = %scan3A_47) -> (i32)  : i32 {
      %mul3A_224 = arith.constant 64 : i32
      %mul3A_225 = arith.muli %scan3A_222, %mul3A_224 : i32
      %add3A_226 = arith.constant 0 : i32
      %add3A_227 = arith.addi %mul3A_225, %add3A_226 : i32
      %get3A = arith.index_cast %add3A_227 : i32 to index
      %get3A_228 = tpu.vector_load %arg5[%get3A] {strides = array<i32>} : memref<6272xi32, #tpu.memory_space<vmem>>, vector<16xi32>,
      %mul3A_229 = arith.constant 64 : i32
      %mul3A_230 = arith.muli %scan3A_222, %mul3A_229 : i32
      %add3A_231 = arith.constant 0 : i32
      %add3A_232 = arith.addi %mul3A_230, %add3A_231 : i32
      %add3A_233 = arith.constant 16 : i32
      %add3A_234 = arith.addi %add3A_232, %add3A_233 : i32
      %get3A_235 = arith.index_cast %add3A_234 : i32 to index
      %get3A_236 = tpu.vector_load %arg5[%get3A_235] {strides = array<i32>} : memref<6272xi32, #tpu.memory_space<vmem>>, vector<16xi32>,
      %mul3A_237 = arith.constant 64 : i32
      %mul3A_238 = arith.muli %scan3A_222, %mul3A_237 : i32
      %add3A_239 = arith.addi %mul3A_2, %mul3A_238 : i32
      %add3A_240 = arith.constant 0 : i32
      %add3A_241 = arith.addi %add3A_239, %add3A_240 : i32
      %add3A_242 = vector.broadcast %add3A_241 : i32 to vector<16xi32>
      %add3A_243 = arith.addi %add3A_242, %iota3A : vector<16xi32>
      %add3A_244 = arith.constant 16 : i32
      %add3A_245 = vector.broadcast %add3A_244 : i32 to vector<16xi32>
      %add3A_246 = arith.addi %add3A_243, %add3A_245 : vector<16xi32>
      %lt3A_247 = arith.constant 0 : i32
      %lt3A_248 = vector.broadcast %lt3A_247 : i32 to vector<16xi32>
      %lt3A_249 = arith.cmpi slt, %get3A_228, %lt3A_248 : vector<16xi32>
      %select_n3A_250 = arith.select %lt3A_249, %add3A_243, %get3A_228 : vector<16xi1>, vector<16xi32>
      %lt3A_251 = arith.constant 0 : i32
      %lt3A_252 = vector.broadcast %lt3A_251 : i32 to vector<16xi32>
      %lt3A_253 = arith.cmpi slt, %get3A_236, %lt3A_252 : vector<16xi32>
      %select_n3A_254 = arith.select %lt3A_253, %add3A_246, %get3A_236 : vector<16xi1>, vector<16xi32>
      %broadcast_in_dim3A_255 = vector.shape_cast %mul3A_40 : vector<16xi32> to vector<16x1xi32>
      %gather3A = vector.shape_cast %broadcast_in_dim3A_255 : vector<16x1xi32> to vector<16xi32>
      %gather3A_256 = tpu.dynamic_gather %select_n3A_250[%gather3A] in [0] : vector<16xi32>, vector<16xi32> -> vector<16xi32>
      %broadcast_in_dim3A_257 = vector.shape_cast %mul3A_40 : vector<16xi32> to vector<16x1xi32>
      %gather3A_258 = vector.shape_cast %broadcast_in_dim3A_257 : vector<16x1xi32> to vector<16xi32>
      %gather3A_259 = tpu.dynamic_gather %select_n3A_254[%gather3A_258] in [0] : vector<16xi32>, vector<16xi32> -> vector<16xi32>
      %select_n3A_260 = arith.select %lt3A_46, %gather3A_256, %gather3A_259 : vector<16xi1>, vector<16xi32>
      %broadcast_in_dim3A_261 = vector.shape_cast %add3A_43 : vector<16xi32> to vector<16x1xi32>
      %gather3A_262 = vector.shape_cast %broadcast_in_dim3A_261 : vector<16x1xi32> to vector<16xi32>
      %gather3A_263 = tpu.dynamic_gather %select_n3A_250[%gather3A_262] in [0] : vector<16xi32>, vector<16xi32> -> vector<16xi32>
      %broadcast_in_dim3A_264 = vector.shape_cast %add3A_43 : vector<16xi32> to vector<16x1xi32>
      %gather3A_265 = vector.shape_cast %broadcast_in_dim3A_264 : vector<16x1xi32> to vector<16xi32>
      %gather3A_266 = tpu.dynamic_gather %select_n3A_254[%gather3A_265] in [0] : vector<16xi32>, vector<16xi32> -> vector<16xi32>
      %select_n3A_267 = arith.select %lt3A_46, %gather3A_263, %gather3A_266 : vector<16xi1>, vector<16xi32>
      %mul3A_268 = arith.constant 64 : i32
      %mul3A_269 = arith.muli %scan3A_222, %mul3A_268 : i32
      %add3A_270 = arith.constant 0 : i32
      %add3A_271 = arith.addi %mul3A_269, %add3A_270 : i32
      %swap3A = arith.index_cast %add3A_271 : i32 to index
      %swap3A_272 = tpu.vector_load %arg8[%swap3A] {strides = array<i32>} : memref<6272xi32, #tpu.memory_space<vmem>>, vector<16xi32>,
      tpu.vector_store %arg8[%swap3A], %select_n3A_260 {strides = array<i32>} : memref<6272xi32, #tpu.memory_space<vmem>>, vector<16xi32>,
      %mul3A_273 = arith.constant 64 : i32
      %mul3A_274 = arith.muli %scan3A_222, %mul3A_273 : i32
      %add3A_275 = arith.constant 32 : i32
      %add3A_276 = arith.addi %mul3A_274, %add3A_275 : i32
      %add3A_277 = arith.constant 0 : i32
      %add3A_278 = arith.addi %add3A_276, %add3A_277 : i32
      %swap3A_279 = arith.index_cast %add3A_278 : i32 to index
      %swap3A_280 = tpu.vector_load %arg8[%swap3A_279] {strides = array<i32>} : memref<6272xi32, #tpu.memory_space<vmem>>, vector<16xi32>,
      tpu.vector_store %arg8[%swap3A_279], %select_n3A_267 {strides = array<i32>} : memref<6272xi32, #tpu.memory_space<vmem>>, vector<16xi32>,
      %broadcast_in_dim3A_281 = vector.shape_cast %mul3A_40 : vector<16xi32> to vector<16x1xi32>
      %gather3A_282 = vector.shape_cast %broadcast_in_dim3A_281 : vector<16x1xi32> to vector<16xi32>
      %gather3A_283 = tpu.dynamic_gather %get3A_228[%gather3A_282] in [0] : vector<16xi32>, vector<16xi32> -> vector<16xi32>
      %broadcast_in_dim3A_284 = vector.shape_cast %mul3A_40 : vector<16xi32> to vector<16x1xi32>
      %gather3A_285 = vector.shape_cast %broadcast_in_dim3A_284 : vector<16x1xi32> to vector<16xi32>
      %gather3A_286 = tpu.dynamic_gather %get3A_236[%gather3A_285] in [0] : vector<16xi32>, vector<16xi32> -> vector<16xi32>
      %select_n3A_287 = arith.select %lt3A_46, %gather3A_283, %gather3A_286 : vector<16xi1>, vector<16xi32>
      %mul3A_288 = arith.constant 64 : i32
      %mul3A_289 = arith.muli %scan3A_222, %mul3A_288 : i32
      %add3A_290 = arith.constant 0 : i32
      %add3A_291 = arith.addi %mul3A_289, %add3A_290 : i32
      %swap3A_292 = arith.index_cast %add3A_291 : i32 to index
      %swap3A_293 = tpu.vector_load %arg9[%swap3A_292] {strides = array<i32>} : memref<6272xi32, #tpu.memory_space<vmem>>, vector<16xi32>,
      tpu.vector_store %arg9[%swap3A_292], %select_n3A_287 {strides = array<i32>} : memref<6272xi32, #tpu.memory_space<vmem>>, vector<16xi32>,
      %broadcast_in_dim3A_294 = vector.shape_cast %add3A_43 : vector<16xi32> to vector<16x1xi32>
      %gather3A_295 = vector.shape_cast %broadcast_in_dim3A_294 : vector<16x1xi32> to vector<16xi32>
      %gather3A_296 = tpu.dynamic_gather %get3A_228[%gather3A_295] in [0] : vector<16xi32>, vector<16xi32> -> vector<16xi32>
      %broadcast_in_dim3A_297 = vector.shape_cast %add3A_43 : vector<16xi32> to vector<16x1xi32>
      %gather3A_298 = vector.shape_cast %broadcast_in_dim3A_297 : vector<16x1xi32> to vector<16xi32>
      %gather3A_299 = tpu.dynamic_gather %get3A_236[%gather3A_298] in [0] : vector<16xi32>, vector<16xi32> -> vector<16xi32>
      %select_n3A_300 = arith.select %lt3A_46, %gather3A_296, %gather3A_299 : vector<16xi1>, vector<16xi32>
      %mul3A_301 = arith.constant 64 : i32
      %mul3A_302 = arith.muli %scan3A_222, %mul3A_301 : i32
      %add3A_303 = arith.constant 32 : i32
      %add3A_304 = arith.addi %mul3A_302, %add3A_303 : i32
      %add3A_305 = arith.constant 0 : i32
      %add3A_306 = arith.addi %add3A_304, %add3A_305 : i32
      %swap3A_307 = arith.index_cast %add3A_306 : i32 to index
      %swap3A_308 = tpu.vector_load %arg9[%swap3A_307] {strides = array<i32>} : memref<6272xi32, #tpu.memory_space<vmem>>, vector<16xi32>,
      tpu.vector_store %arg9[%swap3A_307], %select_n3A_300 {strides = array<i32>} : memref<6272xi32, #tpu.memory_space<vmem>>, vector<16xi32>,
      %mul3A_309 = arith.constant 64 : i32
      %mul3A_310 = arith.muli %scan3A_222, %mul3A_309 : i32
      %add3A_311 = arith.constant 32 : i32
      %add3A_312 = arith.addi %mul3A_310, %add3A_311 : i32
      %get3A_313 = arith.index_cast %add3A_312 : i32 to index
      %get3A_314 = tpu.vector_load %arg5[%get3A_313] {strides = array<i32>} : memref<6272xi32, #tpu.memory_space<vmem>>, vector<16xi32>,
      %mul3A_315 = arith.constant 64 : i32
      %mul3A_316 = arith.muli %scan3A_222, %mul3A_315 : i32
      %add3A_317 = arith.constant 32 : i32
      %add3A_318 = arith.addi %mul3A_316, %add3A_317 : i32
      %add3A_319 = arith.constant 16 : i32
      %add3A_320 = arith.addi %add3A_318, %add3A_319 : i32
      %get3A_321 = arith.index_cast %add3A_320 : i32 to index
      %get3A_322 = tpu.vector_load %arg5[%get3A_321] {strides = array<i32>} : memref<6272xi32, #tpu.memory_space<vmem>>, vector<16xi32>,
      %mul3A_323 = arith.constant 64 : i32
      %mul3A_324 = arith.muli %scan3A_222, %mul3A_323 : i32
      %add3A_325 = arith.addi %mul3A_2, %mul3A_324 : i32
      %add3A_326 = arith.constant 32 : i32
      %add3A_327 = arith.addi %add3A_325, %add3A_326 : i32
      %add3A_328 = vector.broadcast %add3A_327 : i32 to vector<16xi32>
      %add3A_329 = arith.addi %add3A_328, %iota3A : vector<16xi32>
      %add3A_330 = arith.constant 16 : i32
      %add3A_331 = vector.broadcast %add3A_330 : i32 to vector<16xi32>
      %add3A_332 = arith.addi %add3A_329, %add3A_331 : vector<16xi32>
      %lt3A_333 = arith.constant 0 : i32
      %lt3A_334 = vector.broadcast %lt3A_333 : i32 to vector<16xi32>
      %lt3A_335 = arith.cmpi slt, %get3A_314, %lt3A_334 : vector<16xi32>
      %select_n3A_336 = arith.select %lt3A_335, %add3A_329, %get3A_314 : vector<16xi1>, vector<16xi32>
      %lt3A_337 = arith.constant 0 : i32
      %lt3A_338 = vector.broadcast %lt3A_337 : i32 to vector<16xi32>
      %lt3A_339 = arith.cmpi slt, %get3A_322, %lt3A_338 : vector<16xi32>
      %select_n3A_340 = arith.select %lt3A_339, %add3A_332, %get3A_322 : vector<16xi1>, vector<16xi32>
      %broadcast_in_dim3A_341 = vector.shape_cast %mul3A_40 : vector<16xi32> to vector<16x1xi32>
      %gather3A_342 = vector.shape_cast %broadcast_in_dim3A_341 : vector<16x1xi32> to vector<16xi32>
      %gather3A_343 = tpu.dynamic_gather %select_n3A_336[%gather3A_342] in [0] : vector<16xi32>, vector<16xi32> -> vector<16xi32>
      %broadcast_in_dim3A_344 = vector.shape_cast %mul3A_40 : vector<16xi32> to vector<16x1xi32>
      %gather3A_345 = vector.shape_cast %broadcast_in_dim3A_344 : vector<16x1xi32> to vector<16xi32>
      %gather3A_346 = tpu.dynamic_gather %select_n3A_340[%gather3A_345] in [0] : vector<16xi32>, vector<16xi32> -> vector<16xi32>
      %select_n3A_347 = arith.select %lt3A_46, %gather3A_343, %gather3A_346 : vector<16xi1>, vector<16xi32>
      %broadcast_in_dim3A_348 = vector.shape_cast %add3A_43 : vector<16xi32> to vector<16x1xi32>
      %gather3A_349 = vector.shape_cast %broadcast_in_dim3A_348 : vector<16x1xi32> to vector<16xi32>
      %gather3A_350 = tpu.dynamic_gather %select_n3A_336[%gather3A_349] in [0] : vector<16xi32>, vector<16xi32> -> vector<16xi32>
      %broadcast_in_dim3A_351 = vector.shape_cast %add3A_43 : vector<16xi32> to vector<16x1xi32>
      %gather3A_352 = vector.shape_cast %broadcast_in_dim3A_351 : vector<16x1xi32> to vector<16xi32>
      %gather3A_353 = tpu.dynamic_gather %select_n3A_340[%gather3A_352] in [0] : vector<16xi32>, vector<16xi32> -> vector<16xi32>
      %select_n3A_354 = arith.select %lt3A_46, %gather3A_350, %gather3A_353 : vector<16xi1>, vector<16xi32>
      %mul3A_355 = arith.constant 64 : i32
      %mul3A_356 = arith.muli %scan3A_222, %mul3A_355 : i32
      %add3A_357 = arith.constant 16 : i32
      %add3A_358 = arith.addi %mul3A_356, %add3A_357 : i32
      %swap3A_359 = arith.index_cast %add3A_358 : i32 to index
      %swap3A_360 = tpu.vector_load %arg8[%swap3A_359] {strides = array<i32>} : memref<6272xi32, #tpu.memory_space<vmem>>, vector<16xi32>,
      tpu.vector_store %arg8[%swap3A_359], %select_n3A_347 {strides = array<i32>} : memref<6272xi32, #tpu.memory_space<vmem>>, vector<16xi32>,
      %mul3A_361 = arith.constant 64 : i32
      %mul3A_362 = arith.muli %scan3A_222, %mul3A_361 : i32
      %add3A_363 = arith.constant 32 : i32
      %add3A_364 = arith.addi %mul3A_362, %add3A_363 : i32
      %add3A_365 = arith.constant 16 : i32
      %add3A_366 = arith.addi %add3A_364, %add3A_365 : i32
      %swap3A_367 = arith.index_cast %add3A_366 : i32 to index
      %swap3A_368 = tpu.vector_load %arg8[%swap3A_367] {strides = array<i32>} : memref<6272xi32, #tpu.memory_space<vmem>>, vector<16xi32>,
      tpu.vector_store %arg8[%swap3A_367], %select_n3A_354 {strides = array<i32>} : memref<6272xi32, #tpu.memory_space<vmem>>, vector<16xi32>,
      %broadcast_in_dim3A_369 = vector.shape_cast %mul3A_40 : vector<16xi32> to vector<16x1xi32>
      %gather3A_370 = vector.shape_cast %broadcast_in_dim3A_369 : vector<16x1xi32> to vector<16xi32>
      %gather3A_371 = tpu.dynamic_gather %get3A_314[%gather3A_370] in [0] : vector<16xi32>, vector<16xi32> -> vector<16xi32>
      %broadcast_in_dim3A_372 = vector.shape_cast %mul3A_40 : vector<16xi32> to vector<16x1xi32>
      %gather3A_373 = vector.shape_cast %broadcast_in_dim3A_372 : vector<16x1xi32> to vector<16xi32>
      %gather3A_374 = tpu.dynamic_gather %get3A_322[%gather3A_373] in [0] : vector<16xi32>, vector<16xi32> -> vector<16xi32>
      %select_n3A_375 = arith.select %lt3A_46, %gather3A_371, %gather3A_374 : vector<16xi1>, vector<16xi32>
      %mul3A_376 = arith.constant 64 : i32
      %mul3A_377 = arith.muli %scan3A_222, %mul3A_376 : i32
      %add3A_378 = arith.constant 16 : i32
      %add3A_379 = arith.addi %mul3A_377, %add3A_378 : i32
      %swap3A_380 = arith.index_cast %add3A_379 : i32 to index
      %swap3A_381 = tpu.vector_load %arg9[%swap3A_380] {strides = array<i32>} : memref<6272xi32, #tpu.memory_space<vmem>>, vector<16xi32>,
      tpu.vector_store %arg9[%swap3A_380], %select_n3A_375 {strides = array<i32>} : memref<6272xi32, #tpu.memory_space<vmem>>, vector<16xi32>,
      %broadcast_in_dim3A_382 = vector.shape_cast %add3A_43 : vector<16xi32> to vector<16x1xi32>
      %gather3A_383 = vector.shape_cast %broadcast_in_dim3A_382 : vector<16x1xi32> to vector<16xi32>
      %gather3A_384 = tpu.dynamic_gather %get3A_314[%gather3A_383] in [0] : vector<16xi32>, vector<16xi32> -> vector<16xi32>
      %broadcast_in_dim3A_385 = vector.shape_cast %add3A_43 : vector<16xi32> to vector<16x1xi32>
      %gather3A_386 = vector.shape_cast %broadcast_in_dim3A_385 : vector<16x1xi32> to vector<16xi32>
      %gather3A_387 = tpu.dynamic_gather %get3A_322[%gather3A_386] in [0] : vector<16xi32>, vector<16xi32> -> vector<16xi32>
      %select_n3A_388 = arith.select %lt3A_46, %gather3A_384, %gather3A_387 : vector<16xi1>, vector<16xi32>
      %mul3A_389 = arith.constant 64 : i32
      %mul3A_390 = arith.muli %scan3A_222, %mul3A_389 : i32
      %add3A_391 = arith.constant 32 : i32
      %add3A_392 = arith.addi %mul3A_390, %add3A_391 : i32
      %add3A_393 = arith.constant 16 : i32
      %add3A_394 = arith.addi %add3A_392, %add3A_393 : i32
      %swap3A_395 = arith.index_cast %add3A_394 : i32 to index
      %swap3A_396 = tpu.vector_load %arg9[%swap3A_395] {strides = array<i32>} : memref<6272xi32, #tpu.memory_space<vmem>>, vector<16xi32>,
      tpu.vector_store %arg9[%swap3A_395], %select_n3A_388 {strides = array<i32>} : memref<6272xi32, #tpu.memory_space<vmem>>, vector<16xi32>,
      %scan3A_397 = arith.constant 0 : i32
      scf.yield %scan3A_397 : i32
    }
    %scan3A_53 = arith.constant 98 : i32
    %jit3A_54 = arith.constant 64 : i32
    "tpu.trace_start"() <{level = 10 : i32, message = "phase_b_gather"}> : () -> ()
    %div3A = arith.divsi %min3A_4, %jit3A_54 : i32
    %sign3A = arith.constant 0 : i32
    %sign3A_55 = arith.cmpi sgt, %min3A_4, %sign3A : i32
    %sign3A_56 = arith.extui %sign3A_55 : i1 to i32
    %sign3A_57 = arith.constant 0 : i32
    %sign3A_58 = arith.cmpi slt, %min3A_4, %sign3A_57 : i32
    %sign3A_59 = arith.extui %sign3A_58 : i1 to i32
    %sign3A_60 = arith.subi %sign3A_56, %sign3A_59 : i32
    %sign3A_61 = arith.constant 0 : i32
    %sign3A_62 = arith.cmpi sgt, %jit3A_54, %sign3A_61 : i32
    %sign3A_63 = arith.extui %sign3A_62 : i1 to i32
    %sign3A_64 = arith.constant 0 : i32
    %sign3A_65 = arith.cmpi slt, %jit3A_54, %sign3A_64 : i32
    %sign3A_66 = arith.extui %sign3A_65 : i1 to i32
    %sign3A_67 = arith.subi %sign3A_63, %sign3A_66 : i32
    %ne3A_68 = arith.cmpi ne, %sign3A_60, %sign3A_67 : i32
    %rem3A_69 = arith.remsi %min3A_4, %jit3A_54 : i32
    %ne3A_70 = arith.constant 0 : i32
    %ne3A_71 = arith.cmpi ne, %rem3A_69, %ne3A_70 : i32
    %and3A_72 = arith.andi %ne3A_68, %ne3A_71 : i1
    %sub3A_73 = arith.constant 1 : i32
    %sub3A_74 = arith.subi %div3A, %sub3A_73 : i32
    %select_n3A_75 = arith.select %and3A_72, %sub3A_74, %div3A : i32
    %dma_start3A_76 = arith.constant 0 : i32
    %dma_start3A_77 = tpu.memref_slice %arg8[%dma_start3A_76] : memref<6272xi32, #tpu.memory_space<vmem>> -> memref<64xi32, #tpu.memory_space<vmem>>
    %dma_start3A_78 = arith.constant 0 : i32
    %dma_start3A_79 = arith.constant 0 : i32
    %dma_start3A_80 = tpu.memref_slice %arg3[%dma_start3A_78, %dma_start3A_79] : memref<200000x256xf32, #tpu.memory_space<hbm>> -> memref<200000x256xf32, #tpu.memory_space<hbm>>
    tpu.enqueue_indirect_dma source(%dma_start3A_80 : memref<200000x256xf32, #tpu.memory_space<hbm>>) target(%arg10 : memref<64x256xf32, #tpu.memory_space<vmem>>) offsets(%dma_start3A_77 : memref<64xi32, #tpu.memory_space<vmem>>) semaphore(%arg17 : memref<!tpu.dma_semaphore, #tpu.memory_space<semaphore_mem>>)
    %dma_start3A_81 = arith.constant 64 : i32
    %dma_start3A_82 = tpu.memref_slice %arg8[%dma_start3A_81] : memref<6272xi32, #tpu.memory_space<vmem>> -> memref<64xi32, #tpu.memory_space<vmem>>
    %dma_start3A_83 = arith.constant 0 : i32
    %dma_start3A_84 = arith.constant 0 : i32
    %dma_start3A_85 = tpu.memref_slice %arg3[%dma_start3A_83, %dma_start3A_84] : memref<200000x256xf32, #tpu.memory_space<hbm>> -> memref<200000x256xf32, #tpu.memory_space<hbm>>
    tpu.enqueue_indirect_dma source(%dma_start3A_85 : memref<200000x256xf32, #tpu.memory_space<hbm>>) target(%arg11 : memref<64x256xf32, #tpu.memory_space<vmem>>) offsets(%dma_start3A_82 : memref<64xi32, #tpu.memory_space<vmem>>) semaphore(%arg18 : memref<!tpu.dma_semaphore, #tpu.memory_space<semaphore_mem>>)
    %dma_start3A_86 = arith.constant 128 : i32
    %dma_start3A_87 = tpu.memref_slice %arg8[%dma_start3A_86] : memref<6272xi32, #tpu.memory_space<vmem>> -> memref<64xi32, #tpu.memory_space<vmem>>
    %dma_start3A_88 = arith.constant 0 : i32
    %dma_start3A_89 = arith.constant 0 : i32
    %dma_start3A_90 = tpu.memref_slice %arg3[%dma_start3A_88, %dma_start3A_89] : memref<200000x256xf32, #tpu.memory_space<hbm>> -> memref<200000x256xf32, #tpu.memory_space<hbm>>
    tpu.enqueue_indirect_dma source(%dma_start3A_90 : memref<200000x256xf32, #tpu.memory_space<hbm>>) target(%arg12 : memref<64x256xf32, #tpu.memory_space<vmem>>) offsets(%dma_start3A_87 : memref<64xi32, #tpu.memory_space<vmem>>) semaphore(%arg19 : memref<!tpu.dma_semaphore, #tpu.memory_space<semaphore_mem>>)
    %dma_start3A_91 = arith.constant 192 : i32
    %dma_start3A_92 = tpu.memref_slice %arg8[%dma_start3A_91] : memref<6272xi32, #tpu.memory_space<vmem>> -> memref<64xi32, #tpu.memory_space<vmem>>
    %dma_start3A_93 = arith.constant 0 : i32
    %dma_start3A_94 = arith.constant 0 : i32
    %dma_start3A_95 = tpu.memref_slice %arg3[%dma_start3A_93, %dma_start3A_94] : memref<200000x256xf32, #tpu.memory_space<hbm>> -> memref<200000x256xf32, #tpu.memory_space<hbm>>
    tpu.enqueue_indirect_dma source(%dma_start3A_95 : memref<200000x256xf32, #tpu.memory_space<hbm>>) target(%arg13 : memref<64x256xf32, #tpu.memory_space<vmem>>) offsets(%dma_start3A_92 : memref<64xi32, #tpu.memory_space<vmem>>) semaphore(%arg20 : memref<!tpu.dma_semaphore, #tpu.memory_space<semaphore_mem>>)
    %scan3A_96 = arith.constant 0 : i32
    %scan3A_97 = arith.constant 0 : i32
    %scan3A_98 = arith.constant 20 : i32
    %scan3A_99 = arith.addi %scan3A_97, %scan3A_98 : i32
    %scan3A_100 = arith.constant 1 : i32
    %scan3A_101 = scf.for %scan3A_222 = %scan3A_97 to %scan3A_99 step %scan3A_100 iter_args(%scan3A_223 = %scan3A_96) -> (i32)  : i32 {
      %mul3A_224 = arith.constant 5 : i32
      %mul3A_225 = arith.muli %scan3A_222, %mul3A_224 : i32
      %add3A_226 = arith.constant 0 : i32
      %add3A_227 = arith.addi %mul3A_225, %add3A_226 : i32
      %lt3A_228 = arith.cmpi slt, %add3A_227, %select_n3A_75 : i32
      %convert_element_type3A = arith.extui %lt3A_228 : i1 to i32
      %cond3A = arith.constant 0 : i32
      %cond3A_229 = arith.cmpi ne, %convert_element_type3A, %cond3A : i32
      scf.if %cond3A_229 {
        %dma_wait3A_263 = arith.constant 0 : i32
        %dma_wait3A_264 = tpu.memref_slice %arg8[%dma_wait3A_263] : memref<6272xi32, #tpu.memory_space<vmem>> -> memref<64xi32, #tpu.memory_space<vmem>>
        %dma_wait3A_265 = arith.constant 0 : i32
        %dma_wait3A_266 = arith.constant 0 : i32
        %dma_wait3A_267 = tpu.memref_slice %arg3[%dma_wait3A_265, %dma_wait3A_266] : memref<200000x256xf32, #tpu.memory_space<hbm>> -> memref<200000x256xf32, #tpu.memory_space<hbm>>
        tpu.wait_indirect_dma semaphore(%arg17 : memref<!tpu.dma_semaphore, #tpu.memory_space<semaphore_mem>>) src(%dma_wait3A_267 : memref<200000x256xf32, #tpu.memory_space<hbm>>) dst(%arg10 : memref<64x256xf32, #tpu.memory_space<vmem>>)
        %add3A_268 = arith.constant 5 : i32
        %add3A_269 = arith.addi %add3A_227, %add3A_268 : i32
        %sub3A_270 = arith.constant 1 : i32
        %sub3A_271 = arith.subi %add3A_269, %sub3A_270 : i32
        %lt3A_272 = arith.cmpi slt, %sub3A_271, %select_n3A_75 : i32
        %convert_element_type3A_273 = arith.extui %lt3A_272 : i1 to i32
        %cond3A_274 = arith.constant 0 : i32
        %cond3A_275 = arith.cmpi ne, %convert_element_type3A_273, %cond3A_274 : i32
        scf.if %cond3A_275 {
          %ge3A = arith.constant 1 : i32
          %ge3A_416 = arith.cmpi sge, %add3A_227, %ge3A : i32
          %convert_element_type3A_417 = arith.extui %ge3A_416 : i1 to i32
          %cond3A_418 = arith.constant 0 : i32
          %cond3A_419 = arith.cmpi ne, %convert_element_type3A_417, %cond3A_418 : i32
          scf.if %cond3A_419 {
            %dma_wait3A_430 = arith.constant 0 : i32
            %dma_wait3A_431 = arith.constant 0 : i32
            %dma_wait3A_432 = tpu.memref_slice %arg14[%dma_wait3A_430, %dma_wait3A_431] : memref<64x256xf32, #tpu.memory_space<vmem>> -> memref<32x256xf32, #tpu.memory_space<vmem>>
            %dma_wait3A_433 = arith.constant 0 : i32
            %dma_wait3A_434 = arith.constant 0 : i32
            %dma_wait3A_435 = tpu.memref_slice %arg4[%dma_wait3A_433, %dma_wait3A_434] : memref<100000x512xf32, #tpu.memory_space<hbm>> -> memref<32x256xf32, #tpu.memory_space<hbm>>
            %dma_wait3A_436 = arith.constant 0 : i32
            %dma_wait3A_437 = arith.constant 0 : i32
            %dma_wait3A_438 = tpu.memref_slice %arg4[%dma_wait3A_436, %dma_wait3A_437] : memref<100000x512xf32, #tpu.memory_space<hbm>> -> memref<32x256xf32, #tpu.memory_space<hbm>>
            %dma_wait3A_439 = arith.constant 0 : i32
            %dma_wait3A_440 = arith.constant 0 : i32
            %dma_wait3A_441 = tpu.memref_slice %arg14[%dma_wait3A_439, %dma_wait3A_440] : memref<64x256xf32, #tpu.memory_space<vmem>> -> memref<32x256xf32, #tpu.memory_space<vmem>>
            tpu.wait_dma2 semaphore(%arg26 : memref<!tpu.dma_semaphore, #tpu.memory_space<semaphore_mem>>) src(%dma_wait3A_441 : memref<32x256xf32, #tpu.memory_space<vmem>>) dst(%dma_wait3A_438 : memref<32x256xf32, #tpu.memory_space<hbm>>)
            %dma_wait3A_442 = arith.constant 0 : i32
            %dma_wait3A_443 = arith.constant 0 : i32
            %dma_wait3A_444 = tpu.memref_slice %arg14[%dma_wait3A_442, %dma_wait3A_443] : memref<64x256xf32, #tpu.memory_space<vmem>> -> memref<32x256xf32, #tpu.memory_space<vmem>>
            %dma_wait3A_445 = arith.constant 0 : i32
            %dma_wait3A_446 = arith.constant 0 : i32
            %dma_wait3A_447 = tpu.memref_slice %arg4[%dma_wait3A_445, %dma_wait3A_446] : memref<100000x512xf32, #tpu.memory_space<hbm>> -> memref<32x256xf32, #tpu.memory_space<hbm>>
            %dma_wait3A_448 = arith.constant 0 : i32
            %dma_wait3A_449 = arith.constant 0 : i32
            %dma_wait3A_450 = tpu.memref_slice %arg4[%dma_wait3A_448, %dma_wait3A_449] : memref<100000x512xf32, #tpu.memory_space<hbm>> -> memref<32x256xf32, #tpu.memory_space<hbm>>
            %dma_wait3A_451 = arith.constant 0 : i32
            %dma_wait3A_452 = arith.constant 0 : i32
            %dma_wait3A_453 = tpu.memref_slice %arg14[%dma_wait3A_451, %dma_wait3A_452] : memref<64x256xf32, #tpu.memory_space<vmem>> -> memref<32x256xf32, #tpu.memory_space<vmem>>
            tpu.wait_dma2 semaphore(%arg26 : memref<!tpu.dma_semaphore, #tpu.memory_space<semaphore_mem>>) src(%dma_wait3A_453 : memref<32x256xf32, #tpu.memory_space<vmem>>) dst(%dma_wait3A_450 : memref<32x256xf32, #tpu.memory_space<hbm>>)
          } else {
          }
          %add3A_420 = arith.constant 5 : i32
          %add3A_421 = arith.addi %add3A_227, %add3A_420 : i32
          %sub3A_422 = arith.constant 1 : i32
          %sub3A_423 = arith.subi %add3A_421, %sub3A_422 : i32
          %mul3A_424 = arith.constant 64 : i32
          %mul3A_425 = arith.muli %sub3A_423, %mul3A_424 : i32
          %dma_start3A_426 = tpu.memref_slice %arg8[%mul3A_425] : memref<6272xi32, #tpu.memory_space<vmem>> -> memref<64xi32, #tpu.memory_space<vmem>>
          %dma_start3A_427 = arith.constant 0 : i32
          %dma_start3A_428 = arith.constant 0 : i32
          %dma_start3A_429 = tpu.memref_slice %arg3[%dma_start3A_427, %dma_start3A_428] : memref<200000x256xf32, #tpu.memory_space<hbm>> -> memref<200000x256xf32, #tpu.memory_space<hbm>>
          tpu.enqueue_indirect_dma source(%dma_start3A_429 : memref<200000x256xf32, #tpu.memory_space<hbm>>) target(%arg14 : memref<64x256xf32, #tpu.memory_space<vmem>>) offsets(%dma_start3A_426 : memref<64xi32, #tpu.memory_space<vmem>>) semaphore(%arg21 : memref<!tpu.dma_semaphore, #tpu.memory_space<semaphore_mem>>)
        } else {
        }
        %mul3A_276 = arith.constant 64 : i32
        %mul3A_277 = arith.muli %add3A_227, %mul3A_276 : i32
        %add3A_278 = arith.constant 0 : i32
        %add3A_279 = arith.addi %mul3A_277, %add3A_278 : i32
        %get3A = arith.index_cast %add3A_279 : i32 to index
        %get3A_280 = tpu.vector_load %arg9[%get3A] {strides = array<i32>} : memref<6272xi32, #tpu.memory_space<vmem>>, vector<16xi32>,
        %lt3A_281 = arith.constant 0 : i32
        %lt3A_282 = vector.broadcast %lt3A_281 : i32 to vector<16xi32>
        %lt3A_283 = arith.cmpi slt, %get3A_280, %lt3A_282 : vector<16xi32>
        %jit3A_284 = arith.constant 1 : i32
        %jit3A_285 = arith.constant 0 : i32
        %broadcast_in_dim3A_286 = vector.broadcast %jit3A_284 : i32 to vector<16xi32>
        %broadcast_in_dim3A_287 = vector.broadcast %jit3A_285 : i32 to vector<16xi32>
        %select_n3A_288 = arith.select %lt3A_283, %broadcast_in_dim3A_286, %broadcast_in_dim3A_287 : vector<16xi1>, vector<16xi32>
        %shift_left3A = arith.shli %select_n3A_288, %iota3A : vector<16xi32>
        %reduce_sum3A = arith.constant true
        %reduce_sum3A_289 = vector.broadcast %reduce_sum3A : i1 to vector<16xi1>
        %reduce_sum3A_290 = tpu.scan <sum>, %shift_left3A masked %reduce_sum3A_289 : vector<16xi32>, vector<16xi1> -> vector<16xi32>
        %reduce_sum3A_291 = vector.extract %reduce_sum3A_290[15] : i32 from vector<16xi32>
        %ne3A_292 = arith.constant 0 : i32
        %ne3A_293 = arith.cmpi ne, %reduce_sum3A_291, %ne3A_292 : i32
        %convert_element_type3A_294 = arith.extui %ne3A_293 : i1 to i32
        %cond3A_295 = arith.constant 0 : i32
        %cond3A_296 = arith.cmpi ne, %convert_element_type3A_294, %cond3A_295 : i32
        scf.if %cond3A_296 {
          %scan3A_416 = arith.constant 0 : i32
          %scan3A_417 = arith.constant 0 : i32
          %scan3A_418 = arith.constant 16 : i32
          %scan3A_419 = arith.addi %scan3A_417, %scan3A_418 : i32
          %scan3A_420 = arith.constant 1 : i32
          %scan3A_421 = scf.for %scan3A_423 = %scan3A_417 to %scan3A_419 step %scan3A_420 iter_args(%scan3A_424 = %scan3A_416) -> (i32)  : i32 {
            %shift_right_arithmetic3A = arith.shrsi %reduce_sum3A_291, %scan3A_423 : i32
            %and3A_425 = arith.constant 1 : i32
            %and3A_426 = arith.andi %shift_right_arithmetic3A, %and3A_425 : i32
            %eq3A_427 = arith.constant 1 : i32
            %eq3A_428 = arith.cmpi eq, %and3A_426, %eq3A_427 : i32
            %convert_element_type3A_429 = arith.extui %eq3A_428 : i1 to i32
            %cond3A_430 = arith.constant 0 : i32
            %cond3A_431 = arith.cmpi ne, %convert_element_type3A_429, %cond3A_430 : i32
            scf.if %cond3A_431 {
              %add3A_433 = arith.constant 0 : i32
              %add3A_434 = arith.addi %add3A_433, %scan3A_423 : i32
              %swap3A = arith.index_cast %add3A_434 : i32 to index
              %swap3A_435 = arith.constant 0 : index
              %swap3A_436 = tpu.vector_load %arg10[%swap3A, %swap3A_435] {strides = array<i32>} : memref<64x256xf32, #tpu.memory_space<vmem>>, vector<16xf32>,
              tpu.vector_store %arg10[%swap3A, %swap3A_435], %broadcast_in_dim3A_6 {strides = array<i32>} : memref<64x256xf32, #tpu.memory_space<vmem>>, vector<16xf32>,
              %add3A_437 = arith.constant 0 : i32
              %add3A_438 = arith.addi %add3A_437, %scan3A_423 : i32
              %swap3A_439 = arith.index_cast %add3A_438 : i32 to index
              %swap3A_440 = arith.constant 16 : index
              %swap3A_441 = tpu.vector_load %arg10[%swap3A_439, %swap3A_440] {strides = array<i32>} : memref<64x256xf32, #tpu.memory_space<vmem>>, vector<16xf32>,
              tpu.vector_store %arg10[%swap3A_439, %swap3A_440], %broadcast_in_dim3A_6 {strides = array<i32>} : memref<64x256xf32, #tpu.memory_space<vmem>>, vector<16xf32>,
              %add3A_442 = arith.constant 0 : i32
              %add3A_443 = arith.addi %add3A_442, %scan3A_423 : i32
              %swap3A_444 = arith.index_cast %add3A_443 : i32 to index
              %swap3A_445 = arith.constant 32 : index
              %swap3A_446 = tpu.vector_load %arg10[%swap3A_444, %swap3A_445] {strides = array<i32>} : memref<64x256xf32, #tpu.memory_space<vmem>>, vector<16xf32>,
              tpu.vector_store %arg10[%swap3A_444, %swap3A_445], %broadcast_in_dim3A_6 {strides = array<i32>} : memref<64x256xf32, #tpu.memory_space<vmem>>, vector<16xf32>,
              %add3A_447 = arith.constant 0 : i32
              %add3A_448 = arith.addi %add3A_447, %scan3A_423 : i32
              %swap3A_449 = arith.index_cast %add3A_448 : i32 to index
              %swap3A_450 = arith.constant 48 : index
              %swap3A_451 = tpu.vector_load %arg10[%swap3A_449, %swap3A_450] {strides = array<i32>} : memref<64x256xf32, #tpu.memory_space<vmem>>, vector<16xf32>,
              tpu.vector_store %arg10[%swap3A_449, %swap3A_450], %broadcast_in_dim3A_6 {strides = array<i32>} : memref<64x256xf32, #tpu.memory_space<vmem>>, vector<16xf32>,
              %add3A_452 = arith.constant 0 : i32
              %add3A_453 = arith.addi %add3A_452, %scan3A_423 : i32
              %swap3A_454 = arith.index_cast %add3A_453 : i32 to index
              %swap3A_455 = arith.constant 64 : index
              %swap3A_456 = tpu.vector_load %arg10[%swap3A_454, %swap3A_455] {strides = array<i32>} : memref<64x256xf32, #tpu.memory_space<vmem>>, vector<16xf32>,
              tpu.vector_store %arg10[%swap3A_454, %swap3A_455], %broadcast_in_dim3A_6 {strides = array<i32>} : memref<64x256xf32, #tpu.memory_space<vmem>>, vector<16xf32>,
              %add3A_457 = arith.constant 0 : i32
              %add3A_458 = arith.addi %add3A_457, %scan3A_423 : i32
              %swap3A_459 = arith.index_cast %add3A_458 : i32 to index
              %swap3A_460 = arith.constant 80 : index
              %swap3A_461 = tpu.vector_load %arg10[%swap3A_459, %swap3A_460] {strides = array<i32>} : memref<64x256xf32, #tpu.memory_space<vmem>>, vector<16xf32>,
              tpu.vector_store %arg10[%swap3A_459, %swap3A_460], %broadcast_in_dim3A_6 {strides = array<i32>} : memref<64x256xf32, #tpu.memory_space<vmem>>, vector<16xf32>,
              %add3A_462 = arith.constant 0 : i32
              %add3A_463 = arith.addi %add3A_462, %scan3A_423 : i32
              %swap3A_464 = arith.index_cast %add3A_463 : i32 to index
              %swap3A_465 = arith.constant 96 : index
              %swap3A_466 = tpu.vector_load %arg10[%swap3A_464, %swap3A_465] {strides = array<i32>} : memref<64x256xf32, #tpu.memory_space<vmem>>, vector<16xf32>,
              tpu.vector_store %arg10[%swap3A_464, %swap3A_465], %broadcast_in_dim3A_6 {strides = array<i32>} : memref<64x256xf32, #tpu.memory_space<vmem>>, vector<16xf32>,
              %add3A_467 = arith.constant 0 : i32
              %add3A_468 = arith.addi %add3A_467, %scan3A_423 : i32
              %swap3A_469 = arith.index_cast %add3A_468 : i32 to index
              %swap3A_470 = arith.constant 112 : index
              %swap3A_471 = tpu.vector_load %arg10[%swap3A_469, %swap3A_470] {strides = array<i32>} : memref<64x256xf32, #tpu.memory_space<vmem>>, vector<16xf32>,
              tpu.vector_store %arg10[%swap3A_469, %swap3A_470], %broadcast_in_dim3A_6 {strides = array<i32>} : memref<64x256xf32, #tpu.memory_space<vmem>>, vector<16xf32>,
              %add3A_472 = arith.constant 0 : i32
              %add3A_473 = arith.addi %add3A_472, %scan3A_423 : i32
              %swap3A_474 = arith.index_cast %add3A_473 : i32 to index
              %swap3A_475 = arith.constant 128 : index
              %swap3A_476 = tpu.vector_load %arg10[%swap3A_474, %swap3A_475] {strides = array<i32>} : memref<64x256xf32, #tpu.memory_space<vmem>>, vector<16xf32>,
              tpu.vector_store %arg10[%swap3A_474, %swap3A_475], %broadcast_in_dim3A_6 {strides = array<i32>} : memref<64x256xf32, #tpu.memory_space<vmem>>, vector<16xf32>,
              %add3A_477 = arith.constant 0 : i32
              %add3A_478 = arith.addi %add3A_477, %scan3A_423 : i32
              %swap3A_479 = arith.index_cast %add3A_478 : i32 to index
              %swap3A_480 = arith.constant 144 : index
              %swap3A_481 = tpu.vector_load %arg10[%swap3A_479, %swap3A_480] {strides = array<i32>} : memref<64x256xf32, #tpu.memory_space<vmem>>, vector<16xf32>,
              tpu.vector_store %arg10[%swap3A_479, %swap3A_480], %broadcast_in_dim3A_6 {strides = array<i32>} : memref<64x256xf32, #tpu.memory_space<vmem>>, vector<16xf32>,
              %add3A_482 = arith.constant 0 : i32
              %add3A_483 = arith.addi %add3A_482, %scan3A_423 : i32
              %swap3A_484 = arith.index_cast %add3A_483 : i32 to index
              %swap3A_485 = arith.constant 160 : index
              %swap3A_486 = tpu.vector_load %arg10[%swap3A_484, %swap3A_485] {strides = array<i32>} : memref<64x256xf32, #tpu.memory_space<vmem>>, vector<16xf32>,
              tpu.vector_store %arg10[%swap3A_484, %swap3A_485], %broadcast_in_dim3A_6 {strides = array<i32>} : memref<64x256xf32, #tpu.memory_space<vmem>>, vector<16xf32>,
              %add3A_487 = arith.constant 0 : i32
              %add3A_488 = arith.addi %add3A_487, %scan3A_423 : i32
              %swap3A_489 = arith.index_cast %add3A_488 : i32 to index
              %swap3A_490 = arith.constant 176 : index
              %swap3A_491 = tpu.vector_load %arg10[%swap3A_489, %swap3A_490] {strides = array<i32>} : memref<64x256xf32, #tpu.memory_space<vmem>>, vector<16xf32>,
              tpu.vector_store %arg10[%swap3A_489, %swap3A_490], %broadcast_in_dim3A_6 {strides = array<i32>} : memref<64x256xf32, #tpu.memory_space<vmem>>, vector<16xf32>,
              %add3A_492 = arith.constant 0 : i32
              %add3A_493 = arith.addi %add3A_492, %scan3A_423 : i32
              %swap3A_494 = arith.index_cast %add3A_493 : i32 to index
              %swap3A_495 = arith.constant 192 : index
              %swap3A_496 = tpu.vector_load %arg10[%swap3A_494, %swap3A_495] {strides = array<i32>} : memref<64x256xf32, #tpu.memory_space<vmem>>, vector<16xf32>,
              tpu.vector_store %arg10[%swap3A_494, %swap3A_495], %broadcast_in_dim3A_6 {strides = array<i32>} : memref<64x256xf32, #tpu.memory_space<vmem>>, vector<16xf32>,
              %add3A_497 = arith.constant 0 : i32
              %add3A_498 = arith.addi %add3A_497, %scan3A_423 : i32
              %swap3A_499 = arith.index_cast %add3A_498 : i32 to index
              %swap3A_500 = arith.constant 208 : index
              %swap3A_501 = tpu.vector_load %arg10[%swap3A_499, %swap3A_500] {strides = array<i32>} : memref<64x256xf32, #tpu.memory_space<vmem>>, vector<16xf32>,
              tpu.vector_store %arg10[%swap3A_499, %swap3A_500], %broadcast_in_dim3A_6 {strides = array<i32>} : memref<64x256xf32, #tpu.memory_space<vmem>>, vector<16xf32>,
              %add3A_502 = arith.constant 0 : i32
              %add3A_503 = arith.addi %add3A_502, %scan3A_423 : i32
              %swap3A_504 = arith.index_cast %add3A_503 : i32 to index
              %swap3A_505 = arith.constant 224 : index
              %swap3A_506 = tpu.vector_load %arg10[%swap3A_504, %swap3A_505] {strides = array<i32>} : memref<64x256xf32, #tpu.memory_space<vmem>>, vector<16xf32>,
              tpu.vector_store %arg10[%swap3A_504, %swap3A_505], %broadcast_in_dim3A_6 {strides = array<i32>} : memref<64x256xf32, #tpu.memory_space<vmem>>, vector<16xf32>,
              %add3A_507 = arith.constant 0 : i32
              %add3A_508 = arith.addi %add3A_507, %scan3A_423 : i32
              %swap3A_509 = arith.index_cast %add3A_508 : i32 to index
              %swap3A_510 = arith.constant 240 : index
              %swap3A_511 = tpu.vector_load %arg10[%swap3A_509, %swap3A_510] {strides = array<i32>} : memref<64x256xf32, #tpu.memory_space<vmem>>, vector<16xf32>,
              tpu.vector_store %arg10[%swap3A_509, %swap3A_510], %broadcast_in_dim3A_6 {strides = array<i32>} : memref<64x256xf32, #tpu.memory_space<vmem>>, vector<16xf32>,
            } else {
            }
            %scan3A_432 = arith.constant 0 : i32
            scf.yield %scan3A_432 : i32
          }
          %scan3A_422 = arith.constant 16 : i32
        } else {
        }
        %mul3A_297 = arith.constant 64 : i32
        %mul3A_298 = arith.muli %add3A_227, %mul3A_297 : i32
        %add3A_299 = arith.constant 16 : i32
        %add3A_300 = arith.addi %mul3A_298, %add3A_299 : i32
        %get3A_301 = arith.index_cast %add3A_300 : i32 to index
        %get3A_302 = tpu.vector_load %arg9[%get3A_301] {strides = array<i32>} : memref<6272xi32, #tpu.memory_space<vmem>>, vector<16xi32>,
        %lt3A_303 = arith.constant 0 : i32
        %lt3A_304 = vector.broadcast %lt3A_303 : i32 to vector<16xi32>
        %lt3A_305 = arith.cmpi slt, %get3A_302, %lt3A_304 : vector<16xi32>
        %jit3A_306 = arith.constant 1 : i32
        %jit3A_307 = arith.constant 0 : i32
        %broadcast_in_dim3A_308 = vector.broadcast %jit3A_306 : i32 to vector<16xi32>
        %broadcast_in_dim3A_309 = vector.broadcast %jit3A_307 : i32 to vector<16xi32>
        %select_n3A_310 = arith.select %lt3A_305, %broadcast_in_dim3A_308, %broadcast_in_dim3A_309 : vector<16xi1>, vector<16xi32>
        %shift_left3A_311 = arith.shli %select_n3A_310, %iota3A : vector<16xi32>
        %reduce_sum3A_312 = arith.constant true
        %reduce_sum3A_313 = vector.broadcast %reduce_sum3A_312 : i1 to vector<16xi1>
        %reduce_sum3A_314 = tpu.scan <sum>, %shift_left3A_311 masked %reduce_sum3A_313 : vector<16xi32>, vector<16xi1> -> vector<16xi32>
        %reduce_sum3A_315 = vector.extract %reduce_sum3A_314[15] : i32 from vector<16xi32>
        %ne3A_316 = arith.constant 0 : i32
        %ne3A_317 = arith.cmpi ne, %reduce_sum3A_315, %ne3A_316 : i32
        %convert_element_type3A_318 = arith.extui %ne3A_317 : i1 to i32
        %cond3A_319 = arith.constant 0 : i32
        %cond3A_320 = arith.cmpi ne, %convert_element_type3A_318, %cond3A_319 : i32
        scf.if %cond3A_320 {
          %scan3A_416 = arith.constant 0 : i32
          %scan3A_417 = arith.constant 0 : i32
          %scan3A_418 = arith.constant 16 : i32
          %scan3A_419 = arith.addi %scan3A_417, %scan3A_418 : i32
          %scan3A_420 = arith.constant 1 : i32
          %scan3A_421 = scf.for %scan3A_423 = %scan3A_417 to %scan3A_419 step %scan3A_420 iter_args(%scan3A_424 = %scan3A_416) -> (i32)  : i32 {
            %shift_right_arithmetic3A = arith.shrsi %reduce_sum3A_315, %scan3A_423 : i32
            %and3A_425 = arith.constant 1 : i32
            %and3A_426 = arith.andi %shift_right_arithmetic3A, %and3A_425 : i32
            %eq3A_427 = arith.constant 1 : i32
            %eq3A_428 = arith.cmpi eq, %and3A_426, %eq3A_427 : i32
            %convert_element_type3A_429 = arith.extui %eq3A_428 : i1 to i32
            %cond3A_430 = arith.constant 0 : i32
            %cond3A_431 = arith.cmpi ne, %convert_element_type3A_429, %cond3A_430 : i32
            scf.if %cond3A_431 {
              %add3A_433 = arith.constant 16 : i32
              %add3A_434 = arith.addi %add3A_433, %scan3A_423 : i32
              %swap3A = arith.index_cast %add3A_434 : i32 to index
              %swap3A_435 = arith.constant 0 : index
              %swap3A_436 = tpu.vector_load %arg10[%swap3A, %swap3A_435] {strides = array<i32>} : memref<64x256xf32, #tpu.memory_space<vmem>>, vector<16xf32>,
              tpu.vector_store %arg10[%swap3A, %swap3A_435], %broadcast_in_dim3A_6 {strides = array<i32>} : memref<64x256xf32, #tpu.memory_space<vmem>>, vector<16xf32>,
              %add3A_437 = arith.constant 16 : i32
              %add3A_438 = arith.addi %add3A_437, %scan3A_423 : i32
              %swap3A_439 = arith.index_cast %add3A_438 : i32 to index
              %swap3A_440 = arith.constant 16 : index
              %swap3A_441 = tpu.vector_load %arg10[%swap3A_439, %swap3A_440] {strides = array<i32>} : memref<64x256xf32, #tpu.memory_space<vmem>>, vector<16xf32>,
              tpu.vector_store %arg10[%swap3A_439, %swap3A_440], %broadcast_in_dim3A_6 {strides = array<i32>} : memref<64x256xf32, #tpu.memory_space<vmem>>, vector<16xf32>,
              %add3A_442 = arith.constant 16 : i32
              %add3A_443 = arith.addi %add3A_442, %scan3A_423 : i32
              %swap3A_444 = arith.index_cast %add3A_443 : i32 to index
              %swap3A_445 = arith.constant 32 : index
              %swap3A_446 = tpu.vector_load %arg10[%swap3A_444, %swap3A_445] {strides = array<i32>} : memref<64x256xf32, #tpu.memory_space<vmem>>, vector<16xf32>,
              tpu.vector_store %arg10[%swap3A_444, %swap3A_445], %broadcast_in_dim3A_6 {strides = array<i32>} : memref<64x256xf32, #tpu.memory_space<vmem>>, vector<16xf32>,
              %add3A_447 = arith.constant 16 : i32
              %add3A_448 = arith.addi %add3A_447, %scan3A_423 : i32
              %swap3A_449 = arith.index_cast %add3A_448 : i32 to index
              %swap3A_450 = arith.constant 48 : index
              %swap3A_451 = tpu.vector_load %arg10[%swap3A_449, %swap3A_450] {strides = array<i32>} : memref<64x256xf32, #tpu.memory_space<vmem>>, vector<16xf32>,
              tpu.vector_store %arg10[%swap3A_449, %swap3A_450], %broadcast_in_dim3A_6 {strides = array<i32>} : memref<64x256xf32, #tpu.memory_space<vmem>>, vector<16xf32>,
              %add3A_452 = arith.constant 16 : i32
              %add3A_453 = arith.addi %add3A_452, %scan3A_423 : i32
              %swap3A_454 = arith.index_cast %add3A_453 : i32 to index
              %swap3A_455 = arith.constant 64 : index
              %swap3A_456 = tpu.vector_load %arg10[%swap3A_454, %swap3A_455] {strides = array<i32>} : memref<64x256xf32, #tpu.memory_space<vmem>>, vector<16xf32>,
              tpu.vector_store %arg10[%swap3A_454, %swap3A_455], %broadcast_in_dim3A_6 {strides = array<i32>} : memref<64x256xf32, #tpu.memory_space<vmem>>, vector<16xf32>,
              %add3A_457 = arith.constant 16 : i32
              %add3A_458 = arith.addi %add3A_457, %scan3A_423 : i32
              %swap3A_459 = arith.index_cast %add3A_458 : i32 to index
              %swap3A_460 = arith.constant 80 : index
              %swap3A_461 = tpu.vector_load %arg10[%swap3A_459, %swap3A_460] {strides = array<i32>} : memref<64x256xf32, #tpu.memory_space<vmem>>, vector<16xf32>,
              tpu.vector_store %arg10[%swap3A_459, %swap3A_460], %broadcast_in_dim3A_6 {strides = array<i32>} : memref<64x256xf32, #tpu.memory_space<vmem>>, vector<16xf32>,
              %add3A_462 = arith.constant 16 : i32
              %add3A_463 = arith.addi %add3A_462, %scan3A_423 : i32
              %swap3A_464 = arith.index_cast %add3A_463 : i32 to index
              %swap3A_465 = arith.constant 96 : index
              %swap3A_466 = tpu.vector_load %arg10[%swap3A_464, %swap3A_465] {strides = array<i32>} : memref<64x256xf32, #tpu.memory_space<vmem>>, vector<16xf32>,
              tpu.vector_store %arg10[%swap3A_464, %swap3A_465], %broadcast_in_dim3A_6 {strides = array<i32>} : memref<64x256xf32, #tpu.memory_space<vmem>>, vector<16xf32>,
              %add3A_467 = arith.constant 16 : i32
              %add3A_468 = arith.addi %add3A_467, %scan3A_423 : i32
              %swap3A_469 = arith.index_cast %add3A_468 : i32 to index
              %swap3A_470 = arith.constant 112 : index
              %swap3A_471 = tpu.vector_load %arg10[%swap3A_469, %swap3A_470] {strides = array<i32>} : memref<64x256xf32, #tpu.memory_space<vmem>>, vector<16xf32>,
              tpu.vector_store %arg10[%swap3A_469, %swap3A_470], %broadcast_in_dim3A_6 {strides = array<i32>} : memref<64x256xf32, #tpu.memory_space<vmem>>, vector<16xf32>,
              %add3A_472 = arith.constant 16 : i32
              %add3A_473 = arith.addi %add3A_472, %scan3A_423 : i32
              %swap3A_474 = arith.index_cast %add3A_473 : i32 to index
              %swap3A_475 = arith.constant 128 : index
              %swap3A_476 = tpu.vector_load %arg10[%swap3A_474, %swap3A_475] {strides = array<i32>} : memref<64x256xf32, #tpu.memory_space<vmem>>, vector<16xf32>,
              tpu.vector_store %arg10[%swap3A_474, %swap3A_475], %broadcast_in_dim3A_6 {strides = array<i32>} : memref<64x256xf32, #tpu.memory_space<vmem>>, vector<16xf32>,
              %add3A_477 = arith.constant 16 : i32
              %add3A_478 = arith.addi %add3A_477, %scan3A_423 : i32
              %swap3A_479 = arith.index_cast %add3A_478 : i32 to index
              %swap3A_480 = arith.constant 144 : index
              %swap3A_481 = tpu.vector_load %arg10[%swap3A_479, %swap3A_480] {strides = array<i32>} : memref<64x256xf32, #tpu.memory_space<vmem>>, vector<16xf32>,
              tpu.vector_store %arg10[%swap3A_479, %swap3A_480], %broadcast_in_dim3A_6 {strides = array<i32>} : memref<64x256xf32, #tpu.memory_space<vmem>>, vector<16xf32>,
              %add3A_482 = arith.constant 16 : i32
              %add3A_483 = arith.addi %add3A_482, %scan3A_423 : i32
              %swap3A_484 = arith.index_cast %add3A_483 : i32 to index
              %swap3A_485 = arith.constant 160 : index
              %swap3A_486 = tpu.vector_load %arg10[%swap3A_484, %swap3A_485] {strides = array<i32>} : memref<64x256xf32, #tpu.memory_space<vmem>>, vector<16xf32>,
              tpu.vector_store %arg10[%swap3A_484, %swap3A_485], %broadcast_in_dim3A_6 {strides = array<i32>} : memref<64x256xf32, #tpu.memory_space<vmem>>, vector<16xf32>,
              %add3A_487 = arith.constant 16 : i32
              %add3A_488 = arith.addi %add3A_487, %scan3A_423 : i32
              %swap3A_489 = arith.index_cast %add3A_488 : i32 to index
              %swap3A_490 = arith.constant 176 : index
              %swap3A_491 = tpu.vector_load %arg10[%swap3A_489, %swap3A_490] {strides = array<i32>} : memref<64x256xf32, #tpu.memory_space<vmem>>, vector<16xf32>,
              tpu.vector_store %arg10[%swap3A_489, %swap3A_490], %broadcast_in_dim3A_6 {strides = array<i32>} : memref<64x256xf32, #tpu.memory_space<vmem>>, vector<16xf32>,
              %add3A_492 = arith.constant 16 : i32
              %add3A_493 = arith.addi %add3A_492, %scan3A_423 : i32
              %swap3A_494 = arith.index_cast %add3A_493 : i32 to index
              %swap3A_495 = arith.constant 192 : index
              %swap3A_496 = tpu.vector_load %arg10[%swap3A_494, %swap3A_495] {strides = array<i32>} : memref<64x256xf32, #tpu.memory_space<vmem>>, vector<16xf32>,
              tpu.vector_store %arg10[%swap3A_494, %swap3A_495], %broadcast_in_dim3A_6 {strides = array<i32>} : memref<64x256xf32, #tpu.memory_space<vmem>>, vector<16xf32>,
              %add3A_497 = arith.constant 16 : i32
              %add3A_498 = arith.addi %add3A_497, %scan3A_423 : i32
              %swap3A_499 = arith.index_cast %add3A_498 : i32 to index
              %swap3A_500 = arith.constant 208 : index
              %swap3A_501 = tpu.vector_load %arg10[%swap3A_499, %swap3A_500] {strides = array<i32>} : memref<64x256xf32, #tpu.memory_space<vmem>>, vector<16xf32>,
              tpu.vector_store %arg10[%swap3A_499, %swap3A_500], %broadcast_in_dim3A_6 {strides = array<i32>} : memref<64x256xf32, #tpu.memory_space<vmem>>, vector<16xf32>,
              %add3A_502 = arith.constant 16 : i32
              %add3A_503 = arith.addi %add3A_502, %scan3A_423 : i32
              %swap3A_504 = arith.index_cast %add3A_503 : i32 to index
              %swap3A_505 = arith.constant 224 : index
              %swap3A_506 = tpu.vector_load %arg10[%swap3A_504, %swap3A_505] {strides = array<i32>} : memref<64x256xf32, #tpu.memory_space<vmem>>, vector<16xf32>,
              tpu.vector_store %arg10[%swap3A_504, %swap3A_505], %broadcast_in_dim3A_6 {strides = array<i32>} : memref<64x256xf32, #tpu.memory_space<vmem>>, vector<16xf32>,
              %add3A_507 = arith.constant 16 : i32
              %add3A_508 = arith.addi %add3A_507, %scan3A_423 : i32
              %swap3A_509 = arith.index_cast %add3A_508 : i32 to index
              %swap3A_510 = arith.constant 240 : index
              %swap3A_511 = tpu.vector_load %arg10[%swap3A_509, %swap3A_510] {strides = array<i32>} : memref<64x256xf32, #tpu.memory_space<vmem>>, vector<16xf32>,
              tpu.vector_store %arg10[%swap3A_509, %swap3A_510], %broadcast_in_dim3A_6 {strides = array<i32>} : memref<64x256xf32, #tpu.memory_space<vmem>>, vector<16xf32>,
            } else {
            }
            %scan3A_432 = arith.constant 0 : i32
            scf.yield %scan3A_432 : i32
          }
          %scan3A_422 = arith.constant 16 : i32
        } else {
        }
        %mul3A_321 = arith.constant 64 : i32
        %mul3A_322 = arith.muli %add3A_227, %mul3A_321 : i32
        %add3A_323 = arith.constant 32 : i32
        %add3A_324 = arith.addi %mul3A_322, %add3A_323 : i32
        %get3A_325 = arith.index_cast %add3A_324 : i32 to index
        %get3A_326 = tpu.vector_load %arg9[%get3A_325] {strides = array<i32>} : memref<6272xi32, #tpu.memory_space<vmem>>, vector<16xi32>,
        %lt3A_327 = arith.constant 0 : i32
        %lt3A_328 = vector.broadcast %lt3A_327 : i32 to vector<16xi32>
        %lt3A_329 = arith.cmpi slt, %get3A_326, %lt3A_328 : vector<16xi32>
        %jit3A_330 = arith.constant 1 : i32
        %jit3A_331 = arith.constant 0 : i32
        %broadcast_in_dim3A_332 = vector.broadcast %jit3A_330 : i32 to vector<16xi32>
        %broadcast_in_dim3A_333 = vector.broadcast %jit3A_331 : i32 to vector<16xi32>
        %select_n3A_334 = arith.select %lt3A_329, %broadcast_in_dim3A_332, %broadcast_in_dim3A_333 : vector<16xi1>, vector<16xi32>
        %shift_left3A_335 = arith.shli %select_n3A_334, %iota3A : vector<16xi32>
        %reduce_sum3A_336 = arith.constant true
        %reduce_sum3A_337 = vector.broadcast %reduce_sum3A_336 : i1 to vector<16xi1>
        %reduce_sum3A_338 = tpu.scan <sum>, %shift_left3A_335 masked %reduce_sum3A_337 : vector<16xi32>, vector<16xi1> -> vector<16xi32>
        %reduce_sum3A_339 = vector.extract %reduce_sum3A_338[15] : i32 from vector<16xi32>
        %ne3A_340 = arith.constant 0 : i32
        %ne3A_341 = arith.cmpi ne, %reduce_sum3A_339, %ne3A_340 : i32
        %convert_element_type3A_342 = arith.extui %ne3A_341 : i1 to i32
        %cond3A_343 = arith.constant 0 : i32
        %cond3A_344 = arith.cmpi ne, %convert_element_type3A_342, %cond3A_343 : i32
        scf.if %cond3A_344 {
          %scan3A_416 = arith.constant 0 : i32
          %scan3A_417 = arith.constant 0 : i32
          %scan3A_418 = arith.constant 16 : i32
          %scan3A_419 = arith.addi %scan3A_417, %scan3A_418 : i32
          %scan3A_420 = arith.constant 1 : i32
          %scan3A_421 = scf.for %scan3A_423 = %scan3A_417 to %scan3A_419 step %scan3A_420 iter_args(%scan3A_424 = %scan3A_416) -> (i32)  : i32 {
            %shift_right_arithmetic3A = arith.shrsi %reduce_sum3A_339, %scan3A_423 : i32
            %and3A_425 = arith.constant 1 : i32
            %and3A_426 = arith.andi %shift_right_arithmetic3A, %and3A_425 : i32
            %eq3A_427 = arith.constant 1 : i32
            %eq3A_428 = arith.cmpi eq, %and3A_426, %eq3A_427 : i32
            %convert_element_type3A_429 = arith.extui %eq3A_428 : i1 to i32
            %cond3A_430 = arith.constant 0 : i32
            %cond3A_431 = arith.cmpi ne, %convert_element_type3A_429, %cond3A_430 : i32
            scf.if %cond3A_431 {
              %add3A_433 = arith.constant 32 : i32
              %add3A_434 = arith.addi %add3A_433, %scan3A_423 : i32
              %swap3A = arith.index_cast %add3A_434 : i32 to index
              %swap3A_435 = arith.constant 0 : index
              %swap3A_436 = tpu.vector_load %arg10[%swap3A, %swap3A_435] {strides = array<i32>} : memref<64x256xf32, #tpu.memory_space<vmem>>, vector<16xf32>,
              tpu.vector_store %arg10[%swap3A, %swap3A_435], %broadcast_in_dim3A_6 {strides = array<i32>} : memref<64x256xf32, #tpu.memory_space<vmem>>, vector<16xf32>,
              %add3A_437 = arith.constant 32 : i32
              %add3A_438 = arith.addi %add3A_437, %scan3A_423 : i32
              %swap3A_439 = arith.index_cast %add3A_438 : i32 to index
              %swap3A_440 = arith.constant 16 : index
              %swap3A_441 = tpu.vector_load %arg10[%swap3A_439, %swap3A_440] {strides = array<i32>} : memref<64x256xf32, #tpu.memory_space<vmem>>, vector<16xf32>,
              tpu.vector_store %arg10[%swap3A_439, %swap3A_440], %broadcast_in_dim3A_6 {strides = array<i32>} : memref<64x256xf32, #tpu.memory_space<vmem>>, vector<16xf32>,
              %add3A_442 = arith.constant 32 : i32
              %add3A_443 = arith.addi %add3A_442, %scan3A_423 : i32
              %swap3A_444 = arith.index_cast %add3A_443 : i32 to index
              %swap3A_445 = arith.constant 32 : index
              %swap3A_446 = tpu.vector_load %arg10[%swap3A_444, %swap3A_445] {strides = array<i32>} : memref<64x256xf32, #tpu.memory_space<vmem>>, vector<16xf32>,
              tpu.vector_store %arg10[%swap3A_444, %swap3A_445], %broadcast_in_dim3A_6 {strides = array<i32>} : memref<64x256xf32, #tpu.memory_space<vmem>>, vector<16xf32>,
              %add3A_447 = arith.constant 32 : i32
              %add3A_448 = arith.addi %add3A_447, %scan3A_423 : i32
              %swap3A_449 = arith.index_cast %add3A_448 : i32 to index
              %swap3A_450 = arith.constant 48 : index
              %swap3A_451 = tpu.vector_load %arg10[%swap3A_449, %swap3A_450] {strides = array<i32>} : memref<64x256xf32, #tpu.memory_space<vmem>>, vector<16xf32>,
              tpu.vector_store %arg10[%swap3A_449, %swap3A_450], %broadcast_in_dim3A_6 {strides = array<i32>} : memref<64x256xf32, #tpu.memory_space<vmem>>, vector<16xf32>,
              %add3A_452 = arith.constant 32 : i32
              %add3A_453 = arith.addi %add3A_452, %scan3A_423 : i32
              %swap3A_454 = arith.index_cast %add3A_453 : i32 to index
              %swap3A_455 = arith.constant 64 : index
              %swap3A_456 = tpu.vector_load %arg10[%swap3A_454, %swap3A_455] {strides = array<i32>} : memref<64x256xf32, #tpu.memory_space<vmem>>, vector<16xf32>,
              tpu.vector_store %arg10[%swap3A_454, %swap3A_455], %broadcast_in_dim3A_6 {strides = array<i32>} : memref<64x256xf32, #tpu.memory_space<vmem>>, vector<16xf32>,
              %add3A_457 = arith.constant 32 : i32
              %add3A_458 = arith.addi %add3A_457, %scan3A_423 : i32
              %swap3A_459 = arith.index_cast %add3A_458 : i32 to index
              %swap3A_460 = arith.constant 80 : index
              %swap3A_461 = tpu.vector_load %arg10[%swap3A_459, %swap3A_460] {strides = array<i32>} : memref<64x256xf32, #tpu.memory_space<vmem>>, vector<16xf32>,
              tpu.vector_store %arg10[%swap3A_459, %swap3A_460], %broadcast_in_dim3A_6 {strides = array<i32>} : memref<64x256xf32, #tpu.memory_space<vmem>>, vector<16xf32>,
              %add3A_462 = arith.constant 32 : i32
              %add3A_463 = arith.addi %add3A_462, %scan3A_423 : i32
              %swap3A_464 = arith.index_cast %add3A_463 : i32 to index
              %swap3A_465 = arith.constant 96 : index
              %swap3A_466 = tpu.vector_load %arg10[%swap3A_464, %swap3A_465] {strides = array<i32>} : memref<64x256xf32, #tpu.memory_space<vmem>>, vector<16xf32>,
              tpu.vector_store %arg10[%swap3A_464, %swap3A_465], %broadcast_in_dim3A_6 {strides = array<i32>} : memref<64x256xf32, #tpu.memory_space<vmem>>, vector<16xf32>,
              %add3A_467 = arith.constant 32 : i32
              %add3A_468 = arith.addi %add3A_467, %scan3A_423 : i32
              %swap3A_469 = arith.index_cast %add3A_468 : i32 to index
              %swap3A_470 = arith.constant 112 : index
              %swap3A_471 = tpu.vector_load %arg10[%swap3A_469, %swap3A_470] {strides = array<i32>} : memref<64x256xf32, #tpu.memory_space<vmem>>, vector<16xf32>,
              tpu.vector_store %arg10[%swap3A_469, %swap3A_470], %broadcast_in_dim3A_6 {strides = array<i32>} : memref<64x256xf32, #tpu.memory_space<vmem>>, vector<16xf32>,
              %add3A_472 = arith.constant 32 : i32
              %add3A_473 = arith.addi %add3A_472, %scan3A_423 : i32
              %swap3A_474 = arith.index_cast %add3A_473 : i32 to index
              %swap3A_475 = arith.constant 128 : index
              %swap3A_476 = tpu.vector_load %arg10[%swap3A_474, %swap3A_475] {strides = array<i32>} : memref<64x256xf32, #tpu.memory_space<vmem>>, vector<16xf32>,
              tpu.vector_store %arg10[%swap3A_474, %swap3A_475], %broadcast_in_dim3A_6 {strides = array<i32>} : memref<64x256xf32, #tpu.memory_space<vmem>>, vector<16xf32>,
              %add3A_477 = arith.constant 32 : i32
              %add3A_478 = arith.addi %add3A_477, %scan3A_423 : i32
              %swap3A_479 = arith.index_cast %add3A_478 : i32 to index
              %swap3A_480 = arith.constant 144 : index
              %swap3A_481 = tpu.vector_load %arg10[%swap3A_479, %swap3A_480] {strides = array<i32>} : memref<64x256xf32, #tpu.memory_space<vmem>>, vector<16xf32>,
              tpu.vector_store %arg10[%swap3A_479, %swap3A_480], %broadcast_in_dim3A_6 {strides = array<i32>} : memref<64x256xf32, #tpu.memory_space<vmem>>, vector<16xf32>,
              %add3A_482 = arith.constant 32 : i32
              %add3A_483 = arith.addi %add3A_482, %scan3A_423 : i32
              %swap3A_484 = arith.index_cast %add3A_483 : i32 to index
              %swap3A_485 = arith.constant 160 : index
              %swap3A_486 = tpu.vector_load %arg10[%swap3A_484, %swap3A_485] {strides = array<i32>} : memref<64x256xf32, #tpu.memory_space<vmem>>, vector<16xf32>,
              tpu.vector_store %arg10[%swap3A_484, %swap3A_485], %broadcast_in_dim3A_6 {strides = array<i32>} : memref<64x256xf32, #tpu.memory_space<vmem>>, vector<16xf32>,
              %add3A_487 = arith.constant 32 : i32
              %add3A_488 = arith.addi %add3A_487, %scan3A_423 : i32
              %swap3A_489 = arith.index_cast %add3A_488 : i32 to index
              %swap3A_490 = arith.constant 176 : index
              %swap3A_491 = tpu.vector_load %arg10[%swap3A_489, %swap3A_490] {strides = array<i32>} : memref<64x256xf32, #tpu.memory_space<vmem>>, vector<16xf32>,
              tpu.vector_store %arg10[%swap3A_489, %swap3A_490], %broadcast_in_dim3A_6 {strides = array<i32>} : memref<64x256xf32, #tpu.memory_space<vmem>>, vector<16xf32>,
              %add3A_492 = arith.constant 32 : i32
              %add3A_493 = arith.addi %add3A_492, %scan3A_423 : i32
              %swap3A_494 = arith.index_cast %add3A_493 : i32 to index
              %swap3A_495 = arith.constant 192 : index
              %swap3A_496 = tpu.vector_load %arg10[%swap3A_494, %swap3A_495] {strides = array<i32>} : memref<64x256xf32, #tpu.memory_space<vmem>>, vector<16xf32>,
              tpu.vector_store %arg10[%swap3A_494, %swap3A_495], %broadcast_in_dim3A_6 {strides = array<i32>} : memref<64x256xf32, #tpu.memory_space<vmem>>, vector<16xf32>,
              %add3A_497 = arith.constant 32 : i32
              %add3A_498 = arith.addi %add3A_497, %scan3A_423 : i32
              %swap3A_499 = arith.index_cast %add3A_498 : i32 to index
              %swap3A_500 = arith.constant 208 : index
              %swap3A_501 = tpu.vector_load %arg10[%swap3A_499, %swap3A_500] {strides = array<i32>} : memref<64x256xf32, #tpu.memory_space<vmem>>, vector<16xf32>,
              tpu.vector_store %arg10[%swap3A_499, %swap3A_500], %broadcast_in_dim3A_6 {strides = array<i32>} : memref<64x256xf32, #tpu.memory_space<vmem>>, vector<16xf32>,
              %add3A_502 = arith.constant 32 : i32
              %add3A_503 = arith.addi %add3A_502, %scan3A_423 : i32
              %swap3A_504 = arith.index_cast %add3A_503 : i32 to index
              %swap3A_505 = arith.constant 224 : index
              %swap3A_506 = tpu.vector_load %arg10[%swap3A_504, %swap3A_505] {strides = array<i32>} : memref<64x256xf32, #tpu.memory_space<vmem>>, vector<16xf32>,
              tpu.vector_store %arg10[%swap3A_504, %swap3A_505], %broadcast_in_dim3A_6 {strides = array<i32>} : memref<64x256xf32, #tpu.memory_space<vmem>>, vector<16xf32>,
              %add3A_507 = arith.constant 32 : i32
              %add3A_508 = arith.addi %add3A_507, %scan3A_423 : i32
              %swap3A_509 = arith.index_cast %add3A_508 : i32 to index
              %swap3A_510 = arith.constant 240 : index
              %swap3A_511 = tpu.vector_load %arg10[%swap3A_509, %swap3A_510] {strides = array<i32>} : memref<64x256xf32, #tpu.memory_space<vmem>>, vector<16xf32>,
              tpu.vector_store %arg10[%swap3A_509, %swap3A_510], %broadcast_in_dim3A_6 {strides = array<i32>} : memref<64x256xf32, #tpu.memory_space<vmem>>, vector<16xf32>,
            } else {
            }
            %scan3A_432 = arith.constant 0 : i32
            scf.yield %scan3A_432 : i32
          }
          %scan3A_422 = arith.constant 16 : i32
        } else {
        }
        %mul3A_345 = arith.constant 64 : i32
        %mul3A_346 = arith.muli %add3A_227, %mul3A_345 : i32
        %add3A_347 = arith.constant 48 : i32
        %add3A_348 = arith.addi %mul3A_346, %add3A_347 : i32
        %get3A_349 = arith.index_cast %add3A_348 : i32 to index
        %get3A_350 = tpu.vector_load %arg9[%get3A_349] {strides = array<i32>} : memref<6272xi32, #tpu.memory_space<vmem>>, vector<16xi32>,
        %lt3A_351 = arith.constant 0 : i32
        %lt3A_352 = vector.broadcast %lt3A_351 : i32 to vector<16xi32>
        %lt3A_353 = arith.cmpi slt, %get3A_350, %lt3A_352 : vector<16xi32>
        %jit3A_354 = arith.constant 1 : i32
        %jit3A_355 = arith.constant 0 : i32
        %broadcast_in_dim3A_356 = vector.broadcast %jit3A_354 : i32 to vector<16xi32>
        %broadcast_in_dim3A_357 = vector.broadcast %jit3A_355 : i32 to vector<16xi32>
        %select_n3A_358 = arith.select %lt3A_353, %broadcast_in_dim3A_356, %broadcast_in_dim3A_357 : vector<16xi1>, vector<16xi32>
        %shift_left3A_359 = arith.shli %select_n3A_358, %iota3A : vector<16xi32>
        %reduce_sum3A_360 = arith.constant true
        %reduce_sum3A_361 = vector.broadcast %reduce_sum3A_360 : i1 to vector<16xi1>
        %reduce_sum3A_362 = tpu.scan <sum>, %shift_left3A_359 masked %reduce_sum3A_361 : vector<16xi32>, vector<16xi1> -> vector<16xi32>
        %reduce_sum3A_363 = vector.extract %reduce_sum3A_362[15] : i32 from vector<16xi32>
        %ne3A_364 = arith.constant 0 : i32
        %ne3A_365 = arith.cmpi ne, %reduce_sum3A_363, %ne3A_364 : i32
        %convert_element_type3A_366 = arith.extui %ne3A_365 : i1 to i32
        %cond3A_367 = arith.constant 0 : i32
        %cond3A_368 = arith.cmpi ne, %convert_element_type3A_366, %cond3A_367 : i32
        scf.if %cond3A_368 {
          %scan3A_416 = arith.constant 0 : i32
          %scan3A_417 = arith.constant 0 : i32
          %scan3A_418 = arith.constant 16 : i32
          %scan3A_419 = arith.addi %scan3A_417, %scan3A_418 : i32
          %scan3A_420 = arith.constant 1 : i32
          %scan3A_421 = scf.for %scan3A_423 = %scan3A_417 to %scan3A_419 step %scan3A_420 iter_args(%scan3A_424 = %scan3A_416) -> (i32)  : i32 {
            %shift_right_arithmetic3A = arith.shrsi %reduce_sum3A_363, %scan3A_423 : i32
            %and3A_425 = arith.constant 1 : i32
            %and3A_426 = arith.andi %shift_right_arithmetic3A, %and3A_425 : i32
            %eq3A_427 = arith.constant 1 : i32
            %eq3A_428 = arith.cmpi eq, %and3A_426, %eq3A_427 : i32
            %convert_element_type3A_429 = arith.extui %eq3A_428 : i1 to i32
            %cond3A_430 = arith.constant 0 : i32
            %cond3A_431 = arith.cmpi ne, %convert_element_type3A_429, %cond3A_430 : i32
            scf.if %cond3A_431 {
              %add3A_433 = arith.constant 48 : i32
              %add3A_434 = arith.addi %add3A_433, %scan3A_423 : i32
              %swap3A = arith.index_cast %add3A_434 : i32 to index
              %swap3A_435 = arith.constant 0 : index
              %swap3A_436 = tpu.vector_load %arg10[%swap3A, %swap3A_435] {strides = array<i32>} : memref<64x256xf32, #tpu.memory_space<vmem>>, vector<16xf32>,
              tpu.vector_store %arg10[%swap3A, %swap3A_435], %broadcast_in_dim3A_6 {strides = array<i32>} : memref<64x256xf32, #tpu.memory_space<vmem>>, vector<16xf32>,
              %add3A_437 = arith.constant 48 : i32
              %add3A_438 = arith.addi %add3A_437, %scan3A_423 : i32
              %swap3A_439 = arith.index_cast %add3A_438 : i32 to index
              %swap3A_440 = arith.constant 16 : index
              %swap3A_441 = tpu.vector_load %arg10[%swap3A_439, %swap3A_440] {strides = array<i32>} : memref<64x256xf32, #tpu.memory_space<vmem>>, vector<16xf32>,
              tpu.vector_store %arg10[%swap3A_439, %swap3A_440], %broadcast_in_dim3A_6 {strides = array<i32>} : memref<64x256xf32, #tpu.memory_space<vmem>>, vector<16xf32>,
              %add3A_442 = arith.constant 48 : i32
              %add3A_443 = arith.addi %add3A_442, %scan3A_423 : i32
              %swap3A_444 = arith.index_cast %add3A_443 : i32 to index
              %swap3A_445 = arith.constant 32 : index
              %swap3A_446 = tpu.vector_load %arg10[%swap3A_444, %swap3A_445] {strides = array<i32>} : memref<64x256xf32, #tpu.memory_space<vmem>>, vector<16xf32>,
              tpu.vector_store %arg10[%swap3A_444, %swap3A_445], %broadcast_in_dim3A_6 {strides = array<i32>} : memref<64x256xf32, #tpu.memory_space<vmem>>, vector<16xf32>,
              %add3A_447 = arith.constant 48 : i32
              %add3A_448 = arith.addi %add3A_447, %scan3A_423 : i32
              %swap3A_449 = arith.index_cast %add3A_448 : i32 to index
              %swap3A_450 = arith.constant 48 : index
              %swap3A_451 = tpu.vector_load %arg10[%swap3A_449, %swap3A_450] {strides = array<i32>} : memref<64x256xf32, #tpu.memory_space<vmem>>, vector<16xf32>,
              tpu.vector_store %arg10[%swap3A_449, %swap3A_450], %broadcast_in_dim3A_6 {strides = array<i32>} : memref<64x256xf32, #tpu.memory_space<vmem>>, vector<16xf32>,
              %add3A_452 = arith.constant 48 : i32
              %add3A_453 = arith.addi %add3A_452, %scan3A_423 : i32
              %swap3A_454 = arith.index_cast %add3A_453 : i32 to index
              %swap3A_455 = arith.constant 64 : index
              %swap3A_456 = tpu.vector_load %arg10[%swap3A_454, %swap3A_455] {strides = array<i32>} : memref<64x256xf32, #tpu.memory_space<vmem>>, vector<16xf32>,
              tpu.vector_store %arg10[%swap3A_454, %swap3A_455], %broadcast_in_dim3A_6 {strides = array<i32>} : memref<64x256xf32, #tpu.memory_space<vmem>>, vector<16xf32>,
              %add3A_457 = arith.constant 48 : i32
              %add3A_458 = arith.addi %add3A_457, %scan3A_423 : i32
              %swap3A_459 = arith.index_cast %add3A_458 : i32 to index
              %swap3A_460 = arith.constant 80 : index
              %swap3A_461 = tpu.vector_load %arg10[%swap3A_459, %swap3A_460] {strides = array<i32>} : memref<64x256xf32, #tpu.memory_space<vmem>>, vector<16xf32>,
              tpu.vector_store %arg10[%swap3A_459, %swap3A_460], %broadcast_in_dim3A_6 {strides = array<i32>} : memref<64x256xf32, #tpu.memory_space<vmem>>, vector<16xf32>,
              %add3A_462 = arith.constant 48 : i32
              %add3A_463 = arith.addi %add3A_462, %scan3A_423 : i32
              %swap3A_464 = arith.index_cast %add3A_463 : i32 to index
              %swap3A_465 = arith.constant 96 : index
              %swap3A_466 = tpu.vector_load %arg10[%swap3A_464, %swap3A_465] {strides = array<i32>} : memref<64x256xf32, #tpu.memory_space<vmem>>, vector<16xf32>,
              tpu.vector_store %arg10[%swap3A_464, %swap3A_465], %broadcast_in_dim3A_6 {strides = array<i32>} : memref<64x256xf32, #tpu.memory_space<vmem>>, vector<16xf32>,
              %add3A_467 = arith.constant 48 : i32
              %add3A_468 = arith.addi %add3A_467, %scan3A_423 : i32
              %swap3A_469 = arith.index_cast %add3A_468 : i32 to index
              %swap3A_470 = arith.constant 112 : index
              %swap3A_471 = tpu.vector_load %arg10[%swap3A_469, %swap3A_470] {strides = array<i32>} : memref<64x256xf32, #tpu.memory_space<vmem>>, vector<16xf32>,
              tpu.vector_store %arg10[%swap3A_469, %swap3A_470], %broadcast_in_dim3A_6 {strides = array<i32>} : memref<64x256xf32, #tpu.memory_space<vmem>>, vector<16xf32>,
              %add3A_472 = arith.constant 48 : i32
              %add3A_473 = arith.addi %add3A_472, %scan3A_423 : i32
              %swap3A_474 = arith.index_cast %add3A_473 : i32 to index
              %swap3A_475 = arith.constant 128 : index
              %swap3A_476 = tpu.vector_load %arg10[%swap3A_474, %swap3A_475] {strides = array<i32>} : memref<64x256xf32, #tpu.memory_space<vmem>>, vector<16xf32>,
              tpu.vector_store %arg10[%swap3A_474, %swap3A_475], %broadcast_in_dim3A_6 {strides = array<i32>} : memref<64x256xf32, #tpu.memory_space<vmem>>, vector<16xf32>,
              %add3A_477 = arith.constant 48 : i32
              %add3A_478 = arith.addi %add3A_477, %scan3A_423 : i32
              %swap3A_479 = arith.index_cast %add3A_478 : i32 to index
              %swap3A_480 = arith.constant 144 : index
              %swap3A_481 = tpu.vector_load %arg10[%swap3A_479, %swap3A_480] {strides = array<i32>} : memref<64x256xf32, #tpu.memory_space<vmem>>, vector<16xf32>,
              tpu.vector_store %arg10[%swap3A_479, %swap3A_480], %broadcast_in_dim3A_6 {strides = array<i32>} : memref<64x256xf32, #tpu.memory_space<vmem>>, vector<16xf32>,
              %add3A_482 = arith.constant 48 : i32
              %add3A_483 = arith.addi %add3A_482, %scan3A_423 : i32
              %swap3A_484 = arith.index_cast %add3A_483 : i32 to index
              %swap3A_485 = arith.constant 160 : index
              %swap3A_486 = tpu.vector_load %arg10[%swap3A_484, %swap3A_485] {strides = array<i32>} : memref<64x256xf32, #tpu.memory_space<vmem>>, vector<16xf32>,
              tpu.vector_store %arg10[%swap3A_484, %swap3A_485], %broadcast_in_dim3A_6 {strides = array<i32>} : memref<64x256xf32, #tpu.memory_space<vmem>>, vector<16xf32>,
              %add3A_487 = arith.constant 48 : i32
              %add3A_488 = arith.addi %add3A_487, %scan3A_423 : i32
              %swap3A_489 = arith.index_cast %add3A_488 : i32 to index
              %swap3A_490 = arith.constant 176 : index
              %swap3A_491 = tpu.vector_load %arg10[%swap3A_489, %swap3A_490] {strides = array<i32>} : memref<64x256xf32, #tpu.memory_space<vmem>>, vector<16xf32>,
              tpu.vector_store %arg10[%swap3A_489, %swap3A_490], %broadcast_in_dim3A_6 {strides = array<i32>} : memref<64x256xf32, #tpu.memory_space<vmem>>, vector<16xf32>,
              %add3A_492 = arith.constant 48 : i32
              %add3A_493 = arith.addi %add3A_492, %scan3A_423 : i32
              %swap3A_494 = arith.index_cast %add3A_493 : i32 to index
              %swap3A_495 = arith.constant 192 : index
              %swap3A_496 = tpu.vector_load %arg10[%swap3A_494, %swap3A_495] {strides = array<i32>} : memref<64x256xf32, #tpu.memory_space<vmem>>, vector<16xf32>,
              tpu.vector_store %arg10[%swap3A_494, %swap3A_495], %broadcast_in_dim3A_6 {strides = array<i32>} : memref<64x256xf32, #tpu.memory_space<vmem>>, vector<16xf32>,
              %add3A_497 = arith.constant 48 : i32
              %add3A_498 = arith.addi %add3A_497, %scan3A_423 : i32
              %swap3A_499 = arith.index_cast %add3A_498 : i32 to index
              %swap3A_500 = arith.constant 208 : index
              %swap3A_501 = tpu.vector_load %arg10[%swap3A_499, %swap3A_500] {strides = array<i32>} : memref<64x256xf32, #tpu.memory_space<vmem>>, vector<16xf32>,
              tpu.vector_store %arg10[%swap3A_499, %swap3A_500], %broadcast_in_dim3A_6 {strides = array<i32>} : memref<64x256xf32, #tpu.memory_space<vmem>>, vector<16xf32>,
              %add3A_502 = arith.constant 48 : i32
              %add3A_503 = arith.addi %add3A_502, %scan3A_423 : i32
              %swap3A_504 = arith.index_cast %add3A_503 : i32 to index
              %swap3A_505 = arith.constant 224 : index
              %swap3A_506 = tpu.vector_load %arg10[%swap3A_504, %swap3A_505] {strides = array<i32>} : memref<64x256xf32, #tpu.memory_space<vmem>>, vector<16xf32>,
              tpu.vector_store %arg10[%swap3A_504, %swap3A_505], %broadcast_in_dim3A_6 {strides = array<i32>} : memref<64x256xf32, #tpu.memory_space<vmem>>, vector<16xf32>,
              %add3A_507 = arith.constant 48 : i32
              %add3A_508 = arith.addi %add3A_507, %scan3A_423 : i32
              %swap3A_509 = arith.index_cast %add3A_508 : i32 to index
              %swap3A_510 = arith.constant 240 : index
              %swap3A_511 = tpu.vector_load %arg10[%swap3A_509, %swap3A_510] {strides = array<i32>} : memref<64x256xf32, #tpu.memory_space<vmem>>, vector<16xf32>,
              tpu.vector_store %arg10[%swap3A_509, %swap3A_510], %broadcast_in_dim3A_6 {strides = array<i32>} : memref<64x256xf32, #tpu.memory_space<vmem>>, vector<16xf32>,
            } else {
            }
            %scan3A_432 = arith.constant 0 : i32
            scf.yield %scan3A_432 : i32
          }
          %scan3A_422 = arith.constant 16 : i32
        } else {
        }
        %mul3A_369 = arith.constant 64 : i32
        %mul3A_370 = arith.muli %add3A_227, %mul3A_369 : i32
        %add3A_371 = arith.addi %mul3A_2, %mul3A_370 : i32
        %jit3A_372 = arith.constant 2 : i32
        %div3A_373 = arith.divsi %add3A_371, %jit3A_372 : i32
        %sign3A_374 = arith.constant 0 : i32
        %sign3A_375 = arith.cmpi sgt, %add3A_371, %sign3A_374 : i32
        %sign3A_376 = arith.extui %sign3A_375 : i1 to i32
        %sign3A_377 = arith.constant 0 : i32
        %sign3A_378 = arith.cmpi slt, %add3A_371, %sign3A_377 : i32
        %sign3A_379 = arith.extui %sign3A_378 : i1 to i32
        %sign3A_380 = arith.subi %sign3A_376, %sign3A_379 : i32
        %sign3A_381 = arith.constant 0 : i32
        %sign3A_382 = arith.cmpi sgt, %jit3A_372, %sign3A_381 : i32
        %sign3A_383 = arith.extui %sign3A_382 : i1 to i32
        %sign3A_384 = arith.constant 0 : i32
        %sign3A_385 = arith.cmpi slt, %jit3A_372, %sign3A_384 : i32
        %sign3A_386 = arith.extui %sign3A_385 : i1 to i32
        %sign3A_387 = arith.subi %sign3A_383, %sign3A_386 : i32
        %ne3A_388 = arith.cmpi ne, %sign3A_380, %sign3A_387 : i32
        %rem3A_389 = arith.remsi %add3A_371, %jit3A_372 : i32
        %ne3A_390 = arith.constant 0 : i32
        %ne3A_391 = arith.cmpi ne, %rem3A_389, %ne3A_390 : i32
        %and3A_392 = arith.andi %ne3A_388, %ne3A_391 : i1
        %sub3A_393 = arith.constant 1 : i32
        %sub3A_394 = arith.subi %div3A_373, %sub3A_393 : i32
        %select_n3A_395 = arith.select %and3A_392, %sub3A_394, %div3A_373 : i32
        %multiple_of3A = tpu.assume_multiple %select_n3A_395, 8 : i32
        %dma_start3A_396 = arith.constant 0 : i32
        %dma_start3A_397 = arith.constant 0 : i32
        %dma_start3A_398 = tpu.memref_slice %arg10[%dma_start3A_396, %dma_start3A_397] : memref<64x256xf32, #tpu.memory_space<vmem>> -> memref<32x256xf32, #tpu.memory_space<vmem>>
        %dma_start3A_399 = arith.constant 0 : i32
        %dma_start3A_400 = tpu.memref_slice %arg4[%multiple_of3A, %dma_start3A_399] : memref<100000x512xf32, #tpu.memory_space<hbm>> -> memref<32x256xf32, #tpu.memory_space<hbm>>
        %dma_start3A_401 = arith.constant 0 : i32
        %dma_start3A_402 = tpu.memref_slice %arg4[%multiple_of3A, %dma_start3A_401] : memref<100000x512xf32, #tpu.memory_space<hbm>> -> memref<32x256xf32, #tpu.memory_space<hbm>>
        %dma_start3A_403 = arith.constant 0 : i32
        %dma_start3A_404 = arith.constant 0 : i32
        %dma_start3A_405 = tpu.memref_slice %arg10[%dma_start3A_403, %dma_start3A_404] : memref<64x256xf32, #tpu.memory_space<vmem>> -> memref<32x256xf32, #tpu.memory_space<vmem>>
        tpu.enqueue_dma source(%dma_start3A_405 : memref<32x256xf32, #tpu.memory_space<vmem>>) target(%dma_start3A_402 : memref<32x256xf32, #tpu.memory_space<hbm>>) target_semaphore(%arg22 : memref<!tpu.dma_semaphore, #tpu.memory_space<semaphore_mem>>)
        %dma_start3A_406 = arith.constant 32 : i32
        %dma_start3A_407 = arith.constant 0 : i32
        %dma_start3A_408 = tpu.memref_slice %arg10[%dma_start3A_406, %dma_start3A_407] : memref<64x256xf32, #tpu.memory_space<vmem>> -> memref<32x256xf32, #tpu.memory_space<vmem>>
        %dma_start3A_409 = arith.constant 256 : i32
        %dma_start3A_410 = tpu.memref_slice %arg4[%multiple_of3A, %dma_start3A_409] : memref<100000x512xf32, #tpu.memory_space<hbm>> -> memref<32x256xf32, #tpu.memory_space<hbm>>
        %dma_start3A_411 = arith.constant 256 : i32
        %dma_start3A_412 = tpu.memref_slice %arg4[%multiple_of3A, %dma_start3A_411] : memref<100000x512xf32, #tpu.memory_space<hbm>> -> memref<32x256xf32, #tpu.memory_space<hbm>>
        %dma_start3A_413 = arith.constant 32 : i32
        %dma_start3A_414 = arith.constant 0 : i32
        %dma_start3A_415 = tpu.memref_slice %arg10[%dma_start3A_413, %dma_start3A_414] : memref<64x256xf32, #tpu.memory_space<vmem>> -> memref<32x256xf32, #tpu.memory_space<vmem>>
        tpu.enqueue_dma source(%dma_start3A_415 : memref<32x256xf32, #tpu.memory_space<vmem>>) target(%dma_start3A_412 : memref<32x256xf32, #tpu.memory_space<hbm>>) target_semaphore(%arg22 : memref<!tpu.dma_semaphore, #tpu.memory_space<semaphore_mem>>)
      } else {
      }
      %mul3A_230 = arith.constant 5 : i32
      %mul3A_231 = arith.muli %scan3A_222, %mul3A_230 : i32
      %add3A_232 = arith.constant 1 : i32
      %add3A_233 = arith.addi %mul3A_231, %add3A_232 : i32
      %lt3A_234 = arith.cmpi slt, %add3A_233, %select_n3A_75 : i32
      %convert_element_type3A_235 = arith.extui %lt3A_234 : i1 to i32
      %cond3A_236 = arith.constant 0 : i32
      %cond3A_237 = arith.cmpi ne, %convert_element_type3A_235, %cond3A_236 : i32
      scf.if %cond3A_237 {
        %dma_wait3A_263 = arith.constant 0 : i32
        %dma_wait3A_264 = tpu.memref_slice %arg8[%dma_wait3A_263] : memref<6272xi32, #tpu.memory_space<vmem>> -> memref<64xi32, #tpu.memory_space<vmem>>
        %dma_wait3A_265 = arith.constant 0 : i32
        %dma_wait3A_266 = arith.constant 0 : i32
        %dma_wait3A_267 = tpu.memref_slice %arg3[%dma_wait3A_265, %dma_wait3A_266] : memref<200000x256xf32, #tpu.memory_space<hbm>> -> memref<200000x256xf32, #tpu.memory_space<hbm>>
        tpu.wait_indirect_dma semaphore(%arg18 : memref<!tpu.dma_semaphore, #tpu.memory_space<semaphore_mem>>) src(%dma_wait3A_267 : memref<200000x256xf32, #tpu.memory_space<hbm>>) dst(%arg11 : memref<64x256xf32, #tpu.memory_space<vmem>>)
        %add3A_268 = arith.constant 5 : i32
        %add3A_269 = arith.addi %add3A_233, %add3A_268 : i32
        %sub3A_270 = arith.constant 1 : i32
        %sub3A_271 = arith.subi %add3A_269, %sub3A_270 : i32
        %lt3A_272 = arith.cmpi slt, %sub3A_271, %select_n3A_75 : i32
        %convert_element_type3A_273 = arith.extui %lt3A_272 : i1 to i32
        %cond3A_274 = arith.constant 0 : i32
        %cond3A_275 = arith.cmpi ne, %convert_element_type3A_273, %cond3A_274 : i32
        scf.if %cond3A_275 {
          %ge3A = arith.constant 1 : i32
          %ge3A_416 = arith.cmpi sge, %add3A_233, %ge3A : i32
          %convert_element_type3A_417 = arith.extui %ge3A_416 : i1 to i32
          %cond3A_418 = arith.constant 0 : i32
          %cond3A_419 = arith.cmpi ne, %convert_element_type3A_417, %cond3A_418 : i32
          scf.if %cond3A_419 {
            %dma_wait3A_430 = arith.constant 0 : i32
            %dma_wait3A_431 = arith.constant 0 : i32
            %dma_wait3A_432 = tpu.memref_slice %arg10[%dma_wait3A_430, %dma_wait3A_431] : memref<64x256xf32, #tpu.memory_space<vmem>> -> memref<32x256xf32, #tpu.memory_space<vmem>>
            %dma_wait3A_433 = arith.constant 0 : i32
            %dma_wait3A_434 = arith.constant 0 : i32
            %dma_wait3A_435 = tpu.memref_slice %arg4[%dma_wait3A_433, %dma_wait3A_434] : memref<100000x512xf32, #tpu.memory_space<hbm>> -> memref<32x256xf32, #tpu.memory_space<hbm>>
            %dma_wait3A_436 = arith.constant 0 : i32
            %dma_wait3A_437 = arith.constant 0 : i32
            %dma_wait3A_438 = tpu.memref_slice %arg4[%dma_wait3A_436, %dma_wait3A_437] : memref<100000x512xf32, #tpu.memory_space<hbm>> -> memref<32x256xf32, #tpu.memory_space<hbm>>
            %dma_wait3A_439 = arith.constant 0 : i32
            %dma_wait3A_440 = arith.constant 0 : i32
            %dma_wait3A_441 = tpu.memref_slice %arg10[%dma_wait3A_439, %dma_wait3A_440] : memref<64x256xf32, #tpu.memory_space<vmem>> -> memref<32x256xf32, #tpu.memory_space<vmem>>
            tpu.wait_dma2 semaphore(%arg22 : memref<!tpu.dma_semaphore, #tpu.memory_space<semaphore_mem>>) src(%dma_wait3A_441 : memref<32x256xf32, #tpu.memory_space<vmem>>) dst(%dma_wait3A_438 : memref<32x256xf32, #tpu.memory_space<hbm>>)
            %dma_wait3A_442 = arith.constant 0 : i32
            %dma_wait3A_443 = arith.constant 0 : i32
            %dma_wait3A_444 = tpu.memref_slice %arg10[%dma_wait3A_442, %dma_wait3A_443] : memref<64x256xf32, #tpu.memory_space<vmem>> -> memref<32x256xf32, #tpu.memory_space<vmem>>
            %dma_wait3A_445 = arith.constant 0 : i32
            %dma_wait3A_446 = arith.constant 0 : i32
            %dma_wait3A_447 = tpu.memref_slice %arg4[%dma_wait3A_445, %dma_wait3A_446] : memref<100000x512xf32, #tpu.memory_space<hbm>> -> memref<32x256xf32, #tpu.memory_space<hbm>>
            %dma_wait3A_448 = arith.constant 0 : i32
            %dma_wait3A_449 = arith.constant 0 : i32
            %dma_wait3A_450 = tpu.memref_slice %arg4[%dma_wait3A_448, %dma_wait3A_449] : memref<100000x512xf32, #tpu.memory_space<hbm>> -> memref<32x256xf32, #tpu.memory_space<hbm>>
            %dma_wait3A_451 = arith.constant 0 : i32
            %dma_wait3A_452 = arith.constant 0 : i32
            %dma_wait3A_453 = tpu.memref_slice %arg10[%dma_wait3A_451, %dma_wait3A_452] : memref<64x256xf32, #tpu.memory_space<vmem>> -> memref<32x256xf32, #tpu.memory_space<vmem>>
            tpu.wait_dma2 semaphore(%arg22 : memref<!tpu.dma_semaphore, #tpu.memory_space<semaphore_mem>>) src(%dma_wait3A_453 : memref<32x256xf32, #tpu.memory_space<vmem>>) dst(%dma_wait3A_450 : memref<32x256xf32, #tpu.memory_space<hbm>>)
          } else {
          }
          %add3A_420 = arith.constant 5 : i32
          %add3A_421 = arith.addi %add3A_233, %add3A_420 : i32
          %sub3A_422 = arith.constant 1 : i32
          %sub3A_423 = arith.subi %add3A_421, %sub3A_422 : i32
          %mul3A_424 = arith.constant 64 : i32
          %mul3A_425 = arith.muli %sub3A_423, %mul3A_424 : i32
          %dma_start3A_426 = tpu.memref_slice %arg8[%mul3A_425] : memref<6272xi32, #tpu.memory_space<vmem>> -> memref<64xi32, #tpu.memory_space<vmem>>
          %dma_start3A_427 = arith.constant 0 : i32
          %dma_start3A_428 = arith.constant 0 : i32
          %dma_start3A_429 = tpu.memref_slice %arg3[%dma_start3A_427, %dma_start3A_428] : memref<200000x256xf32, #tpu.memory_space<hbm>> -> memref<200000x256xf32, #tpu.memory_space<hbm>>
          tpu.enqueue_indirect_dma source(%dma_start3A_429 : memref<200000x256xf32, #tpu.memory_space<hbm>>) target(%arg10 : memref<64x256xf32, #tpu.memory_space<vmem>>) offsets(%dma_start3A_426 : memref<64xi32, #tpu.memory_space<vmem>>) semaphore(%arg17 : memref<!tpu.dma_semaphore, #tpu.memory_space<semaphore_mem>>)
        } else {
        }
        %mul3A_276 = arith.constant 64 : i32
        %mul3A_277 = arith.muli %add3A_233, %mul3A_276 : i32
        %add3A_278 = arith.constant 0 : i32
        %add3A_279 = arith.addi %mul3A_277, %add3A_278 : i32
        %get3A = arith.index_cast %add3A_279 : i32 to index
        %get3A_280 = tpu.vector_load %arg9[%get3A] {strides = array<i32>} : memref<6272xi32, #tpu.memory_space<vmem>>, vector<16xi32>,
        %lt3A_281 = arith.constant 0 : i32
        %lt3A_282 = vector.broadcast %lt3A_281 : i32 to vector<16xi32>
        %lt3A_283 = arith.cmpi slt, %get3A_280, %lt3A_282 : vector<16xi32>
        %jit3A_284 = arith.constant 1 : i32
        %jit3A_285 = arith.constant 0 : i32
        %broadcast_in_dim3A_286 = vector.broadcast %jit3A_284 : i32 to vector<16xi32>
        %broadcast_in_dim3A_287 = vector.broadcast %jit3A_285 : i32 to vector<16xi32>
        %select_n3A_288 = arith.select %lt3A_283, %broadcast_in_dim3A_286, %broadcast_in_dim3A_287 : vector<16xi1>, vector<16xi32>
        %shift_left3A = arith.shli %select_n3A_288, %iota3A : vector<16xi32>
        %reduce_sum3A = arith.constant true
        %reduce_sum3A_289 = vector.broadcast %reduce_sum3A : i1 to vector<16xi1>
        %reduce_sum3A_290 = tpu.scan <sum>, %shift_left3A masked %reduce_sum3A_289 : vector<16xi32>, vector<16xi1> -> vector<16xi32>
        %reduce_sum3A_291 = vector.extract %reduce_sum3A_290[15] : i32 from vector<16xi32>
        %ne3A_292 = arith.constant 0 : i32
        %ne3A_293 = arith.cmpi ne, %reduce_sum3A_291, %ne3A_292 : i32
        %convert_element_type3A_294 = arith.extui %ne3A_293 : i1 to i32
        %cond3A_295 = arith.constant 0 : i32
        %cond3A_296 = arith.cmpi ne, %convert_element_type3A_294, %cond3A_295 : i32
        scf.if %cond3A_296 {
          %scan3A_416 = arith.constant 0 : i32
          %scan3A_417 = arith.constant 0 : i32
          %scan3A_418 = arith.constant 16 : i32
          %scan3A_419 = arith.addi %scan3A_417, %scan3A_418 : i32
          %scan3A_420 = arith.constant 1 : i32
          %scan3A_421 = scf.for %scan3A_423 = %scan3A_417 to %scan3A_419 step %scan3A_420 iter_args(%scan3A_424 = %scan3A_416) -> (i32)  : i32 {
            %shift_right_arithmetic3A = arith.shrsi %reduce_sum3A_291, %scan3A_423 : i32
            %and3A_425 = arith.constant 1 : i32
            %and3A_426 = arith.andi %shift_right_arithmetic3A, %and3A_425 : i32
            %eq3A_427 = arith.constant 1 : i32
            %eq3A_428 = arith.cmpi eq, %and3A_426, %eq3A_427 : i32
            %convert_element_type3A_429 = arith.extui %eq3A_428 : i1 to i32
            %cond3A_430 = arith.constant 0 : i32
            %cond3A_431 = arith.cmpi ne, %convert_element_type3A_429, %cond3A_430 : i32
            scf.if %cond3A_431 {
              %add3A_433 = arith.constant 0 : i32
              %add3A_434 = arith.addi %add3A_433, %scan3A_423 : i32
              %swap3A = arith.index_cast %add3A_434 : i32 to index
              %swap3A_435 = arith.constant 0 : index
              %swap3A_436 = tpu.vector_load %arg11[%swap3A, %swap3A_435] {strides = array<i32>} : memref<64x256xf32, #tpu.memory_space<vmem>>, vector<16xf32>,
              tpu.vector_store %arg11[%swap3A, %swap3A_435], %broadcast_in_dim3A_6 {strides = array<i32>} : memref<64x256xf32, #tpu.memory_space<vmem>>, vector<16xf32>,
              %add3A_437 = arith.constant 0 : i32
              %add3A_438 = arith.addi %add3A_437, %scan3A_423 : i32
              %swap3A_439 = arith.index_cast %add3A_438 : i32 to index
              %swap3A_440 = arith.constant 16 : index
              %swap3A_441 = tpu.vector_load %arg11[%swap3A_439, %swap3A_440] {strides = array<i32>} : memref<64x256xf32, #tpu.memory_space<vmem>>, vector<16xf32>,
              tpu.vector_store %arg11[%swap3A_439, %swap3A_440], %broadcast_in_dim3A_6 {strides = array<i32>} : memref<64x256xf32, #tpu.memory_space<vmem>>, vector<16xf32>,
              %add3A_442 = arith.constant 0 : i32
              %add3A_443 = arith.addi %add3A_442, %scan3A_423 : i32
              %swap3A_444 = arith.index_cast %add3A_443 : i32 to index
              %swap3A_445 = arith.constant 32 : index
              %swap3A_446 = tpu.vector_load %arg11[%swap3A_444, %swap3A_445] {strides = array<i32>} : memref<64x256xf32, #tpu.memory_space<vmem>>, vector<16xf32>,
              tpu.vector_store %arg11[%swap3A_444, %swap3A_445], %broadcast_in_dim3A_6 {strides = array<i32>} : memref<64x256xf32, #tpu.memory_space<vmem>>, vector<16xf32>,
              %add3A_447 = arith.constant 0 : i32
              %add3A_448 = arith.addi %add3A_447, %scan3A_423 : i32
              %swap3A_449 = arith.index_cast %add3A_448 : i32 to index
              %swap3A_450 = arith.constant 48 : index
              %swap3A_451 = tpu.vector_load %arg11[%swap3A_449, %swap3A_450] {strides = array<i32>} : memref<64x256xf32, #tpu.memory_space<vmem>>, vector<16xf32>,
              tpu.vector_store %arg11[%swap3A_449, %swap3A_450], %broadcast_in_dim3A_6 {strides = array<i32>} : memref<64x256xf32, #tpu.memory_space<vmem>>, vector<16xf32>,
              %add3A_452 = arith.constant 0 : i32
              %add3A_453 = arith.addi %add3A_452, %scan3A_423 : i32
              %swap3A_454 = arith.index_cast %add3A_453 : i32 to index
              %swap3A_455 = arith.constant 64 : index
              %swap3A_456 = tpu.vector_load %arg11[%swap3A_454, %swap3A_455] {strides = array<i32>} : memref<64x256xf32, #tpu.memory_space<vmem>>, vector<16xf32>,
              tpu.vector_store %arg11[%swap3A_454, %swap3A_455], %broadcast_in_dim3A_6 {strides = array<i32>} : memref<64x256xf32, #tpu.memory_space<vmem>>, vector<16xf32>,
              %add3A_457 = arith.constant 0 : i32
              %add3A_458 = arith.addi %add3A_457, %scan3A_423 : i32
              %swap3A_459 = arith.index_cast %add3A_458 : i32 to index
              %swap3A_460 = arith.constant 80 : index
              %swap3A_461 = tpu.vector_load %arg11[%swap3A_459, %swap3A_460] {strides = array<i32>} : memref<64x256xf32, #tpu.memory_space<vmem>>, vector<16xf32>,
              tpu.vector_store %arg11[%swap3A_459, %swap3A_460], %broadcast_in_dim3A_6 {strides = array<i32>} : memref<64x256xf32, #tpu.memory_space<vmem>>, vector<16xf32>,
              %add3A_462 = arith.constant 0 : i32
              %add3A_463 = arith.addi %add3A_462, %scan3A_423 : i32
              %swap3A_464 = arith.index_cast %add3A_463 : i32 to index
              %swap3A_465 = arith.constant 96 : index
              %swap3A_466 = tpu.vector_load %arg11[%swap3A_464, %swap3A_465] {strides = array<i32>} : memref<64x256xf32, #tpu.memory_space<vmem>>, vector<16xf32>,
              tpu.vector_store %arg11[%swap3A_464, %swap3A_465], %broadcast_in_dim3A_6 {strides = array<i32>} : memref<64x256xf32, #tpu.memory_space<vmem>>, vector<16xf32>,
              %add3A_467 = arith.constant 0 : i32
              %add3A_468 = arith.addi %add3A_467, %scan3A_423 : i32
              %swap3A_469 = arith.index_cast %add3A_468 : i32 to index
              %swap3A_470 = arith.constant 112 : index
              %swap3A_471 = tpu.vector_load %arg11[%swap3A_469, %swap3A_470] {strides = array<i32>} : memref<64x256xf32, #tpu.memory_space<vmem>>, vector<16xf32>,
              tpu.vector_store %arg11[%swap3A_469, %swap3A_470], %broadcast_in_dim3A_6 {strides = array<i32>} : memref<64x256xf32, #tpu.memory_space<vmem>>, vector<16xf32>,
              %add3A_472 = arith.constant 0 : i32
              %add3A_473 = arith.addi %add3A_472, %scan3A_423 : i32
              %swap3A_474 = arith.index_cast %add3A_473 : i32 to index
              %swap3A_475 = arith.constant 128 : index
              %swap3A_476 = tpu.vector_load %arg11[%swap3A_474, %swap3A_475] {strides = array<i32>} : memref<64x256xf32, #tpu.memory_space<vmem>>, vector<16xf32>,
              tpu.vector_store %arg11[%swap3A_474, %swap3A_475], %broadcast_in_dim3A_6 {strides = array<i32>} : memref<64x256xf32, #tpu.memory_space<vmem>>, vector<16xf32>,
              %add3A_477 = arith.constant 0 : i32
              %add3A_478 = arith.addi %add3A_477, %scan3A_423 : i32
              %swap3A_479 = arith.index_cast %add3A_478 : i32 to index
              %swap3A_480 = arith.constant 144 : index
              %swap3A_481 = tpu.vector_load %arg11[%swap3A_479, %swap3A_480] {strides = array<i32>} : memref<64x256xf32, #tpu.memory_space<vmem>>, vector<16xf32>,
              tpu.vector_store %arg11[%swap3A_479, %swap3A_480], %broadcast_in_dim3A_6 {strides = array<i32>} : memref<64x256xf32, #tpu.memory_space<vmem>>, vector<16xf32>,
              %add3A_482 = arith.constant 0 : i32
              %add3A_483 = arith.addi %add3A_482, %scan3A_423 : i32
              %swap3A_484 = arith.index_cast %add3A_483 : i32 to index
              %swap3A_485 = arith.constant 160 : index
              %swap3A_486 = tpu.vector_load %arg11[%swap3A_484, %swap3A_485] {strides = array<i32>} : memref<64x256xf32, #tpu.memory_space<vmem>>, vector<16xf32>,
              tpu.vector_store %arg11[%swap3A_484, %swap3A_485], %broadcast_in_dim3A_6 {strides = array<i32>} : memref<64x256xf32, #tpu.memory_space<vmem>>, vector<16xf32>,
              %add3A_487 = arith.constant 0 : i32
              %add3A_488 = arith.addi %add3A_487, %scan3A_423 : i32
              %swap3A_489 = arith.index_cast %add3A_488 : i32 to index
              %swap3A_490 = arith.constant 176 : index
              %swap3A_491 = tpu.vector_load %arg11[%swap3A_489, %swap3A_490] {strides = array<i32>} : memref<64x256xf32, #tpu.memory_space<vmem>>, vector<16xf32>,
              tpu.vector_store %arg11[%swap3A_489, %swap3A_490], %broadcast_in_dim3A_6 {strides = array<i32>} : memref<64x256xf32, #tpu.memory_space<vmem>>, vector<16xf32>,
              %add3A_492 = arith.constant 0 : i32
              %add3A_493 = arith.addi %add3A_492, %scan3A_423 : i32
              %swap3A_494 = arith.index_cast %add3A_493 : i32 to index
              %swap3A_495 = arith.constant 192 : index
              %swap3A_496 = tpu.vector_load %arg11[%swap3A_494, %swap3A_495] {strides = array<i32>} : memref<64x256xf32, #tpu.memory_space<vmem>>, vector<16xf32>,
              tpu.vector_store %arg11[%swap3A_494, %swap3A_495], %broadcast_in_dim3A_6 {strides = array<i32>} : memref<64x256xf32, #tpu.memory_space<vmem>>, vector<16xf32>,
              %add3A_497 = arith.constant 0 : i32
              %add3A_498 = arith.addi %add3A_497, %scan3A_423 : i32
              %swap3A_499 = arith.index_cast %add3A_498 : i32 to index
              %swap3A_500 = arith.constant 208 : index
              %swap3A_501 = tpu.vector_load %arg11[%swap3A_499, %swap3A_500] {strides = array<i32>} : memref<64x256xf32, #tpu.memory_space<vmem>>, vector<16xf32>,
              tpu.vector_store %arg11[%swap3A_499, %swap3A_500], %broadcast_in_dim3A_6 {strides = array<i32>} : memref<64x256xf32, #tpu.memory_space<vmem>>, vector<16xf32>,
              %add3A_502 = arith.constant 0 : i32
              %add3A_503 = arith.addi %add3A_502, %scan3A_423 : i32
              %swap3A_504 = arith.index_cast %add3A_503 : i32 to index
              %swap3A_505 = arith.constant 224 : index
              %swap3A_506 = tpu.vector_load %arg11[%swap3A_504, %swap3A_505] {strides = array<i32>} : memref<64x256xf32, #tpu.memory_space<vmem>>, vector<16xf32>,
              tpu.vector_store %arg11[%swap3A_504, %swap3A_505], %broadcast_in_dim3A_6 {strides = array<i32>} : memref<64x256xf32, #tpu.memory_space<vmem>>, vector<16xf32>,
              %add3A_507 = arith.constant 0 : i32
              %add3A_508 = arith.addi %add3A_507, %scan3A_423 : i32
              %swap3A_509 = arith.index_cast %add3A_508 : i32 to index
              %swap3A_510 = arith.constant 240 : index
              %swap3A_511 = tpu.vector_load %arg11[%swap3A_509, %swap3A_510] {strides = array<i32>} : memref<64x256xf32, #tpu.memory_space<vmem>>, vector<16xf32>,
              tpu.vector_store %arg11[%swap3A_509, %swap3A_510], %broadcast_in_dim3A_6 {strides = array<i32>} : memref<64x256xf32, #tpu.memory_space<vmem>>, vector<16xf32>,
            } else {
            }
            %scan3A_432 = arith.constant 0 : i32
            scf.yield %scan3A_432 : i32
          }
          %scan3A_422 = arith.constant 16 : i32
        } else {
        }
        %mul3A_297 = arith.constant 64 : i32
        %mul3A_298 = arith.muli %add3A_233, %mul3A_297 : i32
        %add3A_299 = arith.constant 16 : i32
        %add3A_300 = arith.addi %mul3A_298, %add3A_299 : i32
        %get3A_301 = arith.index_cast %add3A_300 : i32 to index
        %get3A_302 = tpu.vector_load %arg9[%get3A_301] {strides = array<i32>} : memref<6272xi32, #tpu.memory_space<vmem>>, vector<16xi32>,
        %lt3A_303 = arith.constant 0 : i32
        %lt3A_304 = vector.broadcast %lt3A_303 : i32 to vector<16xi32>
        %lt3A_305 = arith.cmpi slt, %get3A_302, %lt3A_304 : vector<16xi32>
        %jit3A_306 = arith.constant 1 : i32
        %jit3A_307 = arith.constant 0 : i32
        %broadcast_in_dim3A_308 = vector.broadcast %jit3A_306 : i32 to vector<16xi32>
        %broadcast_in_dim3A_309 = vector.broadcast %jit3A_307 : i32 to vector<16xi32>
        %select_n3A_310 = arith.select %lt3A_305, %broadcast_in_dim3A_308, %broadcast_in_dim3A_309 : vector<16xi1>, vector<16xi32>
        %shift_left3A_311 = arith.shli %select_n3A_310, %iota3A : vector<16xi32>
        %reduce_sum3A_312 = arith.constant true
        %reduce_sum3A_313 = vector.broadcast %reduce_sum3A_312 : i1 to vector<16xi1>
        %reduce_sum3A_314 = tpu.scan <sum>, %shift_left3A_311 masked %reduce_sum3A_313 : vector<16xi32>, vector<16xi1> -> vector<16xi32>
        %reduce_sum3A_315 = vector.extract %reduce_sum3A_314[15] : i32 from vector<16xi32>
        %ne3A_316 = arith.constant 0 : i32
        %ne3A_317 = arith.cmpi ne, %reduce_sum3A_315, %ne3A_316 : i32
        %convert_element_type3A_318 = arith.extui %ne3A_317 : i1 to i32
        %cond3A_319 = arith.constant 0 : i32
        %cond3A_320 = arith.cmpi ne, %convert_element_type3A_318, %cond3A_319 : i32
        scf.if %cond3A_320 {
          %scan3A_416 = arith.constant 0 : i32
          %scan3A_417 = arith.constant 0 : i32
          %scan3A_418 = arith.constant 16 : i32
          %scan3A_419 = arith.addi %scan3A_417, %scan3A_418 : i32
          %scan3A_420 = arith.constant 1 : i32
          %scan3A_421 = scf.for %scan3A_423 = %scan3A_417 to %scan3A_419 step %scan3A_420 iter_args(%scan3A_424 = %scan3A_416) -> (i32)  : i32 {
            %shift_right_arithmetic3A = arith.shrsi %reduce_sum3A_315, %scan3A_423 : i32
            %and3A_425 = arith.constant 1 : i32
            %and3A_426 = arith.andi %shift_right_arithmetic3A, %and3A_425 : i32
            %eq3A_427 = arith.constant 1 : i32
            %eq3A_428 = arith.cmpi eq, %and3A_426, %eq3A_427 : i32
            %convert_element_type3A_429 = arith.extui %eq3A_428 : i1 to i32
            %cond3A_430 = arith.constant 0 : i32
            %cond3A_431 = arith.cmpi ne, %convert_element_type3A_429, %cond3A_430 : i32
            scf.if %cond3A_431 {
              %add3A_433 = arith.constant 16 : i32
              %add3A_434 = arith.addi %add3A_433, %scan3A_423 : i32
              %swap3A = arith.index_cast %add3A_434 : i32 to index
              %swap3A_435 = arith.constant 0 : index
              %swap3A_436 = tpu.vector_load %arg11[%swap3A, %swap3A_435] {strides = array<i32>} : memref<64x256xf32, #tpu.memory_space<vmem>>, vector<16xf32>,
              tpu.vector_store %arg11[%swap3A, %swap3A_435], %broadcast_in_dim3A_6 {strides = array<i32>} : memref<64x256xf32, #tpu.memory_space<vmem>>, vector<16xf32>,
              %add3A_437 = arith.constant 16 : i32
              %add3A_438 = arith.addi %add3A_437, %scan3A_423 : i32
              %swap3A_439 = arith.index_cast %add3A_438 : i32 to index
              %swap3A_440 = arith.constant 16 : index
              %swap3A_441 = tpu.vector_load %arg11[%swap3A_439, %swap3A_440] {strides = array<i32>} : memref<64x256xf32, #tpu.memory_space<vmem>>, vector<16xf32>,
              tpu.vector_store %arg11[%swap3A_439, %swap3A_440], %broadcast_in_dim3A_6 {strides = array<i32>} : memref<64x256xf32, #tpu.memory_space<vmem>>, vector<16xf32>,
              %add3A_442 = arith.constant 16 : i32
              %add3A_443 = arith.addi %add3A_442, %scan3A_423 : i32
              %swap3A_444 = arith.index_cast %add3A_443 : i32 to index
              %swap3A_445 = arith.constant 32 : index
              %swap3A_446 = tpu.vector_load %arg11[%swap3A_444, %swap3A_445] {strides = array<i32>} : memref<64x256xf32, #tpu.memory_space<vmem>>, vector<16xf32>,
              tpu.vector_store %arg11[%swap3A_444, %swap3A_445], %broadcast_in_dim3A_6 {strides = array<i32>} : memref<64x256xf32, #tpu.memory_space<vmem>>, vector<16xf32>,
              %add3A_447 = arith.constant 16 : i32
              %add3A_448 = arith.addi %add3A_447, %scan3A_423 : i32
              %swap3A_449 = arith.index_cast %add3A_448 : i32 to index
              %swap3A_450 = arith.constant 48 : index
              %swap3A_451 = tpu.vector_load %arg11[%swap3A_449, %swap3A_450] {strides = array<i32>} : memref<64x256xf32, #tpu.memory_space<vmem>>, vector<16xf32>,
              tpu.vector_store %arg11[%swap3A_449, %swap3A_450], %broadcast_in_dim3A_6 {strides = array<i32>} : memref<64x256xf32, #tpu.memory_space<vmem>>, vector<16xf32>,
              %add3A_452 = arith.constant 16 : i32
              %add3A_453 = arith.addi %add3A_452, %scan3A_423 : i32
              %swap3A_454 = arith.index_cast %add3A_453 : i32 to index
              %swap3A_455 = arith.constant 64 : index
              %swap3A_456 = tpu.vector_load %arg11[%swap3A_454, %swap3A_455] {strides = array<i32>} : memref<64x256xf32, #tpu.memory_space<vmem>>, vector<16xf32>,
              tpu.vector_store %arg11[%swap3A_454, %swap3A_455], %broadcast_in_dim3A_6 {strides = array<i32>} : memref<64x256xf32, #tpu.memory_space<vmem>>, vector<16xf32>,
              %add3A_457 = arith.constant 16 : i32
              %add3A_458 = arith.addi %add3A_457, %scan3A_423 : i32
              %swap3A_459 = arith.index_cast %add3A_458 : i32 to index
              %swap3A_460 = arith.constant 80 : index
              %swap3A_461 = tpu.vector_load %arg11[%swap3A_459, %swap3A_460] {strides = array<i32>} : memref<64x256xf32, #tpu.memory_space<vmem>>, vector<16xf32>,
              tpu.vector_store %arg11[%swap3A_459, %swap3A_460], %broadcast_in_dim3A_6 {strides = array<i32>} : memref<64x256xf32, #tpu.memory_space<vmem>>, vector<16xf32>,
              %add3A_462 = arith.constant 16 : i32
              %add3A_463 = arith.addi %add3A_462, %scan3A_423 : i32
              %swap3A_464 = arith.index_cast %add3A_463 : i32 to index
              %swap3A_465 = arith.constant 96 : index
              %swap3A_466 = tpu.vector_load %arg11[%swap3A_464, %swap3A_465] {strides = array<i32>} : memref<64x256xf32, #tpu.memory_space<vmem>>, vector<16xf32>,
              tpu.vector_store %arg11[%swap3A_464, %swap3A_465], %broadcast_in_dim3A_6 {strides = array<i32>} : memref<64x256xf32, #tpu.memory_space<vmem>>, vector<16xf32>,
              %add3A_467 = arith.constant 16 : i32
              %add3A_468 = arith.addi %add3A_467, %scan3A_423 : i32
              %swap3A_469 = arith.index_cast %add3A_468 : i32 to index
              %swap3A_470 = arith.constant 112 : index
              %swap3A_471 = tpu.vector_load %arg11[%swap3A_469, %swap3A_470] {strides = array<i32>} : memref<64x256xf32, #tpu.memory_space<vmem>>, vector<16xf32>,
              tpu.vector_store %arg11[%swap3A_469, %swap3A_470], %broadcast_in_dim3A_6 {strides = array<i32>} : memref<64x256xf32, #tpu.memory_space<vmem>>, vector<16xf32>,
              %add3A_472 = arith.constant 16 : i32
              %add3A_473 = arith.addi %add3A_472, %scan3A_423 : i32
              %swap3A_474 = arith.index_cast %add3A_473 : i32 to index
              %swap3A_475 = arith.constant 128 : index
              %swap3A_476 = tpu.vector_load %arg11[%swap3A_474, %swap3A_475] {strides = array<i32>} : memref<64x256xf32, #tpu.memory_space<vmem>>, vector<16xf32>,
              tpu.vector_store %arg11[%swap3A_474, %swap3A_475], %broadcast_in_dim3A_6 {strides = array<i32>} : memref<64x256xf32, #tpu.memory_space<vmem>>, vector<16xf32>,
              %add3A_477 = arith.constant 16 : i32
              %add3A_478 = arith.addi %add3A_477, %scan3A_423 : i32
              %swap3A_479 = arith.index_cast %add3A_478 : i32 to index
              %swap3A_480 = arith.constant 144 : index
              %swap3A_481 = tpu.vector_load %arg11[%swap3A_479, %swap3A_480] {strides = array<i32>} : memref<64x256xf32, #tpu.memory_space<vmem>>, vector<16xf32>,
              tpu.vector_store %arg11[%swap3A_479, %swap3A_480], %broadcast_in_dim3A_6 {strides = array<i32>} : memref<64x256xf32, #tpu.memory_space<vmem>>, vector<16xf32>,
              %add3A_482 = arith.constant 16 : i32
              %add3A_483 = arith.addi %add3A_482, %scan3A_423 : i32
              %swap3A_484 = arith.index_cast %add3A_483 : i32 to index
              %swap3A_485 = arith.constant 160 : index
              %swap3A_486 = tpu.vector_load %arg11[%swap3A_484, %swap3A_485] {strides = array<i32>} : memref<64x256xf32, #tpu.memory_space<vmem>>, vector<16xf32>,
              tpu.vector_store %arg11[%swap3A_484, %swap3A_485], %broadcast_in_dim3A_6 {strides = array<i32>} : memref<64x256xf32, #tpu.memory_space<vmem>>, vector<16xf32>,
              %add3A_487 = arith.constant 16 : i32
              %add3A_488 = arith.addi %add3A_487, %scan3A_423 : i32
              %swap3A_489 = arith.index_cast %add3A_488 : i32 to index
              %swap3A_490 = arith.constant 176 : index
              %swap3A_491 = tpu.vector_load %arg11[%swap3A_489, %swap3A_490] {strides = array<i32>} : memref<64x256xf32, #tpu.memory_space<vmem>>, vector<16xf32>,
              tpu.vector_store %arg11[%swap3A_489, %swap3A_490], %broadcast_in_dim3A_6 {strides = array<i32>} : memref<64x256xf32, #tpu.memory_space<vmem>>, vector<16xf32>,
              %add3A_492 = arith.constant 16 : i32
              %add3A_493 = arith.addi %add3A_492, %scan3A_423 : i32
              %swap3A_494 = arith.index_cast %add3A_493 : i32 to index
              %swap3A_495 = arith.constant 192 : index
              %swap3A_496 = tpu.vector_load %arg11[%swap3A_494, %swap3A_495] {strides = array<i32>} : memref<64x256xf32, #tpu.memory_space<vmem>>, vector<16xf32>,
              tpu.vector_store %arg11[%swap3A_494, %swap3A_495], %broadcast_in_dim3A_6 {strides = array<i32>} : memref<64x256xf32, #tpu.memory_space<vmem>>, vector<16xf32>,
              %add3A_497 = arith.constant 16 : i32
              %add3A_498 = arith.addi %add3A_497, %scan3A_423 : i32
              %swap3A_499 = arith.index_cast %add3A_498 : i32 to index
              %swap3A_500 = arith.constant 208 : index
              %swap3A_501 = tpu.vector_load %arg11[%swap3A_499, %swap3A_500] {strides = array<i32>} : memref<64x256xf32, #tpu.memory_space<vmem>>, vector<16xf32>,
              tpu.vector_store %arg11[%swap3A_499, %swap3A_500], %broadcast_in_dim3A_6 {strides = array<i32>} : memref<64x256xf32, #tpu.memory_space<vmem>>, vector<16xf32>,
              %add3A_502 = arith.constant 16 : i32
              %add3A_503 = arith.addi %add3A_502, %scan3A_423 : i32
              %swap3A_504 = arith.index_cast %add3A_503 : i32 to index
              %swap3A_505 = arith.constant 224 : index
              %swap3A_506 = tpu.vector_load %arg11[%swap3A_504, %swap3A_505] {strides = array<i32>} : memref<64x256xf32, #tpu.memory_space<vmem>>, vector<16xf32>,
              tpu.vector_store %arg11[%swap3A_504, %swap3A_505], %broadcast_in_dim3A_6 {strides = array<i32>} : memref<64x256xf32, #tpu.memory_space<vmem>>, vector<16xf32>,
              %add3A_507 = arith.constant 16 : i32
              %add3A_508 = arith.addi %add3A_507, %scan3A_423 : i32
              %swap3A_509 = arith.index_cast %add3A_508 : i32 to index
              %swap3A_510 = arith.constant 240 : index
              %swap3A_511 = tpu.vector_load %arg11[%swap3A_509, %swap3A_510] {strides = array<i32>} : memref<64x256xf32, #tpu.memory_space<vmem>>, vector<16xf32>,
              tpu.vector_store %arg11[%swap3A_509, %swap3A_510], %broadcast_in_dim3A_6 {strides = array<i32>} : memref<64x256xf32, #tpu.memory_space<vmem>>, vector<16xf32>,
            } else {
            }
            %scan3A_432 = arith.constant 0 : i32
            scf.yield %scan3A_432 : i32
          }
          %scan3A_422 = arith.constant 16 : i32
        } else {
        }
        %mul3A_321 = arith.constant 64 : i32
        %mul3A_322 = arith.muli %add3A_233, %mul3A_321 : i32
        %add3A_323 = arith.constant 32 : i32
        %add3A_324 = arith.addi %mul3A_322, %add3A_323 : i32
        %get3A_325 = arith.index_cast %add3A_324 : i32 to index
        %get3A_326 = tpu.vector_load %arg9[%get3A_325] {strides = array<i32>} : memref<6272xi32, #tpu.memory_space<vmem>>, vector<16xi32>,
        %lt3A_327 = arith.constant 0 : i32
        %lt3A_328 = vector.broadcast %lt3A_327 : i32 to vector<16xi32>
        %lt3A_329 = arith.cmpi slt, %get3A_326, %lt3A_328 : vector<16xi32>
        %jit3A_330 = arith.constant 1 : i32
        %jit3A_331 = arith.constant 0 : i32
        %broadcast_in_dim3A_332 = vector.broadcast %jit3A_330 : i32 to vector<16xi32>
        %broadcast_in_dim3A_333 = vector.broadcast %jit3A_331 : i32 to vector<16xi32>
        %select_n3A_334 = arith.select %lt3A_329, %broadcast_in_dim3A_332, %broadcast_in_dim3A_333 : vector<16xi1>, vector<16xi32>
        %shift_left3A_335 = arith.shli %select_n3A_334, %iota3A : vector<16xi32>
        %reduce_sum3A_336 = arith.constant true
        %reduce_sum3A_337 = vector.broadcast %reduce_sum3A_336 : i1 to vector<16xi1>
        %reduce_sum3A_338 = tpu.scan <sum>, %shift_left3A_335 masked %reduce_sum3A_337 : vector<16xi32>, vector<16xi1> -> vector<16xi32>
        %reduce_sum3A_339 = vector.extract %reduce_sum3A_338[15] : i32 from vector<16xi32>
        %ne3A_340 = arith.constant 0 : i32
        %ne3A_341 = arith.cmpi ne, %reduce_sum3A_339, %ne3A_340 : i32
        %convert_element_type3A_342 = arith.extui %ne3A_341 : i1 to i32
        %cond3A_343 = arith.constant 0 : i32
        %cond3A_344 = arith.cmpi ne, %convert_element_type3A_342, %cond3A_343 : i32
        scf.if %cond3A_344 {
          %scan3A_416 = arith.constant 0 : i32
          %scan3A_417 = arith.constant 0 : i32
          %scan3A_418 = arith.constant 16 : i32
          %scan3A_419 = arith.addi %scan3A_417, %scan3A_418 : i32
          %scan3A_420 = arith.constant 1 : i32
          %scan3A_421 = scf.for %scan3A_423 = %scan3A_417 to %scan3A_419 step %scan3A_420 iter_args(%scan3A_424 = %scan3A_416) -> (i32)  : i32 {
            %shift_right_arithmetic3A = arith.shrsi %reduce_sum3A_339, %scan3A_423 : i32
            %and3A_425 = arith.constant 1 : i32
            %and3A_426 = arith.andi %shift_right_arithmetic3A, %and3A_425 : i32
            %eq3A_427 = arith.constant 1 : i32
            %eq3A_428 = arith.cmpi eq, %and3A_426, %eq3A_427 : i32
            %convert_element_type3A_429 = arith.extui %eq3A_428 : i1 to i32
            %cond3A_430 = arith.constant 0 : i32
            %cond3A_431 = arith.cmpi ne, %convert_element_type3A_429, %cond3A_430 : i32
            scf.if %cond3A_431 {
              %add3A_433 = arith.constant 32 : i32
              %add3A_434 = arith.addi %add3A_433, %scan3A_423 : i32
              %swap3A = arith.index_cast %add3A_434 : i32 to index
              %swap3A_435 = arith.constant 0 : index
              %swap3A_436 = tpu.vector_load %arg11[%swap3A, %swap3A_435] {strides = array<i32>} : memref<64x256xf32, #tpu.memory_space<vmem>>, vector<16xf32>,
              tpu.vector_store %arg11[%swap3A, %swap3A_435], %broadcast_in_dim3A_6 {strides = array<i32>} : memref<64x256xf32, #tpu.memory_space<vmem>>, vector<16xf32>,
              %add3A_437 = arith.constant 32 : i32
              %add3A_438 = arith.addi %add3A_437, %scan3A_423 : i32
              %swap3A_439 = arith.index_cast %add3A_438 : i32 to index
              %swap3A_440 = arith.constant 16 : index
              %swap3A_441 = tpu.vector_load %arg11[%swap3A_439, %swap3A_440] {strides = array<i32>} : memref<64x256xf32, #tpu.memory_space<vmem>>, vector<16xf32>,
              tpu.vector_store %arg11[%swap3A_439, %swap3A_440], %broadcast_in_dim3A_6 {strides = array<i32>} : memref<64x256xf32, #tpu.memory_space<vmem>>, vector<16xf32>,
              %add3A_442 = arith.constant 32 : i32
              %add3A_443 = arith.addi %add3A_442, %scan3A_423 : i32
              %swap3A_444 = arith.index_cast %add3A_443 : i32 to index
              %swap3A_445 = arith.constant 32 : index
              %swap3A_446 = tpu.vector_load %arg11[%swap3A_444, %swap3A_445] {strides = array<i32>} : memref<64x256xf32, #tpu.memory_space<vmem>>, vector<16xf32>,
              tpu.vector_store %arg11[%swap3A_444, %swap3A_445], %broadcast_in_dim3A_6 {strides = array<i32>} : memref<64x256xf32, #tpu.memory_space<vmem>>, vector<16xf32>,
              %add3A_447 = arith.constant 32 : i32
              %add3A_448 = arith.addi %add3A_447, %scan3A_423 : i32
              %swap3A_449 = arith.index_cast %add3A_448 : i32 to index
              %swap3A_450 = arith.constant 48 : index
              %swap3A_451 = tpu.vector_load %arg11[%swap3A_449, %swap3A_450] {strides = array<i32>} : memref<64x256xf32, #tpu.memory_space<vmem>>, vector<16xf32>,
              tpu.vector_store %arg11[%swap3A_449, %swap3A_450], %broadcast_in_dim3A_6 {strides = array<i32>} : memref<64x256xf32, #tpu.memory_space<vmem>>, vector<16xf32>,
              %add3A_452 = arith.constant 32 : i32
              %add3A_453 = arith.addi %add3A_452, %scan3A_423 : i32
              %swap3A_454 = arith.index_cast %add3A_453 : i32 to index
              %swap3A_455 = arith.constant 64 : index
              %swap3A_456 = tpu.vector_load %arg11[%swap3A_454, %swap3A_455] {strides = array<i32>} : memref<64x256xf32, #tpu.memory_space<vmem>>, vector<16xf32>,
              tpu.vector_store %arg11[%swap3A_454, %swap3A_455], %broadcast_in_dim3A_6 {strides = array<i32>} : memref<64x256xf32, #tpu.memory_space<vmem>>, vector<16xf32>,
              %add3A_457 = arith.constant 32 : i32
              %add3A_458 = arith.addi %add3A_457, %scan3A_423 : i32
              %swap3A_459 = arith.index_cast %add3A_458 : i32 to index
              %swap3A_460 = arith.constant 80 : index
              %swap3A_461 = tpu.vector_load %arg11[%swap3A_459, %swap3A_460] {strides = array<i32>} : memref<64x256xf32, #tpu.memory_space<vmem>>, vector<16xf32>,
              tpu.vector_store %arg11[%swap3A_459, %swap3A_460], %broadcast_in_dim3A_6 {strides = array<i32>} : memref<64x256xf32, #tpu.memory_space<vmem>>, vector<16xf32>,
              %add3A_462 = arith.constant 32 : i32
              %add3A_463 = arith.addi %add3A_462, %scan3A_423 : i32
              %swap3A_464 = arith.index_cast %add3A_463 : i32 to index
              %swap3A_465 = arith.constant 96 : index
              %swap3A_466 = tpu.vector_load %arg11[%swap3A_464, %swap3A_465] {strides = array<i32>} : memref<64x256xf32, #tpu.memory_space<vmem>>, vector<16xf32>,
              tpu.vector_store %arg11[%swap3A_464, %swap3A_465], %broadcast_in_dim3A_6 {strides = array<i32>} : memref<64x256xf32, #tpu.memory_space<vmem>>, vector<16xf32>,
              %add3A_467 = arith.constant 32 : i32
              %add3A_468 = arith.addi %add3A_467, %scan3A_423 : i32
              %swap3A_469 = arith.index_cast %add3A_468 : i32 to index
              %swap3A_470 = arith.constant 112 : index
              %swap3A_471 = tpu.vector_load %arg11[%swap3A_469, %swap3A_470] {strides = array<i32>} : memref<64x256xf32, #tpu.memory_space<vmem>>, vector<16xf32>,
              tpu.vector_store %arg11[%swap3A_469, %swap3A_470], %broadcast_in_dim3A_6 {strides = array<i32>} : memref<64x256xf32, #tpu.memory_space<vmem>>, vector<16xf32>,
              %add3A_472 = arith.constant 32 : i32
              %add3A_473 = arith.addi %add3A_472, %scan3A_423 : i32
              %swap3A_474 = arith.index_cast %add3A_473 : i32 to index
              %swap3A_475 = arith.constant 128 : index
              %swap3A_476 = tpu.vector_load %arg11[%swap3A_474, %swap3A_475] {strides = array<i32>} : memref<64x256xf32, #tpu.memory_space<vmem>>, vector<16xf32>,
              tpu.vector_store %arg11[%swap3A_474, %swap3A_475], %broadcast_in_dim3A_6 {strides = array<i32>} : memref<64x256xf32, #tpu.memory_space<vmem>>, vector<16xf32>,
              %add3A_477 = arith.constant 32 : i32
              %add3A_478 = arith.addi %add3A_477, %scan3A_423 : i32
              %swap3A_479 = arith.index_cast %add3A_478 : i32 to index
              %swap3A_480 = arith.constant 144 : index
              %swap3A_481 = tpu.vector_load %arg11[%swap3A_479, %swap3A_480] {strides = array<i32>} : memref<64x256xf32, #tpu.memory_space<vmem>>, vector<16xf32>,
              tpu.vector_store %arg11[%swap3A_479, %swap3A_480], %broadcast_in_dim3A_6 {strides = array<i32>} : memref<64x256xf32, #tpu.memory_space<vmem>>, vector<16xf32>,
              %add3A_482 = arith.constant 32 : i32
              %add3A_483 = arith.addi %add3A_482, %scan3A_423 : i32
              %swap3A_484 = arith.index_cast %add3A_483 : i32 to index
              %swap3A_485 = arith.constant 160 : index
              %swap3A_486 = tpu.vector_load %arg11[%swap3A_484, %swap3A_485] {strides = array<i32>} : memref<64x256xf32, #tpu.memory_space<vmem>>, vector<16xf32>,
              tpu.vector_store %arg11[%swap3A_484, %swap3A_485], %broadcast_in_dim3A_6 {strides = array<i32>} : memref<64x256xf32, #tpu.memory_space<vmem>>, vector<16xf32>,
              %add3A_487 = arith.constant 32 : i32
              %add3A_488 = arith.addi %add3A_487, %scan3A_423 : i32
              %swap3A_489 = arith.index_cast %add3A_488 : i32 to index
              %swap3A_490 = arith.constant 176 : index
              %swap3A_491 = tpu.vector_load %arg11[%swap3A_489, %swap3A_490] {strides = array<i32>} : memref<64x256xf32, #tpu.memory_space<vmem>>, vector<16xf32>,
              tpu.vector_store %arg11[%swap3A_489, %swap3A_490], %broadcast_in_dim3A_6 {strides = array<i32>} : memref<64x256xf32, #tpu.memory_space<vmem>>, vector<16xf32>,
              %add3A_492 = arith.constant 32 : i32
              %add3A_493 = arith.addi %add3A_492, %scan3A_423 : i32
              %swap3A_494 = arith.index_cast %add3A_493 : i32 to index
              %swap3A_495 = arith.constant 192 : index
              %swap3A_496 = tpu.vector_load %arg11[%swap3A_494, %swap3A_495] {strides = array<i32>} : memref<64x256xf32, #tpu.memory_space<vmem>>, vector<16xf32>,
              tpu.vector_store %arg11[%swap3A_494, %swap3A_495], %broadcast_in_dim3A_6 {strides = array<i32>} : memref<64x256xf32, #tpu.memory_space<vmem>>, vector<16xf32>,
              %add3A_497 = arith.constant 32 : i32
              %add3A_498 = arith.addi %add3A_497, %scan3A_423 : i32
              %swap3A_499 = arith.index_cast %add3A_498 : i32 to index
              %swap3A_500 = arith.constant 208 : index
              %swap3A_501 = tpu.vector_load %arg11[%swap3A_499, %swap3A_500] {strides = array<i32>} : memref<64x256xf32, #tpu.memory_space<vmem>>, vector<16xf32>,
              tpu.vector_store %arg11[%swap3A_499, %swap3A_500], %broadcast_in_dim3A_6 {strides = array<i32>} : memref<64x256xf32, #tpu.memory_space<vmem>>, vector<16xf32>,
              %add3A_502 = arith.constant 32 : i32
              %add3A_503 = arith.addi %add3A_502, %scan3A_423 : i32
              %swap3A_504 = arith.index_cast %add3A_503 : i32 to index
              %swap3A_505 = arith.constant 224 : index
              %swap3A_506 = tpu.vector_load %arg11[%swap3A_504, %swap3A_505] {strides = array<i32>} : memref<64x256xf32, #tpu.memory_space<vmem>>, vector<16xf32>,
              tpu.vector_store %arg11[%swap3A_504, %swap3A_505], %broadcast_in_dim3A_6 {strides = array<i32>} : memref<64x256xf32, #tpu.memory_space<vmem>>, vector<16xf32>,
              %add3A_507 = arith.constant 32 : i32
              %add3A_508 = arith.addi %add3A_507, %scan3A_423 : i32
              %swap3A_509 = arith.index_cast %add3A_508 : i32 to index
              %swap3A_510 = arith.constant 240 : index
              %swap3A_511 = tpu.vector_load %arg11[%swap3A_509, %swap3A_510] {strides = array<i32>} : memref<64x256xf32, #tpu.memory_space<vmem>>, vector<16xf32>,
              tpu.vector_store %arg11[%swap3A_509, %swap3A_510], %broadcast_in_dim3A_6 {strides = array<i32>} : memref<64x256xf32, #tpu.memory_space<vmem>>, vector<16xf32>,
            } else {
            }
            %scan3A_432 = arith.constant 0 : i32
            scf.yield %scan3A_432 : i32
          }
          %scan3A_422 = arith.constant 16 : i32
        } else {
        }
        %mul3A_345 = arith.constant 64 : i32
        %mul3A_346 = arith.muli %add3A_233, %mul3A_345 : i32
        %add3A_347 = arith.constant 48 : i32
        %add3A_348 = arith.addi %mul3A_346, %add3A_347 : i32
        %get3A_349 = arith.index_cast %add3A_348 : i32 to index
        %get3A_350 = tpu.vector_load %arg9[%get3A_349] {strides = array<i32>} : memref<6272xi32, #tpu.memory_space<vmem>>, vector<16xi32>,
        %lt3A_351 = arith.constant 0 : i32
        %lt3A_352 = vector.broadcast %lt3A_351 : i32 to vector<16xi32>
        %lt3A_353 = arith.cmpi slt, %get3A_350, %lt3A_352 : vector<16xi32>
        %jit3A_354 = arith.constant 1 : i32
        %jit3A_355 = arith.constant 0 : i32
        %broadcast_in_dim3A_356 = vector.broadcast %jit3A_354 : i32 to vector<16xi32>
        %broadcast_in_dim3A_357 = vector.broadcast %jit3A_355 : i32 to vector<16xi32>
        %select_n3A_358 = arith.select %lt3A_353, %broadcast_in_dim3A_356, %broadcast_in_dim3A_357 : vector<16xi1>, vector<16xi32>
        %shift_left3A_359 = arith.shli %select_n3A_358, %iota3A : vector<16xi32>
        %reduce_sum3A_360 = arith.constant true
        %reduce_sum3A_361 = vector.broadcast %reduce_sum3A_360 : i1 to vector<16xi1>
        %reduce_sum3A_362 = tpu.scan <sum>, %shift_left3A_359 masked %reduce_sum3A_361 : vector<16xi32>, vector<16xi1> -> vector<16xi32>
        %reduce_sum3A_363 = vector.extract %reduce_sum3A_362[15] : i32 from vector<16xi32>
        %ne3A_364 = arith.constant 0 : i32
        %ne3A_365 = arith.cmpi ne, %reduce_sum3A_363, %ne3A_364 : i32
        %convert_element_type3A_366 = arith.extui %ne3A_365 : i1 to i32
        %cond3A_367 = arith.constant 0 : i32
        %cond3A_368 = arith.cmpi ne, %convert_element_type3A_366, %cond3A_367 : i32
        scf.if %cond3A_368 {
          %scan3A_416 = arith.constant 0 : i32
          %scan3A_417 = arith.constant 0 : i32
          %scan3A_418 = arith.constant 16 : i32
          %scan3A_419 = arith.addi %scan3A_417, %scan3A_418 : i32
          %scan3A_420 = arith.constant 1 : i32
          %scan3A_421 = scf.for %scan3A_423 = %scan3A_417 to %scan3A_419 step %scan3A_420 iter_args(%scan3A_424 = %scan3A_416) -> (i32)  : i32 {
            %shift_right_arithmetic3A = arith.shrsi %reduce_sum3A_363, %scan3A_423 : i32
            %and3A_425 = arith.constant 1 : i32
            %and3A_426 = arith.andi %shift_right_arithmetic3A, %and3A_425 : i32
            %eq3A_427 = arith.constant 1 : i32
            %eq3A_428 = arith.cmpi eq, %and3A_426, %eq3A_427 : i32
            %convert_element_type3A_429 = arith.extui %eq3A_428 : i1 to i32
            %cond3A_430 = arith.constant 0 : i32
            %cond3A_431 = arith.cmpi ne, %convert_element_type3A_429, %cond3A_430 : i32
            scf.if %cond3A_431 {
              %add3A_433 = arith.constant 48 : i32
              %add3A_434 = arith.addi %add3A_433, %scan3A_423 : i32
              %swap3A = arith.index_cast %add3A_434 : i32 to index
              %swap3A_435 = arith.constant 0 : index
              %swap3A_436 = tpu.vector_load %arg11[%swap3A, %swap3A_435] {strides = array<i32>} : memref<64x256xf32, #tpu.memory_space<vmem>>, vector<16xf32>,
              tpu.vector_store %arg11[%swap3A, %swap3A_435], %broadcast_in_dim3A_6 {strides = array<i32>} : memref<64x256xf32, #tpu.memory_space<vmem>>, vector<16xf32>,
              %add3A_437 = arith.constant 48 : i32
              %add3A_438 = arith.addi %add3A_437, %scan3A_423 : i32
              %swap3A_439 = arith.index_cast %add3A_438 : i32 to index
              %swap3A_440 = arith.constant 16 : index
              %swap3A_441 = tpu.vector_load %arg11[%swap3A_439, %swap3A_440] {strides = array<i32>} : memref<64x256xf32, #tpu.memory_space<vmem>>, vector<16xf32>,
              tpu.vector_store %arg11[%swap3A_439, %swap3A_440], %broadcast_in_dim3A_6 {strides = array<i32>} : memref<64x256xf32, #tpu.memory_space<vmem>>, vector<16xf32>,
              %add3A_442 = arith.constant 48 : i32
              %add3A_443 = arith.addi %add3A_442, %scan3A_423 : i32
              %swap3A_444 = arith.index_cast %add3A_443 : i32 to index
              %swap3A_445 = arith.constant 32 : index
              %swap3A_446 = tpu.vector_load %arg11[%swap3A_444, %swap3A_445] {strides = array<i32>} : memref<64x256xf32, #tpu.memory_space<vmem>>, vector<16xf32>,
              tpu.vector_store %arg11[%swap3A_444, %swap3A_445], %broadcast_in_dim3A_6 {strides = array<i32>} : memref<64x256xf32, #tpu.memory_space<vmem>>, vector<16xf32>,
              %add3A_447 = arith.constant 48 : i32
              %add3A_448 = arith.addi %add3A_447, %scan3A_423 : i32
              %swap3A_449 = arith.index_cast %add3A_448 : i32 to index
              %swap3A_450 = arith.constant 48 : index
              %swap3A_451 = tpu.vector_load %arg11[%swap3A_449, %swap3A_450] {strides = array<i32>} : memref<64x256xf32, #tpu.memory_space<vmem>>, vector<16xf32>,
              tpu.vector_store %arg11[%swap3A_449, %swap3A_450], %broadcast_in_dim3A_6 {strides = array<i32>} : memref<64x256xf32, #tpu.memory_space<vmem>>, vector<16xf32>,
              %add3A_452 = arith.constant 48 : i32
              %add3A_453 = arith.addi %add3A_452, %scan3A_423 : i32
              %swap3A_454 = arith.index_cast %add3A_453 : i32 to index
              %swap3A_455 = arith.constant 64 : index
              %swap3A_456 = tpu.vector_load %arg11[%swap3A_454, %swap3A_455] {strides = array<i32>} : memref<64x256xf32, #tpu.memory_space<vmem>>, vector<16xf32>,
              tpu.vector_store %arg11[%swap3A_454, %swap3A_455], %broadcast_in_dim3A_6 {strides = array<i32>} : memref<64x256xf32, #tpu.memory_space<vmem>>, vector<16xf32>,
              %add3A_457 = arith.constant 48 : i32
              %add3A_458 = arith.addi %add3A_457, %scan3A_423 : i32
              %swap3A_459 = arith.index_cast %add3A_458 : i32 to index
              %swap3A_460 = arith.constant 80 : index
              %swap3A_461 = tpu.vector_load %arg11[%swap3A_459, %swap3A_460] {strides = array<i32>} : memref<64x256xf32, #tpu.memory_space<vmem>>, vector<16xf32>,
              tpu.vector_store %arg11[%swap3A_459, %swap3A_460], %broadcast_in_dim3A_6 {strides = array<i32>} : memref<64x256xf32, #tpu.memory_space<vmem>>, vector<16xf32>,
              %add3A_462 = arith.constant 48 : i32
              %add3A_463 = arith.addi %add3A_462, %scan3A_423 : i32
              %swap3A_464 = arith.index_cast %add3A_463 : i32 to index
              %swap3A_465 = arith.constant 96 : index
              %swap3A_466 = tpu.vector_load %arg11[%swap3A_464, %swap3A_465] {strides = array<i32>} : memref<64x256xf32, #tpu.memory_space<vmem>>, vector<16xf32>,
              tpu.vector_store %arg11[%swap3A_464, %swap3A_465], %broadcast_in_dim3A_6 {strides = array<i32>} : memref<64x256xf32, #tpu.memory_space<vmem>>, vector<16xf32>,
              %add3A_467 = arith.constant 48 : i32
              %add3A_468 = arith.addi %add3A_467, %scan3A_423 : i32
              %swap3A_469 = arith.index_cast %add3A_468 : i32 to index
              %swap3A_470 = arith.constant 112 : index
              %swap3A_471 = tpu.vector_load %arg11[%swap3A_469, %swap3A_470] {strides = array<i32>} : memref<64x256xf32, #tpu.memory_space<vmem>>, vector<16xf32>,
              tpu.vector_store %arg11[%swap3A_469, %swap3A_470], %broadcast_in_dim3A_6 {strides = array<i32>} : memref<64x256xf32, #tpu.memory_space<vmem>>, vector<16xf32>,
              %add3A_472 = arith.constant 48 : i32
              %add3A_473 = arith.addi %add3A_472, %scan3A_423 : i32
              %swap3A_474 = arith.index_cast %add3A_473 : i32 to index
              %swap3A_475 = arith.constant 128 : index
              %swap3A_476 = tpu.vector_load %arg11[%swap3A_474, %swap3A_475] {strides = array<i32>} : memref<64x256xf32, #tpu.memory_space<vmem>>, vector<16xf32>,
              tpu.vector_store %arg11[%swap3A_474, %swap3A_475], %broadcast_in_dim3A_6 {strides = array<i32>} : memref<64x256xf32, #tpu.memory_space<vmem>>, vector<16xf32>,
              %add3A_477 = arith.constant 48 : i32
              %add3A_478 = arith.addi %add3A_477, %scan3A_423 : i32
              %swap3A_479 = arith.index_cast %add3A_478 : i32 to index
              %swap3A_480 = arith.constant 144 : index
              %swap3A_481 = tpu.vector_load %arg11[%swap3A_479, %swap3A_480] {strides = array<i32>} : memref<64x256xf32, #tpu.memory_space<vmem>>, vector<16xf32>,
              tpu.vector_store %arg11[%swap3A_479, %swap3A_480], %broadcast_in_dim3A_6 {strides = array<i32>} : memref<64x256xf32, #tpu.memory_space<vmem>>, vector<16xf32>,
              %add3A_482 = arith.constant 48 : i32
              %add3A_483 = arith.addi %add3A_482, %scan3A_423 : i32
              %swap3A_484 = arith.index_cast %add3A_483 : i32 to index
              %swap3A_485 = arith.constant 160 : index
              %swap3A_486 = tpu.vector_load %arg11[%swap3A_484, %swap3A_485] {strides = array<i32>} : memref<64x256xf32, #tpu.memory_space<vmem>>, vector<16xf32>,
              tpu.vector_store %arg11[%swap3A_484, %swap3A_485], %broadcast_in_dim3A_6 {strides = array<i32>} : memref<64x256xf32, #tpu.memory_space<vmem>>, vector<16xf32>,
              %add3A_487 = arith.constant 48 : i32
              %add3A_488 = arith.addi %add3A_487, %scan3A_423 : i32
              %swap3A_489 = arith.index_cast %add3A_488 : i32 to index
              %swap3A_490 = arith.constant 176 : index
              %swap3A_491 = tpu.vector_load %arg11[%swap3A_489, %swap3A_490] {strides = array<i32>} : memref<64x256xf32, #tpu.memory_space<vmem>>, vector<16xf32>,
              tpu.vector_store %arg11[%swap3A_489, %swap3A_490], %broadcast_in_dim3A_6 {strides = array<i32>} : memref<64x256xf32, #tpu.memory_space<vmem>>, vector<16xf32>,
              %add3A_492 = arith.constant 48 : i32
              %add3A_493 = arith.addi %add3A_492, %scan3A_423 : i32
              %swap3A_494 = arith.index_cast %add3A_493 : i32 to index
              %swap3A_495 = arith.constant 192 : index
              %swap3A_496 = tpu.vector_load %arg11[%swap3A_494, %swap3A_495] {strides = array<i32>} : memref<64x256xf32, #tpu.memory_space<vmem>>, vector<16xf32>,
              tpu.vector_store %arg11[%swap3A_494, %swap3A_495], %broadcast_in_dim3A_6 {strides = array<i32>} : memref<64x256xf32, #tpu.memory_space<vmem>>, vector<16xf32>,
              %add3A_497 = arith.constant 48 : i32
              %add3A_498 = arith.addi %add3A_497, %scan3A_423 : i32
              %swap3A_499 = arith.index_cast %add3A_498 : i32 to index
              %swap3A_500 = arith.constant 208 : index
              %swap3A_501 = tpu.vector_load %arg11[%swap3A_499, %swap3A_500] {strides = array<i32>} : memref<64x256xf32, #tpu.memory_space<vmem>>, vector<16xf32>,
              tpu.vector_store %arg11[%swap3A_499, %swap3A_500], %broadcast_in_dim3A_6 {strides = array<i32>} : memref<64x256xf32, #tpu.memory_space<vmem>>, vector<16xf32>,
              %add3A_502 = arith.constant 48 : i32
              %add3A_503 = arith.addi %add3A_502, %scan3A_423 : i32
              %swap3A_504 = arith.index_cast %add3A_503 : i32 to index
              %swap3A_505 = arith.constant 224 : index
              %swap3A_506 = tpu.vector_load %arg11[%swap3A_504, %swap3A_505] {strides = array<i32>} : memref<64x256xf32, #tpu.memory_space<vmem>>, vector<16xf32>,
              tpu.vector_store %arg11[%swap3A_504, %swap3A_505], %broadcast_in_dim3A_6 {strides = array<i32>} : memref<64x256xf32, #tpu.memory_space<vmem>>, vector<16xf32>,
              %add3A_507 = arith.constant 48 : i32
              %add3A_508 = arith.addi %add3A_507, %scan3A_423 : i32
              %swap3A_509 = arith.index_cast %add3A_508 : i32 to index
              %swap3A_510 = arith.constant 240 : index
              %swap3A_511 = tpu.vector_load %arg11[%swap3A_509, %swap3A_510] {strides = array<i32>} : memref<64x256xf32, #tpu.memory_space<vmem>>, vector<16xf32>,
              tpu.vector_store %arg11[%swap3A_509, %swap3A_510], %broadcast_in_dim3A_6 {strides = array<i32>} : memref<64x256xf32, #tpu.memory_space<vmem>>, vector<16xf32>,
            } else {
            }
            %scan3A_432 = arith.constant 0 : i32
            scf.yield %scan3A_432 : i32
          }
          %scan3A_422 = arith.constant 16 : i32
        } else {
        }
        %mul3A_369 = arith.constant 64 : i32
        %mul3A_370 = arith.muli %add3A_233, %mul3A_369 : i32
        %add3A_371 = arith.addi %mul3A_2, %mul3A_370 : i32
        %jit3A_372 = arith.constant 2 : i32
        %div3A_373 = arith.divsi %add3A_371, %jit3A_372 : i32
        %sign3A_374 = arith.constant 0 : i32
        %sign3A_375 = arith.cmpi sgt, %add3A_371, %sign3A_374 : i32
        %sign3A_376 = arith.extui %sign3A_375 : i1 to i32
        %sign3A_377 = arith.constant 0 : i32
        %sign3A_378 = arith.cmpi slt, %add3A_371, %sign3A_377 : i32
        %sign3A_379 = arith.extui %sign3A_378 : i1 to i32
        %sign3A_380 = arith.subi %sign3A_376, %sign3A_379 : i32
        %sign3A_381 = arith.constant 0 : i32
        %sign3A_382 = arith.cmpi sgt, %jit3A_372, %sign3A_381 : i32
        %sign3A_383 = arith.extui %sign3A_382 : i1 to i32
        %sign3A_384 = arith.constant 0 : i32
        %sign3A_385 = arith.cmpi slt, %jit3A_372, %sign3A_384 : i32
        %sign3A_386 = arith.extui %sign3A_385 : i1 to i32
        %sign3A_387 = arith.subi %sign3A_383, %sign3A_386 : i32
        %ne3A_388 = arith.cmpi ne, %sign3A_380, %sign3A_387 : i32
        %rem3A_389 = arith.remsi %add3A_371, %jit3A_372 : i32
        %ne3A_390 = arith.constant 0 : i32
        %ne3A_391 = arith.cmpi ne, %rem3A_389, %ne3A_390 : i32
        %and3A_392 = arith.andi %ne3A_388, %ne3A_391 : i1
        %sub3A_393 = arith.constant 1 : i32
        %sub3A_394 = arith.subi %div3A_373, %sub3A_393 : i32
        %select_n3A_395 = arith.select %and3A_392, %sub3A_394, %div3A_373 : i32
        %multiple_of3A = tpu.assume_multiple %select_n3A_395, 8 : i32
        %dma_start3A_396 = arith.constant 0 : i32
        %dma_start3A_397 = arith.constant 0 : i32
        %dma_start3A_398 = tpu.memref_slice %arg11[%dma_start3A_396, %dma_start3A_397] : memref<64x256xf32, #tpu.memory_space<vmem>> -> memref<32x256xf32, #tpu.memory_space<vmem>>
        %dma_start3A_399 = arith.constant 0 : i32
        %dma_start3A_400 = tpu.memref_slice %arg4[%multiple_of3A, %dma_start3A_399] : memref<100000x512xf32, #tpu.memory_space<hbm>> -> memref<32x256xf32, #tpu.memory_space<hbm>>
        %dma_start3A_401 = arith.constant 0 : i32
        %dma_start3A_402 = tpu.memref_slice %arg4[%multiple_of3A, %dma_start3A_401] : memref<100000x512xf32, #tpu.memory_space<hbm>> -> memref<32x256xf32, #tpu.memory_space<hbm>>
        %dma_start3A_403 = arith.constant 0 : i32
        %dma_start3A_404 = arith.constant 0 : i32
        %dma_start3A_405 = tpu.memref_slice %arg11[%dma_start3A_403, %dma_start3A_404] : memref<64x256xf32, #tpu.memory_space<vmem>> -> memref<32x256xf32, #tpu.memory_space<vmem>>
        tpu.enqueue_dma source(%dma_start3A_405 : memref<32x256xf32, #tpu.memory_space<vmem>>) target(%dma_start3A_402 : memref<32x256xf32, #tpu.memory_space<hbm>>) target_semaphore(%arg23 : memref<!tpu.dma_semaphore, #tpu.memory_space<semaphore_mem>>)
        %dma_start3A_406 = arith.constant 32 : i32
        %dma_start3A_407 = arith.constant 0 : i32
        %dma_start3A_408 = tpu.memref_slice %arg11[%dma_start3A_406, %dma_start3A_407] : memref<64x256xf32, #tpu.memory_space<vmem>> -> memref<32x256xf32, #tpu.memory_space<vmem>>
        %dma_start3A_409 = arith.constant 256 : i32
        %dma_start3A_410 = tpu.memref_slice %arg4[%multiple_of3A, %dma_start3A_409] : memref<100000x512xf32, #tpu.memory_space<hbm>> -> memref<32x256xf32, #tpu.memory_space<hbm>>
        %dma_start3A_411 = arith.constant 256 : i32
        %dma_start3A_412 = tpu.memref_slice %arg4[%multiple_of3A, %dma_start3A_411] : memref<100000x512xf32, #tpu.memory_space<hbm>> -> memref<32x256xf32, #tpu.memory_space<hbm>>
        %dma_start3A_413 = arith.constant 32 : i32
        %dma_start3A_414 = arith.constant 0 : i32
        %dma_start3A_415 = tpu.memref_slice %arg11[%dma_start3A_413, %dma_start3A_414] : memref<64x256xf32, #tpu.memory_space<vmem>> -> memref<32x256xf32, #tpu.memory_space<vmem>>
        tpu.enqueue_dma source(%dma_start3A_415 : memref<32x256xf32, #tpu.memory_space<vmem>>) target(%dma_start3A_412 : memref<32x256xf32, #tpu.memory_space<hbm>>) target_semaphore(%arg23 : memref<!tpu.dma_semaphore, #tpu.memory_space<semaphore_mem>>)
      } else {
      }
      %mul3A_238 = arith.constant 5 : i32
      %mul3A_239 = arith.muli %scan3A_222, %mul3A_238 : i32
      %add3A_240 = arith.constant 2 : i32
      %add3A_241 = arith.addi %mul3A_239, %add3A_240 : i32
      %lt3A_242 = arith.cmpi slt, %add3A_241, %select_n3A_75 : i32
      %convert_element_type3A_243 = arith.extui %lt3A_242 : i1 to i32
      %cond3A_244 = arith.constant 0 : i32
      %cond3A_245 = arith.cmpi ne, %convert_element_type3A_243, %cond3A_244 : i32
      scf.if %cond3A_245 {
        %dma_wait3A_263 = arith.constant 0 : i32
        %dma_wait3A_264 = tpu.memref_slice %arg8[%dma_wait3A_263] : memref<6272xi32, #tpu.memory_space<vmem>> -> memref<64xi32, #tpu.memory_space<vmem>>
        %dma_wait3A_265 = arith.constant 0 : i32
        %dma_wait3A_266 = arith.constant 0 : i32
        %dma_wait3A_267 = tpu.memref_slice %arg3[%dma_wait3A_265, %dma_wait3A_266] : memref<200000x256xf32, #tpu.memory_space<hbm>> -> memref<200000x256xf32, #tpu.memory_space<hbm>>
        tpu.wait_indirect_dma semaphore(%arg19 : memref<!tpu.dma_semaphore, #tpu.memory_space<semaphore_mem>>) src(%dma_wait3A_267 : memref<200000x256xf32, #tpu.memory_space<hbm>>) dst(%arg12 : memref<64x256xf32, #tpu.memory_space<vmem>>)
        %add3A_268 = arith.constant 5 : i32
        %add3A_269 = arith.addi %add3A_241, %add3A_268 : i32
        %sub3A_270 = arith.constant 1 : i32
        %sub3A_271 = arith.subi %add3A_269, %sub3A_270 : i32
        %lt3A_272 = arith.cmpi slt, %sub3A_271, %select_n3A_75 : i32
        %convert_element_type3A_273 = arith.extui %lt3A_272 : i1 to i32
        %cond3A_274 = arith.constant 0 : i32
        %cond3A_275 = arith.cmpi ne, %convert_element_type3A_273, %cond3A_274 : i32
        scf.if %cond3A_275 {
          %ge3A = arith.constant 1 : i32
          %ge3A_416 = arith.cmpi sge, %add3A_241, %ge3A : i32
          %convert_element_type3A_417 = arith.extui %ge3A_416 : i1 to i32
          %cond3A_418 = arith.constant 0 : i32
          %cond3A_419 = arith.cmpi ne, %convert_element_type3A_417, %cond3A_418 : i32
          scf.if %cond3A_419 {
            %dma_wait3A_430 = arith.constant 0 : i32
            %dma_wait3A_431 = arith.constant 0 : i32
            %dma_wait3A_432 = tpu.memref_slice %arg11[%dma_wait3A_430, %dma_wait3A_431] : memref<64x256xf32, #tpu.memory_space<vmem>> -> memref<32x256xf32, #tpu.memory_space<vmem>>
            %dma_wait3A_433 = arith.constant 0 : i32
            %dma_wait3A_434 = arith.constant 0 : i32
            %dma_wait3A_435 = tpu.memref_slice %arg4[%dma_wait3A_433, %dma_wait3A_434] : memref<100000x512xf32, #tpu.memory_space<hbm>> -> memref<32x256xf32, #tpu.memory_space<hbm>>
            %dma_wait3A_436 = arith.constant 0 : i32
            %dma_wait3A_437 = arith.constant 0 : i32
            %dma_wait3A_438 = tpu.memref_slice %arg4[%dma_wait3A_436, %dma_wait3A_437] : memref<100000x512xf32, #tpu.memory_space<hbm>> -> memref<32x256xf32, #tpu.memory_space<hbm>>
            %dma_wait3A_439 = arith.constant 0 : i32
            %dma_wait3A_440 = arith.constant 0 : i32
            %dma_wait3A_441 = tpu.memref_slice %arg11[%dma_wait3A_439, %dma_wait3A_440] : memref<64x256xf32, #tpu.memory_space<vmem>> -> memref<32x256xf32, #tpu.memory_space<vmem>>
            tpu.wait_dma2 semaphore(%arg23 : memref<!tpu.dma_semaphore, #tpu.memory_space<semaphore_mem>>) src(%dma_wait3A_441 : memref<32x256xf32, #tpu.memory_space<vmem>>) dst(%dma_wait3A_438 : memref<32x256xf32, #tpu.memory_space<hbm>>)
            %dma_wait3A_442 = arith.constant 0 : i32
            %dma_wait3A_443 = arith.constant 0 : i32
            %dma_wait3A_444 = tpu.memref_slice %arg11[%dma_wait3A_442, %dma_wait3A_443] : memref<64x256xf32, #tpu.memory_space<vmem>> -> memref<32x256xf32, #tpu.memory_space<vmem>>
            %dma_wait3A_445 = arith.constant 0 : i32
            %dma_wait3A_446 = arith.constant 0 : i32
            %dma_wait3A_447 = tpu.memref_slice %arg4[%dma_wait3A_445, %dma_wait3A_446] : memref<100000x512xf32, #tpu.memory_space<hbm>> -> memref<32x256xf32, #tpu.memory_space<hbm>>
            %dma_wait3A_448 = arith.constant 0 : i32
            %dma_wait3A_449 = arith.constant 0 : i32
            %dma_wait3A_450 = tpu.memref_slice %arg4[%dma_wait3A_448, %dma_wait3A_449] : memref<100000x512xf32, #tpu.memory_space<hbm>> -> memref<32x256xf32, #tpu.memory_space<hbm>>
            %dma_wait3A_451 = arith.constant 0 : i32
            %dma_wait3A_452 = arith.constant 0 : i32
            %dma_wait3A_453 = tpu.memref_slice %arg11[%dma_wait3A_451, %dma_wait3A_452] : memref<64x256xf32, #tpu.memory_space<vmem>> -> memref<32x256xf32, #tpu.memory_space<vmem>>
            tpu.wait_dma2 semaphore(%arg23 : memref<!tpu.dma_semaphore, #tpu.memory_space<semaphore_mem>>) src(%dma_wait3A_453 : memref<32x256xf32, #tpu.memory_space<vmem>>) dst(%dma_wait3A_450 : memref<32x256xf32, #tpu.memory_space<hbm>>)
          } else {
          }
          %add3A_420 = arith.constant 5 : i32
          %add3A_421 = arith.addi %add3A_241, %add3A_420 : i32
          %sub3A_422 = arith.constant 1 : i32
          %sub3A_423 = arith.subi %add3A_421, %sub3A_422 : i32
          %mul3A_424 = arith.constant 64 : i32
          %mul3A_425 = arith.muli %sub3A_423, %mul3A_424 : i32
          %dma_start3A_426 = tpu.memref_slice %arg8[%mul3A_425] : memref<6272xi32, #tpu.memory_space<vmem>> -> memref<64xi32, #tpu.memory_space<vmem>>
          %dma_start3A_427 = arith.constant 0 : i32
          %dma_start3A_428 = arith.constant 0 : i32
          %dma_start3A_429 = tpu.memref_slice %arg3[%dma_start3A_427, %dma_start3A_428] : memref<200000x256xf32, #tpu.memory_space<hbm>> -> memref<200000x256xf32, #tpu.memory_space<hbm>>
          tpu.enqueue_indirect_dma source(%dma_start3A_429 : memref<200000x256xf32, #tpu.memory_space<hbm>>) target(%arg11 : memref<64x256xf32, #tpu.memory_space<vmem>>) offsets(%dma_start3A_426 : memref<64xi32, #tpu.memory_space<vmem>>) semaphore(%arg18 : memref<!tpu.dma_semaphore, #tpu.memory_space<semaphore_mem>>)
        } else {
        }
        %mul3A_276 = arith.constant 64 : i32
        %mul3A_277 = arith.muli %add3A_241, %mul3A_276 : i32
        %add3A_278 = arith.constant 0 : i32
        %add3A_279 = arith.addi %mul3A_277, %add3A_278 : i32
        %get3A = arith.index_cast %add3A_279 : i32 to index
        %get3A_280 = tpu.vector_load %arg9[%get3A] {strides = array<i32>} : memref<6272xi32, #tpu.memory_space<vmem>>, vector<16xi32>,
        %lt3A_281 = arith.constant 0 : i32
        %lt3A_282 = vector.broadcast %lt3A_281 : i32 to vector<16xi32>
        %lt3A_283 = arith.cmpi slt, %get3A_280, %lt3A_282 : vector<16xi32>
        %jit3A_284 = arith.constant 1 : i32
        %jit3A_285 = arith.constant 0 : i32
        %broadcast_in_dim3A_286 = vector.broadcast %jit3A_284 : i32 to vector<16xi32>
        %broadcast_in_dim3A_287 = vector.broadcast %jit3A_285 : i32 to vector<16xi32>
        %select_n3A_288 = arith.select %lt3A_283, %broadcast_in_dim3A_286, %broadcast_in_dim3A_287 : vector<16xi1>, vector<16xi32>
        %shift_left3A = arith.shli %select_n3A_288, %iota3A : vector<16xi32>
        %reduce_sum3A = arith.constant true
        %reduce_sum3A_289 = vector.broadcast %reduce_sum3A : i1 to vector<16xi1>
        %reduce_sum3A_290 = tpu.scan <sum>, %shift_left3A masked %reduce_sum3A_289 : vector<16xi32>, vector<16xi1> -> vector<16xi32>
        %reduce_sum3A_291 = vector.extract %reduce_sum3A_290[15] : i32 from vector<16xi32>
        %ne3A_292 = arith.constant 0 : i32
        %ne3A_293 = arith.cmpi ne, %reduce_sum3A_291, %ne3A_292 : i32
        %convert_element_type3A_294 = arith.extui %ne3A_293 : i1 to i32
        %cond3A_295 = arith.constant 0 : i32
        %cond3A_296 = arith.cmpi ne, %convert_element_type3A_294, %cond3A_295 : i32
        scf.if %cond3A_296 {
          %scan3A_416 = arith.constant 0 : i32
          %scan3A_417 = arith.constant 0 : i32
          %scan3A_418 = arith.constant 16 : i32
          %scan3A_419 = arith.addi %scan3A_417, %scan3A_418 : i32
          %scan3A_420 = arith.constant 1 : i32
          %scan3A_421 = scf.for %scan3A_423 = %scan3A_417 to %scan3A_419 step %scan3A_420 iter_args(%scan3A_424 = %scan3A_416) -> (i32)  : i32 {
            %shift_right_arithmetic3A = arith.shrsi %reduce_sum3A_291, %scan3A_423 : i32
            %and3A_425 = arith.constant 1 : i32
            %and3A_426 = arith.andi %shift_right_arithmetic3A, %and3A_425 : i32
            %eq3A_427 = arith.constant 1 : i32
            %eq3A_428 = arith.cmpi eq, %and3A_426, %eq3A_427 : i32
            %convert_element_type3A_429 = arith.extui %eq3A_428 : i1 to i32
            %cond3A_430 = arith.constant 0 : i32
            %cond3A_431 = arith.cmpi ne, %convert_element_type3A_429, %cond3A_430 : i32
            scf.if %cond3A_431 {
              %add3A_433 = arith.constant 0 : i32
              %add3A_434 = arith.addi %add3A_433, %scan3A_423 : i32
              %swap3A = arith.index_cast %add3A_434 : i32 to index
              %swap3A_435 = arith.constant 0 : index
              %swap3A_436 = tpu.vector_load %arg12[%swap3A, %swap3A_435] {strides = array<i32>} : memref<64x256xf32, #tpu.memory_space<vmem>>, vector<16xf32>,
              tpu.vector_store %arg12[%swap3A, %swap3A_435], %broadcast_in_dim3A_6 {strides = array<i32>} : memref<64x256xf32, #tpu.memory_space<vmem>>, vector<16xf32>,
              %add3A_437 = arith.constant 0 : i32
              %add3A_438 = arith.addi %add3A_437, %scan3A_423 : i32
              %swap3A_439 = arith.index_cast %add3A_438 : i32 to index
              %swap3A_440 = arith.constant 16 : index
              %swap3A_441 = tpu.vector_load %arg12[%swap3A_439, %swap3A_440] {strides = array<i32>} : memref<64x256xf32, #tpu.memory_space<vmem>>, vector<16xf32>,
              tpu.vector_store %arg12[%swap3A_439, %swap3A_440], %broadcast_in_dim3A_6 {strides = array<i32>} : memref<64x256xf32, #tpu.memory_space<vmem>>, vector<16xf32>,
              %add3A_442 = arith.constant 0 : i32
              %add3A_443 = arith.addi %add3A_442, %scan3A_423 : i32
              %swap3A_444 = arith.index_cast %add3A_443 : i32 to index
              %swap3A_445 = arith.constant 32 : index
              %swap3A_446 = tpu.vector_load %arg12[%swap3A_444, %swap3A_445] {strides = array<i32>} : memref<64x256xf32, #tpu.memory_space<vmem>>, vector<16xf32>,
              tpu.vector_store %arg12[%swap3A_444, %swap3A_445], %broadcast_in_dim3A_6 {strides = array<i32>} : memref<64x256xf32, #tpu.memory_space<vmem>>, vector<16xf32>,
              %add3A_447 = arith.constant 0 : i32
              %add3A_448 = arith.addi %add3A_447, %scan3A_423 : i32
              %swap3A_449 = arith.index_cast %add3A_448 : i32 to index
              %swap3A_450 = arith.constant 48 : index
              %swap3A_451 = tpu.vector_load %arg12[%swap3A_449, %swap3A_450] {strides = array<i32>} : memref<64x256xf32, #tpu.memory_space<vmem>>, vector<16xf32>,
              tpu.vector_store %arg12[%swap3A_449, %swap3A_450], %broadcast_in_dim3A_6 {strides = array<i32>} : memref<64x256xf32, #tpu.memory_space<vmem>>, vector<16xf32>,
              %add3A_452 = arith.constant 0 : i32
              %add3A_453 = arith.addi %add3A_452, %scan3A_423 : i32
              %swap3A_454 = arith.index_cast %add3A_453 : i32 to index
              %swap3A_455 = arith.constant 64 : index
              %swap3A_456 = tpu.vector_load %arg12[%swap3A_454, %swap3A_455] {strides = array<i32>} : memref<64x256xf32, #tpu.memory_space<vmem>>, vector<16xf32>,
              tpu.vector_store %arg12[%swap3A_454, %swap3A_455], %broadcast_in_dim3A_6 {strides = array<i32>} : memref<64x256xf32, #tpu.memory_space<vmem>>, vector<16xf32>,
              %add3A_457 = arith.constant 0 : i32
              %add3A_458 = arith.addi %add3A_457, %scan3A_423 : i32
              %swap3A_459 = arith.index_cast %add3A_458 : i32 to index
              %swap3A_460 = arith.constant 80 : index
              %swap3A_461 = tpu.vector_load %arg12[%swap3A_459, %swap3A_460] {strides = array<i32>} : memref<64x256xf32, #tpu.memory_space<vmem>>, vector<16xf32>,
              tpu.vector_store %arg12[%swap3A_459, %swap3A_460], %broadcast_in_dim3A_6 {strides = array<i32>} : memref<64x256xf32, #tpu.memory_space<vmem>>, vector<16xf32>,
              %add3A_462 = arith.constant 0 : i32
              %add3A_463 = arith.addi %add3A_462, %scan3A_423 : i32
              %swap3A_464 = arith.index_cast %add3A_463 : i32 to index
              %swap3A_465 = arith.constant 96 : index
              %swap3A_466 = tpu.vector_load %arg12[%swap3A_464, %swap3A_465] {strides = array<i32>} : memref<64x256xf32, #tpu.memory_space<vmem>>, vector<16xf32>,
              tpu.vector_store %arg12[%swap3A_464, %swap3A_465], %broadcast_in_dim3A_6 {strides = array<i32>} : memref<64x256xf32, #tpu.memory_space<vmem>>, vector<16xf32>,
              %add3A_467 = arith.constant 0 : i32
              %add3A_468 = arith.addi %add3A_467, %scan3A_423 : i32
              %swap3A_469 = arith.index_cast %add3A_468 : i32 to index
              %swap3A_470 = arith.constant 112 : index
              %swap3A_471 = tpu.vector_load %arg12[%swap3A_469, %swap3A_470] {strides = array<i32>} : memref<64x256xf32, #tpu.memory_space<vmem>>, vector<16xf32>,
              tpu.vector_store %arg12[%swap3A_469, %swap3A_470], %broadcast_in_dim3A_6 {strides = array<i32>} : memref<64x256xf32, #tpu.memory_space<vmem>>, vector<16xf32>,
              %add3A_472 = arith.constant 0 : i32
              %add3A_473 = arith.addi %add3A_472, %scan3A_423 : i32
              %swap3A_474 = arith.index_cast %add3A_473 : i32 to index
              %swap3A_475 = arith.constant 128 : index
              %swap3A_476 = tpu.vector_load %arg12[%swap3A_474, %swap3A_475] {strides = array<i32>} : memref<64x256xf32, #tpu.memory_space<vmem>>, vector<16xf32>,
              tpu.vector_store %arg12[%swap3A_474, %swap3A_475], %broadcast_in_dim3A_6 {strides = array<i32>} : memref<64x256xf32, #tpu.memory_space<vmem>>, vector<16xf32>,
              %add3A_477 = arith.constant 0 : i32
              %add3A_478 = arith.addi %add3A_477, %scan3A_423 : i32
              %swap3A_479 = arith.index_cast %add3A_478 : i32 to index
              %swap3A_480 = arith.constant 144 : index
              %swap3A_481 = tpu.vector_load %arg12[%swap3A_479, %swap3A_480] {strides = array<i32>} : memref<64x256xf32, #tpu.memory_space<vmem>>, vector<16xf32>,
              tpu.vector_store %arg12[%swap3A_479, %swap3A_480], %broadcast_in_dim3A_6 {strides = array<i32>} : memref<64x256xf32, #tpu.memory_space<vmem>>, vector<16xf32>,
              %add3A_482 = arith.constant 0 : i32
              %add3A_483 = arith.addi %add3A_482, %scan3A_423 : i32
              %swap3A_484 = arith.index_cast %add3A_483 : i32 to index
              %swap3A_485 = arith.constant 160 : index
              %swap3A_486 = tpu.vector_load %arg12[%swap3A_484, %swap3A_485] {strides = array<i32>} : memref<64x256xf32, #tpu.memory_space<vmem>>, vector<16xf32>,
              tpu.vector_store %arg12[%swap3A_484, %swap3A_485], %broadcast_in_dim3A_6 {strides = array<i32>} : memref<64x256xf32, #tpu.memory_space<vmem>>, vector<16xf32>,
              %add3A_487 = arith.constant 0 : i32
              %add3A_488 = arith.addi %add3A_487, %scan3A_423 : i32
              %swap3A_489 = arith.index_cast %add3A_488 : i32 to index
              %swap3A_490 = arith.constant 176 : index
              %swap3A_491 = tpu.vector_load %arg12[%swap3A_489, %swap3A_490] {strides = array<i32>} : memref<64x256xf32, #tpu.memory_space<vmem>>, vector<16xf32>,
              tpu.vector_store %arg12[%swap3A_489, %swap3A_490], %broadcast_in_dim3A_6 {strides = array<i32>} : memref<64x256xf32, #tpu.memory_space<vmem>>, vector<16xf32>,
              %add3A_492 = arith.constant 0 : i32
              %add3A_493 = arith.addi %add3A_492, %scan3A_423 : i32
              %swap3A_494 = arith.index_cast %add3A_493 : i32 to index
              %swap3A_495 = arith.constant 192 : index
              %swap3A_496 = tpu.vector_load %arg12[%swap3A_494, %swap3A_495] {strides = array<i32>} : memref<64x256xf32, #tpu.memory_space<vmem>>, vector<16xf32>,
              tpu.vector_store %arg12[%swap3A_494, %swap3A_495], %broadcast_in_dim3A_6 {strides = array<i32>} : memref<64x256xf32, #tpu.memory_space<vmem>>, vector<16xf32>,
              %add3A_497 = arith.constant 0 : i32
              %add3A_498 = arith.addi %add3A_497, %scan3A_423 : i32
              %swap3A_499 = arith.index_cast %add3A_498 : i32 to index
              %swap3A_500 = arith.constant 208 : index
              %swap3A_501 = tpu.vector_load %arg12[%swap3A_499, %swap3A_500] {strides = array<i32>} : memref<64x256xf32, #tpu.memory_space<vmem>>, vector<16xf32>,
              tpu.vector_store %arg12[%swap3A_499, %swap3A_500], %broadcast_in_dim3A_6 {strides = array<i32>} : memref<64x256xf32, #tpu.memory_space<vmem>>, vector<16xf32>,
              %add3A_502 = arith.constant 0 : i32
              %add3A_503 = arith.addi %add3A_502, %scan3A_423 : i32
              %swap3A_504 = arith.index_cast %add3A_503 : i32 to index
              %swap3A_505 = arith.constant 224 : index
              %swap3A_506 = tpu.vector_load %arg12[%swap3A_504, %swap3A_505] {strides = array<i32>} : memref<64x256xf32, #tpu.memory_space<vmem>>, vector<16xf32>,
              tpu.vector_store %arg12[%swap3A_504, %swap3A_505], %broadcast_in_dim3A_6 {strides = array<i32>} : memref<64x256xf32, #tpu.memory_space<vmem>>, vector<16xf32>,
              %add3A_507 = arith.constant 0 : i32
              %add3A_508 = arith.addi %add3A_507, %scan3A_423 : i32
              %swap3A_509 = arith.index_cast %add3A_508 : i32 to index
              %swap3A_510 = arith.constant 240 : index
              %swap3A_511 = tpu.vector_load %arg12[%swap3A_509, %swap3A_510] {strides = array<i32>} : memref<64x256xf32, #tpu.memory_space<vmem>>, vector<16xf32>,
              tpu.vector_store %arg12[%swap3A_509, %swap3A_510], %broadcast_in_dim3A_6 {strides = array<i32>} : memref<64x256xf32, #tpu.memory_space<vmem>>, vector<16xf32>,
            } else {
            }
            %scan3A_432 = arith.constant 0 : i32
            scf.yield %scan3A_432 : i32
          }
          %scan3A_422 = arith.constant 16 : i32
        } else {
        }
        %mul3A_297 = arith.constant 64 : i32
        %mul3A_298 = arith.muli %add3A_241, %mul3A_297 : i32
        %add3A_299 = arith.constant 16 : i32
        %add3A_300 = arith.addi %mul3A_298, %add3A_299 : i32
        %get3A_301 = arith.index_cast %add3A_300 : i32 to index
        %get3A_302 = tpu.vector_load %arg9[%get3A_301] {strides = array<i32>} : memref<6272xi32, #tpu.memory_space<vmem>>, vector<16xi32>,
        %lt3A_303 = arith.constant 0 : i32
        %lt3A_304 = vector.broadcast %lt3A_303 : i32 to vector<16xi32>
        %lt3A_305 = arith.cmpi slt, %get3A_302, %lt3A_304 : vector<16xi32>
        %jit3A_306 = arith.constant 1 : i32
        %jit3A_307 = arith.constant 0 : i32
        %broadcast_in_dim3A_308 = vector.broadcast %jit3A_306 : i32 to vector<16xi32>
        %broadcast_in_dim3A_309 = vector.broadcast %jit3A_307 : i32 to vector<16xi32>
        %select_n3A_310 = arith.select %lt3A_305, %broadcast_in_dim3A_308, %broadcast_in_dim3A_309 : vector<16xi1>, vector<16xi32>
        %shift_left3A_311 = arith.shli %select_n3A_310, %iota3A : vector<16xi32>
        %reduce_sum3A_312 = arith.constant true
        %reduce_sum3A_313 = vector.broadcast %reduce_sum3A_312 : i1 to vector<16xi1>
        %reduce_sum3A_314 = tpu.scan <sum>, %shift_left3A_311 masked %reduce_sum3A_313 : vector<16xi32>, vector<16xi1> -> vector<16xi32>
        %reduce_sum3A_315 = vector.extract %reduce_sum3A_314[15] : i32 from vector<16xi32>
        %ne3A_316 = arith.constant 0 : i32
        %ne3A_317 = arith.cmpi ne, %reduce_sum3A_315, %ne3A_316 : i32
        %convert_element_type3A_318 = arith.extui %ne3A_317 : i1 to i32
        %cond3A_319 = arith.constant 0 : i32
        %cond3A_320 = arith.cmpi ne, %convert_element_type3A_318, %cond3A_319 : i32
        scf.if %cond3A_320 {
          %scan3A_416 = arith.constant 0 : i32
          %scan3A_417 = arith.constant 0 : i32
          %scan3A_418 = arith.constant 16 : i32
          %scan3A_419 = arith.addi %scan3A_417, %scan3A_418 : i32
          %scan3A_420 = arith.constant 1 : i32
          %scan3A_421 = scf.for %scan3A_423 = %scan3A_417 to %scan3A_419 step %scan3A_420 iter_args(%scan3A_424 = %scan3A_416) -> (i32)  : i32 {
            %shift_right_arithmetic3A = arith.shrsi %reduce_sum3A_315, %scan3A_423 : i32
            %and3A_425 = arith.constant 1 : i32
            %and3A_426 = arith.andi %shift_right_arithmetic3A, %and3A_425 : i32
            %eq3A_427 = arith.constant 1 : i32
            %eq3A_428 = arith.cmpi eq, %and3A_426, %eq3A_427 : i32
            %convert_element_type3A_429 = arith.extui %eq3A_428 : i1 to i32
            %cond3A_430 = arith.constant 0 : i32
            %cond3A_431 = arith.cmpi ne, %convert_element_type3A_429, %cond3A_430 : i32
            scf.if %cond3A_431 {
              %add3A_433 = arith.constant 16 : i32
              %add3A_434 = arith.addi %add3A_433, %scan3A_423 : i32
              %swap3A = arith.index_cast %add3A_434 : i32 to index
              %swap3A_435 = arith.constant 0 : index
              %swap3A_436 = tpu.vector_load %arg12[%swap3A, %swap3A_435] {strides = array<i32>} : memref<64x256xf32, #tpu.memory_space<vmem>>, vector<16xf32>,
              tpu.vector_store %arg12[%swap3A, %swap3A_435], %broadcast_in_dim3A_6 {strides = array<i32>} : memref<64x256xf32, #tpu.memory_space<vmem>>, vector<16xf32>,
              %add3A_437 = arith.constant 16 : i32
              %add3A_438 = arith.addi %add3A_437, %scan3A_423 : i32
              %swap3A_439 = arith.index_cast %add3A_438 : i32 to index
              %swap3A_440 = arith.constant 16 : index
              %swap3A_441 = tpu.vector_load %arg12[%swap3A_439, %swap3A_440] {strides = array<i32>} : memref<64x256xf32, #tpu.memory_space<vmem>>, vector<16xf32>,
              tpu.vector_store %arg12[%swap3A_439, %swap3A_440], %broadcast_in_dim3A_6 {strides = array<i32>} : memref<64x256xf32, #tpu.memory_space<vmem>>, vector<16xf32>,
              %add3A_442 = arith.constant 16 : i32
              %add3A_443 = arith.addi %add3A_442, %scan3A_423 : i32
              %swap3A_444 = arith.index_cast %add3A_443 : i32 to index
              %swap3A_445 = arith.constant 32 : index
              %swap3A_446 = tpu.vector_load %arg12[%swap3A_444, %swap3A_445] {strides = array<i32>} : memref<64x256xf32, #tpu.memory_space<vmem>>, vector<16xf32>,
              tpu.vector_store %arg12[%swap3A_444, %swap3A_445], %broadcast_in_dim3A_6 {strides = array<i32>} : memref<64x256xf32, #tpu.memory_space<vmem>>, vector<16xf32>,
              %add3A_447 = arith.constant 16 : i32
              %add3A_448 = arith.addi %add3A_447, %scan3A_423 : i32
              %swap3A_449 = arith.index_cast %add3A_448 : i32 to index
              %swap3A_450 = arith.constant 48 : index
              %swap3A_451 = tpu.vector_load %arg12[%swap3A_449, %swap3A_450] {strides = array<i32>} : memref<64x256xf32, #tpu.memory_space<vmem>>, vector<16xf32>,
              tpu.vector_store %arg12[%swap3A_449, %swap3A_450], %broadcast_in_dim3A_6 {strides = array<i32>} : memref<64x256xf32, #tpu.memory_space<vmem>>, vector<16xf32>,
              %add3A_452 = arith.constant 16 : i32
              %add3A_453 = arith.addi %add3A_452, %scan3A_423 : i32
              %swap3A_454 = arith.index_cast %add3A_453 : i32 to index
              %swap3A_455 = arith.constant 64 : index
              %swap3A_456 = tpu.vector_load %arg12[%swap3A_454, %swap3A_455] {strides = array<i32>} : memref<64x256xf32, #tpu.memory_space<vmem>>, vector<16xf32>,
              tpu.vector_store %arg12[%swap3A_454, %swap3A_455], %broadcast_in_dim3A_6 {strides = array<i32>} : memref<64x256xf32, #tpu.memory_space<vmem>>, vector<16xf32>,
              %add3A_457 = arith.constant 16 : i32
              %add3A_458 = arith.addi %add3A_457, %scan3A_423 : i32
              %swap3A_459 = arith.index_cast %add3A_458 : i32 to index
              %swap3A_460 = arith.constant 80 : index
              %swap3A_461 = tpu.vector_load %arg12[%swap3A_459, %swap3A_460] {strides = array<i32>} : memref<64x256xf32, #tpu.memory_space<vmem>>, vector<16xf32>,
              tpu.vector_store %arg12[%swap3A_459, %swap3A_460], %broadcast_in_dim3A_6 {strides = array<i32>} : memref<64x256xf32, #tpu.memory_space<vmem>>, vector<16xf32>,
              %add3A_462 = arith.constant 16 : i32
              %add3A_463 = arith.addi %add3A_462, %scan3A_423 : i32
              %swap3A_464 = arith.index_cast %add3A_463 : i32 to index
              %swap3A_465 = arith.constant 96 : index
              %swap3A_466 = tpu.vector_load %arg12[%swap3A_464, %swap3A_465] {strides = array<i32>} : memref<64x256xf32, #tpu.memory_space<vmem>>, vector<16xf32>,
              tpu.vector_store %arg12[%swap3A_464, %swap3A_465], %broadcast_in_dim3A_6 {strides = array<i32>} : memref<64x256xf32, #tpu.memory_space<vmem>>, vector<16xf32>,
              %add3A_467 = arith.constant 16 : i32
              %add3A_468 = arith.addi %add3A_467, %scan3A_423 : i32
              %swap3A_469 = arith.index_cast %add3A_468 : i32 to index
              %swap3A_470 = arith.constant 112 : index
              %swap3A_471 = tpu.vector_load %arg12[%swap3A_469, %swap3A_470] {strides = array<i32>} : memref<64x256xf32, #tpu.memory_space<vmem>>, vector<16xf32>,
              tpu.vector_store %arg12[%swap3A_469, %swap3A_470], %broadcast_in_dim3A_6 {strides = array<i32>} : memref<64x256xf32, #tpu.memory_space<vmem>>, vector<16xf32>,
              %add3A_472 = arith.constant 16 : i32
              %add3A_473 = arith.addi %add3A_472, %scan3A_423 : i32
              %swap3A_474 = arith.index_cast %add3A_473 : i32 to index
              %swap3A_475 = arith.constant 128 : index
              %swap3A_476 = tpu.vector_load %arg12[%swap3A_474, %swap3A_475] {strides = array<i32>} : memref<64x256xf32, #tpu.memory_space<vmem>>, vector<16xf32>,
              tpu.vector_store %arg12[%swap3A_474, %swap3A_475], %broadcast_in_dim3A_6 {strides = array<i32>} : memref<64x256xf32, #tpu.memory_space<vmem>>, vector<16xf32>,
              %add3A_477 = arith.constant 16 : i32
              %add3A_478 = arith.addi %add3A_477, %scan3A_423 : i32
              %swap3A_479 = arith.index_cast %add3A_478 : i32 to index
              %swap3A_480 = arith.constant 144 : index
              %swap3A_481 = tpu.vector_load %arg12[%swap3A_479, %swap3A_480] {strides = array<i32>} : memref<64x256xf32, #tpu.memory_space<vmem>>, vector<16xf32>,
              tpu.vector_store %arg12[%swap3A_479, %swap3A_480], %broadcast_in_dim3A_6 {strides = array<i32>} : memref<64x256xf32, #tpu.memory_space<vmem>>, vector<16xf32>,
              %add3A_482 = arith.constant 16 : i32
              %add3A_483 = arith.addi %add3A_482, %scan3A_423 : i32
              %swap3A_484 = arith.index_cast %add3A_483 : i32 to index
              %swap3A_485 = arith.constant 160 : index
              %swap3A_486 = tpu.vector_load %arg12[%swap3A_484, %swap3A_485] {strides = array<i32>} : memref<64x256xf32, #tpu.memory_space<vmem>>, vector<16xf32>,
              tpu.vector_store %arg12[%swap3A_484, %swap3A_485], %broadcast_in_dim3A_6 {strides = array<i32>} : memref<64x256xf32, #tpu.memory_space<vmem>>, vector<16xf32>,
              %add3A_487 = arith.constant 16 : i32
              %add3A_488 = arith.addi %add3A_487, %scan3A_423 : i32
              %swap3A_489 = arith.index_cast %add3A_488 : i32 to index
              %swap3A_490 = arith.constant 176 : index
              %swap3A_491 = tpu.vector_load %arg12[%swap3A_489, %swap3A_490] {strides = array<i32>} : memref<64x256xf32, #tpu.memory_space<vmem>>, vector<16xf32>,
              tpu.vector_store %arg12[%swap3A_489, %swap3A_490], %broadcast_in_dim3A_6 {strides = array<i32>} : memref<64x256xf32, #tpu.memory_space<vmem>>, vector<16xf32>,
              %add3A_492 = arith.constant 16 : i32
              %add3A_493 = arith.addi %add3A_492, %scan3A_423 : i32
              %swap3A_494 = arith.index_cast %add3A_493 : i32 to index
              %swap3A_495 = arith.constant 192 : index
              %swap3A_496 = tpu.vector_load %arg12[%swap3A_494, %swap3A_495] {strides = array<i32>} : memref<64x256xf32, #tpu.memory_space<vmem>>, vector<16xf32>,
              tpu.vector_store %arg12[%swap3A_494, %swap3A_495], %broadcast_in_dim3A_6 {strides = array<i32>} : memref<64x256xf32, #tpu.memory_space<vmem>>, vector<16xf32>,
              %add3A_497 = arith.constant 16 : i32
              %add3A_498 = arith.addi %add3A_497, %scan3A_423 : i32
              %swap3A_499 = arith.index_cast %add3A_498 : i32 to index
              %swap3A_500 = arith.constant 208 : index
              %swap3A_501 = tpu.vector_load %arg12[%swap3A_499, %swap3A_500] {strides = array<i32>} : memref<64x256xf32, #tpu.memory_space<vmem>>, vector<16xf32>,
              tpu.vector_store %arg12[%swap3A_499, %swap3A_500], %broadcast_in_dim3A_6 {strides = array<i32>} : memref<64x256xf32, #tpu.memory_space<vmem>>, vector<16xf32>,
              %add3A_502 = arith.constant 16 : i32
              %add3A_503 = arith.addi %add3A_502, %scan3A_423 : i32
              %swap3A_504 = arith.index_cast %add3A_503 : i32 to index
              %swap3A_505 = arith.constant 224 : index
              %swap3A_506 = tpu.vector_load %arg12[%swap3A_504, %swap3A_505] {strides = array<i32>} : memref<64x256xf32, #tpu.memory_space<vmem>>, vector<16xf32>,
              tpu.vector_store %arg12[%swap3A_504, %swap3A_505], %broadcast_in_dim3A_6 {strides = array<i32>} : memref<64x256xf32, #tpu.memory_space<vmem>>, vector<16xf32>,
              %add3A_507 = arith.constant 16 : i32
              %add3A_508 = arith.addi %add3A_507, %scan3A_423 : i32
              %swap3A_509 = arith.index_cast %add3A_508 : i32 to index
              %swap3A_510 = arith.constant 240 : index
              %swap3A_511 = tpu.vector_load %arg12[%swap3A_509, %swap3A_510] {strides = array<i32>} : memref<64x256xf32, #tpu.memory_space<vmem>>, vector<16xf32>,
              tpu.vector_store %arg12[%swap3A_509, %swap3A_510], %broadcast_in_dim3A_6 {strides = array<i32>} : memref<64x256xf32, #tpu.memory_space<vmem>>, vector<16xf32>,
            } else {
            }
            %scan3A_432 = arith.constant 0 : i32
            scf.yield %scan3A_432 : i32
          }
          %scan3A_422 = arith.constant 16 : i32
        } else {
        }
        %mul3A_321 = arith.constant 64 : i32
        %mul3A_322 = arith.muli %add3A_241, %mul3A_321 : i32
        %add3A_323 = arith.constant 32 : i32
        %add3A_324 = arith.addi %mul3A_322, %add3A_323 : i32
        %get3A_325 = arith.index_cast %add3A_324 : i32 to index
        %get3A_326 = tpu.vector_load %arg9[%get3A_325] {strides = array<i32>} : memref<6272xi32, #tpu.memory_space<vmem>>, vector<16xi32>,
        %lt3A_327 = arith.constant 0 : i32
        %lt3A_328 = vector.broadcast %lt3A_327 : i32 to vector<16xi32>
        %lt3A_329 = arith.cmpi slt, %get3A_326, %lt3A_328 : vector<16xi32>
        %jit3A_330 = arith.constant 1 : i32
        %jit3A_331 = arith.constant 0 : i32
        %broadcast_in_dim3A_332 = vector.broadcast %jit3A_330 : i32 to vector<16xi32>
        %broadcast_in_dim3A_333 = vector.broadcast %jit3A_331 : i32 to vector<16xi32>
        %select_n3A_334 = arith.select %lt3A_329, %broadcast_in_dim3A_332, %broadcast_in_dim3A_333 : vector<16xi1>, vector<16xi32>
        %shift_left3A_335 = arith.shli %select_n3A_334, %iota3A : vector<16xi32>
        %reduce_sum3A_336 = arith.constant true
        %reduce_sum3A_337 = vector.broadcast %reduce_sum3A_336 : i1 to vector<16xi1>
        %reduce_sum3A_338 = tpu.scan <sum>, %shift_left3A_335 masked %reduce_sum3A_337 : vector<16xi32>, vector<16xi1> -> vector<16xi32>
        %reduce_sum3A_339 = vector.extract %reduce_sum3A_338[15] : i32 from vector<16xi32>
        %ne3A_340 = arith.constant 0 : i32
        %ne3A_341 = arith.cmpi ne, %reduce_sum3A_339, %ne3A_340 : i32
        %convert_element_type3A_342 = arith.extui %ne3A_341 : i1 to i32
        %cond3A_343 = arith.constant 0 : i32
        %cond3A_344 = arith.cmpi ne, %convert_element_type3A_342, %cond3A_343 : i32
        scf.if %cond3A_344 {
          %scan3A_416 = arith.constant 0 : i32
          %scan3A_417 = arith.constant 0 : i32
          %scan3A_418 = arith.constant 16 : i32
          %scan3A_419 = arith.addi %scan3A_417, %scan3A_418 : i32
          %scan3A_420 = arith.constant 1 : i32
          %scan3A_421 = scf.for %scan3A_423 = %scan3A_417 to %scan3A_419 step %scan3A_420 iter_args(%scan3A_424 = %scan3A_416) -> (i32)  : i32 {
            %shift_right_arithmetic3A = arith.shrsi %reduce_sum3A_339, %scan3A_423 : i32
            %and3A_425 = arith.constant 1 : i32
            %and3A_426 = arith.andi %shift_right_arithmetic3A, %and3A_425 : i32
            %eq3A_427 = arith.constant 1 : i32
            %eq3A_428 = arith.cmpi eq, %and3A_426, %eq3A_427 : i32
            %convert_element_type3A_429 = arith.extui %eq3A_428 : i1 to i32
            %cond3A_430 = arith.constant 0 : i32
            %cond3A_431 = arith.cmpi ne, %convert_element_type3A_429, %cond3A_430 : i32
            scf.if %cond3A_431 {
              %add3A_433 = arith.constant 32 : i32
              %add3A_434 = arith.addi %add3A_433, %scan3A_423 : i32
              %swap3A = arith.index_cast %add3A_434 : i32 to index
              %swap3A_435 = arith.constant 0 : index
              %swap3A_436 = tpu.vector_load %arg12[%swap3A, %swap3A_435] {strides = array<i32>} : memref<64x256xf32, #tpu.memory_space<vmem>>, vector<16xf32>,
              tpu.vector_store %arg12[%swap3A, %swap3A_435], %broadcast_in_dim3A_6 {strides = array<i32>} : memref<64x256xf32, #tpu.memory_space<vmem>>, vector<16xf32>,
              %add3A_437 = arith.constant 32 : i32
              %add3A_438 = arith.addi %add3A_437, %scan3A_423 : i32
              %swap3A_439 = arith.index_cast %add3A_438 : i32 to index
              %swap3A_440 = arith.constant 16 : index
              %swap3A_441 = tpu.vector_load %arg12[%swap3A_439, %swap3A_440] {strides = array<i32>} : memref<64x256xf32, #tpu.memory_space<vmem>>, vector<16xf32>,
              tpu.vector_store %arg12[%swap3A_439, %swap3A_440], %broadcast_in_dim3A_6 {strides = array<i32>} : memref<64x256xf32, #tpu.memory_space<vmem>>, vector<16xf32>,
              %add3A_442 = arith.constant 32 : i32
              %add3A_443 = arith.addi %add3A_442, %scan3A_423 : i32
              %swap3A_444 = arith.index_cast %add3A_443 : i32 to index
              %swap3A_445 = arith.constant 32 : index
              %swap3A_446 = tpu.vector_load %arg12[%swap3A_444, %swap3A_445] {strides = array<i32>} : memref<64x256xf32, #tpu.memory_space<vmem>>, vector<16xf32>,
              tpu.vector_store %arg12[%swap3A_444, %swap3A_445], %broadcast_in_dim3A_6 {strides = array<i32>} : memref<64x256xf32, #tpu.memory_space<vmem>>, vector<16xf32>,
              %add3A_447 = arith.constant 32 : i32
              %add3A_448 = arith.addi %add3A_447, %scan3A_423 : i32
              %swap3A_449 = arith.index_cast %add3A_448 : i32 to index
              %swap3A_450 = arith.constant 48 : index
              %swap3A_451 = tpu.vector_load %arg12[%swap3A_449, %swap3A_450] {strides = array<i32>} : memref<64x256xf32, #tpu.memory_space<vmem>>, vector<16xf32>,
              tpu.vector_store %arg12[%swap3A_449, %swap3A_450], %broadcast_in_dim3A_6 {strides = array<i32>} : memref<64x256xf32, #tpu.memory_space<vmem>>, vector<16xf32>,
              %add3A_452 = arith.constant 32 : i32
              %add3A_453 = arith.addi %add3A_452, %scan3A_423 : i32
              %swap3A_454 = arith.index_cast %add3A_453 : i32 to index
              %swap3A_455 = arith.constant 64 : index
              %swap3A_456 = tpu.vector_load %arg12[%swap3A_454, %swap3A_455] {strides = array<i32>} : memref<64x256xf32, #tpu.memory_space<vmem>>, vector<16xf32>,
              tpu.vector_store %arg12[%swap3A_454, %swap3A_455], %broadcast_in_dim3A_6 {strides = array<i32>} : memref<64x256xf32, #tpu.memory_space<vmem>>, vector<16xf32>,
              %add3A_457 = arith.constant 32 : i32
              %add3A_458 = arith.addi %add3A_457, %scan3A_423 : i32
              %swap3A_459 = arith.index_cast %add3A_458 : i32 to index
              %swap3A_460 = arith.constant 80 : index
              %swap3A_461 = tpu.vector_load %arg12[%swap3A_459, %swap3A_460] {strides = array<i32>} : memref<64x256xf32, #tpu.memory_space<vmem>>, vector<16xf32>,
              tpu.vector_store %arg12[%swap3A_459, %swap3A_460], %broadcast_in_dim3A_6 {strides = array<i32>} : memref<64x256xf32, #tpu.memory_space<vmem>>, vector<16xf32>,
              %add3A_462 = arith.constant 32 : i32
              %add3A_463 = arith.addi %add3A_462, %scan3A_423 : i32
              %swap3A_464 = arith.index_cast %add3A_463 : i32 to index
              %swap3A_465 = arith.constant 96 : index
              %swap3A_466 = tpu.vector_load %arg12[%swap3A_464, %swap3A_465] {strides = array<i32>} : memref<64x256xf32, #tpu.memory_space<vmem>>, vector<16xf32>,
              tpu.vector_store %arg12[%swap3A_464, %swap3A_465], %broadcast_in_dim3A_6 {strides = array<i32>} : memref<64x256xf32, #tpu.memory_space<vmem>>, vector<16xf32>,
              %add3A_467 = arith.constant 32 : i32
              %add3A_468 = arith.addi %add3A_467, %scan3A_423 : i32
              %swap3A_469 = arith.index_cast %add3A_468 : i32 to index
              %swap3A_470 = arith.constant 112 : index
              %swap3A_471 = tpu.vector_load %arg12[%swap3A_469, %swap3A_470] {strides = array<i32>} : memref<64x256xf32, #tpu.memory_space<vmem>>, vector<16xf32>,
              tpu.vector_store %arg12[%swap3A_469, %swap3A_470], %broadcast_in_dim3A_6 {strides = array<i32>} : memref<64x256xf32, #tpu.memory_space<vmem>>, vector<16xf32>,
              %add3A_472 = arith.constant 32 : i32
              %add3A_473 = arith.addi %add3A_472, %scan3A_423 : i32
              %swap3A_474 = arith.index_cast %add3A_473 : i32 to index
              %swap3A_475 = arith.constant 128 : index
              %swap3A_476 = tpu.vector_load %arg12[%swap3A_474, %swap3A_475] {strides = array<i32>} : memref<64x256xf32, #tpu.memory_space<vmem>>, vector<16xf32>,
              tpu.vector_store %arg12[%swap3A_474, %swap3A_475], %broadcast_in_dim3A_6 {strides = array<i32>} : memref<64x256xf32, #tpu.memory_space<vmem>>, vector<16xf32>,
              %add3A_477 = arith.constant 32 : i32
              %add3A_478 = arith.addi %add3A_477, %scan3A_423 : i32
              %swap3A_479 = arith.index_cast %add3A_478 : i32 to index
              %swap3A_480 = arith.constant 144 : index
              %swap3A_481 = tpu.vector_load %arg12[%swap3A_479, %swap3A_480] {strides = array<i32>} : memref<64x256xf32, #tpu.memory_space<vmem>>, vector<16xf32>,
              tpu.vector_store %arg12[%swap3A_479, %swap3A_480], %broadcast_in_dim3A_6 {strides = array<i32>} : memref<64x256xf32, #tpu.memory_space<vmem>>, vector<16xf32>,
              %add3A_482 = arith.constant 32 : i32
              %add3A_483 = arith.addi %add3A_482, %scan3A_423 : i32
              %swap3A_484 = arith.index_cast %add3A_483 : i32 to index
              %swap3A_485 = arith.constant 160 : index
              %swap3A_486 = tpu.vector_load %arg12[%swap3A_484, %swap3A_485] {strides = array<i32>} : memref<64x256xf32, #tpu.memory_space<vmem>>, vector<16xf32>,
              tpu.vector_store %arg12[%swap3A_484, %swap3A_485], %broadcast_in_dim3A_6 {strides = array<i32>} : memref<64x256xf32, #tpu.memory_space<vmem>>, vector<16xf32>,
              %add3A_487 = arith.constant 32 : i32
              %add3A_488 = arith.addi %add3A_487, %scan3A_423 : i32
              %swap3A_489 = arith.index_cast %add3A_488 : i32 to index
              %swap3A_490 = arith.constant 176 : index
              %swap3A_491 = tpu.vector_load %arg12[%swap3A_489, %swap3A_490] {strides = array<i32>} : memref<64x256xf32, #tpu.memory_space<vmem>>, vector<16xf32>,
              tpu.vector_store %arg12[%swap3A_489, %swap3A_490], %broadcast_in_dim3A_6 {strides = array<i32>} : memref<64x256xf32, #tpu.memory_space<vmem>>, vector<16xf32>,
              %add3A_492 = arith.constant 32 : i32
              %add3A_493 = arith.addi %add3A_492, %scan3A_423 : i32
              %swap3A_494 = arith.index_cast %add3A_493 : i32 to index
              %swap3A_495 = arith.constant 192 : index
              %swap3A_496 = tpu.vector_load %arg12[%swap3A_494, %swap3A_495] {strides = array<i32>} : memref<64x256xf32, #tpu.memory_space<vmem>>, vector<16xf32>,
              tpu.vector_store %arg12[%swap3A_494, %swap3A_495], %broadcast_in_dim3A_6 {strides = array<i32>} : memref<64x256xf32, #tpu.memory_space<vmem>>, vector<16xf32>,
              %add3A_497 = arith.constant 32 : i32
              %add3A_498 = arith.addi %add3A_497, %scan3A_423 : i32
              %swap3A_499 = arith.index_cast %add3A_498 : i32 to index
              %swap3A_500 = arith.constant 208 : index
              %swap3A_501 = tpu.vector_load %arg12[%swap3A_499, %swap3A_500] {strides = array<i32>} : memref<64x256xf32, #tpu.memory_space<vmem>>, vector<16xf32>,
              tpu.vector_store %arg12[%swap3A_499, %swap3A_500], %broadcast_in_dim3A_6 {strides = array<i32>} : memref<64x256xf32, #tpu.memory_space<vmem>>, vector<16xf32>,
              %add3A_502 = arith.constant 32 : i32
              %add3A_503 = arith.addi %add3A_502, %scan3A_423 : i32
              %swap3A_504 = arith.index_cast %add3A_503 : i32 to index
              %swap3A_505 = arith.constant 224 : index
              %swap3A_506 = tpu.vector_load %arg12[%swap3A_504, %swap3A_505] {strides = array<i32>} : memref<64x256xf32, #tpu.memory_space<vmem>>, vector<16xf32>,
              tpu.vector_store %arg12[%swap3A_504, %swap3A_505], %broadcast_in_dim3A_6 {strides = array<i32>} : memref<64x256xf32, #tpu.memory_space<vmem>>, vector<16xf32>,
              %add3A_507 = arith.constant 32 : i32
              %add3A_508 = arith.addi %add3A_507, %scan3A_423 : i32
              %swap3A_509 = arith.index_cast %add3A_508 : i32 to index
              %swap3A_510 = arith.constant 240 : index
              %swap3A_511 = tpu.vector_load %arg12[%swap3A_509, %swap3A_510] {strides = array<i32>} : memref<64x256xf32, #tpu.memory_space<vmem>>, vector<16xf32>,
              tpu.vector_store %arg12[%swap3A_509, %swap3A_510], %broadcast_in_dim3A_6 {strides = array<i32>} : memref<64x256xf32, #tpu.memory_space<vmem>>, vector<16xf32>,
            } else {
            }
            %scan3A_432 = arith.constant 0 : i32
            scf.yield %scan3A_432 : i32
          }
          %scan3A_422 = arith.constant 16 : i32
        } else {
        }
        %mul3A_345 = arith.constant 64 : i32
        %mul3A_346 = arith.muli %add3A_241, %mul3A_345 : i32
        %add3A_347 = arith.constant 48 : i32
        %add3A_348 = arith.addi %mul3A_346, %add3A_347 : i32
        %get3A_349 = arith.index_cast %add3A_348 : i32 to index
        %get3A_350 = tpu.vector_load %arg9[%get3A_349] {strides = array<i32>} : memref<6272xi32, #tpu.memory_space<vmem>>, vector<16xi32>,
        %lt3A_351 = arith.constant 0 : i32
        %lt3A_352 = vector.broadcast %lt3A_351 : i32 to vector<16xi32>
        %lt3A_353 = arith.cmpi slt, %get3A_350, %lt3A_352 : vector<16xi32>
        %jit3A_354 = arith.constant 1 : i32
        %jit3A_355 = arith.constant 0 : i32
        %broadcast_in_dim3A_356 = vector.broadcast %jit3A_354 : i32 to vector<16xi32>
        %broadcast_in_dim3A_357 = vector.broadcast %jit3A_355 : i32 to vector<16xi32>
        %select_n3A_358 = arith.select %lt3A_353, %broadcast_in_dim3A_356, %broadcast_in_dim3A_357 : vector<16xi1>, vector<16xi32>
        %shift_left3A_359 = arith.shli %select_n3A_358, %iota3A : vector<16xi32>
        %reduce_sum3A_360 = arith.constant true
        %reduce_sum3A_361 = vector.broadcast %reduce_sum3A_360 : i1 to vector<16xi1>
        %reduce_sum3A_362 = tpu.scan <sum>, %shift_left3A_359 masked %reduce_sum3A_361 : vector<16xi32>, vector<16xi1> -> vector<16xi32>
        %reduce_sum3A_363 = vector.extract %reduce_sum3A_362[15] : i32 from vector<16xi32>
        %ne3A_364 = arith.constant 0 : i32
        %ne3A_365 = arith.cmpi ne, %reduce_sum3A_363, %ne3A_364 : i32
        %convert_element_type3A_366 = arith.extui %ne3A_365 : i1 to i32
        %cond3A_367 = arith.constant 0 : i32
        %cond3A_368 = arith.cmpi ne, %convert_element_type3A_366, %cond3A_367 : i32
        scf.if %cond3A_368 {
          %scan3A_416 = arith.constant 0 : i32
          %scan3A_417 = arith.constant 0 : i32
          %scan3A_418 = arith.constant 16 : i32
          %scan3A_419 = arith.addi %scan3A_417, %scan3A_418 : i32
          %scan3A_420 = arith.constant 1 : i32
          %scan3A_421 = scf.for %scan3A_423 = %scan3A_417 to %scan3A_419 step %scan3A_420 iter_args(%scan3A_424 = %scan3A_416) -> (i32)  : i32 {
            %shift_right_arithmetic3A = arith.shrsi %reduce_sum3A_363, %scan3A_423 : i32
            %and3A_425 = arith.constant 1 : i32
            %and3A_426 = arith.andi %shift_right_arithmetic3A, %and3A_425 : i32
            %eq3A_427 = arith.constant 1 : i32
            %eq3A_428 = arith.cmpi eq, %and3A_426, %eq3A_427 : i32
            %convert_element_type3A_429 = arith.extui %eq3A_428 : i1 to i32
            %cond3A_430 = arith.constant 0 : i32
            %cond3A_431 = arith.cmpi ne, %convert_element_type3A_429, %cond3A_430 : i32
            scf.if %cond3A_431 {
              %add3A_433 = arith.constant 48 : i32
              %add3A_434 = arith.addi %add3A_433, %scan3A_423 : i32
              %swap3A = arith.index_cast %add3A_434 : i32 to index
              %swap3A_435 = arith.constant 0 : index
              %swap3A_436 = tpu.vector_load %arg12[%swap3A, %swap3A_435] {strides = array<i32>} : memref<64x256xf32, #tpu.memory_space<vmem>>, vector<16xf32>,
              tpu.vector_store %arg12[%swap3A, %swap3A_435], %broadcast_in_dim3A_6 {strides = array<i32>} : memref<64x256xf32, #tpu.memory_space<vmem>>, vector<16xf32>,
              %add3A_437 = arith.constant 48 : i32
              %add3A_438 = arith.addi %add3A_437, %scan3A_423 : i32
              %swap3A_439 = arith.index_cast %add3A_438 : i32 to index
              %swap3A_440 = arith.constant 16 : index
              %swap3A_441 = tpu.vector_load %arg12[%swap3A_439, %swap3A_440] {strides = array<i32>} : memref<64x256xf32, #tpu.memory_space<vmem>>, vector<16xf32>,
              tpu.vector_store %arg12[%swap3A_439, %swap3A_440], %broadcast_in_dim3A_6 {strides = array<i32>} : memref<64x256xf32, #tpu.memory_space<vmem>>, vector<16xf32>,
              %add3A_442 = arith.constant 48 : i32
              %add3A_443 = arith.addi %add3A_442, %scan3A_423 : i32
              %swap3A_444 = arith.index_cast %add3A_443 : i32 to index
              %swap3A_445 = arith.constant 32 : index
              %swap3A_446 = tpu.vector_load %arg12[%swap3A_444, %swap3A_445] {strides = array<i32>} : memref<64x256xf32, #tpu.memory_space<vmem>>, vector<16xf32>,
              tpu.vector_store %arg12[%swap3A_444, %swap3A_445], %broadcast_in_dim3A_6 {strides = array<i32>} : memref<64x256xf32, #tpu.memory_space<vmem>>, vector<16xf32>,
              %add3A_447 = arith.constant 48 : i32
              %add3A_448 = arith.addi %add3A_447, %scan3A_423 : i32
              %swap3A_449 = arith.index_cast %add3A_448 : i32 to index
              %swap3A_450 = arith.constant 48 : index
              %swap3A_451 = tpu.vector_load %arg12[%swap3A_449, %swap3A_450] {strides = array<i32>} : memref<64x256xf32, #tpu.memory_space<vmem>>, vector<16xf32>,
              tpu.vector_store %arg12[%swap3A_449, %swap3A_450], %broadcast_in_dim3A_6 {strides = array<i32>} : memref<64x256xf32, #tpu.memory_space<vmem>>, vector<16xf32>,
              %add3A_452 = arith.constant 48 : i32
              %add3A_453 = arith.addi %add3A_452, %scan3A_423 : i32
              %swap3A_454 = arith.index_cast %add3A_453 : i32 to index
              %swap3A_455 = arith.constant 64 : index
              %swap3A_456 = tpu.vector_load %arg12[%swap3A_454, %swap3A_455] {strides = array<i32>} : memref<64x256xf32, #tpu.memory_space<vmem>>, vector<16xf32>,
              tpu.vector_store %arg12[%swap3A_454, %swap3A_455], %broadcast_in_dim3A_6 {strides = array<i32>} : memref<64x256xf32, #tpu.memory_space<vmem>>, vector<16xf32>,
              %add3A_457 = arith.constant 48 : i32
              %add3A_458 = arith.addi %add3A_457, %scan3A_423 : i32
              %swap3A_459 = arith.index_cast %add3A_458 : i32 to index
              %swap3A_460 = arith.constant 80 : index
              %swap3A_461 = tpu.vector_load %arg12[%swap3A_459, %swap3A_460] {strides = array<i32>} : memref<64x256xf32, #tpu.memory_space<vmem>>, vector<16xf32>,
              tpu.vector_store %arg12[%swap3A_459, %swap3A_460], %broadcast_in_dim3A_6 {strides = array<i32>} : memref<64x256xf32, #tpu.memory_space<vmem>>, vector<16xf32>,
              %add3A_462 = arith.constant 48 : i32
              %add3A_463 = arith.addi %add3A_462, %scan3A_423 : i32
              %swap3A_464 = arith.index_cast %add3A_463 : i32 to index
              %swap3A_465 = arith.constant 96 : index
              %swap3A_466 = tpu.vector_load %arg12[%swap3A_464, %swap3A_465] {strides = array<i32>} : memref<64x256xf32, #tpu.memory_space<vmem>>, vector<16xf32>,
              tpu.vector_store %arg12[%swap3A_464, %swap3A_465], %broadcast_in_dim3A_6 {strides = array<i32>} : memref<64x256xf32, #tpu.memory_space<vmem>>, vector<16xf32>,
              %add3A_467 = arith.constant 48 : i32
              %add3A_468 = arith.addi %add3A_467, %scan3A_423 : i32
              %swap3A_469 = arith.index_cast %add3A_468 : i32 to index
              %swap3A_470 = arith.constant 112 : index
              %swap3A_471 = tpu.vector_load %arg12[%swap3A_469, %swap3A_470] {strides = array<i32>} : memref<64x256xf32, #tpu.memory_space<vmem>>, vector<16xf32>,
              tpu.vector_store %arg12[%swap3A_469, %swap3A_470], %broadcast_in_dim3A_6 {strides = array<i32>} : memref<64x256xf32, #tpu.memory_space<vmem>>, vector<16xf32>,
              %add3A_472 = arith.constant 48 : i32
              %add3A_473 = arith.addi %add3A_472, %scan3A_423 : i32
              %swap3A_474 = arith.index_cast %add3A_473 : i32 to index
              %swap3A_475 = arith.constant 128 : index
              %swap3A_476 = tpu.vector_load %arg12[%swap3A_474, %swap3A_475] {strides = array<i32>} : memref<64x256xf32, #tpu.memory_space<vmem>>, vector<16xf32>,
              tpu.vector_store %arg12[%swap3A_474, %swap3A_475], %broadcast_in_dim3A_6 {strides = array<i32>} : memref<64x256xf32, #tpu.memory_space<vmem>>, vector<16xf32>,
              %add3A_477 = arith.constant 48 : i32
              %add3A_478 = arith.addi %add3A_477, %scan3A_423 : i32
              %swap3A_479 = arith.index_cast %add3A_478 : i32 to index
              %swap3A_480 = arith.constant 144 : index
              %swap3A_481 = tpu.vector_load %arg12[%swap3A_479, %swap3A_480] {strides = array<i32>} : memref<64x256xf32, #tpu.memory_space<vmem>>, vector<16xf32>,
              tpu.vector_store %arg12[%swap3A_479, %swap3A_480], %broadcast_in_dim3A_6 {strides = array<i32>} : memref<64x256xf32, #tpu.memory_space<vmem>>, vector<16xf32>,
              %add3A_482 = arith.constant 48 : i32
              %add3A_483 = arith.addi %add3A_482, %scan3A_423 : i32
              %swap3A_484 = arith.index_cast %add3A_483 : i32 to index
              %swap3A_485 = arith.constant 160 : index
              %swap3A_486 = tpu.vector_load %arg12[%swap3A_484, %swap3A_485] {strides = array<i32>} : memref<64x256xf32, #tpu.memory_space<vmem>>, vector<16xf32>,
              tpu.vector_store %arg12[%swap3A_484, %swap3A_485], %broadcast_in_dim3A_6 {strides = array<i32>} : memref<64x256xf32, #tpu.memory_space<vmem>>, vector<16xf32>,
              %add3A_487 = arith.constant 48 : i32
              %add3A_488 = arith.addi %add3A_487, %scan3A_423 : i32
              %swap3A_489 = arith.index_cast %add3A_488 : i32 to index
              %swap3A_490 = arith.constant 176 : index
              %swap3A_491 = tpu.vector_load %arg12[%swap3A_489, %swap3A_490] {strides = array<i32>} : memref<64x256xf32, #tpu.memory_space<vmem>>, vector<16xf32>,
              tpu.vector_store %arg12[%swap3A_489, %swap3A_490], %broadcast_in_dim3A_6 {strides = array<i32>} : memref<64x256xf32, #tpu.memory_space<vmem>>, vector<16xf32>,
              %add3A_492 = arith.constant 48 : i32
              %add3A_493 = arith.addi %add3A_492, %scan3A_423 : i32
              %swap3A_494 = arith.index_cast %add3A_493 : i32 to index
              %swap3A_495 = arith.constant 192 : index
              %swap3A_496 = tpu.vector_load %arg12[%swap3A_494, %swap3A_495] {strides = array<i32>} : memref<64x256xf32, #tpu.memory_space<vmem>>, vector<16xf32>,
              tpu.vector_store %arg12[%swap3A_494, %swap3A_495], %broadcast_in_dim3A_6 {strides = array<i32>} : memref<64x256xf32, #tpu.memory_space<vmem>>, vector<16xf32>,
              %add3A_497 = arith.constant 48 : i32
              %add3A_498 = arith.addi %add3A_497, %scan3A_423 : i32
              %swap3A_499 = arith.index_cast %add3A_498 : i32 to index
              %swap3A_500 = arith.constant 208 : index
              %swap3A_501 = tpu.vector_load %arg12[%swap3A_499, %swap3A_500] {strides = array<i32>} : memref<64x256xf32, #tpu.memory_space<vmem>>, vector<16xf32>,
              tpu.vector_store %arg12[%swap3A_499, %swap3A_500], %broadcast_in_dim3A_6 {strides = array<i32>} : memref<64x256xf32, #tpu.memory_space<vmem>>, vector<16xf32>,
              %add3A_502 = arith.constant 48 : i32
              %add3A_503 = arith.addi %add3A_502, %scan3A_423 : i32
              %swap3A_504 = arith.index_cast %add3A_503 : i32 to index
              %swap3A_505 = arith.constant 224 : index
              %swap3A_506 = tpu.vector_load %arg12[%swap3A_504, %swap3A_505] {strides = array<i32>} : memref<64x256xf32, #tpu.memory_space<vmem>>, vector<16xf32>,
              tpu.vector_store %arg12[%swap3A_504, %swap3A_505], %broadcast_in_dim3A_6 {strides = array<i32>} : memref<64x256xf32, #tpu.memory_space<vmem>>, vector<16xf32>,
              %add3A_507 = arith.constant 48 : i32
              %add3A_508 = arith.addi %add3A_507, %scan3A_423 : i32
              %swap3A_509 = arith.index_cast %add3A_508 : i32 to index
              %swap3A_510 = arith.constant 240 : index
              %swap3A_511 = tpu.vector_load %arg12[%swap3A_509, %swap3A_510] {strides = array<i32>} : memref<64x256xf32, #tpu.memory_space<vmem>>, vector<16xf32>,
              tpu.vector_store %arg12[%swap3A_509, %swap3A_510], %broadcast_in_dim3A_6 {strides = array<i32>} : memref<64x256xf32, #tpu.memory_space<vmem>>, vector<16xf32>,
            } else {
            }
            %scan3A_432 = arith.constant 0 : i32
            scf.yield %scan3A_432 : i32
          }
          %scan3A_422 = arith.constant 16 : i32
        } else {
        }
        %mul3A_369 = arith.constant 64 : i32
        %mul3A_370 = arith.muli %add3A_241, %mul3A_369 : i32
        %add3A_371 = arith.addi %mul3A_2, %mul3A_370 : i32
        %jit3A_372 = arith.constant 2 : i32
        %div3A_373 = arith.divsi %add3A_371, %jit3A_372 : i32
        %sign3A_374 = arith.constant 0 : i32
        %sign3A_375 = arith.cmpi sgt, %add3A_371, %sign3A_374 : i32
        %sign3A_376 = arith.extui %sign3A_375 : i1 to i32
        %sign3A_377 = arith.constant 0 : i32
        %sign3A_378 = arith.cmpi slt, %add3A_371, %sign3A_377 : i32
        %sign3A_379 = arith.extui %sign3A_378 : i1 to i32
        %sign3A_380 = arith.subi %sign3A_376, %sign3A_379 : i32
        %sign3A_381 = arith.constant 0 : i32
        %sign3A_382 = arith.cmpi sgt, %jit3A_372, %sign3A_381 : i32
        %sign3A_383 = arith.extui %sign3A_382 : i1 to i32
        %sign3A_384 = arith.constant 0 : i32
        %sign3A_385 = arith.cmpi slt, %jit3A_372, %sign3A_384 : i32
        %sign3A_386 = arith.extui %sign3A_385 : i1 to i32
        %sign3A_387 = arith.subi %sign3A_383, %sign3A_386 : i32
        %ne3A_388 = arith.cmpi ne, %sign3A_380, %sign3A_387 : i32
        %rem3A_389 = arith.remsi %add3A_371, %jit3A_372 : i32
        %ne3A_390 = arith.constant 0 : i32
        %ne3A_391 = arith.cmpi ne, %rem3A_389, %ne3A_390 : i32
        %and3A_392 = arith.andi %ne3A_388, %ne3A_391 : i1
        %sub3A_393 = arith.constant 1 : i32
        %sub3A_394 = arith.subi %div3A_373, %sub3A_393 : i32
        %select_n3A_395 = arith.select %and3A_392, %sub3A_394, %div3A_373 : i32
        %multiple_of3A = tpu.assume_multiple %select_n3A_395, 8 : i32
        %dma_start3A_396 = arith.constant 0 : i32
        %dma_start3A_397 = arith.constant 0 : i32
        %dma_start3A_398 = tpu.memref_slice %arg12[%dma_start3A_396, %dma_start3A_397] : memref<64x256xf32, #tpu.memory_space<vmem>> -> memref<32x256xf32, #tpu.memory_space<vmem>>
        %dma_start3A_399 = arith.constant 0 : i32
        %dma_start3A_400 = tpu.memref_slice %arg4[%multiple_of3A, %dma_start3A_399] : memref<100000x512xf32, #tpu.memory_space<hbm>> -> memref<32x256xf32, #tpu.memory_space<hbm>>
        %dma_start3A_401 = arith.constant 0 : i32
        %dma_start3A_402 = tpu.memref_slice %arg4[%multiple_of3A, %dma_start3A_401] : memref<100000x512xf32, #tpu.memory_space<hbm>> -> memref<32x256xf32, #tpu.memory_space<hbm>>
        %dma_start3A_403 = arith.constant 0 : i32
        %dma_start3A_404 = arith.constant 0 : i32
        %dma_start3A_405 = tpu.memref_slice %arg12[%dma_start3A_403, %dma_start3A_404] : memref<64x256xf32, #tpu.memory_space<vmem>> -> memref<32x256xf32, #tpu.memory_space<vmem>>
        tpu.enqueue_dma source(%dma_start3A_405 : memref<32x256xf32, #tpu.memory_space<vmem>>) target(%dma_start3A_402 : memref<32x256xf32, #tpu.memory_space<hbm>>) target_semaphore(%arg24 : memref<!tpu.dma_semaphore, #tpu.memory_space<semaphore_mem>>)
        %dma_start3A_406 = arith.constant 32 : i32
        %dma_start3A_407 = arith.constant 0 : i32
        %dma_start3A_408 = tpu.memref_slice %arg12[%dma_start3A_406, %dma_start3A_407] : memref<64x256xf32, #tpu.memory_space<vmem>> -> memref<32x256xf32, #tpu.memory_space<vmem>>
        %dma_start3A_409 = arith.constant 256 : i32
        %dma_start3A_410 = tpu.memref_slice %arg4[%multiple_of3A, %dma_start3A_409] : memref<100000x512xf32, #tpu.memory_space<hbm>> -> memref<32x256xf32, #tpu.memory_space<hbm>>
        %dma_start3A_411 = arith.constant 256 : i32
        %dma_start3A_412 = tpu.memref_slice %arg4[%multiple_of3A, %dma_start3A_411] : memref<100000x512xf32, #tpu.memory_space<hbm>> -> memref<32x256xf32, #tpu.memory_space<hbm>>
        %dma_start3A_413 = arith.constant 32 : i32
        %dma_start3A_414 = arith.constant 0 : i32
        %dma_start3A_415 = tpu.memref_slice %arg12[%dma_start3A_413, %dma_start3A_414] : memref<64x256xf32, #tpu.memory_space<vmem>> -> memref<32x256xf32, #tpu.memory_space<vmem>>
        tpu.enqueue_dma source(%dma_start3A_415 : memref<32x256xf32, #tpu.memory_space<vmem>>) target(%dma_start3A_412 : memref<32x256xf32, #tpu.memory_space<hbm>>) target_semaphore(%arg24 : memref<!tpu.dma_semaphore, #tpu.memory_space<semaphore_mem>>)
      } else {
      }
      %mul3A_246 = arith.constant 5 : i32
      %mul3A_247 = arith.muli %scan3A_222, %mul3A_246 : i32
      %add3A_248 = arith.constant 3 : i32
      %add3A_249 = arith.addi %mul3A_247, %add3A_248 : i32
      %lt3A_250 = arith.cmpi slt, %add3A_249, %select_n3A_75 : i32
      %convert_element_type3A_251 = arith.extui %lt3A_250 : i1 to i32
      %cond3A_252 = arith.constant 0 : i32
      %cond3A_253 = arith.cmpi ne, %convert_element_type3A_251, %cond3A_252 : i32
      scf.if %cond3A_253 {
        %dma_wait3A_263 = arith.constant 0 : i32
        %dma_wait3A_264 = tpu.memref_slice %arg8[%dma_wait3A_263] : memref<6272xi32, #tpu.memory_space<vmem>> -> memref<64xi32, #tpu.memory_space<vmem>>
        %dma_wait3A_265 = arith.constant 0 : i32
        %dma_wait3A_266 = arith.constant 0 : i32
        %dma_wait3A_267 = tpu.memref_slice %arg3[%dma_wait3A_265, %dma_wait3A_266] : memref<200000x256xf32, #tpu.memory_space<hbm>> -> memref<200000x256xf32, #tpu.memory_space<hbm>>
        tpu.wait_indirect_dma semaphore(%arg20 : memref<!tpu.dma_semaphore, #tpu.memory_space<semaphore_mem>>) src(%dma_wait3A_267 : memref<200000x256xf32, #tpu.memory_space<hbm>>) dst(%arg13 : memref<64x256xf32, #tpu.memory_space<vmem>>)
        %add3A_268 = arith.constant 5 : i32
        %add3A_269 = arith.addi %add3A_249, %add3A_268 : i32
        %sub3A_270 = arith.constant 1 : i32
        %sub3A_271 = arith.subi %add3A_269, %sub3A_270 : i32
        %lt3A_272 = arith.cmpi slt, %sub3A_271, %select_n3A_75 : i32
        %convert_element_type3A_273 = arith.extui %lt3A_272 : i1 to i32
        %cond3A_274 = arith.constant 0 : i32
        %cond3A_275 = arith.cmpi ne, %convert_element_type3A_273, %cond3A_274 : i32
        scf.if %cond3A_275 {
          %ge3A = arith.constant 1 : i32
          %ge3A_416 = arith.cmpi sge, %add3A_249, %ge3A : i32
          %convert_element_type3A_417 = arith.extui %ge3A_416 : i1 to i32
          %cond3A_418 = arith.constant 0 : i32
          %cond3A_419 = arith.cmpi ne, %convert_element_type3A_417, %cond3A_418 : i32
          scf.if %cond3A_419 {
            %dma_wait3A_430 = arith.constant 0 : i32
            %dma_wait3A_431 = arith.constant 0 : i32
            %dma_wait3A_432 = tpu.memref_slice %arg12[%dma_wait3A_430, %dma_wait3A_431] : memref<64x256xf32, #tpu.memory_space<vmem>> -> memref<32x256xf32, #tpu.memory_space<vmem>>
            %dma_wait3A_433 = arith.constant 0 : i32
            %dma_wait3A_434 = arith.constant 0 : i32
            %dma_wait3A_435 = tpu.memref_slice %arg4[%dma_wait3A_433, %dma_wait3A_434] : memref<100000x512xf32, #tpu.memory_space<hbm>> -> memref<32x256xf32, #tpu.memory_space<hbm>>
            %dma_wait3A_436 = arith.constant 0 : i32
            %dma_wait3A_437 = arith.constant 0 : i32
            %dma_wait3A_438 = tpu.memref_slice %arg4[%dma_wait3A_436, %dma_wait3A_437] : memref<100000x512xf32, #tpu.memory_space<hbm>> -> memref<32x256xf32, #tpu.memory_space<hbm>>
            %dma_wait3A_439 = arith.constant 0 : i32
            %dma_wait3A_440 = arith.constant 0 : i32
            %dma_wait3A_441 = tpu.memref_slice %arg12[%dma_wait3A_439, %dma_wait3A_440] : memref<64x256xf32, #tpu.memory_space<vmem>> -> memref<32x256xf32, #tpu.memory_space<vmem>>
            tpu.wait_dma2 semaphore(%arg24 : memref<!tpu.dma_semaphore, #tpu.memory_space<semaphore_mem>>) src(%dma_wait3A_441 : memref<32x256xf32, #tpu.memory_space<vmem>>) dst(%dma_wait3A_438 : memref<32x256xf32, #tpu.memory_space<hbm>>)
            %dma_wait3A_442 = arith.constant 0 : i32
            %dma_wait3A_443 = arith.constant 0 : i32
            %dma_wait3A_444 = tpu.memref_slice %arg12[%dma_wait3A_442, %dma_wait3A_443] : memref<64x256xf32, #tpu.memory_space<vmem>> -> memref<32x256xf32, #tpu.memory_space<vmem>>
            %dma_wait3A_445 = arith.constant 0 : i32
            %dma_wait3A_446 = arith.constant 0 : i32
            %dma_wait3A_447 = tpu.memref_slice %arg4[%dma_wait3A_445, %dma_wait3A_446] : memref<100000x512xf32, #tpu.memory_space<hbm>> -> memref<32x256xf32, #tpu.memory_space<hbm>>
            %dma_wait3A_448 = arith.constant 0 : i32
            %dma_wait3A_449 = arith.constant 0 : i32
            %dma_wait3A_450 = tpu.memref_slice %arg4[%dma_wait3A_448, %dma_wait3A_449] : memref<100000x512xf32, #tpu.memory_space<hbm>> -> memref<32x256xf32, #tpu.memory_space<hbm>>
            %dma_wait3A_451 = arith.constant 0 : i32
            %dma_wait3A_452 = arith.constant 0 : i32
            %dma_wait3A_453 = tpu.memref_slice %arg12[%dma_wait3A_451, %dma_wait3A_452] : memref<64x256xf32, #tpu.memory_space<vmem>> -> memref<32x256xf32, #tpu.memory_space<vmem>>
            tpu.wait_dma2 semaphore(%arg24 : memref<!tpu.dma_semaphore, #tpu.memory_space<semaphore_mem>>) src(%dma_wait3A_453 : memref<32x256xf32, #tpu.memory_space<vmem>>) dst(%dma_wait3A_450 : memref<32x256xf32, #tpu.memory_space<hbm>>)
          } else {
          }
          %add3A_420 = arith.constant 5 : i32
          %add3A_421 = arith.addi %add3A_249, %add3A_420 : i32
          %sub3A_422 = arith.constant 1 : i32
          %sub3A_423 = arith.subi %add3A_421, %sub3A_422 : i32
          %mul3A_424 = arith.constant 64 : i32
          %mul3A_425 = arith.muli %sub3A_423, %mul3A_424 : i32
          %dma_start3A_426 = tpu.memref_slice %arg8[%mul3A_425] : memref<6272xi32, #tpu.memory_space<vmem>> -> memref<64xi32, #tpu.memory_space<vmem>>
          %dma_start3A_427 = arith.constant 0 : i32
          %dma_start3A_428 = arith.constant 0 : i32
          %dma_start3A_429 = tpu.memref_slice %arg3[%dma_start3A_427, %dma_start3A_428] : memref<200000x256xf32, #tpu.memory_space<hbm>> -> memref<200000x256xf32, #tpu.memory_space<hbm>>
          tpu.enqueue_indirect_dma source(%dma_start3A_429 : memref<200000x256xf32, #tpu.memory_space<hbm>>) target(%arg12 : memref<64x256xf32, #tpu.memory_space<vmem>>) offsets(%dma_start3A_426 : memref<64xi32, #tpu.memory_space<vmem>>) semaphore(%arg19 : memref<!tpu.dma_semaphore, #tpu.memory_space<semaphore_mem>>)
        } else {
        }
        %mul3A_276 = arith.constant 64 : i32
        %mul3A_277 = arith.muli %add3A_249, %mul3A_276 : i32
        %add3A_278 = arith.constant 0 : i32
        %add3A_279 = arith.addi %mul3A_277, %add3A_278 : i32
        %get3A = arith.index_cast %add3A_279 : i32 to index
        %get3A_280 = tpu.vector_load %arg9[%get3A] {strides = array<i32>} : memref<6272xi32, #tpu.memory_space<vmem>>, vector<16xi32>,
        %lt3A_281 = arith.constant 0 : i32
        %lt3A_282 = vector.broadcast %lt3A_281 : i32 to vector<16xi32>
        %lt3A_283 = arith.cmpi slt, %get3A_280, %lt3A_282 : vector<16xi32>
        %jit3A_284 = arith.constant 1 : i32
        %jit3A_285 = arith.constant 0 : i32
        %broadcast_in_dim3A_286 = vector.broadcast %jit3A_284 : i32 to vector<16xi32>
        %broadcast_in_dim3A_287 = vector.broadcast %jit3A_285 : i32 to vector<16xi32>
        %select_n3A_288 = arith.select %lt3A_283, %broadcast_in_dim3A_286, %broadcast_in_dim3A_287 : vector<16xi1>, vector<16xi32>
        %shift_left3A = arith.shli %select_n3A_288, %iota3A : vector<16xi32>
        %reduce_sum3A = arith.constant true
        %reduce_sum3A_289 = vector.broadcast %reduce_sum3A : i1 to vector<16xi1>
        %reduce_sum3A_290 = tpu.scan <sum>, %shift_left3A masked %reduce_sum3A_289 : vector<16xi32>, vector<16xi1> -> vector<16xi32>
        %reduce_sum3A_291 = vector.extract %reduce_sum3A_290[15] : i32 from vector<16xi32>
        %ne3A_292 = arith.constant 0 : i32
        %ne3A_293 = arith.cmpi ne, %reduce_sum3A_291, %ne3A_292 : i32
        %convert_element_type3A_294 = arith.extui %ne3A_293 : i1 to i32
        %cond3A_295 = arith.constant 0 : i32
        %cond3A_296 = arith.cmpi ne, %convert_element_type3A_294, %cond3A_295 : i32
        scf.if %cond3A_296 {
          %scan3A_416 = arith.constant 0 : i32
          %scan3A_417 = arith.constant 0 : i32
          %scan3A_418 = arith.constant 16 : i32
          %scan3A_419 = arith.addi %scan3A_417, %scan3A_418 : i32
          %scan3A_420 = arith.constant 1 : i32
          %scan3A_421 = scf.for %scan3A_423 = %scan3A_417 to %scan3A_419 step %scan3A_420 iter_args(%scan3A_424 = %scan3A_416) -> (i32)  : i32 {
            %shift_right_arithmetic3A = arith.shrsi %reduce_sum3A_291, %scan3A_423 : i32
            %and3A_425 = arith.constant 1 : i32
            %and3A_426 = arith.andi %shift_right_arithmetic3A, %and3A_425 : i32
            %eq3A_427 = arith.constant 1 : i32
            %eq3A_428 = arith.cmpi eq, %and3A_426, %eq3A_427 : i32
            %convert_element_type3A_429 = arith.extui %eq3A_428 : i1 to i32
            %cond3A_430 = arith.constant 0 : i32
            %cond3A_431 = arith.cmpi ne, %convert_element_type3A_429, %cond3A_430 : i32
            scf.if %cond3A_431 {
              %add3A_433 = arith.constant 0 : i32
              %add3A_434 = arith.addi %add3A_433, %scan3A_423 : i32
              %swap3A = arith.index_cast %add3A_434 : i32 to index
              %swap3A_435 = arith.constant 0 : index
              %swap3A_436 = tpu.vector_load %arg13[%swap3A, %swap3A_435] {strides = array<i32>} : memref<64x256xf32, #tpu.memory_space<vmem>>, vector<16xf32>,
              tpu.vector_store %arg13[%swap3A, %swap3A_435], %broadcast_in_dim3A_6 {strides = array<i32>} : memref<64x256xf32, #tpu.memory_space<vmem>>, vector<16xf32>,
              %add3A_437 = arith.constant 0 : i32
              %add3A_438 = arith.addi %add3A_437, %scan3A_423 : i32
              %swap3A_439 = arith.index_cast %add3A_438 : i32 to index
              %swap3A_440 = arith.constant 16 : index
              %swap3A_441 = tpu.vector_load %arg13[%swap3A_439, %swap3A_440] {strides = array<i32>} : memref<64x256xf32, #tpu.memory_space<vmem>>, vector<16xf32>,
              tpu.vector_store %arg13[%swap3A_439, %swap3A_440], %broadcast_in_dim3A_6 {strides = array<i32>} : memref<64x256xf32, #tpu.memory_space<vmem>>, vector<16xf32>,
              %add3A_442 = arith.constant 0 : i32
              %add3A_443 = arith.addi %add3A_442, %scan3A_423 : i32
              %swap3A_444 = arith.index_cast %add3A_443 : i32 to index
              %swap3A_445 = arith.constant 32 : index
              %swap3A_446 = tpu.vector_load %arg13[%swap3A_444, %swap3A_445] {strides = array<i32>} : memref<64x256xf32, #tpu.memory_space<vmem>>, vector<16xf32>,
              tpu.vector_store %arg13[%swap3A_444, %swap3A_445], %broadcast_in_dim3A_6 {strides = array<i32>} : memref<64x256xf32, #tpu.memory_space<vmem>>, vector<16xf32>,
              %add3A_447 = arith.constant 0 : i32
              %add3A_448 = arith.addi %add3A_447, %scan3A_423 : i32
              %swap3A_449 = arith.index_cast %add3A_448 : i32 to index
              %swap3A_450 = arith.constant 48 : index
              %swap3A_451 = tpu.vector_load %arg13[%swap3A_449, %swap3A_450] {strides = array<i32>} : memref<64x256xf32, #tpu.memory_space<vmem>>, vector<16xf32>,
              tpu.vector_store %arg13[%swap3A_449, %swap3A_450], %broadcast_in_dim3A_6 {strides = array<i32>} : memref<64x256xf32, #tpu.memory_space<vmem>>, vector<16xf32>,
              %add3A_452 = arith.constant 0 : i32
              %add3A_453 = arith.addi %add3A_452, %scan3A_423 : i32
              %swap3A_454 = arith.index_cast %add3A_453 : i32 to index
              %swap3A_455 = arith.constant 64 : index
              %swap3A_456 = tpu.vector_load %arg13[%swap3A_454, %swap3A_455] {strides = array<i32>} : memref<64x256xf32, #tpu.memory_space<vmem>>, vector<16xf32>,
              tpu.vector_store %arg13[%swap3A_454, %swap3A_455], %broadcast_in_dim3A_6 {strides = array<i32>} : memref<64x256xf32, #tpu.memory_space<vmem>>, vector<16xf32>,
              %add3A_457 = arith.constant 0 : i32
              %add3A_458 = arith.addi %add3A_457, %scan3A_423 : i32
              %swap3A_459 = arith.index_cast %add3A_458 : i32 to index
              %swap3A_460 = arith.constant 80 : index
              %swap3A_461 = tpu.vector_load %arg13[%swap3A_459, %swap3A_460] {strides = array<i32>} : memref<64x256xf32, #tpu.memory_space<vmem>>, vector<16xf32>,
              tpu.vector_store %arg13[%swap3A_459, %swap3A_460], %broadcast_in_dim3A_6 {strides = array<i32>} : memref<64x256xf32, #tpu.memory_space<vmem>>, vector<16xf32>,
              %add3A_462 = arith.constant 0 : i32
              %add3A_463 = arith.addi %add3A_462, %scan3A_423 : i32
              %swap3A_464 = arith.index_cast %add3A_463 : i32 to index
              %swap3A_465 = arith.constant 96 : index
              %swap3A_466 = tpu.vector_load %arg13[%swap3A_464, %swap3A_465] {strides = array<i32>} : memref<64x256xf32, #tpu.memory_space<vmem>>, vector<16xf32>,
              tpu.vector_store %arg13[%swap3A_464, %swap3A_465], %broadcast_in_dim3A_6 {strides = array<i32>} : memref<64x256xf32, #tpu.memory_space<vmem>>, vector<16xf32>,
              %add3A_467 = arith.constant 0 : i32
              %add3A_468 = arith.addi %add3A_467, %scan3A_423 : i32
              %swap3A_469 = arith.index_cast %add3A_468 : i32 to index
              %swap3A_470 = arith.constant 112 : index
              %swap3A_471 = tpu.vector_load %arg13[%swap3A_469, %swap3A_470] {strides = array<i32>} : memref<64x256xf32, #tpu.memory_space<vmem>>, vector<16xf32>,
              tpu.vector_store %arg13[%swap3A_469, %swap3A_470], %broadcast_in_dim3A_6 {strides = array<i32>} : memref<64x256xf32, #tpu.memory_space<vmem>>, vector<16xf32>,
              %add3A_472 = arith.constant 0 : i32
              %add3A_473 = arith.addi %add3A_472, %scan3A_423 : i32
              %swap3A_474 = arith.index_cast %add3A_473 : i32 to index
              %swap3A_475 = arith.constant 128 : index
              %swap3A_476 = tpu.vector_load %arg13[%swap3A_474, %swap3A_475] {strides = array<i32>} : memref<64x256xf32, #tpu.memory_space<vmem>>, vector<16xf32>,
              tpu.vector_store %arg13[%swap3A_474, %swap3A_475], %broadcast_in_dim3A_6 {strides = array<i32>} : memref<64x256xf32, #tpu.memory_space<vmem>>, vector<16xf32>,
              %add3A_477 = arith.constant 0 : i32
              %add3A_478 = arith.addi %add3A_477, %scan3A_423 : i32
              %swap3A_479 = arith.index_cast %add3A_478 : i32 to index
              %swap3A_480 = arith.constant 144 : index
              %swap3A_481 = tpu.vector_load %arg13[%swap3A_479, %swap3A_480] {strides = array<i32>} : memref<64x256xf32, #tpu.memory_space<vmem>>, vector<16xf32>,
              tpu.vector_store %arg13[%swap3A_479, %swap3A_480], %broadcast_in_dim3A_6 {strides = array<i32>} : memref<64x256xf32, #tpu.memory_space<vmem>>, vector<16xf32>,
              %add3A_482 = arith.constant 0 : i32
              %add3A_483 = arith.addi %add3A_482, %scan3A_423 : i32
              %swap3A_484 = arith.index_cast %add3A_483 : i32 to index
              %swap3A_485 = arith.constant 160 : index
              %swap3A_486 = tpu.vector_load %arg13[%swap3A_484, %swap3A_485] {strides = array<i32>} : memref<64x256xf32, #tpu.memory_space<vmem>>, vector<16xf32>,
              tpu.vector_store %arg13[%swap3A_484, %swap3A_485], %broadcast_in_dim3A_6 {strides = array<i32>} : memref<64x256xf32, #tpu.memory_space<vmem>>, vector<16xf32>,
              %add3A_487 = arith.constant 0 : i32
              %add3A_488 = arith.addi %add3A_487, %scan3A_423 : i32
              %swap3A_489 = arith.index_cast %add3A_488 : i32 to index
              %swap3A_490 = arith.constant 176 : index
              %swap3A_491 = tpu.vector_load %arg13[%swap3A_489, %swap3A_490] {strides = array<i32>} : memref<64x256xf32, #tpu.memory_space<vmem>>, vector<16xf32>,
              tpu.vector_store %arg13[%swap3A_489, %swap3A_490], %broadcast_in_dim3A_6 {strides = array<i32>} : memref<64x256xf32, #tpu.memory_space<vmem>>, vector<16xf32>,
              %add3A_492 = arith.constant 0 : i32
              %add3A_493 = arith.addi %add3A_492, %scan3A_423 : i32
              %swap3A_494 = arith.index_cast %add3A_493 : i32 to index
              %swap3A_495 = arith.constant 192 : index
              %swap3A_496 = tpu.vector_load %arg13[%swap3A_494, %swap3A_495] {strides = array<i32>} : memref<64x256xf32, #tpu.memory_space<vmem>>, vector<16xf32>,
              tpu.vector_store %arg13[%swap3A_494, %swap3A_495], %broadcast_in_dim3A_6 {strides = array<i32>} : memref<64x256xf32, #tpu.memory_space<vmem>>, vector<16xf32>,
              %add3A_497 = arith.constant 0 : i32
              %add3A_498 = arith.addi %add3A_497, %scan3A_423 : i32
              %swap3A_499 = arith.index_cast %add3A_498 : i32 to index
              %swap3A_500 = arith.constant 208 : index
              %swap3A_501 = tpu.vector_load %arg13[%swap3A_499, %swap3A_500] {strides = array<i32>} : memref<64x256xf32, #tpu.memory_space<vmem>>, vector<16xf32>,
              tpu.vector_store %arg13[%swap3A_499, %swap3A_500], %broadcast_in_dim3A_6 {strides = array<i32>} : memref<64x256xf32, #tpu.memory_space<vmem>>, vector<16xf32>,
              %add3A_502 = arith.constant 0 : i32
              %add3A_503 = arith.addi %add3A_502, %scan3A_423 : i32
              %swap3A_504 = arith.index_cast %add3A_503 : i32 to index
              %swap3A_505 = arith.constant 224 : index
              %swap3A_506 = tpu.vector_load %arg13[%swap3A_504, %swap3A_505] {strides = array<i32>} : memref<64x256xf32, #tpu.memory_space<vmem>>, vector<16xf32>,
              tpu.vector_store %arg13[%swap3A_504, %swap3A_505], %broadcast_in_dim3A_6 {strides = array<i32>} : memref<64x256xf32, #tpu.memory_space<vmem>>, vector<16xf32>,
              %add3A_507 = arith.constant 0 : i32
              %add3A_508 = arith.addi %add3A_507, %scan3A_423 : i32
              %swap3A_509 = arith.index_cast %add3A_508 : i32 to index
              %swap3A_510 = arith.constant 240 : index
              %swap3A_511 = tpu.vector_load %arg13[%swap3A_509, %swap3A_510] {strides = array<i32>} : memref<64x256xf32, #tpu.memory_space<vmem>>, vector<16xf32>,
              tpu.vector_store %arg13[%swap3A_509, %swap3A_510], %broadcast_in_dim3A_6 {strides = array<i32>} : memref<64x256xf32, #tpu.memory_space<vmem>>, vector<16xf32>,
            } else {
            }
            %scan3A_432 = arith.constant 0 : i32
            scf.yield %scan3A_432 : i32
          }
          %scan3A_422 = arith.constant 16 : i32
        } else {
        }
        %mul3A_297 = arith.constant 64 : i32
        %mul3A_298 = arith.muli %add3A_249, %mul3A_297 : i32
        %add3A_299 = arith.constant 16 : i32
        %add3A_300 = arith.addi %mul3A_298, %add3A_299 : i32
        %get3A_301 = arith.index_cast %add3A_300 : i32 to index
        %get3A_302 = tpu.vector_load %arg9[%get3A_301] {strides = array<i32>} : memref<6272xi32, #tpu.memory_space<vmem>>, vector<16xi32>,
        %lt3A_303 = arith.constant 0 : i32
        %lt3A_304 = vector.broadcast %lt3A_303 : i32 to vector<16xi32>
        %lt3A_305 = arith.cmpi slt, %get3A_302, %lt3A_304 : vector<16xi32>
        %jit3A_306 = arith.constant 1 : i32
        %jit3A_307 = arith.constant 0 : i32
        %broadcast_in_dim3A_308 = vector.broadcast %jit3A_306 : i32 to vector<16xi32>
        %broadcast_in_dim3A_309 = vector.broadcast %jit3A_307 : i32 to vector<16xi32>
        %select_n3A_310 = arith.select %lt3A_305, %broadcast_in_dim3A_308, %broadcast_in_dim3A_309 : vector<16xi1>, vector<16xi32>
        %shift_left3A_311 = arith.shli %select_n3A_310, %iota3A : vector<16xi32>
        %reduce_sum3A_312 = arith.constant true
        %reduce_sum3A_313 = vector.broadcast %reduce_sum3A_312 : i1 to vector<16xi1>
        %reduce_sum3A_314 = tpu.scan <sum>, %shift_left3A_311 masked %reduce_sum3A_313 : vector<16xi32>, vector<16xi1> -> vector<16xi32>
        %reduce_sum3A_315 = vector.extract %reduce_sum3A_314[15] : i32 from vector<16xi32>
        %ne3A_316 = arith.constant 0 : i32
        %ne3A_317 = arith.cmpi ne, %reduce_sum3A_315, %ne3A_316 : i32
        %convert_element_type3A_318 = arith.extui %ne3A_317 : i1 to i32
        %cond3A_319 = arith.constant 0 : i32
        %cond3A_320 = arith.cmpi ne, %convert_element_type3A_318, %cond3A_319 : i32
        scf.if %cond3A_320 {
          %scan3A_416 = arith.constant 0 : i32
          %scan3A_417 = arith.constant 0 : i32
          %scan3A_418 = arith.constant 16 : i32
          %scan3A_419 = arith.addi %scan3A_417, %scan3A_418 : i32
          %scan3A_420 = arith.constant 1 : i32
          %scan3A_421 = scf.for %scan3A_423 = %scan3A_417 to %scan3A_419 step %scan3A_420 iter_args(%scan3A_424 = %scan3A_416) -> (i32)  : i32 {
            %shift_right_arithmetic3A = arith.shrsi %reduce_sum3A_315, %scan3A_423 : i32
            %and3A_425 = arith.constant 1 : i32
            %and3A_426 = arith.andi %shift_right_arithmetic3A, %and3A_425 : i32
            %eq3A_427 = arith.constant 1 : i32
            %eq3A_428 = arith.cmpi eq, %and3A_426, %eq3A_427 : i32
            %convert_element_type3A_429 = arith.extui %eq3A_428 : i1 to i32
            %cond3A_430 = arith.constant 0 : i32
            %cond3A_431 = arith.cmpi ne, %convert_element_type3A_429, %cond3A_430 : i32
            scf.if %cond3A_431 {
              %add3A_433 = arith.constant 16 : i32
              %add3A_434 = arith.addi %add3A_433, %scan3A_423 : i32
              %swap3A = arith.index_cast %add3A_434 : i32 to index
              %swap3A_435 = arith.constant 0 : index
              %swap3A_436 = tpu.vector_load %arg13[%swap3A, %swap3A_435] {strides = array<i32>} : memref<64x256xf32, #tpu.memory_space<vmem>>, vector<16xf32>,
              tpu.vector_store %arg13[%swap3A, %swap3A_435], %broadcast_in_dim3A_6 {strides = array<i32>} : memref<64x256xf32, #tpu.memory_space<vmem>>, vector<16xf32>,
              %add3A_437 = arith.constant 16 : i32
              %add3A_438 = arith.addi %add3A_437, %scan3A_423 : i32
              %swap3A_439 = arith.index_cast %add3A_438 : i32 to index
              %swap3A_440 = arith.constant 16 : index
              %swap3A_441 = tpu.vector_load %arg13[%swap3A_439, %swap3A_440] {strides = array<i32>} : memref<64x256xf32, #tpu.memory_space<vmem>>, vector<16xf32>,
              tpu.vector_store %arg13[%swap3A_439, %swap3A_440], %broadcast_in_dim3A_6 {strides = array<i32>} : memref<64x256xf32, #tpu.memory_space<vmem>>, vector<16xf32>,
              %add3A_442 = arith.constant 16 : i32
              %add3A_443 = arith.addi %add3A_442, %scan3A_423 : i32
              %swap3A_444 = arith.index_cast %add3A_443 : i32 to index
              %swap3A_445 = arith.constant 32 : index
              %swap3A_446 = tpu.vector_load %arg13[%swap3A_444, %swap3A_445] {strides = array<i32>} : memref<64x256xf32, #tpu.memory_space<vmem>>, vector<16xf32>,
              tpu.vector_store %arg13[%swap3A_444, %swap3A_445], %broadcast_in_dim3A_6 {strides = array<i32>} : memref<64x256xf32, #tpu.memory_space<vmem>>, vector<16xf32>,
              %add3A_447 = arith.constant 16 : i32
              %add3A_448 = arith.addi %add3A_447, %scan3A_423 : i32
              %swap3A_449 = arith.index_cast %add3A_448 : i32 to index
              %swap3A_450 = arith.constant 48 : index
              %swap3A_451 = tpu.vector_load %arg13[%swap3A_449, %swap3A_450] {strides = array<i32>} : memref<64x256xf32, #tpu.memory_space<vmem>>, vector<16xf32>,
              tpu.vector_store %arg13[%swap3A_449, %swap3A_450], %broadcast_in_dim3A_6 {strides = array<i32>} : memref<64x256xf32, #tpu.memory_space<vmem>>, vector<16xf32>,
              %add3A_452 = arith.constant 16 : i32
              %add3A_453 = arith.addi %add3A_452, %scan3A_423 : i32
              %swap3A_454 = arith.index_cast %add3A_453 : i32 to index
              %swap3A_455 = arith.constant 64 : index
              %swap3A_456 = tpu.vector_load %arg13[%swap3A_454, %swap3A_455] {strides = array<i32>} : memref<64x256xf32, #tpu.memory_space<vmem>>, vector<16xf32>,
              tpu.vector_store %arg13[%swap3A_454, %swap3A_455], %broadcast_in_dim3A_6 {strides = array<i32>} : memref<64x256xf32, #tpu.memory_space<vmem>>, vector<16xf32>,
              %add3A_457 = arith.constant 16 : i32
              %add3A_458 = arith.addi %add3A_457, %scan3A_423 : i32
              %swap3A_459 = arith.index_cast %add3A_458 : i32 to index
              %swap3A_460 = arith.constant 80 : index
              %swap3A_461 = tpu.vector_load %arg13[%swap3A_459, %swap3A_460] {strides = array<i32>} : memref<64x256xf32, #tpu.memory_space<vmem>>, vector<16xf32>,
              tpu.vector_store %arg13[%swap3A_459, %swap3A_460], %broadcast_in_dim3A_6 {strides = array<i32>} : memref<64x256xf32, #tpu.memory_space<vmem>>, vector<16xf32>,
              %add3A_462 = arith.constant 16 : i32
              %add3A_463 = arith.addi %add3A_462, %scan3A_423 : i32
              %swap3A_464 = arith.index_cast %add3A_463 : i32 to index
              %swap3A_465 = arith.constant 96 : index
              %swap3A_466 = tpu.vector_load %arg13[%swap3A_464, %swap3A_465] {strides = array<i32>} : memref<64x256xf32, #tpu.memory_space<vmem>>, vector<16xf32>,
              tpu.vector_store %arg13[%swap3A_464, %swap3A_465], %broadcast_in_dim3A_6 {strides = array<i32>} : memref<64x256xf32, #tpu.memory_space<vmem>>, vector<16xf32>,
              %add3A_467 = arith.constant 16 : i32
              %add3A_468 = arith.addi %add3A_467, %scan3A_423 : i32
              %swap3A_469 = arith.index_cast %add3A_468 : i32 to index
              %swap3A_470 = arith.constant 112 : index
              %swap3A_471 = tpu.vector_load %arg13[%swap3A_469, %swap3A_470] {strides = array<i32>} : memref<64x256xf32, #tpu.memory_space<vmem>>, vector<16xf32>,
              tpu.vector_store %arg13[%swap3A_469, %swap3A_470], %broadcast_in_dim3A_6 {strides = array<i32>} : memref<64x256xf32, #tpu.memory_space<vmem>>, vector<16xf32>,
              %add3A_472 = arith.constant 16 : i32
              %add3A_473 = arith.addi %add3A_472, %scan3A_423 : i32
              %swap3A_474 = arith.index_cast %add3A_473 : i32 to index
              %swap3A_475 = arith.constant 128 : index
              %swap3A_476 = tpu.vector_load %arg13[%swap3A_474, %swap3A_475] {strides = array<i32>} : memref<64x256xf32, #tpu.memory_space<vmem>>, vector<16xf32>,
              tpu.vector_store %arg13[%swap3A_474, %swap3A_475], %broadcast_in_dim3A_6 {strides = array<i32>} : memref<64x256xf32, #tpu.memory_space<vmem>>, vector<16xf32>,
              %add3A_477 = arith.constant 16 : i32
              %add3A_478 = arith.addi %add3A_477, %scan3A_423 : i32
              %swap3A_479 = arith.index_cast %add3A_478 : i32 to index
              %swap3A_480 = arith.constant 144 : index
              %swap3A_481 = tpu.vector_load %arg13[%swap3A_479, %swap3A_480] {strides = array<i32>} : memref<64x256xf32, #tpu.memory_space<vmem>>, vector<16xf32>,
              tpu.vector_store %arg13[%swap3A_479, %swap3A_480], %broadcast_in_dim3A_6 {strides = array<i32>} : memref<64x256xf32, #tpu.memory_space<vmem>>, vector<16xf32>,
              %add3A_482 = arith.constant 16 : i32
              %add3A_483 = arith.addi %add3A_482, %scan3A_423 : i32
              %swap3A_484 = arith.index_cast %add3A_483 : i32 to index
              %swap3A_485 = arith.constant 160 : index
              %swap3A_486 = tpu.vector_load %arg13[%swap3A_484, %swap3A_485] {strides = array<i32>} : memref<64x256xf32, #tpu.memory_space<vmem>>, vector<16xf32>,
              tpu.vector_store %arg13[%swap3A_484, %swap3A_485], %broadcast_in_dim3A_6 {strides = array<i32>} : memref<64x256xf32, #tpu.memory_space<vmem>>, vector<16xf32>,
              %add3A_487 = arith.constant 16 : i32
              %add3A_488 = arith.addi %add3A_487, %scan3A_423 : i32
              %swap3A_489 = arith.index_cast %add3A_488 : i32 to index
              %swap3A_490 = arith.constant 176 : index
              %swap3A_491 = tpu.vector_load %arg13[%swap3A_489, %swap3A_490] {strides = array<i32>} : memref<64x256xf32, #tpu.memory_space<vmem>>, vector<16xf32>,
              tpu.vector_store %arg13[%swap3A_489, %swap3A_490], %broadcast_in_dim3A_6 {strides = array<i32>} : memref<64x256xf32, #tpu.memory_space<vmem>>, vector<16xf32>,
              %add3A_492 = arith.constant 16 : i32
              %add3A_493 = arith.addi %add3A_492, %scan3A_423 : i32
              %swap3A_494 = arith.index_cast %add3A_493 : i32 to index
              %swap3A_495 = arith.constant 192 : index
              %swap3A_496 = tpu.vector_load %arg13[%swap3A_494, %swap3A_495] {strides = array<i32>} : memref<64x256xf32, #tpu.memory_space<vmem>>, vector<16xf32>,
              tpu.vector_store %arg13[%swap3A_494, %swap3A_495], %broadcast_in_dim3A_6 {strides = array<i32>} : memref<64x256xf32, #tpu.memory_space<vmem>>, vector<16xf32>,
              %add3A_497 = arith.constant 16 : i32
              %add3A_498 = arith.addi %add3A_497, %scan3A_423 : i32
              %swap3A_499 = arith.index_cast %add3A_498 : i32 to index
              %swap3A_500 = arith.constant 208 : index
              %swap3A_501 = tpu.vector_load %arg13[%swap3A_499, %swap3A_500] {strides = array<i32>} : memref<64x256xf32, #tpu.memory_space<vmem>>, vector<16xf32>,
              tpu.vector_store %arg13[%swap3A_499, %swap3A_500], %broadcast_in_dim3A_6 {strides = array<i32>} : memref<64x256xf32, #tpu.memory_space<vmem>>, vector<16xf32>,
              %add3A_502 = arith.constant 16 : i32
              %add3A_503 = arith.addi %add3A_502, %scan3A_423 : i32
              %swap3A_504 = arith.index_cast %add3A_503 : i32 to index
              %swap3A_505 = arith.constant 224 : index
              %swap3A_506 = tpu.vector_load %arg13[%swap3A_504, %swap3A_505] {strides = array<i32>} : memref<64x256xf32, #tpu.memory_space<vmem>>, vector<16xf32>,
              tpu.vector_store %arg13[%swap3A_504, %swap3A_505], %broadcast_in_dim3A_6 {strides = array<i32>} : memref<64x256xf32, #tpu.memory_space<vmem>>, vector<16xf32>,
              %add3A_507 = arith.constant 16 : i32
              %add3A_508 = arith.addi %add3A_507, %scan3A_423 : i32
              %swap3A_509 = arith.index_cast %add3A_508 : i32 to index
              %swap3A_510 = arith.constant 240 : index
              %swap3A_511 = tpu.vector_load %arg13[%swap3A_509, %swap3A_510] {strides = array<i32>} : memref<64x256xf32, #tpu.memory_space<vmem>>, vector<16xf32>,
              tpu.vector_store %arg13[%swap3A_509, %swap3A_510], %broadcast_in_dim3A_6 {strides = array<i32>} : memref<64x256xf32, #tpu.memory_space<vmem>>, vector<16xf32>,
            } else {
            }
            %scan3A_432 = arith.constant 0 : i32
            scf.yield %scan3A_432 : i32
          }
          %scan3A_422 = arith.constant 16 : i32
        } else {
        }
        %mul3A_321 = arith.constant 64 : i32
        %mul3A_322 = arith.muli %add3A_249, %mul3A_321 : i32
        %add3A_323 = arith.constant 32 : i32
        %add3A_324 = arith.addi %mul3A_322, %add3A_323 : i32
        %get3A_325 = arith.index_cast %add3A_324 : i32 to index
        %get3A_326 = tpu.vector_load %arg9[%get3A_325] {strides = array<i32>} : memref<6272xi32, #tpu.memory_space<vmem>>, vector<16xi32>,
        %lt3A_327 = arith.constant 0 : i32
        %lt3A_328 = vector.broadcast %lt3A_327 : i32 to vector<16xi32>
        %lt3A_329 = arith.cmpi slt, %get3A_326, %lt3A_328 : vector<16xi32>
        %jit3A_330 = arith.constant 1 : i32
        %jit3A_331 = arith.constant 0 : i32
        %broadcast_in_dim3A_332 = vector.broadcast %jit3A_330 : i32 to vector<16xi32>
        %broadcast_in_dim3A_333 = vector.broadcast %jit3A_331 : i32 to vector<16xi32>
        %select_n3A_334 = arith.select %lt3A_329, %broadcast_in_dim3A_332, %broadcast_in_dim3A_333 : vector<16xi1>, vector<16xi32>
        %shift_left3A_335 = arith.shli %select_n3A_334, %iota3A : vector<16xi32>
        %reduce_sum3A_336 = arith.constant true
        %reduce_sum3A_337 = vector.broadcast %reduce_sum3A_336 : i1 to vector<16xi1>
        %reduce_sum3A_338 = tpu.scan <sum>, %shift_left3A_335 masked %reduce_sum3A_337 : vector<16xi32>, vector<16xi1> -> vector<16xi32>
        %reduce_sum3A_339 = vector.extract %reduce_sum3A_338[15] : i32 from vector<16xi32>
        %ne3A_340 = arith.constant 0 : i32
        %ne3A_341 = arith.cmpi ne, %reduce_sum3A_339, %ne3A_340 : i32
        %convert_element_type3A_342 = arith.extui %ne3A_341 : i1 to i32
        %cond3A_343 = arith.constant 0 : i32
        %cond3A_344 = arith.cmpi ne, %convert_element_type3A_342, %cond3A_343 : i32
        scf.if %cond3A_344 {
          %scan3A_416 = arith.constant 0 : i32
          %scan3A_417 = arith.constant 0 : i32
          %scan3A_418 = arith.constant 16 : i32
          %scan3A_419 = arith.addi %scan3A_417, %scan3A_418 : i32
          %scan3A_420 = arith.constant 1 : i32
          %scan3A_421 = scf.for %scan3A_423 = %scan3A_417 to %scan3A_419 step %scan3A_420 iter_args(%scan3A_424 = %scan3A_416) -> (i32)  : i32 {
            %shift_right_arithmetic3A = arith.shrsi %reduce_sum3A_339, %scan3A_423 : i32
            %and3A_425 = arith.constant 1 : i32
            %and3A_426 = arith.andi %shift_right_arithmetic3A, %and3A_425 : i32
            %eq3A_427 = arith.constant 1 : i32
            %eq3A_428 = arith.cmpi eq, %and3A_426, %eq3A_427 : i32
            %convert_element_type3A_429 = arith.extui %eq3A_428 : i1 to i32
            %cond3A_430 = arith.constant 0 : i32
            %cond3A_431 = arith.cmpi ne, %convert_element_type3A_429, %cond3A_430 : i32
            scf.if %cond3A_431 {
              %add3A_433 = arith.constant 32 : i32
              %add3A_434 = arith.addi %add3A_433, %scan3A_423 : i32
              %swap3A = arith.index_cast %add3A_434 : i32 to index
              %swap3A_435 = arith.constant 0 : index
              %swap3A_436 = tpu.vector_load %arg13[%swap3A, %swap3A_435] {strides = array<i32>} : memref<64x256xf32, #tpu.memory_space<vmem>>, vector<16xf32>,
              tpu.vector_store %arg13[%swap3A, %swap3A_435], %broadcast_in_dim3A_6 {strides = array<i32>} : memref<64x256xf32, #tpu.memory_space<vmem>>, vector<16xf32>,
              %add3A_437 = arith.constant 32 : i32
              %add3A_438 = arith.addi %add3A_437, %scan3A_423 : i32
              %swap3A_439 = arith.index_cast %add3A_438 : i32 to index
              %swap3A_440 = arith.constant 16 : index
              %swap3A_441 = tpu.vector_load %arg13[%swap3A_439, %swap3A_440] {strides = array<i32>} : memref<64x256xf32, #tpu.memory_space<vmem>>, vector<16xf32>,
              tpu.vector_store %arg13[%swap3A_439, %swap3A_440], %broadcast_in_dim3A_6 {strides = array<i32>} : memref<64x256xf32, #tpu.memory_space<vmem>>, vector<16xf32>,
              %add3A_442 = arith.constant 32 : i32
              %add3A_443 = arith.addi %add3A_442, %scan3A_423 : i32
              %swap3A_444 = arith.index_cast %add3A_443 : i32 to index
              %swap3A_445 = arith.constant 32 : index
              %swap3A_446 = tpu.vector_load %arg13[%swap3A_444, %swap3A_445] {strides = array<i32>} : memref<64x256xf32, #tpu.memory_space<vmem>>, vector<16xf32>,
              tpu.vector_store %arg13[%swap3A_444, %swap3A_445], %broadcast_in_dim3A_6 {strides = array<i32>} : memref<64x256xf32, #tpu.memory_space<vmem>>, vector<16xf32>,
              %add3A_447 = arith.constant 32 : i32
              %add3A_448 = arith.addi %add3A_447, %scan3A_423 : i32
              %swap3A_449 = arith.index_cast %add3A_448 : i32 to index
              %swap3A_450 = arith.constant 48 : index
              %swap3A_451 = tpu.vector_load %arg13[%swap3A_449, %swap3A_450] {strides = array<i32>} : memref<64x256xf32, #tpu.memory_space<vmem>>, vector<16xf32>,
              tpu.vector_store %arg13[%swap3A_449, %swap3A_450], %broadcast_in_dim3A_6 {strides = array<i32>} : memref<64x256xf32, #tpu.memory_space<vmem>>, vector<16xf32>,
              %add3A_452 = arith.constant 32 : i32
              %add3A_453 = arith.addi %add3A_452, %scan3A_423 : i32
              %swap3A_454 = arith.index_cast %add3A_453 : i32 to index
              %swap3A_455 = arith.constant 64 : index
              %swap3A_456 = tpu.vector_load %arg13[%swap3A_454, %swap3A_455] {strides = array<i32>} : memref<64x256xf32, #tpu.memory_space<vmem>>, vector<16xf32>,
              tpu.vector_store %arg13[%swap3A_454, %swap3A_455], %broadcast_in_dim3A_6 {strides = array<i32>} : memref<64x256xf32, #tpu.memory_space<vmem>>, vector<16xf32>,
              %add3A_457 = arith.constant 32 : i32
              %add3A_458 = arith.addi %add3A_457, %scan3A_423 : i32
              %swap3A_459 = arith.index_cast %add3A_458 : i32 to index
              %swap3A_460 = arith.constant 80 : index
              %swap3A_461 = tpu.vector_load %arg13[%swap3A_459, %swap3A_460] {strides = array<i32>} : memref<64x256xf32, #tpu.memory_space<vmem>>, vector<16xf32>,
              tpu.vector_store %arg13[%swap3A_459, %swap3A_460], %broadcast_in_dim3A_6 {strides = array<i32>} : memref<64x256xf32, #tpu.memory_space<vmem>>, vector<16xf32>,
              %add3A_462 = arith.constant 32 : i32
              %add3A_463 = arith.addi %add3A_462, %scan3A_423 : i32
              %swap3A_464 = arith.index_cast %add3A_463 : i32 to index
              %swap3A_465 = arith.constant 96 : index
              %swap3A_466 = tpu.vector_load %arg13[%swap3A_464, %swap3A_465] {strides = array<i32>} : memref<64x256xf32, #tpu.memory_space<vmem>>, vector<16xf32>,
              tpu.vector_store %arg13[%swap3A_464, %swap3A_465], %broadcast_in_dim3A_6 {strides = array<i32>} : memref<64x256xf32, #tpu.memory_space<vmem>>, vector<16xf32>,
              %add3A_467 = arith.constant 32 : i32
              %add3A_468 = arith.addi %add3A_467, %scan3A_423 : i32
              %swap3A_469 = arith.index_cast %add3A_468 : i32 to index
              %swap3A_470 = arith.constant 112 : index
              %swap3A_471 = tpu.vector_load %arg13[%swap3A_469, %swap3A_470] {strides = array<i32>} : memref<64x256xf32, #tpu.memory_space<vmem>>, vector<16xf32>,
              tpu.vector_store %arg13[%swap3A_469, %swap3A_470], %broadcast_in_dim3A_6 {strides = array<i32>} : memref<64x256xf32, #tpu.memory_space<vmem>>, vector<16xf32>,
              %add3A_472 = arith.constant 32 : i32
              %add3A_473 = arith.addi %add3A_472, %scan3A_423 : i32
              %swap3A_474 = arith.index_cast %add3A_473 : i32 to index
              %swap3A_475 = arith.constant 128 : index
              %swap3A_476 = tpu.vector_load %arg13[%swap3A_474, %swap3A_475] {strides = array<i32>} : memref<64x256xf32, #tpu.memory_space<vmem>>, vector<16xf32>,
              tpu.vector_store %arg13[%swap3A_474, %swap3A_475], %broadcast_in_dim3A_6 {strides = array<i32>} : memref<64x256xf32, #tpu.memory_space<vmem>>, vector<16xf32>,
              %add3A_477 = arith.constant 32 : i32
              %add3A_478 = arith.addi %add3A_477, %scan3A_423 : i32
              %swap3A_479 = arith.index_cast %add3A_478 : i32 to index
              %swap3A_480 = arith.constant 144 : index
              %swap3A_481 = tpu.vector_load %arg13[%swap3A_479, %swap3A_480] {strides = array<i32>} : memref<64x256xf32, #tpu.memory_space<vmem>>, vector<16xf32>,
              tpu.vector_store %arg13[%swap3A_479, %swap3A_480], %broadcast_in_dim3A_6 {strides = array<i32>} : memref<64x256xf32, #tpu.memory_space<vmem>>, vector<16xf32>,
              %add3A_482 = arith.constant 32 : i32
              %add3A_483 = arith.addi %add3A_482, %scan3A_423 : i32
              %swap3A_484 = arith.index_cast %add3A_483 : i32 to index
              %swap3A_485 = arith.constant 160 : index
              %swap3A_486 = tpu.vector_load %arg13[%swap3A_484, %swap3A_485] {strides = array<i32>} : memref<64x256xf32, #tpu.memory_space<vmem>>, vector<16xf32>,
              tpu.vector_store %arg13[%swap3A_484, %swap3A_485], %broadcast_in_dim3A_6 {strides = array<i32>} : memref<64x256xf32, #tpu.memory_space<vmem>>, vector<16xf32>,
              %add3A_487 = arith.constant 32 : i32
              %add3A_488 = arith.addi %add3A_487, %scan3A_423 : i32
              %swap3A_489 = arith.index_cast %add3A_488 : i32 to index
              %swap3A_490 = arith.constant 176 : index
              %swap3A_491 = tpu.vector_load %arg13[%swap3A_489, %swap3A_490] {strides = array<i32>} : memref<64x256xf32, #tpu.memory_space<vmem>>, vector<16xf32>,
              tpu.vector_store %arg13[%swap3A_489, %swap3A_490], %broadcast_in_dim3A_6 {strides = array<i32>} : memref<64x256xf32, #tpu.memory_space<vmem>>, vector<16xf32>,
              %add3A_492 = arith.constant 32 : i32
              %add3A_493 = arith.addi %add3A_492, %scan3A_423 : i32
              %swap3A_494 = arith.index_cast %add3A_493 : i32 to index
              %swap3A_495 = arith.constant 192 : index
              %swap3A_496 = tpu.vector_load %arg13[%swap3A_494, %swap3A_495] {strides = array<i32>} : memref<64x256xf32, #tpu.memory_space<vmem>>, vector<16xf32>,
              tpu.vector_store %arg13[%swap3A_494, %swap3A_495], %broadcast_in_dim3A_6 {strides = array<i32>} : memref<64x256xf32, #tpu.memory_space<vmem>>, vector<16xf32>,
              %add3A_497 = arith.constant 32 : i32
              %add3A_498 = arith.addi %add3A_497, %scan3A_423 : i32
              %swap3A_499 = arith.index_cast %add3A_498 : i32 to index
              %swap3A_500 = arith.constant 208 : index
              %swap3A_501 = tpu.vector_load %arg13[%swap3A_499, %swap3A_500] {strides = array<i32>} : memref<64x256xf32, #tpu.memory_space<vmem>>, vector<16xf32>,
              tpu.vector_store %arg13[%swap3A_499, %swap3A_500], %broadcast_in_dim3A_6 {strides = array<i32>} : memref<64x256xf32, #tpu.memory_space<vmem>>, vector<16xf32>,
              %add3A_502 = arith.constant 32 : i32
              %add3A_503 = arith.addi %add3A_502, %scan3A_423 : i32
              %swap3A_504 = arith.index_cast %add3A_503 : i32 to index
              %swap3A_505 = arith.constant 224 : index
              %swap3A_506 = tpu.vector_load %arg13[%swap3A_504, %swap3A_505] {strides = array<i32>} : memref<64x256xf32, #tpu.memory_space<vmem>>, vector<16xf32>,
              tpu.vector_store %arg13[%swap3A_504, %swap3A_505], %broadcast_in_dim3A_6 {strides = array<i32>} : memref<64x256xf32, #tpu.memory_space<vmem>>, vector<16xf32>,
              %add3A_507 = arith.constant 32 : i32
              %add3A_508 = arith.addi %add3A_507, %scan3A_423 : i32
              %swap3A_509 = arith.index_cast %add3A_508 : i32 to index
              %swap3A_510 = arith.constant 240 : index
              %swap3A_511 = tpu.vector_load %arg13[%swap3A_509, %swap3A_510] {strides = array<i32>} : memref<64x256xf32, #tpu.memory_space<vmem>>, vector<16xf32>,
              tpu.vector_store %arg13[%swap3A_509, %swap3A_510], %broadcast_in_dim3A_6 {strides = array<i32>} : memref<64x256xf32, #tpu.memory_space<vmem>>, vector<16xf32>,
            } else {
            }
            %scan3A_432 = arith.constant 0 : i32
            scf.yield %scan3A_432 : i32
          }
          %scan3A_422 = arith.constant 16 : i32
        } else {
        }
        %mul3A_345 = arith.constant 64 : i32
        %mul3A_346 = arith.muli %add3A_249, %mul3A_345 : i32
        %add3A_347 = arith.constant 48 : i32
        %add3A_348 = arith.addi %mul3A_346, %add3A_347 : i32
        %get3A_349 = arith.index_cast %add3A_348 : i32 to index
        %get3A_350 = tpu.vector_load %arg9[%get3A_349] {strides = array<i32>} : memref<6272xi32, #tpu.memory_space<vmem>>, vector<16xi32>,
        %lt3A_351 = arith.constant 0 : i32
        %lt3A_352 = vector.broadcast %lt3A_351 : i32 to vector<16xi32>
        %lt3A_353 = arith.cmpi slt, %get3A_350, %lt3A_352 : vector<16xi32>
        %jit3A_354 = arith.constant 1 : i32
        %jit3A_355 = arith.constant 0 : i32
        %broadcast_in_dim3A_356 = vector.broadcast %jit3A_354 : i32 to vector<16xi32>
        %broadcast_in_dim3A_357 = vector.broadcast %jit3A_355 : i32 to vector<16xi32>
        %select_n3A_358 = arith.select %lt3A_353, %broadcast_in_dim3A_356, %broadcast_in_dim3A_357 : vector<16xi1>, vector<16xi32>
        %shift_left3A_359 = arith.shli %select_n3A_358, %iota3A : vector<16xi32>
        %reduce_sum3A_360 = arith.constant true
        %reduce_sum3A_361 = vector.broadcast %reduce_sum3A_360 : i1 to vector<16xi1>
        %reduce_sum3A_362 = tpu.scan <sum>, %shift_left3A_359 masked %reduce_sum3A_361 : vector<16xi32>, vector<16xi1> -> vector<16xi32>
        %reduce_sum3A_363 = vector.extract %reduce_sum3A_362[15] : i32 from vector<16xi32>
        %ne3A_364 = arith.constant 0 : i32
        %ne3A_365 = arith.cmpi ne, %reduce_sum3A_363, %ne3A_364 : i32
        %convert_element_type3A_366 = arith.extui %ne3A_365 : i1 to i32
        %cond3A_367 = arith.constant 0 : i32
        %cond3A_368 = arith.cmpi ne, %convert_element_type3A_366, %cond3A_367 : i32
        scf.if %cond3A_368 {
          %scan3A_416 = arith.constant 0 : i32
          %scan3A_417 = arith.constant 0 : i32
          %scan3A_418 = arith.constant 16 : i32
          %scan3A_419 = arith.addi %scan3A_417, %scan3A_418 : i32
          %scan3A_420 = arith.constant 1 : i32
          %scan3A_421 = scf.for %scan3A_423 = %scan3A_417 to %scan3A_419 step %scan3A_420 iter_args(%scan3A_424 = %scan3A_416) -> (i32)  : i32 {
            %shift_right_arithmetic3A = arith.shrsi %reduce_sum3A_363, %scan3A_423 : i32
            %and3A_425 = arith.constant 1 : i32
            %and3A_426 = arith.andi %shift_right_arithmetic3A, %and3A_425 : i32
            %eq3A_427 = arith.constant 1 : i32
            %eq3A_428 = arith.cmpi eq, %and3A_426, %eq3A_427 : i32
            %convert_element_type3A_429 = arith.extui %eq3A_428 : i1 to i32
            %cond3A_430 = arith.constant 0 : i32
            %cond3A_431 = arith.cmpi ne, %convert_element_type3A_429, %cond3A_430 : i32
            scf.if %cond3A_431 {
              %add3A_433 = arith.constant 48 : i32
              %add3A_434 = arith.addi %add3A_433, %scan3A_423 : i32
              %swap3A = arith.index_cast %add3A_434 : i32 to index
              %swap3A_435 = arith.constant 0 : index
              %swap3A_436 = tpu.vector_load %arg13[%swap3A, %swap3A_435] {strides = array<i32>} : memref<64x256xf32, #tpu.memory_space<vmem>>, vector<16xf32>,
              tpu.vector_store %arg13[%swap3A, %swap3A_435], %broadcast_in_dim3A_6 {strides = array<i32>} : memref<64x256xf32, #tpu.memory_space<vmem>>, vector<16xf32>,
              %add3A_437 = arith.constant 48 : i32
              %add3A_438 = arith.addi %add3A_437, %scan3A_423 : i32
              %swap3A_439 = arith.index_cast %add3A_438 : i32 to index
              %swap3A_440 = arith.constant 16 : index
              %swap3A_441 = tpu.vector_load %arg13[%swap3A_439, %swap3A_440] {strides = array<i32>} : memref<64x256xf32, #tpu.memory_space<vmem>>, vector<16xf32>,
              tpu.vector_store %arg13[%swap3A_439, %swap3A_440], %broadcast_in_dim3A_6 {strides = array<i32>} : memref<64x256xf32, #tpu.memory_space<vmem>>, vector<16xf32>,
              %add3A_442 = arith.constant 48 : i32
              %add3A_443 = arith.addi %add3A_442, %scan3A_423 : i32
              %swap3A_444 = arith.index_cast %add3A_443 : i32 to index
              %swap3A_445 = arith.constant 32 : index
              %swap3A_446 = tpu.vector_load %arg13[%swap3A_444, %swap3A_445] {strides = array<i32>} : memref<64x256xf32, #tpu.memory_space<vmem>>, vector<16xf32>,
              tpu.vector_store %arg13[%swap3A_444, %swap3A_445], %broadcast_in_dim3A_6 {strides = array<i32>} : memref<64x256xf32, #tpu.memory_space<vmem>>, vector<16xf32>,
              %add3A_447 = arith.constant 48 : i32
              %add3A_448 = arith.addi %add3A_447, %scan3A_423 : i32
              %swap3A_449 = arith.index_cast %add3A_448 : i32 to index
              %swap3A_450 = arith.constant 48 : index
              %swap3A_451 = tpu.vector_load %arg13[%swap3A_449, %swap3A_450] {strides = array<i32>} : memref<64x256xf32, #tpu.memory_space<vmem>>, vector<16xf32>,
              tpu.vector_store %arg13[%swap3A_449, %swap3A_450], %broadcast_in_dim3A_6 {strides = array<i32>} : memref<64x256xf32, #tpu.memory_space<vmem>>, vector<16xf32>,
              %add3A_452 = arith.constant 48 : i32
              %add3A_453 = arith.addi %add3A_452, %scan3A_423 : i32
              %swap3A_454 = arith.index_cast %add3A_453 : i32 to index
              %swap3A_455 = arith.constant 64 : index
              %swap3A_456 = tpu.vector_load %arg13[%swap3A_454, %swap3A_455] {strides = array<i32>} : memref<64x256xf32, #tpu.memory_space<vmem>>, vector<16xf32>,
              tpu.vector_store %arg13[%swap3A_454, %swap3A_455], %broadcast_in_dim3A_6 {strides = array<i32>} : memref<64x256xf32, #tpu.memory_space<vmem>>, vector<16xf32>,
              %add3A_457 = arith.constant 48 : i32
              %add3A_458 = arith.addi %add3A_457, %scan3A_423 : i32
              %swap3A_459 = arith.index_cast %add3A_458 : i32 to index
              %swap3A_460 = arith.constant 80 : index
              %swap3A_461 = tpu.vector_load %arg13[%swap3A_459, %swap3A_460] {strides = array<i32>} : memref<64x256xf32, #tpu.memory_space<vmem>>, vector<16xf32>,
              tpu.vector_store %arg13[%swap3A_459, %swap3A_460], %broadcast_in_dim3A_6 {strides = array<i32>} : memref<64x256xf32, #tpu.memory_space<vmem>>, vector<16xf32>,
              %add3A_462 = arith.constant 48 : i32
              %add3A_463 = arith.addi %add3A_462, %scan3A_423 : i32
              %swap3A_464 = arith.index_cast %add3A_463 : i32 to index
              %swap3A_465 = arith.constant 96 : index
              %swap3A_466 = tpu.vector_load %arg13[%swap3A_464, %swap3A_465] {strides = array<i32>} : memref<64x256xf32, #tpu.memory_space<vmem>>, vector<16xf32>,
              tpu.vector_store %arg13[%swap3A_464, %swap3A_465], %broadcast_in_dim3A_6 {strides = array<i32>} : memref<64x256xf32, #tpu.memory_space<vmem>>, vector<16xf32>,
              %add3A_467 = arith.constant 48 : i32
              %add3A_468 = arith.addi %add3A_467, %scan3A_423 : i32
              %swap3A_469 = arith.index_cast %add3A_468 : i32 to index
              %swap3A_470 = arith.constant 112 : index
              %swap3A_471 = tpu.vector_load %arg13[%swap3A_469, %swap3A_470] {strides = array<i32>} : memref<64x256xf32, #tpu.memory_space<vmem>>, vector<16xf32>,
              tpu.vector_store %arg13[%swap3A_469, %swap3A_470], %broadcast_in_dim3A_6 {strides = array<i32>} : memref<64x256xf32, #tpu.memory_space<vmem>>, vector<16xf32>,
              %add3A_472 = arith.constant 48 : i32
              %add3A_473 = arith.addi %add3A_472, %scan3A_423 : i32
              %swap3A_474 = arith.index_cast %add3A_473 : i32 to index
              %swap3A_475 = arith.constant 128 : index
              %swap3A_476 = tpu.vector_load %arg13[%swap3A_474, %swap3A_475] {strides = array<i32>} : memref<64x256xf32, #tpu.memory_space<vmem>>, vector<16xf32>,
              tpu.vector_store %arg13[%swap3A_474, %swap3A_475], %broadcast_in_dim3A_6 {strides = array<i32>} : memref<64x256xf32, #tpu.memory_space<vmem>>, vector<16xf32>,
              %add3A_477 = arith.constant 48 : i32
              %add3A_478 = arith.addi %add3A_477, %scan3A_423 : i32
              %swap3A_479 = arith.index_cast %add3A_478 : i32 to index
              %swap3A_480 = arith.constant 144 : index
              %swap3A_481 = tpu.vector_load %arg13[%swap3A_479, %swap3A_480] {strides = array<i32>} : memref<64x256xf32, #tpu.memory_space<vmem>>, vector<16xf32>,
              tpu.vector_store %arg13[%swap3A_479, %swap3A_480], %broadcast_in_dim3A_6 {strides = array<i32>} : memref<64x256xf32, #tpu.memory_space<vmem>>, vector<16xf32>,
              %add3A_482 = arith.constant 48 : i32
              %add3A_483 = arith.addi %add3A_482, %scan3A_423 : i32
              %swap3A_484 = arith.index_cast %add3A_483 : i32 to index
              %swap3A_485 = arith.constant 160 : index
              %swap3A_486 = tpu.vector_load %arg13[%swap3A_484, %swap3A_485] {strides = array<i32>} : memref<64x256xf32, #tpu.memory_space<vmem>>, vector<16xf32>,
              tpu.vector_store %arg13[%swap3A_484, %swap3A_485], %broadcast_in_dim3A_6 {strides = array<i32>} : memref<64x256xf32, #tpu.memory_space<vmem>>, vector<16xf32>,
              %add3A_487 = arith.constant 48 : i32
              %add3A_488 = arith.addi %add3A_487, %scan3A_423 : i32
              %swap3A_489 = arith.index_cast %add3A_488 : i32 to index
              %swap3A_490 = arith.constant 176 : index
              %swap3A_491 = tpu.vector_load %arg13[%swap3A_489, %swap3A_490] {strides = array<i32>} : memref<64x256xf32, #tpu.memory_space<vmem>>, vector<16xf32>,
              tpu.vector_store %arg13[%swap3A_489, %swap3A_490], %broadcast_in_dim3A_6 {strides = array<i32>} : memref<64x256xf32, #tpu.memory_space<vmem>>, vector<16xf32>,
              %add3A_492 = arith.constant 48 : i32
              %add3A_493 = arith.addi %add3A_492, %scan3A_423 : i32
              %swap3A_494 = arith.index_cast %add3A_493 : i32 to index
              %swap3A_495 = arith.constant 192 : index
              %swap3A_496 = tpu.vector_load %arg13[%swap3A_494, %swap3A_495] {strides = array<i32>} : memref<64x256xf32, #tpu.memory_space<vmem>>, vector<16xf32>,
              tpu.vector_store %arg13[%swap3A_494, %swap3A_495], %broadcast_in_dim3A_6 {strides = array<i32>} : memref<64x256xf32, #tpu.memory_space<vmem>>, vector<16xf32>,
              %add3A_497 = arith.constant 48 : i32
              %add3A_498 = arith.addi %add3A_497, %scan3A_423 : i32
              %swap3A_499 = arith.index_cast %add3A_498 : i32 to index
              %swap3A_500 = arith.constant 208 : index
              %swap3A_501 = tpu.vector_load %arg13[%swap3A_499, %swap3A_500] {strides = array<i32>} : memref<64x256xf32, #tpu.memory_space<vmem>>, vector<16xf32>,
              tpu.vector_store %arg13[%swap3A_499, %swap3A_500], %broadcast_in_dim3A_6 {strides = array<i32>} : memref<64x256xf32, #tpu.memory_space<vmem>>, vector<16xf32>,
              %add3A_502 = arith.constant 48 : i32
              %add3A_503 = arith.addi %add3A_502, %scan3A_423 : i32
              %swap3A_504 = arith.index_cast %add3A_503 : i32 to index
              %swap3A_505 = arith.constant 224 : index
              %swap3A_506 = tpu.vector_load %arg13[%swap3A_504, %swap3A_505] {strides = array<i32>} : memref<64x256xf32, #tpu.memory_space<vmem>>, vector<16xf32>,
              tpu.vector_store %arg13[%swap3A_504, %swap3A_505], %broadcast_in_dim3A_6 {strides = array<i32>} : memref<64x256xf32, #tpu.memory_space<vmem>>, vector<16xf32>,
              %add3A_507 = arith.constant 48 : i32
              %add3A_508 = arith.addi %add3A_507, %scan3A_423 : i32
              %swap3A_509 = arith.index_cast %add3A_508 : i32 to index
              %swap3A_510 = arith.constant 240 : index
              %swap3A_511 = tpu.vector_load %arg13[%swap3A_509, %swap3A_510] {strides = array<i32>} : memref<64x256xf32, #tpu.memory_space<vmem>>, vector<16xf32>,
              tpu.vector_store %arg13[%swap3A_509, %swap3A_510], %broadcast_in_dim3A_6 {strides = array<i32>} : memref<64x256xf32, #tpu.memory_space<vmem>>, vector<16xf32>,
            } else {
            }
            %scan3A_432 = arith.constant 0 : i32
            scf.yield %scan3A_432 : i32
          }
          %scan3A_422 = arith.constant 16 : i32
        } else {
        }
        %mul3A_369 = arith.constant 64 : i32
        %mul3A_370 = arith.muli %add3A_249, %mul3A_369 : i32
        %add3A_371 = arith.addi %mul3A_2, %mul3A_370 : i32
        %jit3A_372 = arith.constant 2 : i32
        %div3A_373 = arith.divsi %add3A_371, %jit3A_372 : i32
        %sign3A_374 = arith.constant 0 : i32
        %sign3A_375 = arith.cmpi sgt, %add3A_371, %sign3A_374 : i32
        %sign3A_376 = arith.extui %sign3A_375 : i1 to i32
        %sign3A_377 = arith.constant 0 : i32
        %sign3A_378 = arith.cmpi slt, %add3A_371, %sign3A_377 : i32
        %sign3A_379 = arith.extui %sign3A_378 : i1 to i32
        %sign3A_380 = arith.subi %sign3A_376, %sign3A_379 : i32
        %sign3A_381 = arith.constant 0 : i32
        %sign3A_382 = arith.cmpi sgt, %jit3A_372, %sign3A_381 : i32
        %sign3A_383 = arith.extui %sign3A_382 : i1 to i32
        %sign3A_384 = arith.constant 0 : i32
        %sign3A_385 = arith.cmpi slt, %jit3A_372, %sign3A_384 : i32
        %sign3A_386 = arith.extui %sign3A_385 : i1 to i32
        %sign3A_387 = arith.subi %sign3A_383, %sign3A_386 : i32
        %ne3A_388 = arith.cmpi ne, %sign3A_380, %sign3A_387 : i32
        %rem3A_389 = arith.remsi %add3A_371, %jit3A_372 : i32
        %ne3A_390 = arith.constant 0 : i32
        %ne3A_391 = arith.cmpi ne, %rem3A_389, %ne3A_390 : i32
        %and3A_392 = arith.andi %ne3A_388, %ne3A_391 : i1
        %sub3A_393 = arith.constant 1 : i32
        %sub3A_394 = arith.subi %div3A_373, %sub3A_393 : i32
        %select_n3A_395 = arith.select %and3A_392, %sub3A_394, %div3A_373 : i32
        %multiple_of3A = tpu.assume_multiple %select_n3A_395, 8 : i32
        %dma_start3A_396 = arith.constant 0 : i32
        %dma_start3A_397 = arith.constant 0 : i32
        %dma_start3A_398 = tpu.memref_slice %arg13[%dma_start3A_396, %dma_start3A_397] : memref<64x256xf32, #tpu.memory_space<vmem>> -> memref<32x256xf32, #tpu.memory_space<vmem>>
        %dma_start3A_399 = arith.constant 0 : i32
        %dma_start3A_400 = tpu.memref_slice %arg4[%multiple_of3A, %dma_start3A_399] : memref<100000x512xf32, #tpu.memory_space<hbm>> -> memref<32x256xf32, #tpu.memory_space<hbm>>
        %dma_start3A_401 = arith.constant 0 : i32
        %dma_start3A_402 = tpu.memref_slice %arg4[%multiple_of3A, %dma_start3A_401] : memref<100000x512xf32, #tpu.memory_space<hbm>> -> memref<32x256xf32, #tpu.memory_space<hbm>>
        %dma_start3A_403 = arith.constant 0 : i32
        %dma_start3A_404 = arith.constant 0 : i32
        %dma_start3A_405 = tpu.memref_slice %arg13[%dma_start3A_403, %dma_start3A_404] : memref<64x256xf32, #tpu.memory_space<vmem>> -> memref<32x256xf32, #tpu.memory_space<vmem>>
        tpu.enqueue_dma source(%dma_start3A_405 : memref<32x256xf32, #tpu.memory_space<vmem>>) target(%dma_start3A_402 : memref<32x256xf32, #tpu.memory_space<hbm>>) target_semaphore(%arg25 : memref<!tpu.dma_semaphore, #tpu.memory_space<semaphore_mem>>)
        %dma_start3A_406 = arith.constant 32 : i32
        %dma_start3A_407 = arith.constant 0 : i32
        %dma_start3A_408 = tpu.memref_slice %arg13[%dma_start3A_406, %dma_start3A_407] : memref<64x256xf32, #tpu.memory_space<vmem>> -> memref<32x256xf32, #tpu.memory_space<vmem>>
        %dma_start3A_409 = arith.constant 256 : i32
        %dma_start3A_410 = tpu.memref_slice %arg4[%multiple_of3A, %dma_start3A_409] : memref<100000x512xf32, #tpu.memory_space<hbm>> -> memref<32x256xf32, #tpu.memory_space<hbm>>
        %dma_start3A_411 = arith.constant 256 : i32
        %dma_start3A_412 = tpu.memref_slice %arg4[%multiple_of3A, %dma_start3A_411] : memref<100000x512xf32, #tpu.memory_space<hbm>> -> memref<32x256xf32, #tpu.memory_space<hbm>>
        %dma_start3A_413 = arith.constant 32 : i32
        %dma_start3A_414 = arith.constant 0 : i32
        %dma_start3A_415 = tpu.memref_slice %arg13[%dma_start3A_413, %dma_start3A_414] : memref<64x256xf32, #tpu.memory_space<vmem>> -> memref<32x256xf32, #tpu.memory_space<vmem>>
        tpu.enqueue_dma source(%dma_start3A_415 : memref<32x256xf32, #tpu.memory_space<vmem>>) target(%dma_start3A_412 : memref<32x256xf32, #tpu.memory_space<hbm>>) target_semaphore(%arg25 : memref<!tpu.dma_semaphore, #tpu.memory_space<semaphore_mem>>)
      } else {
      }
      %mul3A_254 = arith.constant 5 : i32
      %mul3A_255 = arith.muli %scan3A_222, %mul3A_254 : i32
      %add3A_256 = arith.constant 4 : i32
      %add3A_257 = arith.addi %mul3A_255, %add3A_256 : i32
      %lt3A_258 = arith.cmpi slt, %add3A_257, %select_n3A_75 : i32
      %convert_element_type3A_259 = arith.extui %lt3A_258 : i1 to i32
      %cond3A_260 = arith.constant 0 : i32
      %cond3A_261 = arith.cmpi ne, %convert_element_type3A_259, %cond3A_260 : i32
      scf.if %cond3A_261 {
        %dma_wait3A_263 = arith.constant 0 : i32
        %dma_wait3A_264 = tpu.memref_slice %arg8[%dma_wait3A_263] : memref<6272xi32, #tpu.memory_space<vmem>> -> memref<64xi32, #tpu.memory_space<vmem>>
        %dma_wait3A_265 = arith.constant 0 : i32
        %dma_wait3A_266 = arith.constant 0 : i32
        %dma_wait3A_267 = tpu.memref_slice %arg3[%dma_wait3A_265, %dma_wait3A_266] : memref<200000x256xf32, #tpu.memory_space<hbm>> -> memref<200000x256xf32, #tpu.memory_space<hbm>>
        tpu.wait_indirect_dma semaphore(%arg21 : memref<!tpu.dma_semaphore, #tpu.memory_space<semaphore_mem>>) src(%dma_wait3A_267 : memref<200000x256xf32, #tpu.memory_space<hbm>>) dst(%arg14 : memref<64x256xf32, #tpu.memory_space<vmem>>)
        %add3A_268 = arith.constant 5 : i32
        %add3A_269 = arith.addi %add3A_257, %add3A_268 : i32
        %sub3A_270 = arith.constant 1 : i32
        %sub3A_271 = arith.subi %add3A_269, %sub3A_270 : i32
        %lt3A_272 = arith.cmpi slt, %sub3A_271, %select_n3A_75 : i32
        %convert_element_type3A_273 = arith.extui %lt3A_272 : i1 to i32
        %cond3A_274 = arith.constant 0 : i32
        %cond3A_275 = arith.cmpi ne, %convert_element_type3A_273, %cond3A_274 : i32
        scf.if %cond3A_275 {
          %ge3A = arith.constant 1 : i32
          %ge3A_416 = arith.cmpi sge, %add3A_257, %ge3A : i32
          %convert_element_type3A_417 = arith.extui %ge3A_416 : i1 to i32
          %cond3A_418 = arith.constant 0 : i32
          %cond3A_419 = arith.cmpi ne, %convert_element_type3A_417, %cond3A_418 : i32
          scf.if %cond3A_419 {
            %dma_wait3A_430 = arith.constant 0 : i32
            %dma_wait3A_431 = arith.constant 0 : i32
            %dma_wait3A_432 = tpu.memref_slice %arg13[%dma_wait3A_430, %dma_wait3A_431] : memref<64x256xf32, #tpu.memory_space<vmem>> -> memref<32x256xf32, #tpu.memory_space<vmem>>
            %dma_wait3A_433 = arith.constant 0 : i32
            %dma_wait3A_434 = arith.constant 0 : i32
            %dma_wait3A_435 = tpu.memref_slice %arg4[%dma_wait3A_433, %dma_wait3A_434] : memref<100000x512xf32, #tpu.memory_space<hbm>> -> memref<32x256xf32, #tpu.memory_space<hbm>>
            %dma_wait3A_436 = arith.constant 0 : i32
            %dma_wait3A_437 = arith.constant 0 : i32
            %dma_wait3A_438 = tpu.memref_slice %arg4[%dma_wait3A_436, %dma_wait3A_437] : memref<100000x512xf32, #tpu.memory_space<hbm>> -> memref<32x256xf32, #tpu.memory_space<hbm>>
            %dma_wait3A_439 = arith.constant 0 : i32
            %dma_wait3A_440 = arith.constant 0 : i32
            %dma_wait3A_441 = tpu.memref_slice %arg13[%dma_wait3A_439, %dma_wait3A_440] : memref<64x256xf32, #tpu.memory_space<vmem>> -> memref<32x256xf32, #tpu.memory_space<vmem>>
            tpu.wait_dma2 semaphore(%arg25 : memref<!tpu.dma_semaphore, #tpu.memory_space<semaphore_mem>>) src(%dma_wait3A_441 : memref<32x256xf32, #tpu.memory_space<vmem>>) dst(%dma_wait3A_438 : memref<32x256xf32, #tpu.memory_space<hbm>>)
            %dma_wait3A_442 = arith.constant 0 : i32
            %dma_wait3A_443 = arith.constant 0 : i32
            %dma_wait3A_444 = tpu.memref_slice %arg13[%dma_wait3A_442, %dma_wait3A_443] : memref<64x256xf32, #tpu.memory_space<vmem>> -> memref<32x256xf32, #tpu.memory_space<vmem>>
            %dma_wait3A_445 = arith.constant 0 : i32
            %dma_wait3A_446 = arith.constant 0 : i32
            %dma_wait3A_447 = tpu.memref_slice %arg4[%dma_wait3A_445, %dma_wait3A_446] : memref<100000x512xf32, #tpu.memory_space<hbm>> -> memref<32x256xf32, #tpu.memory_space<hbm>>
            %dma_wait3A_448 = arith.constant 0 : i32
            %dma_wait3A_449 = arith.constant 0 : i32
            %dma_wait3A_450 = tpu.memref_slice %arg4[%dma_wait3A_448, %dma_wait3A_449] : memref<100000x512xf32, #tpu.memory_space<hbm>> -> memref<32x256xf32, #tpu.memory_space<hbm>>
            %dma_wait3A_451 = arith.constant 0 : i32
            %dma_wait3A_452 = arith.constant 0 : i32
            %dma_wait3A_453 = tpu.memref_slice %arg13[%dma_wait3A_451, %dma_wait3A_452] : memref<64x256xf32, #tpu.memory_space<vmem>> -> memref<32x256xf32, #tpu.memory_space<vmem>>
            tpu.wait_dma2 semaphore(%arg25 : memref<!tpu.dma_semaphore, #tpu.memory_space<semaphore_mem>>) src(%dma_wait3A_453 : memref<32x256xf32, #tpu.memory_space<vmem>>) dst(%dma_wait3A_450 : memref<32x256xf32, #tpu.memory_space<hbm>>)
          } else {
          }
          %add3A_420 = arith.constant 5 : i32
          %add3A_421 = arith.addi %add3A_257, %add3A_420 : i32
          %sub3A_422 = arith.constant 1 : i32
          %sub3A_423 = arith.subi %add3A_421, %sub3A_422 : i32
          %mul3A_424 = arith.constant 64 : i32
          %mul3A_425 = arith.muli %sub3A_423, %mul3A_424 : i32
          %dma_start3A_426 = tpu.memref_slice %arg8[%mul3A_425] : memref<6272xi32, #tpu.memory_space<vmem>> -> memref<64xi32, #tpu.memory_space<vmem>>
          %dma_start3A_427 = arith.constant 0 : i32
          %dma_start3A_428 = arith.constant 0 : i32
          %dma_start3A_429 = tpu.memref_slice %arg3[%dma_start3A_427, %dma_start3A_428] : memref<200000x256xf32, #tpu.memory_space<hbm>> -> memref<200000x256xf32, #tpu.memory_space<hbm>>
          tpu.enqueue_indirect_dma source(%dma_start3A_429 : memref<200000x256xf32, #tpu.memory_space<hbm>>) target(%arg13 : memref<64x256xf32, #tpu.memory_space<vmem>>) offsets(%dma_start3A_426 : memref<64xi32, #tpu.memory_space<vmem>>) semaphore(%arg20 : memref<!tpu.dma_semaphore, #tpu.memory_space<semaphore_mem>>)
        } else {
        }
        %mul3A_276 = arith.constant 64 : i32
        %mul3A_277 = arith.muli %add3A_257, %mul3A_276 : i32
        %add3A_278 = arith.constant 0 : i32
        %add3A_279 = arith.addi %mul3A_277, %add3A_278 : i32
        %get3A = arith.index_cast %add3A_279 : i32 to index
        %get3A_280 = tpu.vector_load %arg9[%get3A] {strides = array<i32>} : memref<6272xi32, #tpu.memory_space<vmem>>, vector<16xi32>,
        %lt3A_281 = arith.constant 0 : i32
        %lt3A_282 = vector.broadcast %lt3A_281 : i32 to vector<16xi32>
        %lt3A_283 = arith.cmpi slt, %get3A_280, %lt3A_282 : vector<16xi32>
        %jit3A_284 = arith.constant 1 : i32
        %jit3A_285 = arith.constant 0 : i32
        %broadcast_in_dim3A_286 = vector.broadcast %jit3A_284 : i32 to vector<16xi32>
        %broadcast_in_dim3A_287 = vector.broadcast %jit3A_285 : i32 to vector<16xi32>
        %select_n3A_288 = arith.select %lt3A_283, %broadcast_in_dim3A_286, %broadcast_in_dim3A_287 : vector<16xi1>, vector<16xi32>
        %shift_left3A = arith.shli %select_n3A_288, %iota3A : vector<16xi32>
        %reduce_sum3A = arith.constant true
        %reduce_sum3A_289 = vector.broadcast %reduce_sum3A : i1 to vector<16xi1>
        %reduce_sum3A_290 = tpu.scan <sum>, %shift_left3A masked %reduce_sum3A_289 : vector<16xi32>, vector<16xi1> -> vector<16xi32>
        %reduce_sum3A_291 = vector.extract %reduce_sum3A_290[15] : i32 from vector<16xi32>
        %ne3A_292 = arith.constant 0 : i32
        %ne3A_293 = arith.cmpi ne, %reduce_sum3A_291, %ne3A_292 : i32
        %convert_element_type3A_294 = arith.extui %ne3A_293 : i1 to i32
        %cond3A_295 = arith.constant 0 : i32
        %cond3A_296 = arith.cmpi ne, %convert_element_type3A_294, %cond3A_295 : i32
        scf.if %cond3A_296 {
          %scan3A_416 = arith.constant 0 : i32
          %scan3A_417 = arith.constant 0 : i32
          %scan3A_418 = arith.constant 16 : i32
          %scan3A_419 = arith.addi %scan3A_417, %scan3A_418 : i32
          %scan3A_420 = arith.constant 1 : i32
          %scan3A_421 = scf.for %scan3A_423 = %scan3A_417 to %scan3A_419 step %scan3A_420 iter_args(%scan3A_424 = %scan3A_416) -> (i32)  : i32 {
            %shift_right_arithmetic3A = arith.shrsi %reduce_sum3A_291, %scan3A_423 : i32
            %and3A_425 = arith.constant 1 : i32
            %and3A_426 = arith.andi %shift_right_arithmetic3A, %and3A_425 : i32
            %eq3A_427 = arith.constant 1 : i32
            %eq3A_428 = arith.cmpi eq, %and3A_426, %eq3A_427 : i32
            %convert_element_type3A_429 = arith.extui %eq3A_428 : i1 to i32
            %cond3A_430 = arith.constant 0 : i32
            %cond3A_431 = arith.cmpi ne, %convert_element_type3A_429, %cond3A_430 : i32
            scf.if %cond3A_431 {
              %add3A_433 = arith.constant 0 : i32
              %add3A_434 = arith.addi %add3A_433, %scan3A_423 : i32
              %swap3A = arith.index_cast %add3A_434 : i32 to index
              %swap3A_435 = arith.constant 0 : index
              %swap3A_436 = tpu.vector_load %arg14[%swap3A, %swap3A_435] {strides = array<i32>} : memref<64x256xf32, #tpu.memory_space<vmem>>, vector<16xf32>,
              tpu.vector_store %arg14[%swap3A, %swap3A_435], %broadcast_in_dim3A_6 {strides = array<i32>} : memref<64x256xf32, #tpu.memory_space<vmem>>, vector<16xf32>,
              %add3A_437 = arith.constant 0 : i32
              %add3A_438 = arith.addi %add3A_437, %scan3A_423 : i32
              %swap3A_439 = arith.index_cast %add3A_438 : i32 to index
              %swap3A_440 = arith.constant 16 : index
              %swap3A_441 = tpu.vector_load %arg14[%swap3A_439, %swap3A_440] {strides = array<i32>} : memref<64x256xf32, #tpu.memory_space<vmem>>, vector<16xf32>,
              tpu.vector_store %arg14[%swap3A_439, %swap3A_440], %broadcast_in_dim3A_6 {strides = array<i32>} : memref<64x256xf32, #tpu.memory_space<vmem>>, vector<16xf32>,
              %add3A_442 = arith.constant 0 : i32
              %add3A_443 = arith.addi %add3A_442, %scan3A_423 : i32
              %swap3A_444 = arith.index_cast %add3A_443 : i32 to index
              %swap3A_445 = arith.constant 32 : index
              %swap3A_446 = tpu.vector_load %arg14[%swap3A_444, %swap3A_445] {strides = array<i32>} : memref<64x256xf32, #tpu.memory_space<vmem>>, vector<16xf32>,
              tpu.vector_store %arg14[%swap3A_444, %swap3A_445], %broadcast_in_dim3A_6 {strides = array<i32>} : memref<64x256xf32, #tpu.memory_space<vmem>>, vector<16xf32>,
              %add3A_447 = arith.constant 0 : i32
              %add3A_448 = arith.addi %add3A_447, %scan3A_423 : i32
              %swap3A_449 = arith.index_cast %add3A_448 : i32 to index
              %swap3A_450 = arith.constant 48 : index
              %swap3A_451 = tpu.vector_load %arg14[%swap3A_449, %swap3A_450] {strides = array<i32>} : memref<64x256xf32, #tpu.memory_space<vmem>>, vector<16xf32>,
              tpu.vector_store %arg14[%swap3A_449, %swap3A_450], %broadcast_in_dim3A_6 {strides = array<i32>} : memref<64x256xf32, #tpu.memory_space<vmem>>, vector<16xf32>,
              %add3A_452 = arith.constant 0 : i32
              %add3A_453 = arith.addi %add3A_452, %scan3A_423 : i32
              %swap3A_454 = arith.index_cast %add3A_453 : i32 to index
              %swap3A_455 = arith.constant 64 : index
              %swap3A_456 = tpu.vector_load %arg14[%swap3A_454, %swap3A_455] {strides = array<i32>} : memref<64x256xf32, #tpu.memory_space<vmem>>, vector<16xf32>,
              tpu.vector_store %arg14[%swap3A_454, %swap3A_455], %broadcast_in_dim3A_6 {strides = array<i32>} : memref<64x256xf32, #tpu.memory_space<vmem>>, vector<16xf32>,
              %add3A_457 = arith.constant 0 : i32
              %add3A_458 = arith.addi %add3A_457, %scan3A_423 : i32
              %swap3A_459 = arith.index_cast %add3A_458 : i32 to index
              %swap3A_460 = arith.constant 80 : index
              %swap3A_461 = tpu.vector_load %arg14[%swap3A_459, %swap3A_460] {strides = array<i32>} : memref<64x256xf32, #tpu.memory_space<vmem>>, vector<16xf32>,
              tpu.vector_store %arg14[%swap3A_459, %swap3A_460], %broadcast_in_dim3A_6 {strides = array<i32>} : memref<64x256xf32, #tpu.memory_space<vmem>>, vector<16xf32>,
              %add3A_462 = arith.constant 0 : i32
              %add3A_463 = arith.addi %add3A_462, %scan3A_423 : i32
              %swap3A_464 = arith.index_cast %add3A_463 : i32 to index
              %swap3A_465 = arith.constant 96 : index
              %swap3A_466 = tpu.vector_load %arg14[%swap3A_464, %swap3A_465] {strides = array<i32>} : memref<64x256xf32, #tpu.memory_space<vmem>>, vector<16xf32>,
              tpu.vector_store %arg14[%swap3A_464, %swap3A_465], %broadcast_in_dim3A_6 {strides = array<i32>} : memref<64x256xf32, #tpu.memory_space<vmem>>, vector<16xf32>,
              %add3A_467 = arith.constant 0 : i32
              %add3A_468 = arith.addi %add3A_467, %scan3A_423 : i32
              %swap3A_469 = arith.index_cast %add3A_468 : i32 to index
              %swap3A_470 = arith.constant 112 : index
              %swap3A_471 = tpu.vector_load %arg14[%swap3A_469, %swap3A_470] {strides = array<i32>} : memref<64x256xf32, #tpu.memory_space<vmem>>, vector<16xf32>,
              tpu.vector_store %arg14[%swap3A_469, %swap3A_470], %broadcast_in_dim3A_6 {strides = array<i32>} : memref<64x256xf32, #tpu.memory_space<vmem>>, vector<16xf32>,
              %add3A_472 = arith.constant 0 : i32
              %add3A_473 = arith.addi %add3A_472, %scan3A_423 : i32
              %swap3A_474 = arith.index_cast %add3A_473 : i32 to index
              %swap3A_475 = arith.constant 128 : index
              %swap3A_476 = tpu.vector_load %arg14[%swap3A_474, %swap3A_475] {strides = array<i32>} : memref<64x256xf32, #tpu.memory_space<vmem>>, vector<16xf32>,
              tpu.vector_store %arg14[%swap3A_474, %swap3A_475], %broadcast_in_dim3A_6 {strides = array<i32>} : memref<64x256xf32, #tpu.memory_space<vmem>>, vector<16xf32>,
              %add3A_477 = arith.constant 0 : i32
              %add3A_478 = arith.addi %add3A_477, %scan3A_423 : i32
              %swap3A_479 = arith.index_cast %add3A_478 : i32 to index
              %swap3A_480 = arith.constant 144 : index
              %swap3A_481 = tpu.vector_load %arg14[%swap3A_479, %swap3A_480] {strides = array<i32>} : memref<64x256xf32, #tpu.memory_space<vmem>>, vector<16xf32>,
              tpu.vector_store %arg14[%swap3A_479, %swap3A_480], %broadcast_in_dim3A_6 {strides = array<i32>} : memref<64x256xf32, #tpu.memory_space<vmem>>, vector<16xf32>,
              %add3A_482 = arith.constant 0 : i32
              %add3A_483 = arith.addi %add3A_482, %scan3A_423 : i32
              %swap3A_484 = arith.index_cast %add3A_483 : i32 to index
              %swap3A_485 = arith.constant 160 : index
              %swap3A_486 = tpu.vector_load %arg14[%swap3A_484, %swap3A_485] {strides = array<i32>} : memref<64x256xf32, #tpu.memory_space<vmem>>, vector<16xf32>,
              tpu.vector_store %arg14[%swap3A_484, %swap3A_485], %broadcast_in_dim3A_6 {strides = array<i32>} : memref<64x256xf32, #tpu.memory_space<vmem>>, vector<16xf32>,
              %add3A_487 = arith.constant 0 : i32
              %add3A_488 = arith.addi %add3A_487, %scan3A_423 : i32
              %swap3A_489 = arith.index_cast %add3A_488 : i32 to index
              %swap3A_490 = arith.constant 176 : index
              %swap3A_491 = tpu.vector_load %arg14[%swap3A_489, %swap3A_490] {strides = array<i32>} : memref<64x256xf32, #tpu.memory_space<vmem>>, vector<16xf32>,
              tpu.vector_store %arg14[%swap3A_489, %swap3A_490], %broadcast_in_dim3A_6 {strides = array<i32>} : memref<64x256xf32, #tpu.memory_space<vmem>>, vector<16xf32>,
              %add3A_492 = arith.constant 0 : i32
              %add3A_493 = arith.addi %add3A_492, %scan3A_423 : i32
              %swap3A_494 = arith.index_cast %add3A_493 : i32 to index
              %swap3A_495 = arith.constant 192 : index
              %swap3A_496 = tpu.vector_load %arg14[%swap3A_494, %swap3A_495] {strides = array<i32>} : memref<64x256xf32, #tpu.memory_space<vmem>>, vector<16xf32>,
              tpu.vector_store %arg14[%swap3A_494, %swap3A_495], %broadcast_in_dim3A_6 {strides = array<i32>} : memref<64x256xf32, #tpu.memory_space<vmem>>, vector<16xf32>,
              %add3A_497 = arith.constant 0 : i32
              %add3A_498 = arith.addi %add3A_497, %scan3A_423 : i32
              %swap3A_499 = arith.index_cast %add3A_498 : i32 to index
              %swap3A_500 = arith.constant 208 : index
              %swap3A_501 = tpu.vector_load %arg14[%swap3A_499, %swap3A_500] {strides = array<i32>} : memref<64x256xf32, #tpu.memory_space<vmem>>, vector<16xf32>,
              tpu.vector_store %arg14[%swap3A_499, %swap3A_500], %broadcast_in_dim3A_6 {strides = array<i32>} : memref<64x256xf32, #tpu.memory_space<vmem>>, vector<16xf32>,
              %add3A_502 = arith.constant 0 : i32
              %add3A_503 = arith.addi %add3A_502, %scan3A_423 : i32
              %swap3A_504 = arith.index_cast %add3A_503 : i32 to index
              %swap3A_505 = arith.constant 224 : index
              %swap3A_506 = tpu.vector_load %arg14[%swap3A_504, %swap3A_505] {strides = array<i32>} : memref<64x256xf32, #tpu.memory_space<vmem>>, vector<16xf32>,
              tpu.vector_store %arg14[%swap3A_504, %swap3A_505], %broadcast_in_dim3A_6 {strides = array<i32>} : memref<64x256xf32, #tpu.memory_space<vmem>>, vector<16xf32>,
              %add3A_507 = arith.constant 0 : i32
              %add3A_508 = arith.addi %add3A_507, %scan3A_423 : i32
              %swap3A_509 = arith.index_cast %add3A_508 : i32 to index
              %swap3A_510 = arith.constant 240 : index
              %swap3A_511 = tpu.vector_load %arg14[%swap3A_509, %swap3A_510] {strides = array<i32>} : memref<64x256xf32, #tpu.memory_space<vmem>>, vector<16xf32>,
              tpu.vector_store %arg14[%swap3A_509, %swap3A_510], %broadcast_in_dim3A_6 {strides = array<i32>} : memref<64x256xf32, #tpu.memory_space<vmem>>, vector<16xf32>,
            } else {
            }
            %scan3A_432 = arith.constant 0 : i32
            scf.yield %scan3A_432 : i32
          }
          %scan3A_422 = arith.constant 16 : i32
        } else {
        }
        %mul3A_297 = arith.constant 64 : i32
        %mul3A_298 = arith.muli %add3A_257, %mul3A_297 : i32
        %add3A_299 = arith.constant 16 : i32
        %add3A_300 = arith.addi %mul3A_298, %add3A_299 : i32
        %get3A_301 = arith.index_cast %add3A_300 : i32 to index
        %get3A_302 = tpu.vector_load %arg9[%get3A_301] {strides = array<i32>} : memref<6272xi32, #tpu.memory_space<vmem>>, vector<16xi32>,
        %lt3A_303 = arith.constant 0 : i32
        %lt3A_304 = vector.broadcast %lt3A_303 : i32 to vector<16xi32>
        %lt3A_305 = arith.cmpi slt, %get3A_302, %lt3A_304 : vector<16xi32>
        %jit3A_306 = arith.constant 1 : i32
        %jit3A_307 = arith.constant 0 : i32
        %broadcast_in_dim3A_308 = vector.broadcast %jit3A_306 : i32 to vector<16xi32>
        %broadcast_in_dim3A_309 = vector.broadcast %jit3A_307 : i32 to vector<16xi32>
        %select_n3A_310 = arith.select %lt3A_305, %broadcast_in_dim3A_308, %broadcast_in_dim3A_309 : vector<16xi1>, vector<16xi32>
        %shift_left3A_311 = arith.shli %select_n3A_310, %iota3A : vector<16xi32>
        %reduce_sum3A_312 = arith.constant true
        %reduce_sum3A_313 = vector.broadcast %reduce_sum3A_312 : i1 to vector<16xi1>
        %reduce_sum3A_314 = tpu.scan <sum>, %shift_left3A_311 masked %reduce_sum3A_313 : vector<16xi32>, vector<16xi1> -> vector<16xi32>
        %reduce_sum3A_315 = vector.extract %reduce_sum3A_314[15] : i32 from vector<16xi32>
        %ne3A_316 = arith.constant 0 : i32
        %ne3A_317 = arith.cmpi ne, %reduce_sum3A_315, %ne3A_316 : i32
        %convert_element_type3A_318 = arith.extui %ne3A_317 : i1 to i32
        %cond3A_319 = arith.constant 0 : i32
        %cond3A_320 = arith.cmpi ne, %convert_element_type3A_318, %cond3A_319 : i32
        scf.if %cond3A_320 {
          %scan3A_416 = arith.constant 0 : i32
          %scan3A_417 = arith.constant 0 : i32
          %scan3A_418 = arith.constant 16 : i32
          %scan3A_419 = arith.addi %scan3A_417, %scan3A_418 : i32
          %scan3A_420 = arith.constant 1 : i32
          %scan3A_421 = scf.for %scan3A_423 = %scan3A_417 to %scan3A_419 step %scan3A_420 iter_args(%scan3A_424 = %scan3A_416) -> (i32)  : i32 {
            %shift_right_arithmetic3A = arith.shrsi %reduce_sum3A_315, %scan3A_423 : i32
            %and3A_425 = arith.constant 1 : i32
            %and3A_426 = arith.andi %shift_right_arithmetic3A, %and3A_425 : i32
            %eq3A_427 = arith.constant 1 : i32
            %eq3A_428 = arith.cmpi eq, %and3A_426, %eq3A_427 : i32
            %convert_element_type3A_429 = arith.extui %eq3A_428 : i1 to i32
            %cond3A_430 = arith.constant 0 : i32
            %cond3A_431 = arith.cmpi ne, %convert_element_type3A_429, %cond3A_430 : i32
            scf.if %cond3A_431 {
              %add3A_433 = arith.constant 16 : i32
              %add3A_434 = arith.addi %add3A_433, %scan3A_423 : i32
              %swap3A = arith.index_cast %add3A_434 : i32 to index
              %swap3A_435 = arith.constant 0 : index
              %swap3A_436 = tpu.vector_load %arg14[%swap3A, %swap3A_435] {strides = array<i32>} : memref<64x256xf32, #tpu.memory_space<vmem>>, vector<16xf32>,
              tpu.vector_store %arg14[%swap3A, %swap3A_435], %broadcast_in_dim3A_6 {strides = array<i32>} : memref<64x256xf32, #tpu.memory_space<vmem>>, vector<16xf32>,
              %add3A_437 = arith.constant 16 : i32
              %add3A_438 = arith.addi %add3A_437, %scan3A_423 : i32
              %swap3A_439 = arith.index_cast %add3A_438 : i32 to index
              %swap3A_440 = arith.constant 16 : index
              %swap3A_441 = tpu.vector_load %arg14[%swap3A_439, %swap3A_440] {strides = array<i32>} : memref<64x256xf32, #tpu.memory_space<vmem>>, vector<16xf32>,
              tpu.vector_store %arg14[%swap3A_439, %swap3A_440], %broadcast_in_dim3A_6 {strides = array<i32>} : memref<64x256xf32, #tpu.memory_space<vmem>>, vector<16xf32>,
              %add3A_442 = arith.constant 16 : i32
              %add3A_443 = arith.addi %add3A_442, %scan3A_423 : i32
              %swap3A_444 = arith.index_cast %add3A_443 : i32 to index
              %swap3A_445 = arith.constant 32 : index
              %swap3A_446 = tpu.vector_load %arg14[%swap3A_444, %swap3A_445] {strides = array<i32>} : memref<64x256xf32, #tpu.memory_space<vmem>>, vector<16xf32>,
              tpu.vector_store %arg14[%swap3A_444, %swap3A_445], %broadcast_in_dim3A_6 {strides = array<i32>} : memref<64x256xf32, #tpu.memory_space<vmem>>, vector<16xf32>,
              %add3A_447 = arith.constant 16 : i32
              %add3A_448 = arith.addi %add3A_447, %scan3A_423 : i32
              %swap3A_449 = arith.index_cast %add3A_448 : i32 to index
              %swap3A_450 = arith.constant 48 : index
              %swap3A_451 = tpu.vector_load %arg14[%swap3A_449, %swap3A_450] {strides = array<i32>} : memref<64x256xf32, #tpu.memory_space<vmem>>, vector<16xf32>,
              tpu.vector_store %arg14[%swap3A_449, %swap3A_450], %broadcast_in_dim3A_6 {strides = array<i32>} : memref<64x256xf32, #tpu.memory_space<vmem>>, vector<16xf32>,
              %add3A_452 = arith.constant 16 : i32
              %add3A_453 = arith.addi %add3A_452, %scan3A_423 : i32
              %swap3A_454 = arith.index_cast %add3A_453 : i32 to index
              %swap3A_455 = arith.constant 64 : index
              %swap3A_456 = tpu.vector_load %arg14[%swap3A_454, %swap3A_455] {strides = array<i32>} : memref<64x256xf32, #tpu.memory_space<vmem>>, vector<16xf32>,
              tpu.vector_store %arg14[%swap3A_454, %swap3A_455], %broadcast_in_dim3A_6 {strides = array<i32>} : memref<64x256xf32, #tpu.memory_space<vmem>>, vector<16xf32>,
              %add3A_457 = arith.constant 16 : i32
              %add3A_458 = arith.addi %add3A_457, %scan3A_423 : i32
              %swap3A_459 = arith.index_cast %add3A_458 : i32 to index
              %swap3A_460 = arith.constant 80 : index
              %swap3A_461 = tpu.vector_load %arg14[%swap3A_459, %swap3A_460] {strides = array<i32>} : memref<64x256xf32, #tpu.memory_space<vmem>>, vector<16xf32>,
              tpu.vector_store %arg14[%swap3A_459, %swap3A_460], %broadcast_in_dim3A_6 {strides = array<i32>} : memref<64x256xf32, #tpu.memory_space<vmem>>, vector<16xf32>,
              %add3A_462 = arith.constant 16 : i32
              %add3A_463 = arith.addi %add3A_462, %scan3A_423 : i32
              %swap3A_464 = arith.index_cast %add3A_463 : i32 to index
              %swap3A_465 = arith.constant 96 : index
              %swap3A_466 = tpu.vector_load %arg14[%swap3A_464, %swap3A_465] {strides = array<i32>} : memref<64x256xf32, #tpu.memory_space<vmem>>, vector<16xf32>,
              tpu.vector_store %arg14[%swap3A_464, %swap3A_465], %broadcast_in_dim3A_6 {strides = array<i32>} : memref<64x256xf32, #tpu.memory_space<vmem>>, vector<16xf32>,
              %add3A_467 = arith.constant 16 : i32
              %add3A_468 = arith.addi %add3A_467, %scan3A_423 : i32
              %swap3A_469 = arith.index_cast %add3A_468 : i32 to index
              %swap3A_470 = arith.constant 112 : index
              %swap3A_471 = tpu.vector_load %arg14[%swap3A_469, %swap3A_470] {strides = array<i32>} : memref<64x256xf32, #tpu.memory_space<vmem>>, vector<16xf32>,
              tpu.vector_store %arg14[%swap3A_469, %swap3A_470], %broadcast_in_dim3A_6 {strides = array<i32>} : memref<64x256xf32, #tpu.memory_space<vmem>>, vector<16xf32>,
              %add3A_472 = arith.constant 16 : i32
              %add3A_473 = arith.addi %add3A_472, %scan3A_423 : i32
              %swap3A_474 = arith.index_cast %add3A_473 : i32 to index
              %swap3A_475 = arith.constant 128 : index
              %swap3A_476 = tpu.vector_load %arg14[%swap3A_474, %swap3A_475] {strides = array<i32>} : memref<64x256xf32, #tpu.memory_space<vmem>>, vector<16xf32>,
              tpu.vector_store %arg14[%swap3A_474, %swap3A_475], %broadcast_in_dim3A_6 {strides = array<i32>} : memref<64x256xf32, #tpu.memory_space<vmem>>, vector<16xf32>,
              %add3A_477 = arith.constant 16 : i32
              %add3A_478 = arith.addi %add3A_477, %scan3A_423 : i32
              %swap3A_479 = arith.index_cast %add3A_478 : i32 to index
              %swap3A_480 = arith.constant 144 : index
              %swap3A_481 = tpu.vector_load %arg14[%swap3A_479, %swap3A_480] {strides = array<i32>} : memref<64x256xf32, #tpu.memory_space<vmem>>, vector<16xf32>,
              tpu.vector_store %arg14[%swap3A_479, %swap3A_480], %broadcast_in_dim3A_6 {strides = array<i32>} : memref<64x256xf32, #tpu.memory_space<vmem>>, vector<16xf32>,
              %add3A_482 = arith.constant 16 : i32
              %add3A_483 = arith.addi %add3A_482, %scan3A_423 : i32
              %swap3A_484 = arith.index_cast %add3A_483 : i32 to index
              %swap3A_485 = arith.constant 160 : index
              %swap3A_486 = tpu.vector_load %arg14[%swap3A_484, %swap3A_485] {strides = array<i32>} : memref<64x256xf32, #tpu.memory_space<vmem>>, vector<16xf32>,
              tpu.vector_store %arg14[%swap3A_484, %swap3A_485], %broadcast_in_dim3A_6 {strides = array<i32>} : memref<64x256xf32, #tpu.memory_space<vmem>>, vector<16xf32>,
              %add3A_487 = arith.constant 16 : i32
              %add3A_488 = arith.addi %add3A_487, %scan3A_423 : i32
              %swap3A_489 = arith.index_cast %add3A_488 : i32 to index
              %swap3A_490 = arith.constant 176 : index
              %swap3A_491 = tpu.vector_load %arg14[%swap3A_489, %swap3A_490] {strides = array<i32>} : memref<64x256xf32, #tpu.memory_space<vmem>>, vector<16xf32>,
              tpu.vector_store %arg14[%swap3A_489, %swap3A_490], %broadcast_in_dim3A_6 {strides = array<i32>} : memref<64x256xf32, #tpu.memory_space<vmem>>, vector<16xf32>,
              %add3A_492 = arith.constant 16 : i32
              %add3A_493 = arith.addi %add3A_492, %scan3A_423 : i32
              %swap3A_494 = arith.index_cast %add3A_493 : i32 to index
              %swap3A_495 = arith.constant 192 : index
              %swap3A_496 = tpu.vector_load %arg14[%swap3A_494, %swap3A_495] {strides = array<i32>} : memref<64x256xf32, #tpu.memory_space<vmem>>, vector<16xf32>,
              tpu.vector_store %arg14[%swap3A_494, %swap3A_495], %broadcast_in_dim3A_6 {strides = array<i32>} : memref<64x256xf32, #tpu.memory_space<vmem>>, vector<16xf32>,
              %add3A_497 = arith.constant 16 : i32
              %add3A_498 = arith.addi %add3A_497, %scan3A_423 : i32
              %swap3A_499 = arith.index_cast %add3A_498 : i32 to index
              %swap3A_500 = arith.constant 208 : index
              %swap3A_501 = tpu.vector_load %arg14[%swap3A_499, %swap3A_500] {strides = array<i32>} : memref<64x256xf32, #tpu.memory_space<vmem>>, vector<16xf32>,
              tpu.vector_store %arg14[%swap3A_499, %swap3A_500], %broadcast_in_dim3A_6 {strides = array<i32>} : memref<64x256xf32, #tpu.memory_space<vmem>>, vector<16xf32>,
              %add3A_502 = arith.constant 16 : i32
              %add3A_503 = arith.addi %add3A_502, %scan3A_423 : i32
              %swap3A_504 = arith.index_cast %add3A_503 : i32 to index
              %swap3A_505 = arith.constant 224 : index
              %swap3A_506 = tpu.vector_load %arg14[%swap3A_504, %swap3A_505] {strides = array<i32>} : memref<64x256xf32, #tpu.memory_space<vmem>>, vector<16xf32>,
              tpu.vector_store %arg14[%swap3A_504, %swap3A_505], %broadcast_in_dim3A_6 {strides = array<i32>} : memref<64x256xf32, #tpu.memory_space<vmem>>, vector<16xf32>,
              %add3A_507 = arith.constant 16 : i32
              %add3A_508 = arith.addi %add3A_507, %scan3A_423 : i32
              %swap3A_509 = arith.index_cast %add3A_508 : i32 to index
              %swap3A_510 = arith.constant 240 : index
              %swap3A_511 = tpu.vector_load %arg14[%swap3A_509, %swap3A_510] {strides = array<i32>} : memref<64x256xf32, #tpu.memory_space<vmem>>, vector<16xf32>,
              tpu.vector_store %arg14[%swap3A_509, %swap3A_510], %broadcast_in_dim3A_6 {strides = array<i32>} : memref<64x256xf32, #tpu.memory_space<vmem>>, vector<16xf32>,
            } else {
            }
            %scan3A_432 = arith.constant 0 : i32
            scf.yield %scan3A_432 : i32
          }
          %scan3A_422 = arith.constant 16 : i32
        } else {
        }
        %mul3A_321 = arith.constant 64 : i32
        %mul3A_322 = arith.muli %add3A_257, %mul3A_321 : i32
        %add3A_323 = arith.constant 32 : i32
        %add3A_324 = arith.addi %mul3A_322, %add3A_323 : i32
        %get3A_325 = arith.index_cast %add3A_324 : i32 to index
        %get3A_326 = tpu.vector_load %arg9[%get3A_325] {strides = array<i32>} : memref<6272xi32, #tpu.memory_space<vmem>>, vector<16xi32>,
        %lt3A_327 = arith.constant 0 : i32
        %lt3A_328 = vector.broadcast %lt3A_327 : i32 to vector<16xi32>
        %lt3A_329 = arith.cmpi slt, %get3A_326, %lt3A_328 : vector<16xi32>
        %jit3A_330 = arith.constant 1 : i32
        %jit3A_331 = arith.constant 0 : i32
        %broadcast_in_dim3A_332 = vector.broadcast %jit3A_330 : i32 to vector<16xi32>
        %broadcast_in_dim3A_333 = vector.broadcast %jit3A_331 : i32 to vector<16xi32>
        %select_n3A_334 = arith.select %lt3A_329, %broadcast_in_dim3A_332, %broadcast_in_dim3A_333 : vector<16xi1>, vector<16xi32>
        %shift_left3A_335 = arith.shli %select_n3A_334, %iota3A : vector<16xi32>
        %reduce_sum3A_336 = arith.constant true
        %reduce_sum3A_337 = vector.broadcast %reduce_sum3A_336 : i1 to vector<16xi1>
        %reduce_sum3A_338 = tpu.scan <sum>, %shift_left3A_335 masked %reduce_sum3A_337 : vector<16xi32>, vector<16xi1> -> vector<16xi32>
        %reduce_sum3A_339 = vector.extract %reduce_sum3A_338[15] : i32 from vector<16xi32>
        %ne3A_340 = arith.constant 0 : i32
        %ne3A_341 = arith.cmpi ne, %reduce_sum3A_339, %ne3A_340 : i32
        %convert_element_type3A_342 = arith.extui %ne3A_341 : i1 to i32
        %cond3A_343 = arith.constant 0 : i32
        %cond3A_344 = arith.cmpi ne, %convert_element_type3A_342, %cond3A_343 : i32
        scf.if %cond3A_344 {
          %scan3A_416 = arith.constant 0 : i32
          %scan3A_417 = arith.constant 0 : i32
          %scan3A_418 = arith.constant 16 : i32
          %scan3A_419 = arith.addi %scan3A_417, %scan3A_418 : i32
          %scan3A_420 = arith.constant 1 : i32
          %scan3A_421 = scf.for %scan3A_423 = %scan3A_417 to %scan3A_419 step %scan3A_420 iter_args(%scan3A_424 = %scan3A_416) -> (i32)  : i32 {
            %shift_right_arithmetic3A = arith.shrsi %reduce_sum3A_339, %scan3A_423 : i32
            %and3A_425 = arith.constant 1 : i32
            %and3A_426 = arith.andi %shift_right_arithmetic3A, %and3A_425 : i32
            %eq3A_427 = arith.constant 1 : i32
            %eq3A_428 = arith.cmpi eq, %and3A_426, %eq3A_427 : i32
            %convert_element_type3A_429 = arith.extui %eq3A_428 : i1 to i32
            %cond3A_430 = arith.constant 0 : i32
            %cond3A_431 = arith.cmpi ne, %convert_element_type3A_429, %cond3A_430 : i32
            scf.if %cond3A_431 {
              %add3A_433 = arith.constant 32 : i32
              %add3A_434 = arith.addi %add3A_433, %scan3A_423 : i32
              %swap3A = arith.index_cast %add3A_434 : i32 to index
              %swap3A_435 = arith.constant 0 : index
              %swap3A_436 = tpu.vector_load %arg14[%swap3A, %swap3A_435] {strides = array<i32>} : memref<64x256xf32, #tpu.memory_space<vmem>>, vector<16xf32>,
              tpu.vector_store %arg14[%swap3A, %swap3A_435], %broadcast_in_dim3A_6 {strides = array<i32>} : memref<64x256xf32, #tpu.memory_space<vmem>>, vector<16xf32>,
              %add3A_437 = arith.constant 32 : i32
              %add3A_438 = arith.addi %add3A_437, %scan3A_423 : i32
              %swap3A_439 = arith.index_cast %add3A_438 : i32 to index
              %swap3A_440 = arith.constant 16 : index
              %swap3A_441 = tpu.vector_load %arg14[%swap3A_439, %swap3A_440] {strides = array<i32>} : memref<64x256xf32, #tpu.memory_space<vmem>>, vector<16xf32>,
              tpu.vector_store %arg14[%swap3A_439, %swap3A_440], %broadcast_in_dim3A_6 {strides = array<i32>} : memref<64x256xf32, #tpu.memory_space<vmem>>, vector<16xf32>,
              %add3A_442 = arith.constant 32 : i32
              %add3A_443 = arith.addi %add3A_442, %scan3A_423 : i32
              %swap3A_444 = arith.index_cast %add3A_443 : i32 to index
              %swap3A_445 = arith.constant 32 : index
              %swap3A_446 = tpu.vector_load %arg14[%swap3A_444, %swap3A_445] {strides = array<i32>} : memref<64x256xf32, #tpu.memory_space<vmem>>, vector<16xf32>,
              tpu.vector_store %arg14[%swap3A_444, %swap3A_445], %broadcast_in_dim3A_6 {strides = array<i32>} : memref<64x256xf32, #tpu.memory_space<vmem>>, vector<16xf32>,
              %add3A_447 = arith.constant 32 : i32
              %add3A_448 = arith.addi %add3A_447, %scan3A_423 : i32
              %swap3A_449 = arith.index_cast %add3A_448 : i32 to index
              %swap3A_450 = arith.constant 48 : index
              %swap3A_451 = tpu.vector_load %arg14[%swap3A_449, %swap3A_450] {strides = array<i32>} : memref<64x256xf32, #tpu.memory_space<vmem>>, vector<16xf32>,
              tpu.vector_store %arg14[%swap3A_449, %swap3A_450], %broadcast_in_dim3A_6 {strides = array<i32>} : memref<64x256xf32, #tpu.memory_space<vmem>>, vector<16xf32>,
              %add3A_452 = arith.constant 32 : i32
              %add3A_453 = arith.addi %add3A_452, %scan3A_423 : i32
              %swap3A_454 = arith.index_cast %add3A_453 : i32 to index
              %swap3A_455 = arith.constant 64 : index
              %swap3A_456 = tpu.vector_load %arg14[%swap3A_454, %swap3A_455] {strides = array<i32>} : memref<64x256xf32, #tpu.memory_space<vmem>>, vector<16xf32>,
              tpu.vector_store %arg14[%swap3A_454, %swap3A_455], %broadcast_in_dim3A_6 {strides = array<i32>} : memref<64x256xf32, #tpu.memory_space<vmem>>, vector<16xf32>,
              %add3A_457 = arith.constant 32 : i32
              %add3A_458 = arith.addi %add3A_457, %scan3A_423 : i32
              %swap3A_459 = arith.index_cast %add3A_458 : i32 to index
              %swap3A_460 = arith.constant 80 : index
              %swap3A_461 = tpu.vector_load %arg14[%swap3A_459, %swap3A_460] {strides = array<i32>} : memref<64x256xf32, #tpu.memory_space<vmem>>, vector<16xf32>,
              tpu.vector_store %arg14[%swap3A_459, %swap3A_460], %broadcast_in_dim3A_6 {strides = array<i32>} : memref<64x256xf32, #tpu.memory_space<vmem>>, vector<16xf32>,
              %add3A_462 = arith.constant 32 : i32
              %add3A_463 = arith.addi %add3A_462, %scan3A_423 : i32
              %swap3A_464 = arith.index_cast %add3A_463 : i32 to index
              %swap3A_465 = arith.constant 96 : index
              %swap3A_466 = tpu.vector_load %arg14[%swap3A_464, %swap3A_465] {strides = array<i32>} : memref<64x256xf32, #tpu.memory_space<vmem>>, vector<16xf32>,
              tpu.vector_store %arg14[%swap3A_464, %swap3A_465], %broadcast_in_dim3A_6 {strides = array<i32>} : memref<64x256xf32, #tpu.memory_space<vmem>>, vector<16xf32>,
              %add3A_467 = arith.constant 32 : i32
              %add3A_468 = arith.addi %add3A_467, %scan3A_423 : i32
              %swap3A_469 = arith.index_cast %add3A_468 : i32 to index
              %swap3A_470 = arith.constant 112 : index
              %swap3A_471 = tpu.vector_load %arg14[%swap3A_469, %swap3A_470] {strides = array<i32>} : memref<64x256xf32, #tpu.memory_space<vmem>>, vector<16xf32>,
              tpu.vector_store %arg14[%swap3A_469, %swap3A_470], %broadcast_in_dim3A_6 {strides = array<i32>} : memref<64x256xf32, #tpu.memory_space<vmem>>, vector<16xf32>,
              %add3A_472 = arith.constant 32 : i32
              %add3A_473 = arith.addi %add3A_472, %scan3A_423 : i32
              %swap3A_474 = arith.index_cast %add3A_473 : i32 to index
              %swap3A_475 = arith.constant 128 : index
              %swap3A_476 = tpu.vector_load %arg14[%swap3A_474, %swap3A_475] {strides = array<i32>} : memref<64x256xf32, #tpu.memory_space<vmem>>, vector<16xf32>,
              tpu.vector_store %arg14[%swap3A_474, %swap3A_475], %broadcast_in_dim3A_6 {strides = array<i32>} : memref<64x256xf32, #tpu.memory_space<vmem>>, vector<16xf32>,
              %add3A_477 = arith.constant 32 : i32
              %add3A_478 = arith.addi %add3A_477, %scan3A_423 : i32
              %swap3A_479 = arith.index_cast %add3A_478 : i32 to index
              %swap3A_480 = arith.constant 144 : index
              %swap3A_481 = tpu.vector_load %arg14[%swap3A_479, %swap3A_480] {strides = array<i32>} : memref<64x256xf32, #tpu.memory_space<vmem>>, vector<16xf32>,
              tpu.vector_store %arg14[%swap3A_479, %swap3A_480], %broadcast_in_dim3A_6 {strides = array<i32>} : memref<64x256xf32, #tpu.memory_space<vmem>>, vector<16xf32>,
              %add3A_482 = arith.constant 32 : i32
              %add3A_483 = arith.addi %add3A_482, %scan3A_423 : i32
              %swap3A_484 = arith.index_cast %add3A_483 : i32 to index
              %swap3A_485 = arith.constant 160 : index
              %swap3A_486 = tpu.vector_load %arg14[%swap3A_484, %swap3A_485] {strides = array<i32>} : memref<64x256xf32, #tpu.memory_space<vmem>>, vector<16xf32>,
              tpu.vector_store %arg14[%swap3A_484, %swap3A_485], %broadcast_in_dim3A_6 {strides = array<i32>} : memref<64x256xf32, #tpu.memory_space<vmem>>, vector<16xf32>,
              %add3A_487 = arith.constant 32 : i32
              %add3A_488 = arith.addi %add3A_487, %scan3A_423 : i32
              %swap3A_489 = arith.index_cast %add3A_488 : i32 to index
              %swap3A_490 = arith.constant 176 : index
              %swap3A_491 = tpu.vector_load %arg14[%swap3A_489, %swap3A_490] {strides = array<i32>} : memref<64x256xf32, #tpu.memory_space<vmem>>, vector<16xf32>,
              tpu.vector_store %arg14[%swap3A_489, %swap3A_490], %broadcast_in_dim3A_6 {strides = array<i32>} : memref<64x256xf32, #tpu.memory_space<vmem>>, vector<16xf32>,
              %add3A_492 = arith.constant 32 : i32
              %add3A_493 = arith.addi %add3A_492, %scan3A_423 : i32
              %swap3A_494 = arith.index_cast %add3A_493 : i32 to index
              %swap3A_495 = arith.constant 192 : index
              %swap3A_496 = tpu.vector_load %arg14[%swap3A_494, %swap3A_495] {strides = array<i32>} : memref<64x256xf32, #tpu.memory_space<vmem>>, vector<16xf32>,
              tpu.vector_store %arg14[%swap3A_494, %swap3A_495], %broadcast_in_dim3A_6 {strides = array<i32>} : memref<64x256xf32, #tpu.memory_space<vmem>>, vector<16xf32>,
              %add3A_497 = arith.constant 32 : i32
              %add3A_498 = arith.addi %add3A_497, %scan3A_423 : i32
              %swap3A_499 = arith.index_cast %add3A_498 : i32 to index
              %swap3A_500 = arith.constant 208 : index
              %swap3A_501 = tpu.vector_load %arg14[%swap3A_499, %swap3A_500] {strides = array<i32>} : memref<64x256xf32, #tpu.memory_space<vmem>>, vector<16xf32>,
              tpu.vector_store %arg14[%swap3A_499, %swap3A_500], %broadcast_in_dim3A_6 {strides = array<i32>} : memref<64x256xf32, #tpu.memory_space<vmem>>, vector<16xf32>,
              %add3A_502 = arith.constant 32 : i32
              %add3A_503 = arith.addi %add3A_502, %scan3A_423 : i32
              %swap3A_504 = arith.index_cast %add3A_503 : i32 to index
              %swap3A_505 = arith.constant 224 : index
              %swap3A_506 = tpu.vector_load %arg14[%swap3A_504, %swap3A_505] {strides = array<i32>} : memref<64x256xf32, #tpu.memory_space<vmem>>, vector<16xf32>,
              tpu.vector_store %arg14[%swap3A_504, %swap3A_505], %broadcast_in_dim3A_6 {strides = array<i32>} : memref<64x256xf32, #tpu.memory_space<vmem>>, vector<16xf32>,
              %add3A_507 = arith.constant 32 : i32
              %add3A_508 = arith.addi %add3A_507, %scan3A_423 : i32
              %swap3A_509 = arith.index_cast %add3A_508 : i32 to index
              %swap3A_510 = arith.constant 240 : index
              %swap3A_511 = tpu.vector_load %arg14[%swap3A_509, %swap3A_510] {strides = array<i32>} : memref<64x256xf32, #tpu.memory_space<vmem>>, vector<16xf32>,
              tpu.vector_store %arg14[%swap3A_509, %swap3A_510], %broadcast_in_dim3A_6 {strides = array<i32>} : memref<64x256xf32, #tpu.memory_space<vmem>>, vector<16xf32>,
            } else {
            }
            %scan3A_432 = arith.constant 0 : i32
            scf.yield %scan3A_432 : i32
          }
          %scan3A_422 = arith.constant 16 : i32
        } else {
        }
        %mul3A_345 = arith.constant 64 : i32
        %mul3A_346 = arith.muli %add3A_257, %mul3A_345 : i32
        %add3A_347 = arith.constant 48 : i32
        %add3A_348 = arith.addi %mul3A_346, %add3A_347 : i32
        %get3A_349 = arith.index_cast %add3A_348 : i32 to index
        %get3A_350 = tpu.vector_load %arg9[%get3A_349] {strides = array<i32>} : memref<6272xi32, #tpu.memory_space<vmem>>, vector<16xi32>,
        %lt3A_351 = arith.constant 0 : i32
        %lt3A_352 = vector.broadcast %lt3A_351 : i32 to vector<16xi32>
        %lt3A_353 = arith.cmpi slt, %get3A_350, %lt3A_352 : vector<16xi32>
        %jit3A_354 = arith.constant 1 : i32
        %jit3A_355 = arith.constant 0 : i32
        %broadcast_in_dim3A_356 = vector.broadcast %jit3A_354 : i32 to vector<16xi32>
        %broadcast_in_dim3A_357 = vector.broadcast %jit3A_355 : i32 to vector<16xi32>
        %select_n3A_358 = arith.select %lt3A_353, %broadcast_in_dim3A_356, %broadcast_in_dim3A_357 : vector<16xi1>, vector<16xi32>
        %shift_left3A_359 = arith.shli %select_n3A_358, %iota3A : vector<16xi32>
        %reduce_sum3A_360 = arith.constant true
        %reduce_sum3A_361 = vector.broadcast %reduce_sum3A_360 : i1 to vector<16xi1>
        %reduce_sum3A_362 = tpu.scan <sum>, %shift_left3A_359 masked %reduce_sum3A_361 : vector<16xi32>, vector<16xi1> -> vector<16xi32>
        %reduce_sum3A_363 = vector.extract %reduce_sum3A_362[15] : i32 from vector<16xi32>
        %ne3A_364 = arith.constant 0 : i32
        %ne3A_365 = arith.cmpi ne, %reduce_sum3A_363, %ne3A_364 : i32
        %convert_element_type3A_366 = arith.extui %ne3A_365 : i1 to i32
        %cond3A_367 = arith.constant 0 : i32
        %cond3A_368 = arith.cmpi ne, %convert_element_type3A_366, %cond3A_367 : i32
        scf.if %cond3A_368 {
          %scan3A_416 = arith.constant 0 : i32
          %scan3A_417 = arith.constant 0 : i32
          %scan3A_418 = arith.constant 16 : i32
          %scan3A_419 = arith.addi %scan3A_417, %scan3A_418 : i32
          %scan3A_420 = arith.constant 1 : i32
          %scan3A_421 = scf.for %scan3A_423 = %scan3A_417 to %scan3A_419 step %scan3A_420 iter_args(%scan3A_424 = %scan3A_416) -> (i32)  : i32 {
            %shift_right_arithmetic3A = arith.shrsi %reduce_sum3A_363, %scan3A_423 : i32
            %and3A_425 = arith.constant 1 : i32
            %and3A_426 = arith.andi %shift_right_arithmetic3A, %and3A_425 : i32
            %eq3A_427 = arith.constant 1 : i32
            %eq3A_428 = arith.cmpi eq, %and3A_426, %eq3A_427 : i32
            %convert_element_type3A_429 = arith.extui %eq3A_428 : i1 to i32
            %cond3A_430 = arith.constant 0 : i32
            %cond3A_431 = arith.cmpi ne, %convert_element_type3A_429, %cond3A_430 : i32
            scf.if %cond3A_431 {
              %add3A_433 = arith.constant 48 : i32
              %add3A_434 = arith.addi %add3A_433, %scan3A_423 : i32
              %swap3A = arith.index_cast %add3A_434 : i32 to index
              %swap3A_435 = arith.constant 0 : index
              %swap3A_436 = tpu.vector_load %arg14[%swap3A, %swap3A_435] {strides = array<i32>} : memref<64x256xf32, #tpu.memory_space<vmem>>, vector<16xf32>,
              tpu.vector_store %arg14[%swap3A, %swap3A_435], %broadcast_in_dim3A_6 {strides = array<i32>} : memref<64x256xf32, #tpu.memory_space<vmem>>, vector<16xf32>,
              %add3A_437 = arith.constant 48 : i32
              %add3A_438 = arith.addi %add3A_437, %scan3A_423 : i32
              %swap3A_439 = arith.index_cast %add3A_438 : i32 to index
              %swap3A_440 = arith.constant 16 : index
              %swap3A_441 = tpu.vector_load %arg14[%swap3A_439, %swap3A_440] {strides = array<i32>} : memref<64x256xf32, #tpu.memory_space<vmem>>, vector<16xf32>,
              tpu.vector_store %arg14[%swap3A_439, %swap3A_440], %broadcast_in_dim3A_6 {strides = array<i32>} : memref<64x256xf32, #tpu.memory_space<vmem>>, vector<16xf32>,
              %add3A_442 = arith.constant 48 : i32
              %add3A_443 = arith.addi %add3A_442, %scan3A_423 : i32
              %swap3A_444 = arith.index_cast %add3A_443 : i32 to index
              %swap3A_445 = arith.constant 32 : index
              %swap3A_446 = tpu.vector_load %arg14[%swap3A_444, %swap3A_445] {strides = array<i32>} : memref<64x256xf32, #tpu.memory_space<vmem>>, vector<16xf32>,
              tpu.vector_store %arg14[%swap3A_444, %swap3A_445], %broadcast_in_dim3A_6 {strides = array<i32>} : memref<64x256xf32, #tpu.memory_space<vmem>>, vector<16xf32>,
              %add3A_447 = arith.constant 48 : i32
              %add3A_448 = arith.addi %add3A_447, %scan3A_423 : i32
              %swap3A_449 = arith.index_cast %add3A_448 : i32 to index
              %swap3A_450 = arith.constant 48 : index
              %swap3A_451 = tpu.vector_load %arg14[%swap3A_449, %swap3A_450] {strides = array<i32>} : memref<64x256xf32, #tpu.memory_space<vmem>>, vector<16xf32>,
              tpu.vector_store %arg14[%swap3A_449, %swap3A_450], %broadcast_in_dim3A_6 {strides = array<i32>} : memref<64x256xf32, #tpu.memory_space<vmem>>, vector<16xf32>,
              %add3A_452 = arith.constant 48 : i32
              %add3A_453 = arith.addi %add3A_452, %scan3A_423 : i32
              %swap3A_454 = arith.index_cast %add3A_453 : i32 to index
              %swap3A_455 = arith.constant 64 : index
              %swap3A_456 = tpu.vector_load %arg14[%swap3A_454, %swap3A_455] {strides = array<i32>} : memref<64x256xf32, #tpu.memory_space<vmem>>, vector<16xf32>,
              tpu.vector_store %arg14[%swap3A_454, %swap3A_455], %broadcast_in_dim3A_6 {strides = array<i32>} : memref<64x256xf32, #tpu.memory_space<vmem>>, vector<16xf32>,
              %add3A_457 = arith.constant 48 : i32
              %add3A_458 = arith.addi %add3A_457, %scan3A_423 : i32
              %swap3A_459 = arith.index_cast %add3A_458 : i32 to index
              %swap3A_460 = arith.constant 80 : index
              %swap3A_461 = tpu.vector_load %arg14[%swap3A_459, %swap3A_460] {strides = array<i32>} : memref<64x256xf32, #tpu.memory_space<vmem>>, vector<16xf32>,
              tpu.vector_store %arg14[%swap3A_459, %swap3A_460], %broadcast_in_dim3A_6 {strides = array<i32>} : memref<64x256xf32, #tpu.memory_space<vmem>>, vector<16xf32>,
              %add3A_462 = arith.constant 48 : i32
              %add3A_463 = arith.addi %add3A_462, %scan3A_423 : i32
              %swap3A_464 = arith.index_cast %add3A_463 : i32 to index
              %swap3A_465 = arith.constant 96 : index
              %swap3A_466 = tpu.vector_load %arg14[%swap3A_464, %swap3A_465] {strides = array<i32>} : memref<64x256xf32, #tpu.memory_space<vmem>>, vector<16xf32>,
              tpu.vector_store %arg14[%swap3A_464, %swap3A_465], %broadcast_in_dim3A_6 {strides = array<i32>} : memref<64x256xf32, #tpu.memory_space<vmem>>, vector<16xf32>,
              %add3A_467 = arith.constant 48 : i32
              %add3A_468 = arith.addi %add3A_467, %scan3A_423 : i32
              %swap3A_469 = arith.index_cast %add3A_468 : i32 to index
              %swap3A_470 = arith.constant 112 : index
              %swap3A_471 = tpu.vector_load %arg14[%swap3A_469, %swap3A_470] {strides = array<i32>} : memref<64x256xf32, #tpu.memory_space<vmem>>, vector<16xf32>,
              tpu.vector_store %arg14[%swap3A_469, %swap3A_470], %broadcast_in_dim3A_6 {strides = array<i32>} : memref<64x256xf32, #tpu.memory_space<vmem>>, vector<16xf32>,
              %add3A_472 = arith.constant 48 : i32
              %add3A_473 = arith.addi %add3A_472, %scan3A_423 : i32
              %swap3A_474 = arith.index_cast %add3A_473 : i32 to index
              %swap3A_475 = arith.constant 128 : index
              %swap3A_476 = tpu.vector_load %arg14[%swap3A_474, %swap3A_475] {strides = array<i32>} : memref<64x256xf32, #tpu.memory_space<vmem>>, vector<16xf32>,
              tpu.vector_store %arg14[%swap3A_474, %swap3A_475], %broadcast_in_dim3A_6 {strides = array<i32>} : memref<64x256xf32, #tpu.memory_space<vmem>>, vector<16xf32>,
              %add3A_477 = arith.constant 48 : i32
              %add3A_478 = arith.addi %add3A_477, %scan3A_423 : i32
              %swap3A_479 = arith.index_cast %add3A_478 : i32 to index
              %swap3A_480 = arith.constant 144 : index
              %swap3A_481 = tpu.vector_load %arg14[%swap3A_479, %swap3A_480] {strides = array<i32>} : memref<64x256xf32, #tpu.memory_space<vmem>>, vector<16xf32>,
              tpu.vector_store %arg14[%swap3A_479, %swap3A_480], %broadcast_in_dim3A_6 {strides = array<i32>} : memref<64x256xf32, #tpu.memory_space<vmem>>, vector<16xf32>,
              %add3A_482 = arith.constant 48 : i32
              %add3A_483 = arith.addi %add3A_482, %scan3A_423 : i32
              %swap3A_484 = arith.index_cast %add3A_483 : i32 to index
              %swap3A_485 = arith.constant 160 : index
              %swap3A_486 = tpu.vector_load %arg14[%swap3A_484, %swap3A_485] {strides = array<i32>} : memref<64x256xf32, #tpu.memory_space<vmem>>, vector<16xf32>,
              tpu.vector_store %arg14[%swap3A_484, %swap3A_485], %broadcast_in_dim3A_6 {strides = array<i32>} : memref<64x256xf32, #tpu.memory_space<vmem>>, vector<16xf32>,
              %add3A_487 = arith.constant 48 : i32
              %add3A_488 = arith.addi %add3A_487, %scan3A_423 : i32
              %swap3A_489 = arith.index_cast %add3A_488 : i32 to index
              %swap3A_490 = arith.constant 176 : index
              %swap3A_491 = tpu.vector_load %arg14[%swap3A_489, %swap3A_490] {strides = array<i32>} : memref<64x256xf32, #tpu.memory_space<vmem>>, vector<16xf32>,
              tpu.vector_store %arg14[%swap3A_489, %swap3A_490], %broadcast_in_dim3A_6 {strides = array<i32>} : memref<64x256xf32, #tpu.memory_space<vmem>>, vector<16xf32>,
              %add3A_492 = arith.constant 48 : i32
              %add3A_493 = arith.addi %add3A_492, %scan3A_423 : i32
              %swap3A_494 = arith.index_cast %add3A_493 : i32 to index
              %swap3A_495 = arith.constant 192 : index
              %swap3A_496 = tpu.vector_load %arg14[%swap3A_494, %swap3A_495] {strides = array<i32>} : memref<64x256xf32, #tpu.memory_space<vmem>>, vector<16xf32>,
              tpu.vector_store %arg14[%swap3A_494, %swap3A_495], %broadcast_in_dim3A_6 {strides = array<i32>} : memref<64x256xf32, #tpu.memory_space<vmem>>, vector<16xf32>,
              %add3A_497 = arith.constant 48 : i32
              %add3A_498 = arith.addi %add3A_497, %scan3A_423 : i32
              %swap3A_499 = arith.index_cast %add3A_498 : i32 to index
              %swap3A_500 = arith.constant 208 : index
              %swap3A_501 = tpu.vector_load %arg14[%swap3A_499, %swap3A_500] {strides = array<i32>} : memref<64x256xf32, #tpu.memory_space<vmem>>, vector<16xf32>,
              tpu.vector_store %arg14[%swap3A_499, %swap3A_500], %broadcast_in_dim3A_6 {strides = array<i32>} : memref<64x256xf32, #tpu.memory_space<vmem>>, vector<16xf32>,
              %add3A_502 = arith.constant 48 : i32
              %add3A_503 = arith.addi %add3A_502, %scan3A_423 : i32
              %swap3A_504 = arith.index_cast %add3A_503 : i32 to index
              %swap3A_505 = arith.constant 224 : index
              %swap3A_506 = tpu.vector_load %arg14[%swap3A_504, %swap3A_505] {strides = array<i32>} : memref<64x256xf32, #tpu.memory_space<vmem>>, vector<16xf32>,
              tpu.vector_store %arg14[%swap3A_504, %swap3A_505], %broadcast_in_dim3A_6 {strides = array<i32>} : memref<64x256xf32, #tpu.memory_space<vmem>>, vector<16xf32>,
              %add3A_507 = arith.constant 48 : i32
              %add3A_508 = arith.addi %add3A_507, %scan3A_423 : i32
              %swap3A_509 = arith.index_cast %add3A_508 : i32 to index
              %swap3A_510 = arith.constant 240 : index
              %swap3A_511 = tpu.vector_load %arg14[%swap3A_509, %swap3A_510] {strides = array<i32>} : memref<64x256xf32, #tpu.memory_space<vmem>>, vector<16xf32>,
              tpu.vector_store %arg14[%swap3A_509, %swap3A_510], %broadcast_in_dim3A_6 {strides = array<i32>} : memref<64x256xf32, #tpu.memory_space<vmem>>, vector<16xf32>,
            } else {
            }
            %scan3A_432 = arith.constant 0 : i32
            scf.yield %scan3A_432 : i32
          }
          %scan3A_422 = arith.constant 16 : i32
        } else {
        }
        %mul3A_369 = arith.constant 64 : i32
        %mul3A_370 = arith.muli %add3A_257, %mul3A_369 : i32
        %add3A_371 = arith.addi %mul3A_2, %mul3A_370 : i32
        %jit3A_372 = arith.constant 2 : i32
        %div3A_373 = arith.divsi %add3A_371, %jit3A_372 : i32
        %sign3A_374 = arith.constant 0 : i32
        %sign3A_375 = arith.cmpi sgt, %add3A_371, %sign3A_374 : i32
        %sign3A_376 = arith.extui %sign3A_375 : i1 to i32
        %sign3A_377 = arith.constant 0 : i32
        %sign3A_378 = arith.cmpi slt, %add3A_371, %sign3A_377 : i32
        %sign3A_379 = arith.extui %sign3A_378 : i1 to i32
        %sign3A_380 = arith.subi %sign3A_376, %sign3A_379 : i32
        %sign3A_381 = arith.constant 0 : i32
        %sign3A_382 = arith.cmpi sgt, %jit3A_372, %sign3A_381 : i32
        %sign3A_383 = arith.extui %sign3A_382 : i1 to i32
        %sign3A_384 = arith.constant 0 : i32
        %sign3A_385 = arith.cmpi slt, %jit3A_372, %sign3A_384 : i32
        %sign3A_386 = arith.extui %sign3A_385 : i1 to i32
        %sign3A_387 = arith.subi %sign3A_383, %sign3A_386 : i32
        %ne3A_388 = arith.cmpi ne, %sign3A_380, %sign3A_387 : i32
        %rem3A_389 = arith.remsi %add3A_371, %jit3A_372 : i32
        %ne3A_390 = arith.constant 0 : i32
        %ne3A_391 = arith.cmpi ne, %rem3A_389, %ne3A_390 : i32
        %and3A_392 = arith.andi %ne3A_388, %ne3A_391 : i1
        %sub3A_393 = arith.constant 1 : i32
        %sub3A_394 = arith.subi %div3A_373, %sub3A_393 : i32
        %select_n3A_395 = arith.select %and3A_392, %sub3A_394, %div3A_373 : i32
        %multiple_of3A = tpu.assume_multiple %select_n3A_395, 8 : i32
        %dma_start3A_396 = arith.constant 0 : i32
        %dma_start3A_397 = arith.constant 0 : i32
        %dma_start3A_398 = tpu.memref_slice %arg14[%dma_start3A_396, %dma_start3A_397] : memref<64x256xf32, #tpu.memory_space<vmem>> -> memref<32x256xf32, #tpu.memory_space<vmem>>
        %dma_start3A_399 = arith.constant 0 : i32
        %dma_start3A_400 = tpu.memref_slice %arg4[%multiple_of3A, %dma_start3A_399] : memref<100000x512xf32, #tpu.memory_space<hbm>> -> memref<32x256xf32, #tpu.memory_space<hbm>>
        %dma_start3A_401 = arith.constant 0 : i32
        %dma_start3A_402 = tpu.memref_slice %arg4[%multiple_of3A, %dma_start3A_401] : memref<100000x512xf32, #tpu.memory_space<hbm>> -> memref<32x256xf32, #tpu.memory_space<hbm>>
        %dma_start3A_403 = arith.constant 0 : i32
        %dma_start3A_404 = arith.constant 0 : i32
        %dma_start3A_405 = tpu.memref_slice %arg14[%dma_start3A_403, %dma_start3A_404] : memref<64x256xf32, #tpu.memory_space<vmem>> -> memref<32x256xf32, #tpu.memory_space<vmem>>
        tpu.enqueue_dma source(%dma_start3A_405 : memref<32x256xf32, #tpu.memory_space<vmem>>) target(%dma_start3A_402 : memref<32x256xf32, #tpu.memory_space<hbm>>) target_semaphore(%arg26 : memref<!tpu.dma_semaphore, #tpu.memory_space<semaphore_mem>>)
        %dma_start3A_406 = arith.constant 32 : i32
        %dma_start3A_407 = arith.constant 0 : i32
        %dma_start3A_408 = tpu.memref_slice %arg14[%dma_start3A_406, %dma_start3A_407] : memref<64x256xf32, #tpu.memory_space<vmem>> -> memref<32x256xf32, #tpu.memory_space<vmem>>
        %dma_start3A_409 = arith.constant 256 : i32
        %dma_start3A_410 = tpu.memref_slice %arg4[%multiple_of3A, %dma_start3A_409] : memref<100000x512xf32, #tpu.memory_space<hbm>> -> memref<32x256xf32, #tpu.memory_space<hbm>>
        %dma_start3A_411 = arith.constant 256 : i32
        %dma_start3A_412 = tpu.memref_slice %arg4[%multiple_of3A, %dma_start3A_411] : memref<100000x512xf32, #tpu.memory_space<hbm>> -> memref<32x256xf32, #tpu.memory_space<hbm>>
        %dma_start3A_413 = arith.constant 32 : i32
        %dma_start3A_414 = arith.constant 0 : i32
        %dma_start3A_415 = tpu.memref_slice %arg14[%dma_start3A_413, %dma_start3A_414] : memref<64x256xf32, #tpu.memory_space<vmem>> -> memref<32x256xf32, #tpu.memory_space<vmem>>
        tpu.enqueue_dma source(%dma_start3A_415 : memref<32x256xf32, #tpu.memory_space<vmem>>) target(%dma_start3A_412 : memref<32x256xf32, #tpu.memory_space<hbm>>) target_semaphore(%arg26 : memref<!tpu.dma_semaphore, #tpu.memory_space<semaphore_mem>>)
      } else {
      }
      %scan3A_262 = arith.constant 0 : i32
      scf.yield %scan3A_262 : i32
    }
    %scan3A_102 = arith.constant 20 : i32
    %dma_wait3A = arith.constant 0 : i32
    %dma_wait3A_103 = arith.constant 0 : i32
    %dma_wait3A_104 = tpu.memref_slice %arg10[%dma_wait3A, %dma_wait3A_103] : memref<64x256xf32, #tpu.memory_space<vmem>> -> memref<32x256xf32, #tpu.memory_space<vmem>>
    %dma_wait3A_105 = arith.constant 0 : i32
    %dma_wait3A_106 = arith.constant 0 : i32
    %dma_wait3A_107 = tpu.memref_slice %arg4[%dma_wait3A_105, %dma_wait3A_106] : memref<100000x512xf32, #tpu.memory_space<hbm>> -> memref<32x256xf32, #tpu.memory_space<hbm>>
    %dma_wait3A_108 = arith.constant 0 : i32
    %dma_wait3A_109 = arith.constant 0 : i32
    %dma_wait3A_110 = tpu.memref_slice %arg4[%dma_wait3A_108, %dma_wait3A_109] : memref<100000x512xf32, #tpu.memory_space<hbm>> -> memref<32x256xf32, #tpu.memory_space<hbm>>
    %dma_wait3A_111 = arith.constant 0 : i32
    %dma_wait3A_112 = arith.constant 0 : i32
    %dma_wait3A_113 = tpu.memref_slice %arg10[%dma_wait3A_111, %dma_wait3A_112] : memref<64x256xf32, #tpu.memory_space<vmem>> -> memref<32x256xf32, #tpu.memory_space<vmem>>
    tpu.wait_dma2 semaphore(%arg22 : memref<!tpu.dma_semaphore, #tpu.memory_space<semaphore_mem>>) src(%dma_wait3A_113 : memref<32x256xf32, #tpu.memory_space<vmem>>) dst(%dma_wait3A_110 : memref<32x256xf32, #tpu.memory_space<hbm>>)
    %dma_wait3A_114 = arith.constant 0 : i32
    %dma_wait3A_115 = arith.constant 0 : i32
    %dma_wait3A_116 = tpu.memref_slice %arg10[%dma_wait3A_114, %dma_wait3A_115] : memref<64x256xf32, #tpu.memory_space<vmem>> -> memref<32x256xf32, #tpu.memory_space<vmem>>
    %dma_wait3A_117 = arith.constant 0 : i32
    %dma_wait3A_118 = arith.constant 0 : i32
    %dma_wait3A_119 = tpu.memref_slice %arg4[%dma_wait3A_117, %dma_wait3A_118] : memref<100000x512xf32, #tpu.memory_space<hbm>> -> memref<32x256xf32, #tpu.memory_space<hbm>>
    %dma_wait3A_120 = arith.constant 0 : i32
    %dma_wait3A_121 = arith.constant 0 : i32
    %dma_wait3A_122 = tpu.memref_slice %arg4[%dma_wait3A_120, %dma_wait3A_121] : memref<100000x512xf32, #tpu.memory_space<hbm>> -> memref<32x256xf32, #tpu.memory_space<hbm>>
    %dma_wait3A_123 = arith.constant 0 : i32
    %dma_wait3A_124 = arith.constant 0 : i32
    %dma_wait3A_125 = tpu.memref_slice %arg10[%dma_wait3A_123, %dma_wait3A_124] : memref<64x256xf32, #tpu.memory_space<vmem>> -> memref<32x256xf32, #tpu.memory_space<vmem>>
    tpu.wait_dma2 semaphore(%arg22 : memref<!tpu.dma_semaphore, #tpu.memory_space<semaphore_mem>>) src(%dma_wait3A_125 : memref<32x256xf32, #tpu.memory_space<vmem>>) dst(%dma_wait3A_122 : memref<32x256xf32, #tpu.memory_space<hbm>>)
    %dma_wait3A_126 = arith.constant 0 : i32
    %dma_wait3A_127 = arith.constant 0 : i32
    %dma_wait3A_128 = tpu.memref_slice %arg11[%dma_wait3A_126, %dma_wait3A_127] : memref<64x256xf32, #tpu.memory_space<vmem>> -> memref<32x256xf32, #tpu.memory_space<vmem>>
    %dma_wait3A_129 = arith.constant 0 : i32
    %dma_wait3A_130 = arith.constant 0 : i32
    %dma_wait3A_131 = tpu.memref_slice %arg4[%dma_wait3A_129, %dma_wait3A_130] : memref<100000x512xf32, #tpu.memory_space<hbm>> -> memref<32x256xf32, #tpu.memory_space<hbm>>
    %dma_wait3A_132 = arith.constant 0 : i32
    %dma_wait3A_133 = arith.constant 0 : i32
    %dma_wait3A_134 = tpu.memref_slice %arg4[%dma_wait3A_132, %dma_wait3A_133] : memref<100000x512xf32, #tpu.memory_space<hbm>> -> memref<32x256xf32, #tpu.memory_space<hbm>>
    %dma_wait3A_135 = arith.constant 0 : i32
    %dma_wait3A_136 = arith.constant 0 : i32
    %dma_wait3A_137 = tpu.memref_slice %arg11[%dma_wait3A_135, %dma_wait3A_136] : memref<64x256xf32, #tpu.memory_space<vmem>> -> memref<32x256xf32, #tpu.memory_space<vmem>>
    tpu.wait_dma2 semaphore(%arg23 : memref<!tpu.dma_semaphore, #tpu.memory_space<semaphore_mem>>) src(%dma_wait3A_137 : memref<32x256xf32, #tpu.memory_space<vmem>>) dst(%dma_wait3A_134 : memref<32x256xf32, #tpu.memory_space<hbm>>)
    %dma_wait3A_138 = arith.constant 0 : i32
    %dma_wait3A_139 = arith.constant 0 : i32
    %dma_wait3A_140 = tpu.memref_slice %arg11[%dma_wait3A_138, %dma_wait3A_139] : memref<64x256xf32, #tpu.memory_space<vmem>> -> memref<32x256xf32, #tpu.memory_space<vmem>>
    %dma_wait3A_141 = arith.constant 0 : i32
    %dma_wait3A_142 = arith.constant 0 : i32
    %dma_wait3A_143 = tpu.memref_slice %arg4[%dma_wait3A_141, %dma_wait3A_142] : memref<100000x512xf32, #tpu.memory_space<hbm>> -> memref<32x256xf32, #tpu.memory_space<hbm>>
    %dma_wait3A_144 = arith.constant 0 : i32
    %dma_wait3A_145 = arith.constant 0 : i32
    %dma_wait3A_146 = tpu.memref_slice %arg4[%dma_wait3A_144, %dma_wait3A_145] : memref<100000x512xf32, #tpu.memory_space<hbm>> -> memref<32x256xf32, #tpu.memory_space<hbm>>
    %dma_wait3A_147 = arith.constant 0 : i32
    %dma_wait3A_148 = arith.constant 0 : i32
    %dma_wait3A_149 = tpu.memref_slice %arg11[%dma_wait3A_147, %dma_wait3A_148] : memref<64x256xf32, #tpu.memory_space<vmem>> -> memref<32x256xf32, #tpu.memory_space<vmem>>
    tpu.wait_dma2 semaphore(%arg23 : memref<!tpu.dma_semaphore, #tpu.memory_space<semaphore_mem>>) src(%dma_wait3A_149 : memref<32x256xf32, #tpu.memory_space<vmem>>) dst(%dma_wait3A_146 : memref<32x256xf32, #tpu.memory_space<hbm>>)
    %dma_wait3A_150 = arith.constant 0 : i32
    %dma_wait3A_151 = arith.constant 0 : i32
    %dma_wait3A_152 = tpu.memref_slice %arg12[%dma_wait3A_150, %dma_wait3A_151] : memref<64x256xf32, #tpu.memory_space<vmem>> -> memref<32x256xf32, #tpu.memory_space<vmem>>
    %dma_wait3A_153 = arith.constant 0 : i32
    %dma_wait3A_154 = arith.constant 0 : i32
    %dma_wait3A_155 = tpu.memref_slice %arg4[%dma_wait3A_153, %dma_wait3A_154] : memref<100000x512xf32, #tpu.memory_space<hbm>> -> memref<32x256xf32, #tpu.memory_space<hbm>>
    %dma_wait3A_156 = arith.constant 0 : i32
    %dma_wait3A_157 = arith.constant 0 : i32
    %dma_wait3A_158 = tpu.memref_slice %arg4[%dma_wait3A_156, %dma_wait3A_157] : memref<100000x512xf32, #tpu.memory_space<hbm>> -> memref<32x256xf32, #tpu.memory_space<hbm>>
    %dma_wait3A_159 = arith.constant 0 : i32
    %dma_wait3A_160 = arith.constant 0 : i32
    %dma_wait3A_161 = tpu.memref_slice %arg12[%dma_wait3A_159, %dma_wait3A_160] : memref<64x256xf32, #tpu.memory_space<vmem>> -> memref<32x256xf32, #tpu.memory_space<vmem>>
    tpu.wait_dma2 semaphore(%arg24 : memref<!tpu.dma_semaphore, #tpu.memory_space<semaphore_mem>>) src(%dma_wait3A_161 : memref<32x256xf32, #tpu.memory_space<vmem>>) dst(%dma_wait3A_158 : memref<32x256xf32, #tpu.memory_space<hbm>>)
    %dma_wait3A_162 = arith.constant 0 : i32
    %dma_wait3A_163 = arith.constant 0 : i32
    %dma_wait3A_164 = tpu.memref_slice %arg12[%dma_wait3A_162, %dma_wait3A_163] : memref<64x256xf32, #tpu.memory_space<vmem>> -> memref<32x256xf32, #tpu.memory_space<vmem>>
    %dma_wait3A_165 = arith.constant 0 : i32
    %dma_wait3A_166 = arith.constant 0 : i32
    %dma_wait3A_167 = tpu.memref_slice %arg4[%dma_wait3A_165, %dma_wait3A_166] : memref<100000x512xf32, #tpu.memory_space<hbm>> -> memref<32x256xf32, #tpu.memory_space<hbm>>
    %dma_wait3A_168 = arith.constant 0 : i32
    %dma_wait3A_169 = arith.constant 0 : i32
    %dma_wait3A_170 = tpu.memref_slice %arg4[%dma_wait3A_168, %dma_wait3A_169] : memref<100000x512xf32, #tpu.memory_space<hbm>> -> memref<32x256xf32, #tpu.memory_space<hbm>>
    %dma_wait3A_171 = arith.constant 0 : i32
    %dma_wait3A_172 = arith.constant 0 : i32
    %dma_wait3A_173 = tpu.memref_slice %arg12[%dma_wait3A_171, %dma_wait3A_172] : memref<64x256xf32, #tpu.memory_space<vmem>> -> memref<32x256xf32, #tpu.memory_space<vmem>>
    tpu.wait_dma2 semaphore(%arg24 : memref<!tpu.dma_semaphore, #tpu.memory_space<semaphore_mem>>) src(%dma_wait3A_173 : memref<32x256xf32, #tpu.memory_space<vmem>>) dst(%dma_wait3A_170 : memref<32x256xf32, #tpu.memory_space<hbm>>)
    %dma_wait3A_174 = arith.constant 0 : i32
    %dma_wait3A_175 = arith.constant 0 : i32
    %dma_wait3A_176 = tpu.memref_slice %arg13[%dma_wait3A_174, %dma_wait3A_175] : memref<64x256xf32, #tpu.memory_space<vmem>> -> memref<32x256xf32, #tpu.memory_space<vmem>>
    %dma_wait3A_177 = arith.constant 0 : i32
    %dma_wait3A_178 = arith.constant 0 : i32
    %dma_wait3A_179 = tpu.memref_slice %arg4[%dma_wait3A_177, %dma_wait3A_178] : memref<100000x512xf32, #tpu.memory_space<hbm>> -> memref<32x256xf32, #tpu.memory_space<hbm>>
    %dma_wait3A_180 = arith.constant 0 : i32
    %dma_wait3A_181 = arith.constant 0 : i32
    %dma_wait3A_182 = tpu.memref_slice %arg4[%dma_wait3A_180, %dma_wait3A_181] : memref<100000x512xf32, #tpu.memory_space<hbm>> -> memref<32x256xf32, #tpu.memory_space<hbm>>
    %dma_wait3A_183 = arith.constant 0 : i32
    %dma_wait3A_184 = arith.constant 0 : i32
    %dma_wait3A_185 = tpu.memref_slice %arg13[%dma_wait3A_183, %dma_wait3A_184] : memref<64x256xf32, #tpu.memory_space<vmem>> -> memref<32x256xf32, #tpu.memory_space<vmem>>
    tpu.wait_dma2 semaphore(%arg25 : memref<!tpu.dma_semaphore, #tpu.memory_space<semaphore_mem>>) src(%dma_wait3A_185 : memref<32x256xf32, #tpu.memory_space<vmem>>) dst(%dma_wait3A_182 : memref<32x256xf32, #tpu.memory_space<hbm>>)
    %dma_wait3A_186 = arith.constant 0 : i32
    %dma_wait3A_187 = arith.constant 0 : i32
    %dma_wait3A_188 = tpu.memref_slice %arg13[%dma_wait3A_186, %dma_wait3A_187] : memref<64x256xf32, #tpu.memory_space<vmem>> -> memref<32x256xf32, #tpu.memory_space<vmem>>
    %dma_wait3A_189 = arith.constant 0 : i32
    %dma_wait3A_190 = arith.constant 0 : i32
    %dma_wait3A_191 = tpu.memref_slice %arg4[%dma_wait3A_189, %dma_wait3A_190] : memref<100000x512xf32, #tpu.memory_space<hbm>> -> memref<32x256xf32, #tpu.memory_space<hbm>>
    %dma_wait3A_192 = arith.constant 0 : i32
    %dma_wait3A_193 = arith.constant 0 : i32
    %dma_wait3A_194 = tpu.memref_slice %arg4[%dma_wait3A_192, %dma_wait3A_193] : memref<100000x512xf32, #tpu.memory_space<hbm>> -> memref<32x256xf32, #tpu.memory_space<hbm>>
    %dma_wait3A_195 = arith.constant 0 : i32
    %dma_wait3A_196 = arith.constant 0 : i32
    %dma_wait3A_197 = tpu.memref_slice %arg13[%dma_wait3A_195, %dma_wait3A_196] : memref<64x256xf32, #tpu.memory_space<vmem>> -> memref<32x256xf32, #tpu.memory_space<vmem>>
    tpu.wait_dma2 semaphore(%arg25 : memref<!tpu.dma_semaphore, #tpu.memory_space<semaphore_mem>>) src(%dma_wait3A_197 : memref<32x256xf32, #tpu.memory_space<vmem>>) dst(%dma_wait3A_194 : memref<32x256xf32, #tpu.memory_space<hbm>>)
    %dma_wait3A_198 = arith.constant 0 : i32
    %dma_wait3A_199 = arith.constant 0 : i32
    %dma_wait3A_200 = tpu.memref_slice %arg14[%dma_wait3A_198, %dma_wait3A_199] : memref<64x256xf32, #tpu.memory_space<vmem>> -> memref<32x256xf32, #tpu.memory_space<vmem>>
    %dma_wait3A_201 = arith.constant 0 : i32
    %dma_wait3A_202 = arith.constant 0 : i32
    %dma_wait3A_203 = tpu.memref_slice %arg4[%dma_wait3A_201, %dma_wait3A_202] : memref<100000x512xf32, #tpu.memory_space<hbm>> -> memref<32x256xf32, #tpu.memory_space<hbm>>
    %dma_wait3A_204 = arith.constant 0 : i32
    %dma_wait3A_205 = arith.constant 0 : i32
    %dma_wait3A_206 = tpu.memref_slice %arg4[%dma_wait3A_204, %dma_wait3A_205] : memref<100000x512xf32, #tpu.memory_space<hbm>> -> memref<32x256xf32, #tpu.memory_space<hbm>>
    %dma_wait3A_207 = arith.constant 0 : i32
    %dma_wait3A_208 = arith.constant 0 : i32
    %dma_wait3A_209 = tpu.memref_slice %arg14[%dma_wait3A_207, %dma_wait3A_208] : memref<64x256xf32, #tpu.memory_space<vmem>> -> memref<32x256xf32, #tpu.memory_space<vmem>>
    tpu.wait_dma2 semaphore(%arg26 : memref<!tpu.dma_semaphore, #tpu.memory_space<semaphore_mem>>) src(%dma_wait3A_209 : memref<32x256xf32, #tpu.memory_space<vmem>>) dst(%dma_wait3A_206 : memref<32x256xf32, #tpu.memory_space<hbm>>)
    %dma_wait3A_210 = arith.constant 0 : i32
    %dma_wait3A_211 = arith.constant 0 : i32
    %dma_wait3A_212 = tpu.memref_slice %arg14[%dma_wait3A_210, %dma_wait3A_211] : memref<64x256xf32, #tpu.memory_space<vmem>> -> memref<32x256xf32, #tpu.memory_space<vmem>>
    %dma_wait3A_213 = arith.constant 0 : i32
    %dma_wait3A_214 = arith.constant 0 : i32
    %dma_wait3A_215 = tpu.memref_slice %arg4[%dma_wait3A_213, %dma_wait3A_214] : memref<100000x512xf32, #tpu.memory_space<hbm>> -> memref<32x256xf32, #tpu.memory_space<hbm>>
    %dma_wait3A_216 = arith.constant 0 : i32
    %dma_wait3A_217 = arith.constant 0 : i32
    %dma_wait3A_218 = tpu.memref_slice %arg4[%dma_wait3A_216, %dma_wait3A_217] : memref<100000x512xf32, #tpu.memory_space<hbm>> -> memref<32x256xf32, #tpu.memory_space<hbm>>
    %dma_wait3A_219 = arith.constant 0 : i32
    %dma_wait3A_220 = arith.constant 0 : i32
    %dma_wait3A_221 = tpu.memref_slice %arg14[%dma_wait3A_219, %dma_wait3A_220] : memref<64x256xf32, #tpu.memory_space<vmem>> -> memref<32x256xf32, #tpu.memory_space<vmem>>
    tpu.wait_dma2 semaphore(%arg26 : memref<!tpu.dma_semaphore, #tpu.memory_space<semaphore_mem>>) src(%dma_wait3A_221 : memref<32x256xf32, #tpu.memory_space<vmem>>) dst(%dma_wait3A_218 : memref<32x256xf32, #tpu.memory_space<hbm>>)
    "tpu.trace_stop"() : () -> ()
    return
  }
}

</mosaic_0001>

<sc_bundles>
// kernel: kernel.3.cloned.1.call-start
scs
__scs_entry_jumppad:
0x0: {  	(pc) =	sbr.rel $0x88, $3  }
0x1: {  	(tag) =	ssettag $0x0;
	lr =	simm.s32 $0x1  }
0x2: {  	[smem:$0x3F9F] =	sst lr;
	_ =	strace $0xD0000000  }
0x3: {  	_ = 	snop  }
0x4: {  	_ = 	snop  }
0x5: {  	_ = 	snop  }
0x6: {  	_ = 	snop  }
0x7: {  	_ = 	snop  }
__scs_overlays_trampoline_lowered:
0x8: {  	[smem:$0x3FAE] =	sst s0  }
0x9: {  	[smem:$0x3FAF] =	sst s1  }
0xa: {  	[smem:$0x3FB0] =	sst s2  }
0xb: {  	[smem:$0x3FB1] =	sst s3  }
0xc: {  	[smem:$0x3FB2] =	sst s4  }
0xd: {  	[smem:$0x3FB3] =	sst s5  }
0xe: {  	[smem:$0x3FB4] =	sst s6  }
0xf: {  	[smem:$0x3FB5] =	sst s7  }
0x10: {  	[smem:$0x3FB6] =	sst s8  }
0x11: {  	[smem:$0x3FB7] =	sst s9;
	s0 =	simm.s32 @!p0 $0x0  }
0x12: {  	s1 =	sld [smem:$0x3F9D];
	s0 =	simm.s32 @p0 $0x1  }
0x13: {  	[smem:$0x3FB8] =	sst s0;
	s0 =	simm.s32 @!p1 $0x0  }
0x14: {  	s2 =	sld [smem:$0x3F9C];
	s0 =	simm.s32 @p1 $0x1  }
0x15: {  	[smem:$0x3FB9] =	sst s0;
	s0 =	simm.s32 @!p2 $0x0  }
0x16: {  	s3 =	sld [smem:$0x3FDB];
	s0 =	simm.s32 @p2 $0x1  }
0x17: {  	s4 =	simm.s32 $0x1BF5;
	[smem:$0x3FBB] =	sst s0  }
0x18: {  	s0 =	sld [smem:$0x3F9E];
	_ =	swait.ge [sflag:s4], $0x0  }
0x19: {  	s7 =	sld [smem:$0x3F9F]  }
0x1a: {  	s8 =	sadd.s32 $0xFFFFE003, lr  }
0x1b: {  	s9 =	sadd.s32 $0xFFFFFEF7, lr;
	s5 =	simm.s32 $0xFFFFFFFF;
	p2 =	slt.u32 s8, $0xFFFFF086  }
0x1c: {  	p1 =	slt.u32 s9, $0xF7A;
	s5 =	simm.s32 @!p2 $0x0  }
0x1d: {  	s5 =	simm.s32 @p1 $0x1;
	p0 =	seq.s32 s7, s2  }
0x1e: {  	s7 =	smul.u32 @!p0 $0xF7A, s2;
	p2 =	seq.s32 @!p0 s5, $0x0  }
0x1f: {  	s9 =	smul.u32 $0xF7A, s1;
	s8 =	simm.s32 @!p0 $0x1BF5;
	p2 =	por !p2, p0  }
0x20: {  	[sflag:s8] =	ssyncset.s32 @!p0 $0xFFFFF086;
	s6 =	sadd.s32 @!p0 s3, s7;
	s7 =	simm.s32 @!p0 $0x108  }
0x21: {  	s3 =	sadd.s32 s3, s9;
	s6 =	sadd.s32 @!p0 $0x88, s6;
	s7 =	simm.s32 @p2 $0x1082  }
0x22: {  	[simem:s7], [sflag:s8] =	dma.local @!p0 [hbm:s6], $0xF7A  }
0x23: {  	s9 =	sor.u32 $0xD0000000, s2;
	s6 =	simm.s32 $0x108;
	_ =	swait.ge @!p0 [sflag:s8], $0x0  }
0x24: {  	s3 =	sadd.s32 $0x88, s3;
	s6 =	simm.s32 @!p1 $0x1082;
	[sflag:s4] =	ssyncset.s32 $0xFFFFF086  }
0x25: {  	[simem:s6], [sflag:s4] =	dma.local [hbm:s3], $0xF7A  }
0x26: {  	[smem:$0x3F9F] =	sst s1;
	(tag) =	ssettag s2;
	_ =	strace s9  }
0x27: {  	s1 =	sld [smem:$0x3FAF]  }
0x28: {  	s2 =	sld [smem:$0x3FB0]  }
0x29: {  	s4 =	sld [smem:$0x3FB2]  }
0x2a: {  	p0 =	seq.s32 s5, $0x0;
	s5 =	sld [smem:$0x3FB3]  }
0x2b: {  	s6 =	sld [smem:$0x3FB4]  }
0x2c: {  	s7 =	sld [smem:$0x3FB5]  }
0x2d: {  	s3 =	simm.s32 $0x108;
	s8 =	sld [smem:$0x3FB6]  }
0x2e: {  	s3 =	simm.s32 @!p0 $0x1082;
	s9 =	sld [smem:$0x3FB7]  }
0x2f: {  	lr =	sadd.s32 s0, s3;
	s0 =	sld [smem:$0x3FAE]  }
0x30: {  	s3 =	sld [smem:$0x3FB1]  }
0x31: {  	[smem:$0x3FBA] =	sst s10  }
0x32: {  	s10 =	sld [smem:$0x3FB8];
	_ =	sdelay $0x3  }
0x33: {  	p0 =	seq.s32 s10, $0x1;
	s10 =	sld [smem:$0x3FBA];
	_ =	sdelay $0x3  }
0x34: {  	[smem:$0x3FBA] =	sst s10  }
0x35: {  	s10 =	sld [smem:$0x3FB9];
	_ =	sdelay $0x3  }
0x36: {  	p1 =	seq.s32 s10, $0x1;
	s10 =	sld [smem:$0x3FBA];
	_ =	sdelay $0x3  }
0x37: {  	[smem:$0x3FBA] =	sst s10  }
0x38: {  	s10 =	sld [smem:$0x3FBB]  }
0x39: {  	_ = 	snop;
	(pc) =	sbr.ind lr, $3  }
0x3a: {  	_ = 	snop  }
0x3b: {  	_ = 	snop  }
0x3c: {  	p2 =	seq.s32 s10, $0x1;
	s10 =	sld [smem:$0x3FBA]  }
0x3d: {  	_ =	shalt  }
0x3e: {  	_ =	shalt  }
0x3f: {  	_ =	shalt  }
0x40: {  	_ =	shalt  }
0x41: {  	_ =	shalt  }
0x42: {  	_ =	shalt  }
0x43: {  	_ =	shalt  }
0x44: {  	_ =	shalt  }
0x45: {  	_ =	shalt  }
0x46: {  	_ =	shalt  }
0x47: {  	_ =	shalt  }
0x48: {  	_ =	shalt  }
0x49: {  	_ =	shalt  }
0x4a: {  	_ =	shalt  }
0x4b: {  	_ =	shalt  }
0x4c: {  	_ =	shalt  }
0x4d: {  	_ =	shalt  }
0x4e: {  	_ =	shalt  }
0x4f: {  	_ =	shalt  }
0x50: {  	_ =	shalt  }
0x51: {  	_ =	shalt  }
0x52: {  	_ =	shalt  }
0x53: {  	_ =	shalt  }
0x54: {  	_ =	shalt  }
0x55: {  	_ =	shalt  }
0x56: {  	_ =	shalt  }
0x57: {  	_ =	shalt  }
0x58: {  	_ =	shalt  }
0x59: {  	_ =	shalt  }
0x5a: {  	_ =	shalt  }
0x5b: {  	_ =	shalt  }
0x5c: {  	_ =	shalt  }
0x5d: {  	_ =	shalt  }
0x5e: {  	_ =	shalt  }
0x5f: {  	_ =	shalt  }
0x60: {  	_ =	shalt  }
0x61: {  	_ =	shalt  }
0x62: {  	_ =	shalt  }
0x63: {  	_ =	shalt  }
0x64: {  	_ =	shalt  }
0x65: {  	_ =	shalt  }
0x66: {  	_ =	shalt  }
0x67: {  	_ =	shalt  }
0x68: {  	_ =	shalt  }
0x69: {  	_ =	shalt  }
0x6a: {  	_ =	shalt  }
0x6b: {  	_ =	shalt  }
0x6c: {  	_ =	shalt  }
0x6d: {  	_ =	shalt  }
0x6e: {  	_ =	shalt  }
0x6f: {  	_ =	shalt  }
0x70: {  	_ =	shalt  }
0x71: {  	_ =	shalt  }
0x72: {  	_ =	shalt  }
0x73: {  	_ =	shalt  }
0x74: {  	_ =	shalt  }
0x75: {  	_ =	shalt  }
0x76: {  	_ =	shalt  }
0x77: {  	_ =	shalt  }
0x78: {  	_ =	shalt  }
0x79: {  	_ =	shalt  }
0x7a: {  	_ =	shalt  }
0x7b: {  	_ =	shalt  }
0x7c: {  	_ =	shalt  }
0x7d: {  	_ =	shalt  }
0x7e: {  	_ =	shalt  }
0x7f: {  	_ =	shalt  }
0x80: {  	_ =	shalt  }
0x81: {  	_ =	shalt  }
0x82: {  	_ =	shalt  }
0x83: {  	_ =	shalt  }
0x84: {  	_ =	shalt  }
0x85: {  	_ =	shalt  }
0x86: {  	_ =	shalt  }
0x87: {  	_ =	shalt  }
.Lfunc_end0:
.L_simem_size_0:
called_computation_lowered:
.L_overlay_start_0:
0x88: {  	s2 =	sld [smem:$0x3FD9]  }
0x89: {  	s3 =	sld [smem:$0x3FFE];
	_ =	sdelay $0x1  }
0x8a: {  	s1 =	srdreg.scid  }
0x8b: {  	s0 =	sand.u32 $0x1, s1  }
0x8c: {  	s17 =	sshll.u32 s0, $0xA;
	s2 =	sadd.s32 s3, s2  }
0x8d: {  	s2 =	sadd.s32 s2, s17  }
0x8e: {  	[smem:$0x3FC6] =	sst s2  }
0x8f: {  	_ = 	snop  }
0x90: {  	s2 =	sld [smem:$0x3FC8]  }
0x91: {  	s18 =	sld [smem:$0x3FD0];
	(tm) =	ssettm $0x1  }
0x92: {  	s4 =	sld [smem:$0x3FFB];
	_ =	sdelay $0x3  }
0x93: {  	_ =	strace s4  }
0x94: {  	s4 =	sld [smem:$0x3FFC];
	_ =	sdelay $0x3  }
0x95: {  	_ =	strace s4  }
0x96: {  	s4 =	sld [smem:$0x3FFD];
	_ =	sdelay $0x3  }
0x97: {  	_ =	strace s4  }
0x98: {  	_ =	strace $0x8FFFFFFF  }
0x99: {  	s19 =	sld [smem:$0x3FDB];
	_ =	sdelay $0x1  }
0x9a: {  	s5 =	simm.s32 $_scs_section_size  }
0x9b: {  	s6 =	simm.s32 $_size__tile_overlayer_lowered;
	s7 =	simm.s32 $_tile_overlayer_lowered  }
0x9c: {  	s22 =	simm.s32 $0x1BFF;
	s21 =	sshll.u32 s7, $0x1;
	s4 =	sadd.s32 s5, s19  }
0x9d: {  	s8 =	simm.s32 $0x0;
	s20 =	sshll.u32 s6, $0x1;
	s6 =	sadd.s32 s21, s4  }
0x9e: {  	[timem:s8], [sflag:s22] =	dma.local [hbm:s6], s20  }
0x9f: {  	_ =	swait.ge [sflag:s22], s20  }
0xa0: {  	s5 =	ssub.s32 $0x0, s20;
	[sflag:s22] =	ssyncset.done $0x0  }
0xa1: {  	[sflag:s22] =	ssyncadd.s32 s5;
	_ =	sdelay $0x1  }
0xa2: {  	s23 =	simm.s32 $0x1B8B  }
0xa3: {  	_ =	swait.ge [sflag:s23], $0x1  }
0xa4: {  	[sflag:s23] =	ssyncset.done $0x0  }
0xa5: {  	s25 =	simm.s32 $0x1B8E;
	s24 =	sld [smem:$0x3FFE];
	[sflag:s23] =	ssyncadd.s32 $0xFFFFFFFF  }
0xa6: {  	s26 =	simm.s32 $execute0_lowered;
	[smem:$0x3FD2] =	sst s25  }
0xa7: {  	s6 =	sshll.u32 s26, $0x1;
	_ =	strace $0x80000046;
	[dreg:$0x1] =	wrdreg $0xFFFFFFFF  }
0xa8: {  	s28 =	simm.s32 $_size_execute0_lowered;
	s4 =	sadd.s32 s4, s6;
	[dreg:$0x0] =	wrdreg $0x0  }
0xa9: {  	s6 =	sshll.u32 s28, $0x1;
	[dreg:$0x2] =	wrdreg s4  }
0xaa: {  	[dreg:$0x3] =	wrdreg s6  }
0xab: {  	[dreg:$0x4] =	wrdreg $0xC0  }
0xac: {  	_ =	task [dreg:s8], $0x5FFFF  }
0xad: {  	[dreg:$0x1] =	wrdreg $0xFFFFFFFF  }
0xae: {  	[dreg:$0x0] =	wrdreg $0x60  }
0xaf: {  	[dreg:$0x2] =	wrdreg s24  }
0xb0: {  	[dreg:$0x3] =	wrdreg s2  }
0xb1: {  	[dreg:$0x4] =	wrdreg s18  }
0xb2: {  	[dreg:$0x5] =	wrdreg $0x9  }
0xb3: {  	_ =	task.clear_ibuf [dreg:s8], $0x6FFFF;
	_ =	strace $0x90000046  }
0xb4: {  	s29 =	simm.s32 $0x9;
	_ =	strace $0x8000004A  }
0xb5: {  	_ =	swait.ge [sflag:s29], $0x1  }
0xb6: {  	[sflag:s29] =	ssyncadd.s32 $0xFFFFFFFF  }
0xb7: {  	_ =	strace $0x9000004A  }
0xb8: {  	_ =	sfence  }
0xb9: {  	s30 =	sld [smem:$0x0];
	_ =	sdelay $0x2  }
0xba: {  	s31 =	sshll.u32 s1, $0xD;
	s1 =	sshrl.u32 s1, $0x2  }
0xbb: {  	s3 =	sand.u32 $0x4000, s31;
	s1 =	sadd.s32 s1, s30  }
0xbc: {  	s0 =	sor.u32 s3, s0;
	s1 =	sshll.u32 s1, $0x11  }
0xbd: {  	s0 =	sor.u32 s1, s0  }
0xbe: {  	s0 =	sadd.s32 $0x8F2B, s0  }
0xbf: {  	[sflag:s0] =	ssyncadd.remote.s32 $0x1  }
0xc0: {  	_ =	sfence.sel $0xFFFF  }
0xc1: {  	[dreg:$0x0] =	wrdreg $0xFFFFFFFF;
	(pc) =	sbr.abs _section_cstart, $3  }
0xc2: {  	[dreg:$0x1] =	wrdreg $0xFFFFFFFF  }
0xc3: {  	_ =	task.clear_ibuf [dreg:s8], $0x2FFFF;
	_ =	strace $0x9FFFFFFF  }
0xc4: {  	(tm) =	ssettm $0x7FFFFFFF  }
0xc5: {  	_ =	shalt  }
tec
execute0_lowered:
.L_overlay_start_1:
0x0: {  	(tag) =	ssettag $0x1  }
0x1: {  	v2 =	vimm.s32 $0x8040201;
	v3 =	vimm.s32 $0x80402010;
	vm0 =	vcmask $0xF00  }
0x2: {  	s0 =	srdreg.scid;
	s1 =	stileid.u32;
	vm1 =	vcmask $0x2B28;
	v4 =	vunpack.c.0.s8.s32 v2;
	v5 =	vunpack.c.0.s8.s32 v3  }
0x3: {  	s14 =	rddreg [dreg:$0x0];
	vm2 =	vcmask $0x3B38;
	s0 =	sand.u32 $0x1, s0;
	s2 =	sshll.u32 s1, $0x1;
	v2 =	vimm.s32 $0xFFFFFFFF;
	v3 =	vlaneseq.u32  }
0x4: {  	s3 =	rddreg [dreg:$0x1];
	s2 =	sor.u32 s0, s2;
	v6 =	vnsel vm0, $0x8000, v4;
	v5 =	vand.u32 $0xFF, v5;
	vm0 =	vcmask $0x1F10  }
0x5: {  	s4 =	rddreg [dreg:$0x2];
	v9 =	vshrl.u32 v3, $0x3;
	s18 =	smul.u32 $0x1880, s2;
	v6 =	vsel vm0, v5, v6;
	vm0 =	vcmask $0x2320  }
0x6: {  	s5 =	simm.s32 $0x0;
	s16 =	simm.s32 $0x1000;
	s9 =	smul.u32 $0x3100, s1;
	v4 =	vor.u32 $0x10, v3;
	v7 =	vsel vm0, $0x100, v6;
	vm0 =	vcmask $0x2724  }
0x7: {  	[smem:$0x7FF] =	sst s5;
	s30 =	ssub.s32 $0x2, s0;
	s0 =	smul.u32 $0x1880, s0;
	v5 =	vand.u32 $0x7, v3;
	v1 =	vmov s18;
	v7 =	vsel vm0, $0x200, v7  }
.Ltmp0:
0x8: {  	s1 =	simm.s32 $0x0;
	s7 =	ssub.s32 $0x30D40, s18;
	v6 =	vmul.u32 $0x2, v5;
	v8 =	vsel vm1, $0x400, v7;
	vm1 =	vcmask $0x2F2C;
	(pc) =	sbr.rel .LBB2_1-.Ltmp0, $4  }
0x9: {  	s8 =	sshrl.u32 s30, $0x1;
	s0 =	sadd.s32 s0, s9;
	s10 =	smin.u32 s7, $0x1880;
	vm0 =	vmmov $0xff;
	v8 =	vsel vm1, $0x800, v8;
	vm1 =	vcmask $0x3330  }
0xa: {  	_ =	strace $0x80000047;
	s2 =	ssub.s32 s30, s8;
	[dreg:$0x6] =	wrdreg s0;
	v0 =	vmov s10;
	v10 =	vsel vm1, $0x1000, v8;
	vm1 =	vcmask $0x3734  }
0xb: {  	s8 =	sadd.s32 $0x100, s4;
	s31 =	smax.u32 s2, $0x1;
	[dreg:$0x4] =	wrdreg s18;
	v7 =	vor.u32 $0x1, v6;
	v8 =	vmul.u32 $0x8, v9;
	v10 =	vsel vm1, $0x2000, v10  }
0xc: {  	s9 =	simm.s32 $0x800;
	[dreg:$0x5] =	wrdreg s31;
	s7 =	sshrl.u32 s10, $0x6;
	v9 =	vor.u32 $0x8, v3;
	vm1 =	vmmov $0xffff;
	v10 =	vsel vm2, $0x4000, v10  }
.LBB2_113:
0xd: {  	s0 =	simm.s32 $0x8  }
0xe: {  	_ =	swait.ge [sflag:s0], $0x2000  }
0xf: {  	[sflag:s0] =	ssyncset.done $0x0  }
0x10: {  	[sflag:s0] =	ssyncadd.s32 $0xFFFFE000  }
0x11: {  	_ =	swait.ge [sflag:s0], $0x2000  }
0x12: {  	[sflag:s0] =	ssyncset.done $0x0  }
0x13: {  	s26 =	simm.s32 $0x9;
	[sflag:s0] =	ssyncadd.s32 $0xFFFFE000  }
0x14: {  	_ =	swait.ge [sflag:s26], $0x2000  }
0x15: {  	[sflag:s26] =	ssyncset.done $0x0  }
0x16: {  	[sflag:s26] =	ssyncadd.s32 $0xFFFFE000  }
0x17: {  	_ =	swait.ge [sflag:s26], $0x2000  }
0x18: {  	[sflag:s26] =	ssyncset.done $0x0  }
0x19: {  	s28 =	simm.s32 $0xA;
	[sflag:s26] =	ssyncadd.s32 $0xFFFFE000  }
0x1a: {  	_ =	swait.ge [sflag:s28], $0x2000  }
0x1b: {  	[sflag:s28] =	ssyncset.done $0x0  }
0x1c: {  	[sflag:s28] =	ssyncadd.s32 $0xFFFFE000  }
0x1d: {  	_ =	swait.ge [sflag:s28], $0x2000  }
0x1e: {  	[sflag:s28] =	ssyncset.done $0x0  }
0x1f: {  	s29 =	simm.s32 $0xB;
	[sflag:s28] =	ssyncadd.s32 $0xFFFFE000  }
0x20: {  	_ =	swait.ge [sflag:s29], $0x2000  }
0x21: {  	[sflag:s29] =	ssyncset.done $0x0  }
0x22: {  	[sflag:s29] =	ssyncadd.s32 $0xFFFFE000  }
0x23: {  	_ =	swait.ge [sflag:s29], $0x2000  }
0x24: {  	[sflag:s29] =	ssyncset.done $0x0  }
0x25: {  	s30 =	simm.s32 $0xC;
	[sflag:s29] =	ssyncadd.s32 $0xFFFFE000  }
0x26: {  	_ =	swait.ge [sflag:s30], $0x2000  }
0x27: {  	[sflag:s30] =	ssyncset.done $0x0  }
0x28: {  	[sflag:s30] =	ssyncadd.s32 $0xFFFFE000  }
0x29: {  	_ =	swait.ge [sflag:s30], $0x2000  }
0x2a: {  	s1 =	rddreg [dreg:$0x7]  }
0x2b: {  	s31 =	rddreg [dreg:$0x5];
	s1 =	sadd.s32 $0x1, s1  }
0x2c: {  	p0 =	sne.s32 s1, s31  }
.Ltmp1:
0x2d: {  	_ = 	snop;
	(pc) =	sbr.rel @!p0 .LBB2_114-.Ltmp1, $4  }
0x2e: {  	_ = 	snop  }
0x2f: {  	[sflag:s30] =	ssyncset.done $0x0  }
0x30: {  	[sflag:s30] =	ssyncadd.s32 $0xFFFFE000  }
0x31: {  	_ =	strace $0x90000049  }
.LBB2_1:
0x32: {  	[dreg:$0x7] =	wrdreg s1  }
0x33: {  	s0 =	simm.s32 $0x40;
	s2 =	simm.s32 $0x0;
	_ =	strace $0x80000048  }
.LBB2_2:
0x34: {  	p0 =	sne.s32 s0, $0x61C0;
	[tilespmem:s2+$0x0] =	vst v2;
	s2 =	smov.u32 s0;
	s0 =	sadd.s32 $0x40, s0  }
.Ltmp2:
0x35: {  	(pc) =	sbr.rel @p0 .LBB2_2-.Ltmp2, $2  }
0x36: {  	_ =	sdelay $0x2  }
0x37: {  	s2 =	sshra.s32 s2, $0x2  }
0x38: {  	s0 =	simm.s32 $0x0  }
0x39: {  	[tilespmem:s2+$0x0] =	vst v2;
	s1 =	simm.s32 $0x1880;
	s11 =	simm.s32 $0x0;
	s15 =	simm.s32 $0x0  }
0x3a: {  	[tilespmem:s1], [sflag:$0x1] =	stream.linear.gather [hbm4b:s14+s0], $0xFA0, $0x200038;
	[tilespmem:$0x1A980] =	vst v63  }
.LBB2_4:
0x3b: {  	s2 =	sshllo.u32 s15, $0x1;
	s1 =	simm.s32 $0x1  }
0x3c: {  	s25 =	simm.s32 $0x2880;
	s17 =	simm.s32 $0x18D0;
	s10 =	simm.s32 $0x80  }
0x3d: {  	s13 =	sand.u32 $0x60, s0;
	_ =	swait.ge [sflag:s1], $0xFA0;
	s2 =	smul.u32 $0x1F4, s2  }
0x3e: {  	s31 =	sadd.s32 $0x0, s11;
	s21 =	simm.s32 $0xA0;
	[sflag:s1] =	ssyncset.done $0x0  }
0x3f: {  	s10 =	sand.u32 $0x3F80, s10;
	[sflag:s1] =	ssyncadd.s32 $0xFFFFF060;
	s2 =	sadd.s32 s14, s2  }
0x40: {  	[tilespmem:s25], [sflag:$0x2] =	stream.linear.gather [hbm4b:s2+s0], $0xFA0, $0x200038;
	[tilespmem:$0x1A980] =	vst v63  }
0x41: {  	s26 =	sadd.s32 $0x10, s31;
	s30 =	sadd.s32 $0x20, s31;
	s29 =	sadd.s32 $0x30, s31;
	v16 =	vld [tilespmem:s17+$0xFFFFFFB0]  }
0x42: {  	s28 =	sadd.s32 $0x40, s31;
	s23 =	sadd.s32 $0x60, s31;
	s20 =	sadd.s32 $0x70, s31;
	v15 =	vld [tilespmem:s17+$0xFFFFFFC0]  }
0x43: {  	s19 =	sadd.s32 $0x80, s31;
	s24 =	sor.u32 s13, s10;
	s10 =	sadd.s32 $0x90, s31;
	v14 =	vld [tilespmem:s17+$0xFFFFFFD0]  }
0x44: {  	v11 =	vor.u32 s26, v3;
	v12 =	vor.u32 s30, v3;
	s13 =	simm.s32 $0x18D0;
	s2 =	smul.u32 $0x1F40, s15;
	s25 =	sadd.s32 $0x50, s31;
	v13 =	vld [tilespmem:s17+$0xFFFFFFE0]  }
.LBB2_5:
0x45: {  	p0 =	sne.s32 s21, $0xF00  }
0x46: {  	v17 =	vsub.s32 v16, v1;
	v16 =	vand.u32 $0x7F, v16;
	v18 =	vor.u32 s28, v3;
	s17 =	sadd.s32 $0xA0, s17;
	s28 =	smov.u32 s21;
	s21 =	sadd.s32 $0xA0, s21  }
0x47: {  	v20 =	vor.u32 s31, v3;
	v21 =	vor.u32 s29, v3;
	v19 =	vld [tilespmem:s13+$0xFFFFFFF0];
	vm3 =	vlt.u32 v17, v0  }
0x48: {  	v17 =	vand.u32 $0xFFFFFF80, v17;
	v22 =	vsub.s32 v15, v1;
	v23 =	vld [tilespmem:s13+$0x0];
	v15 =	vand.u32 $0x7F, v15  }
0x49: {  	v16 =	vor.u32 v16, v17;
	vm5 =	vlt.u32 v22, v0;
	v17 =	vand.u32 $0x7F, v14  }
0x4a: {  	v14 =	vsub.s32 v14, v1;
	v22 =	vand.u32 $0xFFFFFF80, v22;
	v24 =	vld [tilespmem:s13+$0x40];
	v25 =	vand.u32 $0x7F, v13  }
0x4b: {  	v15 =	vor.u32 v15, v22;
	vm6 =	vlt.u32 v14, v0;
	v14 =	vand.u32 $0xFFFFFF80, v14;
	v26 =	vld [tilespmem:s24+$0x1880]  }
0x4c: {  	v13 =	vsub.s32 v13, v1;
	v14 =	vor.u32 v17, v14;
	v22 =	vsub.s32 v19, v1;
	v27 =	vld [tilespmem:s13+$0x10]  }
0x4d: {  	vm4 =	vlt.u32 v13, v0;
	v17 =	vld [tilespmem:s13+$0x20];
	vm2 =	vlt.u32 v22, v0;
	v22 =	vand.u32 $0xFFFFFF80, v22;
	s13 =	smov.u32 s17  }
0x4e: {  	v28 =	vsub.s32 v23, v1;
	[tilespmem:v16+s5+$0x0] =	vst.idx.msk vm3, v20;
	v16 =	vand.u32 $0x7F, v19;
	v19 =	vand.u32 $0x7F, v23  }
0x4f: {  	vm3 =	vlt.u32 v28, v0;
	v23 =	vand.u32 $0xFFFFFF80, v28;
	v20 =	vsub.s32 v24, v1  }
0x50: {  	[tilespmem:v15+s5+$0x0] =	vst.idx.msk vm5, v11;
	v11 =	vand.u32 $0xFFFFFF80, v13;
	v13 =	vor.u32 v16, v22;
	v15 =	vor.u32 v19, v23  }
0x51: {  	v19 =	vsub.s32 v26, v1;
	v16 =	vsub.s32 v27, v1;
	[tilespmem:v14+s5+$0x0] =	vst.idx.msk vm6, v12;
	v12 =	vand.u32 $0x7F, v27  }
0x52: {  	v11 =	vor.u32 v25, v11;
	vm5 =	vlt.u32 v16, v0;
	v14 =	vand.u32 $0xFFFFFF80, v16  }
0x53: {  	v16 =	vsub.s32 v17, v1;
	v12 =	vor.u32 v12, v14;
	v14 =	vand.u32 $0x7F, v24  }
0x54: {  	v17 =	vand.u32 $0x7F, v17;
	vm6 =	vlt.u32 v16, v0;
	v16 =	vand.u32 $0xFFFFFF80, v16  }
0x55: {  	s24 =	sadd.s32 $0x80, s28;
	v22 =	vand.u32 $0x7F, v26;
	v16 =	vor.u32 v17, v16;
	v17 =	vand.u32 $0xFFFFFF80, v19  }
0x56: {  	s29 =	sand.u32 $0x60, s28;
	s24 =	sand.u32 $0x3F80, s24;
	vm7 =	vlt.u32 v20, v0;
	vm8 =	vlt.u32 v19, v0;
	v19 =	vand.u32 $0xFFFFFF80, v20  }
0x57: {  	s24 =	sor.u32 s29, s24;
	v17 =	vor.u32 v22, v17;
	v14 =	vor.u32 v14, v19;
	[tilespmem:v11+s5+$0x0] =	vst.idx.msk vm4, v21;
	v11 =	vor.u32 s25, v3  }
0x58: {  	s31 =	sadd.s32 s28, s11;
	[tilespmem:v13+s5+$0x0] =	vst.idx.msk vm2, v18;
	v13 =	vor.u32 s23, v3  }
0x59: {  	s18 =	sadd.s32 $0x20, s31;
	s29 =	sadd.s32 $0x30, s31;
	s23 =	sadd.s32 $0x10, s31;
	[tilespmem:v15+s5+$0x0] =	vst.idx.msk vm3, v11;
	v15 =	vor.u32 s20, v3  }
0x5a: {  	s28 =	sadd.s32 $0x40, s31;
	s25 =	sadd.s32 $0x50, s31;
	v11 =	vor.u32 s23, v3;
	s23 =	sadd.s32 $0x60, s31;
	[tilespmem:v12+s5+$0x0] =	vst.idx.msk vm5, v13  }
0x5b: {  	s22 =	sadd.s32 $0x90, s31;
	s20 =	sadd.s32 $0x70, s31;
	v13 =	vor.u32 s19, v3;
	s19 =	sadd.s32 $0x80, s31;
	[tilespmem:v16+s5+$0x0] =	vst.idx.msk vm6, v15  }
0x5c: {  	v12 =	vor.u32 s18, v3;
	[tilespmem:v17+s5+$0x0] =	vst.idx.msk vm8, v13;
	v13 =	vor.u32 s10, v3;
	s10 =	smov.u32 s22  }
0x5d: {  	[tilespmem:v14+s5+$0x0] =	vst.idx.msk vm7, v13  }
.Ltmp3:
0x5e: {  	v16 =	vld [tilespmem:s17+$0xFFFFFFB0];
	(pc) =	sbr.rel @p0 .LBB2_5-.Ltmp3, $4  }
0x5f: {  	_ = 	snop  }
0x60: {  	v15 =	vld [tilespmem:s17+$0xFFFFFFC0]  }
0x61: {  	v14 =	vld [tilespmem:s17+$0xFFFFFFD0]  }
0x62: {  	v13 =	vld [tilespmem:s17+$0xFFFFFFE0]  }
0x63: {  	v17 =	vsub.s32 v16, v1  }
0x64: {  	v16 =	vand.u32 $0x7F, v16;
	v18 =	vor.u32 s28, v3;
	v20 =	vor.u32 s31, v3  }
0x65: {  	v19 =	vld [tilespmem:s13+$0xFFFFFFF0];
	v21 =	vor.u32 s29, v3;
	vm2 =	vlt.u32 v17, v0;
	v17 =	vand.u32 $0xFFFFFF80, v17  }
0x66: {  	v23 =	vld [tilespmem:s13+$0x0];
	v22 =	vsub.s32 v15, v1;
	v15 =	vand.u32 $0x7F, v15;
	v16 =	vor.u32 v16, v17  }
0x67: {  	v24 =	vld [tilespmem:s13+$0x40];
	vm3 =	vlt.u32 v22, v0;
	v17 =	vand.u32 $0x7F, v14;
	v22 =	vand.u32 $0xFFFFFF80, v22  }
0x68: {  	v14 =	vsub.s32 v14, v1;
	v25 =	vand.u32 $0x7F, v13;
	v15 =	vor.u32 v15, v22  }
0x69: {  	v26 =	vld [tilespmem:s24+$0x1880];
	vm5 =	vlt.u32 v14, v0;
	v14 =	vand.u32 $0xFFFFFF80, v14;
	v13 =	vsub.s32 v13, v1  }
0x6a: {  	v22 =	vld [tilespmem:s13+$0x10];
	v27 =	vsub.s32 v19, v1;
	v14 =	vor.u32 v17, v14;
	vm6 =	vlt.u32 v13, v0  }
0x6b: {  	v28 =	vsub.s32 v23, v1;
	v19 =	vand.u32 $0x7F, v19;
	v23 =	vand.u32 $0x7F, v23  }
0x6c: {  	v17 =	vld [tilespmem:s13+$0x20];
	v29 =	vsub.s32 v24, v1;
	v13 =	vand.u32 $0xFFFFFF80, v13;
	vm4 =	vlt.u32 v27, v0  }
0x6d: {  	v27 =	vand.u32 $0xFFFFFF80, v27;
	vm7 =	vlt.u32 v28, v0;
	v28 =	vand.u32 $0xFFFFFF80, v28  }
0x6e: {  	v13 =	vor.u32 v25, v13;
	v19 =	vor.u32 v19, v27;
	v23 =	vor.u32 v23, v28  }
0x6f: {  	v28 =	vsub.s32 v26, v1;
	[tilespmem:v16+s5+$0x0] =	vst.idx.msk vm2, v20;
	v27 =	vsub.s32 v22, v1;
	v22 =	vand.u32 $0x7F, v22  }
0x70: {  	[tilespmem:v15+s5+$0x0] =	vst.idx.msk vm3, v11;
	v11 =	vand.u32 $0x7F, v24;
	vm3 =	vlt.u32 v28, v0;
	vm8 =	vlt.u32 v27, v0  }
0x71: {  	v25 =	vand.u32 $0xFFFFFF80, v27;
	v27 =	vsub.s32 v17, v1;
	v17 =	vand.u32 $0x7F, v17  }
0x72: {  	v16 =	vor.u32 v22, v25;
	v20 =	vand.u32 $0xFFFFFF80, v27;
	vm2 =	vlt.u32 v27, v0  }
0x73: {  	[tilespmem:v14+s5+$0x0] =	vst.idx.msk vm5, v12;
	v12 =	vand.u32 $0xFFFFFF80, v28;
	v14 =	vand.u32 $0x7F, v26;
	v15 =	vor.u32 v17, v20  }
0x74: {  	vm5 =	vlt.u32 v29, v0;
	[tilespmem:v13+s5+$0x0] =	vst.idx.msk vm6, v21;
	v12 =	vor.u32 v14, v12;
	v17 =	vand.u32 $0xFFFFFF80, v29  }
0x75: {  	v13 =	vor.u32 s25, v3;
	[tilespmem:v19+s5+$0x0] =	vst.idx.msk vm4, v18;
	v11 =	vor.u32 v11, v17  }
0x76: {  	v14 =	vor.u32 s23, v3;
	[tilespmem:v23+s5+$0x0] =	vst.idx.msk vm7, v13  }
0x77: {  	v13 =	vor.u32 s20, v3;
	[tilespmem:v16+s5+$0x0] =	vst.idx.msk vm8, v14  }
0x78: {  	[tilespmem:v15+s5+$0x0] =	vst.idx.msk vm2, v13;
	v13 =	vor.u32 s19, v3  }
0x79: {  	p0 =	seq.s32 s15, $0x18;
	[tilespmem:v12+s5+$0x0] =	vst.idx.msk vm3, v13;
	v12 =	vor.u32 s10, v3  }
0x7a: {  	s1 =	simm.s32 $0x2;
	s2 =	sshrl.u32 @!p0 s2, $0x3;
	[tilespmem:v11+s5+$0x0] =	vst.idx.msk vm5, v12  }
0x7b: {  	s2 =	sadd.s32 @!p0 s14, s2;
	_ =	swait.ge [sflag:s1], $0xFA0  }
0x7c: {  	s2 =	sadd.s32 @!p0 $0x3E8, s2;
	s13 =	simm.s32 @!p0 $0x1880;
	[sflag:s1] =	ssyncset.done $0x0  }
0x7d: {  	s25 =	simm.s32 $0x28D0;
	s10 =	simm.s32 @!p0 $0x0;
	[sflag:s1] =	ssyncadd.s32 $0xFFFFF060  }
0x7e: {  	[tilespmem:s13], [sflag:$0x1] =	stream.linear.gather @!p0 [hbm4b:s2+s10], $0xFA0, $0x200038;
	[tilespmem:$0x1A980] =	vst v63  }
0x7f: {  	s6 =	smov.u32 s14;
	v14 =	vld [tilespmem:s25+$0xFFFFFFB0]  }
0x80: {  	s17 =	sadd.s32 $0x80, s11;
	s4 =	simm.s32 $0x0;
	s28 =	simm.s32 $0x2970;
	v15 =	vld [tilespmem:s25+$0xFFFFFFC0]  }
0x81: {  	s26 =	simm.s32 $0x140;
	s18 =	sadd.s32 $0xF20, s17;
	s14 =	sadd.s32 $0xF30, s17;
	v21 =	vld [tilespmem:s25+$0xFFFFFFD0]  }
0x82: {  	s12 =	sadd.s32 $0xF40, s17;
	s21 =	sadd.s32 $0xF50, s17;
	s22 =	sadd.s32 $0xF60, s17;
	v18 =	vor.u32 s14, v3;
	v17 =	vor.u32 s18, v3;
	v19 =	vld [tilespmem:s25+$0xFFFFFFE0]  }
0x83: {  	s24 =	sadd.s32 $0xF90, s17;
	s23 =	simm.s32 $0x1C0;
	v13 =	vor.u32 s21, v3;
	s21 =	sadd.s32 $0xF80, s17;
	v12 =	vor.u32 s12, v3;
	v11 =	vor.u32 s22, v3  }
0x84: {  	s30 =	sand.u32 $0x60, s26;
	s29 =	sand.u32 $0x3F80, s23;
	s19 =	sadd.s32 $0xF70, s17;
	v16 =	vor.u32 s21, v3;
	v23 =	vsub.s32 v14, v1;
	v20 =	vand.u32 $0x7F, v14  }
0x85: {  	s20 =	simm.s32 $0xA0;
	s21 =	simm.s32 $0x260;
	s1 =	simm.s32 $0x80;
	v14 =	vor.u32 s19, v3;
	v24 =	vand.u32 $0x7F, v15;
	v22 =	vand.u32 $0xFFFFFF80, v23  }
0x86: {  	s10 =	simm.s32 $0x120;
	s2 =	sand.u32 $0x3F80, s1;
	s13 =	sand.u32 $0x60, s4;
	v26 =	vsub.s32 v15, v1;
	v15 =	vor.u32 s24, v3;
	v20 =	vor.u32 v20, v22;
	v22 =	vld [tilespmem:s25+$0xFFFFFFF0]  }
0x87: {  	s31 =	sor.u32 s13, s2;
	s22 =	sand.u32 $0x3F80, s10;
	s2 =	sand.u32 $0x60, s20;
	v25 =	vld [tilespmem:s25+$0x0];
	v29 =	vsub.s32 v21, v1;
	v28 =	vsub.s32 v19, v1;
	vm5 =	vlt.u32 v23, v0  }
0x88: {  	s13 =	sadd.s32 $0xFA0, s17;
	s20 =	sor.u32 s30, s29;
	s17 =	sadd.s32 $0xFB0, s17;
	v27 =	vand.u32 $0xFFFFFF80, v26;
	vm4 =	vlt.u32 v26, v0;
	v23 =	vand.u32 $0x7F, v21  }
0x89: {  	s2 =	sor.u32 s2, s22;
	s24 =	simm.s32 $0x2A10;
	s19 =	simm.s32 $0x2A10;
	v21 =	vld [tilespmem:s25+$0x10];
	vm3 =	vlt.u32 v29, v0;
	v26 =	vand.u32 $0xFFFFFF80, v29;
	vm2 =	vlt.u32 v28, v0  }
.LBB2_7:
0x8a: {  	p0 =	sne.s32 s21, $0xF80  }
0x8b: {  	s24 =	sadd.s32 $0xA0, s24;
	v29 =	vsub.s32 v22, v1;
	v30 =	vld [tilespmem:s25+$0x40];
	v24 =	vor.u32 v24, v27;
	v27 =	vand.u32 $0xFFFFFF80, v28;
	s29 =	smov.u32 s21;
	s21 =	sadd.s32 $0xA0, s21  }
0x8c: {  	v19 =	vand.u32 $0x7F, v19;
	v28 =	vld [tilespmem:s31+$0x2880];
	vm6 =	vlt.u32 v29, v0;
	v31 =	vand.u32 $0x7F, v25;
	s31 =	smov.u32 s2;
	s2 =	smov.u32 s20  }
0x8d: {  	v22 =	vand.u32 $0x7F, v22;
	v25 =	vsub.s32 v25, v1;
	v29 =	vand.u32 $0xFFFFFF80, v29;
	v32 =	vld [tilespmem:s25+$0x20];
	s25 =	smov.u32 s28;
	s28 =	smov.u32 s19;
	s19 =	smov.u32 s24  }
0x8e: {  	[tilespmem:v20+s5+$0x0] =	vst.idx.msk vm5, v17;
	v17 =	vor.u32 v22, v29;
	vm5 =	vlt.u32 v25, v0;
	v20 =	vand.u32 $0xFFFFFF80, v25  }
0x8f: {  	v19 =	vor.u32 v19, v27;
	v22 =	vor.u32 v23, v26;
	v20 =	vor.u32 v31, v20  }
0x90: {  	v23 =	vsub.s32 v21, v1;
	v25 =	vsub.s32 v30, v1;
	[tilespmem:v24+s5+$0x0] =	vst.idx.msk vm4, v18;
	v18 =	vand.u32 $0x7F, v30  }
0x91: {  	v26 =	vand.u32 $0xFFFFFF80, v23;
	v24 =	vsub.s32 v28, v1;
	v27 =	vand.u32 $0x7F, v28  }
0x92: {  	v21 =	vand.u32 $0x7F, v21;
	vm4 =	vlt.u32 v23, v0;
	v28 =	vsub.s32 v32, v1  }
0x93: {  	v21 =	vor.u32 v21, v26;
	vm7 =	vlt.u32 v28, v0;
	v23 =	vand.u32 $0xFFFFFF80, v28  }
0x94: {  	[tilespmem:v22+s5+$0x0] =	vst.idx.msk vm3, v12;
	v12 =	vand.u32 $0x7F, v32;
	vm3 =	vlt.u32 v24, v0;
	v22 =	vand.u32 $0xFFFFFF80, v24  }
0x95: {  	[tilespmem:v19+s5+$0x0] =	vst.idx.msk vm2, v13;
	v12 =	vor.u32 v12, v23;
	v13 =	vor.u32 v27, v22;
	v19 =	vand.u32 $0xFFFFFF80, v25  }
0x96: {  	vm2 =	vlt.u32 v25, v0;
	[tilespmem:v17+s5+$0x0] =	vst.idx.msk vm6, v11;
	v11 =	vor.u32 v18, v19  }
0x97: {  	[tilespmem:v20+s5+$0x0] =	vst.idx.msk vm5, v14  }
0x98: {  	s18 =	sadd.s32 s10, s11;
	s10 =	smov.u32 s23;
	s23 =	smov.u32 s29;
	[tilespmem:v21+s5+$0x0] =	vst.idx.msk vm4, v16  }
0x99: {  	s22 =	sadd.s32 $0xF20, s18;
	s29 =	sadd.s32 $0xF30, s18;
	s26 =	sadd.s32 $0xF40, s18;
	v14 =	vor.u32 s13, v3  }
0x9a: {  	s30 =	sadd.s32 $0xF50, s18;
	s1 =	sadd.s32 $0xF60, s18;
	s4 =	sadd.s32 $0xF70, s18;
	[tilespmem:v12+s5+$0x0] =	vst.idx.msk vm7, v15;
	v12 =	vor.u32 s17, v3  }
0x9b: {  	s12 =	sadd.s32 $0xF80, s18;
	s14 =	sadd.s32 $0xF90, s18;
	s13 =	sadd.s32 $0xFFFFFF80, s23;
	[tilespmem:v13+s5+$0x0] =	vst.idx.msk vm3, v14  }
0x9c: {  	s20 =	sand.u32 $0x60, s13;
	s13 =	sadd.s32 $0xFA0, s18;
	s17 =	sand.u32 $0x3F80, s23;
	[tilespmem:v11+s5+$0x0] =	vst.idx.msk vm2, v12  }
0x9d: {  	v17 =	vor.u32 s22, v3;
	s20 =	sor.u32 s20, s17;
	s17 =	sadd.s32 $0xFB0, s18;
	v14 =	vld [tilespmem:s25+$0xFFFFFFB0]  }
0x9e: {  	v12 =	vor.u32 s26, v3;
	v15 =	vld [tilespmem:s25+$0xFFFFFFC0]  }
0x9f: {  	v21 =	vld [tilespmem:s25+$0xFFFFFFD0]  }
0xa0: {  	v13 =	vor.u32 s30, v3;
	v19 =	vld [tilespmem:s25+$0xFFFFFFE0]  }
0xa1: {  	v18 =	vor.u32 s29, v3;
	v11 =	vor.u32 s1, v3  }
0xa2: {  	v23 =	vsub.s32 v14, v1;
	v20 =	vand.u32 $0x7F, v14;
	v14 =	vor.u32 s4, v3  }
.Ltmp4:
0xa3: {  	v16 =	vor.u32 s12, v3;
	v22 =	vld [tilespmem:s25+$0xFFFFFFF0];
	v26 =	vand.u32 $0xFFFFFF80, v23;
	v24 =	vand.u32 $0x7F, v15;
	(pc) =	sbr.rel @p0 .LBB2_7-.Ltmp4, $4  }
0xa4: {  	v29 =	vsub.s32 v15, v1;
	v15 =	vor.u32 s14, v3;
	v25 =	vld [tilespmem:s25+$0x0];
	v20 =	vor.u32 v20, v26  }
0xa5: {  	vm5 =	vlt.u32 v23, v0;
	v26 =	vsub.s32 v21, v1;
	v27 =	vand.u32 $0xFFFFFF80, v29  }
0xa6: {  	vm4 =	vlt.u32 v29, v0;
	v23 =	vand.u32 $0x7F, v21;
	v28 =	vsub.s32 v19, v1  }
0xa7: {  	vm3 =	vlt.u32 v26, v0;
	v26 =	vand.u32 $0xFFFFFF80, v26;
	vm2 =	vlt.u32 v28, v0;
	v21 =	vld [tilespmem:s25+$0x10]  }
0xa8: {  	v29 =	vsub.s32 v22, v1  }
0xa9: {  	v30 =	vld [tilespmem:s25+$0x40];
	v24 =	vor.u32 v24, v27;
	v41 =	vand.u32 $0xFFFFFF80, v28;
	v19 =	vand.u32 $0x7F, v19  }
0xaa: {  	v42 =	vld [tilespmem:s31+$0x2880];
	v43 =	vand.u32 $0x7F, v22;
	v23 =	vor.u32 v23, v26;
	vm6 =	vlt.u32 v29, v0  }
0xab: {  	v32 =	vld [tilespmem:s25+$0x20];
	v29 =	vand.u32 $0xFFFFFF80, v29;
	v31 =	vand.u32 $0x7F, v25;
	v44 =	vsub.s32 v25, v1  }
0xac: {  	v19 =	vor.u32 v19, v41;
	v22 =	vor.u32 v43, v29;
	v25 =	vand.u32 $0xFFFFFF80, v44  }
0xad: {  	vm7 =	vlt.u32 v44, v0;
	v25 =	vor.u32 v31, v25;
	v45 =	vsub.s32 v21, v1  }
0xae: {  	v51 =	vand.u32 $0x7F, v21;
	v46 =	vsub.s32 v30, v1;
	v47 =	vand.u32 $0x7F, v30  }
0xaf: {  	v48 =	vsub.s32 v42, v1;
	v49 =	vand.u32 $0xFFFFFF80, v45;
	v50 =	vand.u32 $0x7F, v42  }
0xb0: {  	[tilespmem:v20+s5+$0x0] =	vst.idx.msk vm5, v17;
	v52 =	vsub.s32 v32, v1;
	vm8 =	vlt.u32 v45, v0;
	v54 =	vand.u32 $0x7F, v32  }
0xb1: {  	[tilespmem:v24+s5+$0x0] =	vst.idx.msk vm4, v18;
	v17 =	vor.u32 v51, v49;
	vm9 =	vlt.u32 v52, v0;
	v53 =	vand.u32 $0xFFFFFF80, v52  }
0xb2: {  	[tilespmem:v23+s5+$0x0] =	vst.idx.msk vm3, v12;
	vm3 =	vlt.u32 v48, v0;
	v55 =	vand.u32 $0xFFFFFF80, v48;
	v18 =	vor.u32 v54, v53  }
0xb3: {  	v56 =	vand.u32 $0xFFFFFF80, v46;
	[tilespmem:v19+s5+$0x0] =	vst.idx.msk vm2, v13;
	v12 =	vor.u32 v50, v55;
	vm2 =	vlt.u32 v46, v0  }
0xb4: {  	[tilespmem:v22+s5+$0x0] =	vst.idx.msk vm6, v11;
	v11 =	vor.u32 v47, v56  }
0xb5: {  	[tilespmem:v25+s5+$0x0] =	vst.idx.msk vm7, v14  }
0xb6: {  	[tilespmem:v17+s5+$0x0] =	vst.idx.msk vm8, v16  }
0xb7: {  	v57 =	vor.u32 s13, v3;
	[tilespmem:v18+s5+$0x0] =	vst.idx.msk vm9, v15  }
0xb8: {  	v58 =	vor.u32 s17, v3;
	[tilespmem:v12+s5+$0x0] =	vst.idx.msk vm3, v57  }
0xb9: {  	[tilespmem:v11+s5+$0x0] =	vst.idx.msk vm2, v58  }
0xba: {  	v11 =	vld [tilespmem:s28+$0xFFFFFFB0]  }
0xbb: {  	v12 =	vld [tilespmem:s28+$0xFFFFFFC0]  }
0xbc: {  	v13 =	vld [tilespmem:s28+$0xFFFFFFD0]  }
0xbd: {  	v14 =	vld [tilespmem:s28+$0xFFFFFFE0]  }
0xbe: {  	v32 =	vld [tilespmem:s28+$0xFFFFFFF0]  }
0xbf: {  	s10 =	sadd.s32 s10, s11;
	v24 =	vld [tilespmem:s28+$0x0]  }
0xc0: {  	s1 =	sadd.s32 $0xF20, s10;
	s4 =	sadd.s32 $0xF40, s10;
	s12 =	sadd.s32 $0xF50, s10;
	v39 =	vld [tilespmem:s28+$0x10]  }
0xc1: {  	s31 =	sadd.s32 $0xF30, s10;
	s14 =	sadd.s32 $0xF60, s10;
	v59 =	vor.u32 s1, v3;
	v60 =	vor.u32 s4, v3;
	v61 =	vor.u32 s12, v3;
	v41 =	vld [tilespmem:s28+$0x40]  }
0xc2: {  	v62 =	vor.u32 s31, v3;
	v63 =	vor.u32 s14, v3;
	v43 =	vld [tilespmem:s2+$0x2880];
	v31 =	vsub.s32 v11, v1  }
0xc3: {  	v45 =	vld [tilespmem:s28+$0x20];
	v11 =	vand.u32 $0x7F, v11;
	v34 =	vand.u32 $0x7F, v12;
	v12 =	vsub.s32 v12, v1  }
0xc4: {  	v35 =	vsub.s32 v13, v1;
	v37 =	vsub.s32 v14, v1;
	v38 =	vand.u32 $0x7F, v13  }
0xc5: {  	v40 =	vsub.s32 v32, v1;
	v14 =	vand.u32 $0x7F, v14;
	v21 =	vand.u32 $0x7F, v32  }
0xc6: {  	v44 =	vand.u32 $0x7F, v24;
	v24 =	vsub.s32 v24, v1;
	v47 =	vsub.s32 v39, v1  }
0xc7: {  	v48 =	vsub.s32 v41, v1;
	v49 =	vand.u32 $0x7F, v41;
	v50 =	vsub.s32 v43, v1  }
0xc8: {  	v51 =	vand.u32 $0x7F, v43;
	v13 =	vand.u32 $0x7F, v39;
	v52 =	vsub.s32 v45, v1  }
0xc9: {  	v54 =	vand.u32 $0x7F, v45;
	v33 =	vand.u32 $0xFFFFFF80, v31;
	vm10 =	vlt.u32 v31, v0  }
0xca: {  	v36 =	vand.u32 $0xFFFFFF80, v12;
	vm11 =	vlt.u32 v12, v0;
	v11 =	vor.u32 v11, v33  }
0xcb: {  	vm12 =	vlt.u32 v35, v0;
	v22 =	vand.u32 $0xFFFFFF80, v35;
	v20 =	vor.u32 v34, v36  }
0xcc: {  	vm2 =	vlt.u32 v37, v0;
	v42 =	vand.u32 $0xFFFFFF80, v37;
	v12 =	vor.u32 v38, v22  }
0xcd: {  	vm3 =	vlt.u32 v40, v0;
	v26 =	vand.u32 $0xFFFFFF80, v40;
	v14 =	vor.u32 v14, v42  }
0xce: {  	vm13 =	vlt.u32 v24, v0;
	v24 =	vand.u32 $0xFFFFFF80, v24;
	v21 =	vor.u32 v21, v26  }
0xcf: {  	vm14 =	vlt.u32 v47, v0;
	v46 =	vor.u32 v44, v24;
	[tilespmem:v11+s5+$0x0] =	vst.idx.msk vm10, v59;
	v11 =	vand.u32 $0xFFFFFF80, v47  }
0xd0: {  	vm15 =	vlt.u32 v52, v0;
	v53 =	vand.u32 $0xFFFFFF80, v52;
	v11 =	vor.u32 v13, v11;
	[tilespmem:v20+s5+$0x0] =	vst.idx.msk vm11, v62  }
0xd1: {  	vm8 =	vlt.u32 v50, v0;
	v55 =	vand.u32 $0xFFFFFF80, v50;
	v13 =	vor.u32 v54, v53;
	[tilespmem:v12+s5+$0x0] =	vst.idx.msk vm12, v60  }
0xd2: {  	s4 =	sadd.s32 $0xF70, s10;
	v56 =	vand.u32 $0xFFFFFF80, v48;
	v12 =	vor.u32 v51, v55;
	[tilespmem:v14+s5+$0x0] =	vst.idx.msk vm2, v61;
	vm2 =	vlt.u32 v48, v0  }
0xd3: {  	s12 =	sadd.s32 $0xF80, s10;
	v57 =	vor.u32 s4, v3;
	v14 =	vor.u32 v49, v56;
	[tilespmem:v21+s5+$0x0] =	vst.idx.msk vm3, v63  }
0xd4: {  	s13 =	sadd.s32 $0xF90, s10;
	v58 =	vor.u32 s12, v3;
	[tilespmem:v46+s5+$0x0] =	vst.idx.msk vm13, v57  }
0xd5: {  	s14 =	sadd.s32 $0xFA0, s10;
	v59 =	vor.u32 s13, v3;
	[tilespmem:v11+s5+$0x0] =	vst.idx.msk vm14, v58  }
0xd6: {  	s17 =	sadd.s32 $0xFB0, s10;
	v11 =	vor.u32 s14, v3;
	[tilespmem:v13+s5+$0x0] =	vst.idx.msk vm15, v59  }
0xd7: {  	v60 =	vor.u32 s17, v3;
	[tilespmem:v12+s5+$0x0] =	vst.idx.msk vm8, v11  }
0xd8: {  	[tilespmem:v14+s5+$0x0] =	vst.idx.msk vm2, v60  }
0xd9: {  	v11 =	vld [tilespmem:s19+$0xFFFFFFB0]  }
0xda: {  	v12 =	vld [tilespmem:s19+$0xFFFFFFC0]  }
0xdb: {  	v13 =	vld [tilespmem:s19+$0xFFFFFFD0]  }
0xdc: {  	v14 =	vld [tilespmem:s19+$0xFFFFFFE0]  }
0xdd: {  	v21 =	vld [tilespmem:s19+$0xFFFFFFF0]  }
0xde: {  	s18 =	sadd.s32 s23, s11;
	v38 =	vld [tilespmem:s19+$0x0]  }
0xdf: {  	s22 =	sadd.s32 $0xF40, s18;
	s24 =	sadd.s32 $0xF30, s18;
	s25 =	sadd.s32 $0xF60, s18;
	v42 =	vld [tilespmem:s19+$0x10]  }
0xe0: {  	s21 =	sadd.s32 $0xF20, s18;
	s23 =	sadd.s32 $0xF50, s18;
	v32 =	vor.u32 s24, v3;
	v33 =	vor.u32 s25, v3;
	v62 =	vor.u32 s22, v3;
	v44 =	vld [tilespmem:s19+$0x40]  }
0xe1: {  	v61 =	vor.u32 s21, v3;
	v63 =	vor.u32 s23, v3;
	v46 =	vld [tilespmem:s20+$0x2880];
	v34 =	vsub.s32 v11, v1  }
0xe2: {  	v48 =	vld [tilespmem:s19+$0x20];
	v11 =	vand.u32 $0x7F, v11;
	v36 =	vand.u32 $0x7F, v12;
	v12 =	vsub.s32 v12, v1  }
0xe3: {  	v37 =	vsub.s32 v13, v1;
	v40 =	vsub.s32 v14, v1;
	v41 =	vand.u32 $0x7F, v13  }
0xe4: {  	v43 =	vsub.s32 v21, v1;
	v14 =	vand.u32 $0x7F, v14;
	v21 =	vand.u32 $0x7F, v21  }
0xe5: {  	v47 =	vand.u32 $0x7F, v38;
	v24 =	vsub.s32 v38, v1;
	v50 =	vsub.s32 v42, v1  }
0xe6: {  	v51 =	vsub.s32 v44, v1;
	v52 =	vand.u32 $0x7F, v44;
	v53 =	vsub.s32 v46, v1  }
0xe7: {  	v54 =	vand.u32 $0x7F, v46;
	v13 =	vand.u32 $0x7F, v42;
	v55 =	vsub.s32 v48, v1  }
0xe8: {  	v57 =	vand.u32 $0x7F, v48;
	v35 =	vand.u32 $0xFFFFFF80, v34;
	vm9 =	vlt.u32 v34, v0  }
0xe9: {  	v39 =	vand.u32 $0xFFFFFF80, v12;
	vm10 =	vlt.u32 v12, v0;
	v11 =	vor.u32 v11, v35  }
0xea: {  	vm11 =	vlt.u32 v37, v0;
	v22 =	vand.u32 $0xFFFFFF80, v37;
	v20 =	vor.u32 v36, v39  }
0xeb: {  	vm2 =	vlt.u32 v40, v0;
	v45 =	vand.u32 $0xFFFFFF80, v40;
	v12 =	vor.u32 v41, v22  }
0xec: {  	vm3 =	vlt.u32 v43, v0;
	v26 =	vand.u32 $0xFFFFFF80, v43;
	v14 =	vor.u32 v14, v45  }
0xed: {  	vm12 =	vlt.u32 v24, v0;
	v24 =	vand.u32 $0xFFFFFF80, v24;
	v21 =	vor.u32 v21, v26  }
0xee: {  	vm13 =	vlt.u32 v50, v0;
	v49 =	vor.u32 v47, v24;
	[tilespmem:v11+s5+$0x0] =	vst.idx.msk vm9, v61;
	v11 =	vand.u32 $0xFFFFFF80, v50  }
0xef: {  	vm14 =	vlt.u32 v55, v0;
	v56 =	vand.u32 $0xFFFFFF80, v55;
	v11 =	vor.u32 v13, v11;
	[tilespmem:v20+s5+$0x0] =	vst.idx.msk vm10, v32  }
0xf0: {  	vm15 =	vlt.u32 v53, v0;
	v58 =	vand.u32 $0xFFFFFF80, v53;
	v13 =	vor.u32 v57, v56;
	[tilespmem:v12+s5+$0x0] =	vst.idx.msk vm11, v62  }
0xf1: {  	s15 =	sadd.s32 $0x1, s15;
	s26 =	sadd.s32 $0xF70, s18;
	v59 =	vand.u32 $0xFFFFFF80, v51;
	v12 =	vor.u32 v54, v58;
	[tilespmem:v14+s5+$0x0] =	vst.idx.msk vm2, v63;
	vm2 =	vlt.u32 v51, v0  }
0xf2: {  	p0 =	sne.s32 s15, $0x19;
	s28 =	sadd.s32 $0xF80, s18;
	v60 =	vor.u32 s26, v3;
	v14 =	vor.u32 v52, v59;
	[tilespmem:v21+s5+$0x0] =	vst.idx.msk vm3, v33  }
.Ltmp5:
0xf3: {  	s29 =	sadd.s32 $0xF90, s18;
	v61 =	vor.u32 s28, v3;
	[tilespmem:v49+s5+$0x0] =	vst.idx.msk vm12, v60;
	(pc) =	sbr.rel @p0 .LBB2_4-.Ltmp5, $4  }
0xf4: {  	s30 =	sadd.s32 $0xFA0, s18;
	v62 =	vor.u32 s29, v3;
	[tilespmem:v11+s5+$0x0] =	vst.idx.msk vm13, v61  }
0xf5: {  	s31 =	sadd.s32 $0xFB0, s18;
	v11 =	vor.u32 s30, v3;
	[tilespmem:v13+s5+$0x0] =	vst.idx.msk vm14, v62  }
0xf6: {  	v63 =	vor.u32 s31, v3;
	[tilespmem:v12+s5+$0x0] =	vst.idx.msk vm15, v11  }
0xf7: {  	s11 =	sadd.s32 $0x1F40, s11;
	s14 =	smov.u32 s6;
	[tilespmem:v14+s5+$0x0] =	vst.idx.msk vm2, v63  }
0xf8: {  	_ =	strace $0x90000048;
	s2 =	simm.s32 $0x0  }
0xf9: {  	v11 =	vld [tilespmem:s2+$0x20]  }
0xfa: {  	v12 =	vld [tilespmem:s2+$0x30]  }
0xfb: {  	v14 =	vld [tilespmem:s2+$0x0]  }
0xfc: {  	v16 =	vld [tilespmem:s2+$0x10];
	s1 =	rddreg [dreg:$0x6]  }
0xfd: {  	s0 =	sadd.s32 $0x20, s1  }
0xfe: {  	v17 =	vor.u32 s1, v3;
	v13 =	vor.u32 s0, v3;
	vm2 =	vlt.s32 v11, $0x0  }
0xff: {  	v15 =	vor.u32 s0, v4;
	vm3 =	vlt.s32 v12, $0x0;
	v18 =	vsel vm2, v13, v11  }
0x100: {  	v15 =	vsel vm3, v15, v12;
	v13 =	vor.u32 s1, v4;
	vm2 =	vlt.s32 v14, $0x0  }
0x101: {  	vm3 =	vlt.s32 v16, $0x0;
	v19 =	vperm.xlane v18, v7;
	v20 =	vperm.xlane v15, v7  }
0x102: {  	v21 =	vperm.xlane v11, v6;
	v17 =	vsel vm2, v17, v14;
	v22 =	vsel vm3, v13, v16  }
0x103: {  	s11 =	sadd.s32 $0x40, s1;
	v13 =	vsel vm0, v19, v20;
	v19 =	vperm.xlane v17, v6;
	v20 =	vperm.xlane v22, v6  }
0x104: {  	s0 =	simm.s32 $0x40;
	v25 =	vor.u32 s11, v4;
	v17 =	vperm.xlane v17, v7;
	v22 =	vperm.xlane v22, v7;
	[tilespmem:s2+$0x38B0] =	vst v13  }
0x105: {  	v18 =	vperm.xlane v18, v6;
	v24 =	vperm.xlane v15, v6;
	v23 =	vld [tilespmem:s0+$0x20];
	v19 =	vsel vm0, v19, v20  }
0x106: {  	s1 =	sadd.s32 $0x20, s11;
	v13 =	vperm.xlane v11, v7;
	v11 =	vld [tilespmem:s0+$0x30];
	v20 =	vperm.xlane v14, v6;
	v17 =	vsel vm0, v17, v22;
	[tilespmem:s2+$0x3880] =	vst v19  }
0x107: {  	v26 =	vor.u32 s1, v4;
	v14 =	vperm.xlane v14, v7;
	v22 =	vperm.xlane v16, v7;
	v15 =	vld [tilespmem:s0+$0x0];
	[tilespmem:s2+$0x38A0] =	vst v17  }
0x108: {  	v18 =	vsel vm0, v18, v24;
	v24 =	vperm.xlane v12, v6;
	v19 =	vperm.xlane v16, v6;
	v17 =	vld [tilespmem:s0+$0x10]  }
0x109: {  	v16 =	vperm.xlane v12, v7;
	v12 =	vor.u32 s1, v3;
	v22 =	vsel vm0, v14, v22  }
0x10a: {  	v19 =	vsel vm0, v20, v19;
	v20 =	vor.u32 s11, v3;
	vm2 =	vlt.s32 v23, $0x0  }
0x10b: {  	vm3 =	vlt.s32 v11, $0x0;
	v14 =	vperm.xlane v23, v6;
	v27 =	vsel vm2, v12, v23  }
0x10c: {  	[tilespmem:s2+$0x3890] =	vst v18;
	v26 =	vsel vm3, v26, v11;
	vm2 =	vlt.s32 v15, $0x0;
	v18 =	vperm.xlane v27, v7  }
0x10d: {  	v28 =	vperm.xlane v26, v7;
	v20 =	vsel vm2, v20, v15;
	vm2 =	vlt.s32 v17, $0x0  }
0x10e: {  	[tilespmem:s2+$0x5100] =	vst v19;
	v12 =	vperm.xlane v23, v7;
	v19 =	vperm.xlane v27, v6;
	v23 =	vsel vm2, v25, v17  }
0x10f: {  	[tilespmem:s2+$0x5120] =	vst v22;
	v18 =	vsel vm0, v18, v28;
	v25 =	vperm.xlane v20, v6;
	v27 =	vperm.xlane v23, v6  }
0x110: {  	s10 =	simm.s32 $0x80;
	v63 =	vsel vm0, v21, v24;
	v22 =	vperm.xlane v20, v7;
	[tilespmem:s0+$0x38B0] =	vst v18;
	v23 =	vperm.xlane v23, v7  }
0x111: {  	s13 =	simm.s32 $0x300;
	v21 =	vperm.xlane v26, v6;
	v20 =	vperm.xlane v15, v6;
	v18 =	vld [tilespmem:s10+$0x20];
	[tilespmem:s2+$0x5110] =	vst v63;
	v24 =	vsel vm0, v25, v27  }
.LBB2_10:
0x112: {  	p0 =	sne.s32 s13, $0x6100;
	v25 =	vld [tilespmem:s10+$0x30];
	v22 =	vsel vm0, v22, v23;
	[tilespmem:s0+$0x3880] =	vst v24;
	v23 =	vperm.xlane v17, v6;
	v24 =	vperm.xlane v15, v7  }
0x113: {  	v15 =	vld [tilespmem:s10+$0x0];
	[tilespmem:s0+$0x38A0] =	vst v22;
	v22 =	vperm.xlane v17, v7;
	v19 =	vsel vm0, v19, v21;
	v21 =	vperm.xlane v11, v6  }
0x114: {  	s11 =	sadd.s32 $0x40, s11;
	v17 =	vld [tilespmem:s10+$0x10];
	v27 =	vsel vm0, v20, v23;
	[tilespmem:s0+$0x3890] =	vst v19;
	v19 =	vsel vm0, v13, v16;
	v16 =	vperm.xlane v11, v7  }
0x115: {  	v26 =	vor.u32 s11, v4;
	s1 =	sadd.s32 $0x20, s11;
	v23 =	vor.u32 s11, v3;
	v20 =	vmovc v14;
	v13 =	vmovc v12;
	[tilespmem:s0+$0x5100] =	vst v27;
	v27 =	vsel vm0, v24, v22  }
0x116: {  	v22 =	vor.u32 s1, v3;
	v14 =	vperm.xlane v18, v6;
	v12 =	vperm.xlane v18, v7;
	[tilespmem:s0+$0x5120] =	vst v27  }
0x117: {  	v24 =	vor.u32 s1, v4;
	vm2 =	vlt.s32 v18, $0x0;
	vm3 =	vlt.s32 v25, $0x0;
	[tilespmem:s2+$0x5130] =	vst v19;
	v11 =	vmovc v25;
	s2 =	smov.u32 s0;
	s0 =	smov.u32 s10  }
0x118: {  	v18 =	vsel vm2, v22, v18;
	vm4 =	vlt.s32 v15, $0x0;
	v25 =	vsel vm3, v24, v11  }
.Ltmp6:
0x119: {  	v22 =	vperm.xlane v18, v7;
	vm2 =	vlt.s32 v17, $0x0;
	v24 =	vperm.xlane v25, v7;
	(pc) =	sbr.rel @p0 .LBB2_10-.Ltmp6, $4  }
0x11a: {  	v19 =	vperm.xlane v18, v6;
	v23 =	vsel vm4, v23, v15;
	v26 =	vsel vm2, v26, v17  }
0x11b: {  	v27 =	vperm.xlane v23, v6;
	v28 =	vperm.xlane v26, v6;
	v18 =	vsel vm0, v22, v24  }
0x11c: {  	s10 =	sshra.s32 s13, $0x2;
	v22 =	vperm.xlane v23, v7;
	v23 =	vperm.xlane v26, v7;
	v26 =	vsel vm0, v20, v21;
	[tilespmem:s0+$0x38B0] =	vst v18  }
0x11d: {  	s13 =	sadd.s32 $0x100, s13;
	v20 =	vperm.xlane v15, v6;
	v21 =	vperm.xlane v25, v6;
	v18 =	vld [tilespmem:s10+$0x20];
	v24 =	vsel vm0, v27, v28;
	[tilespmem:s2+$0x5110] =	vst v26  }
0x11e: {  	v25 =	vld [tilespmem:s10+$0x30];
	[tilespmem:s0+$0x3880] =	vst v24;
	v22 =	vsel vm0, v22, v23  }
0x11f: {  	v26 =	vperm.xlane v17, v6;
	v58 =	vld [tilespmem:s10+$0x0];
	[tilespmem:s0+$0x38A0] =	vst v22  }
0x120: {  	s1 =	sadd.s32 $0x40, s11;
	v15 =	vperm.xlane v15, v7;
	v61 =	vperm.xlane v17, v7;
	v13 =	vsel vm0, v13, v16;
	v27 =	vld [tilespmem:s10+$0x10]  }
0x121: {  	v59 =	vor.u32 s1, v3;
	s4 =	sadd.s32 $0x20, s1;
	v60 =	vor.u32 s1, v4;
	v19 =	vsel vm0, v19, v21  }
0x122: {  	v28 =	vor.u32 s4, v3;
	v29 =	vor.u32 s4, v4;
	v20 =	vsel vm0, v20, v26  }
0x123: {  	v15 =	vsel vm0, v15, v61;
	vm2 =	vlt.s32 v18, $0x0;
	vm3 =	vlt.s32 v25, $0x0  }
0x124: {  	[tilespmem:s0+$0x3890] =	vst v19;
	v62 =	vsel vm2, v28, v18;
	vm4 =	vlt.s32 v58, $0x0;
	v63 =	vsel vm3, v29, v25  }
0x125: {  	[tilespmem:s0+$0x5100] =	vst v20;
	v28 =	vperm.xlane v62, v7;
	vm2 =	vlt.s32 v27, $0x0;
	v29 =	vperm.xlane v63, v7  }
0x126: {  	v30 =	vperm.xlane v11, v6;
	[tilespmem:s0+$0x5120] =	vst v15;
	v31 =	vsel vm4, v59, v58;
	v32 =	vsel vm2, v60, v27  }
0x127: {  	[tilespmem:s2+$0x5130] =	vst v13;
	v33 =	vperm.xlane v31, v6;
	v24 =	vperm.xlane v32, v6;
	v19 =	vsel vm0, v28, v29  }
0x128: {  	v14 =	vsel vm0, v14, v30;
	v34 =	vperm.xlane v31, v7;
	v35 =	vperm.xlane v32, v7;
	[tilespmem:s10+$0x38B0] =	vst v19  }
0x129: {  	v36 =	vperm.xlane v62, v6;
	v37 =	vperm.xlane v63, v6;
	v13 =	vsel vm0, v33, v24;
	[tilespmem:s0+$0x5110] =	vst v14  }
0x12a: {  	v41 =	vperm.xlane v58, v7;
	v42 =	vperm.xlane v27, v7;
	v39 =	vsel vm0, v34, v35;
	[tilespmem:s10+$0x3880] =	vst v13  }
0x12b: {  	v38 =	vperm.xlane v58, v6;
	v40 =	vperm.xlane v27, v6;
	v15 =	vsel vm0, v36, v37;
	[tilespmem:s10+$0x38A0] =	vst v39  }
0x12c: {  	v11 =	vperm.xlane v11, v7;
	v45 =	vsel vm0, v41, v42;
	[tilespmem:s10+$0x3890] =	vst v15  }
0x12d: {  	v43 =	vperm.xlane v18, v6;
	v44 =	vperm.xlane v25, v6;
	v13 =	vsel vm0, v38, v40;
	[tilespmem:s10+$0x5120] =	vst v45  }
0x12e: {  	v11 =	vsel vm0, v12, v11;
	v46 =	vperm.xlane v18, v7;
	v47 =	vperm.xlane v25, v7;
	[tilespmem:s10+$0x5100] =	vst v13  }
0x12f: {  	[tilespmem:s0+$0x5130] =	vst v11;
	v11 =	vsel vm0, v43, v44  }
0x130: {  	[tilespmem:s10+$0x5110] =	vst v11;
	v11 =	vsel vm0, v46, v47  }
0x131: {  	[tilespmem:s10+$0x5130] =	vst v11  }
0x132: {  	_ =	strace $0x80000049  }
0x133: {  	v11 =	vld [tilespmem:$0x3880];
	_ =	sdelay $0x4  }
0x134: {  	v48 =	vshll.u32 v11, $0x1  }
0x135: {  	v11 =	vand.u32 $0x7, v11;
	v12 =	vand.u32 $0xFFFFFFF0, v48  }
0x136: {  	v11 =	vor.u32 v11, v12  }
0x137: {  	v12 =	vperm.xlane v11, v5;
	_ =	sdelay $0x1  }
0x138: {  	v11 =	vperm.xlane v11, v9;
	v12 =	vadd.s32 v8, v12;
	_ =	sdelay $0x1  }
0x139: {  	v11 =	vadd.s32 v8, v11;
	_ =	sdelay $0x1  }
0x13a: {  	s21 =	simm.s32 $0x6980;
	s0 =	simm.s32 $0x0  }
0x13b: {  	[tilespmem:s21], [sflag:$0x3] =	stream.indirect_vreg.gather [hbm4b:s3+s0], $0x80, v12, vm1, $0x2000b8;
	[tilespmem:$0x1A980] =	vst v63  }
0x13c: {  	s22 =	simm.s32 $0x7180  }
0x13d: {  	[tilespmem:s22], [sflag:$0x3] =	stream.indirect_vreg.gather [hbm4b:s3+s0], $0x80, v11, vm1, $0x2000b8;
	[tilespmem:$0x1A980] =	vst v63  }
0x13e: {  	v11 =	vld [tilespmem:$0x3890];
	_ =	sdelay $0x4  }
0x13f: {  	v49 =	vshll.u32 v11, $0x1  }
0x140: {  	v11 =	vand.u32 $0x7, v11;
	v12 =	vand.u32 $0xFFFFFFF0, v49  }
0x141: {  	v11 =	vor.u32 v11, v12  }
0x142: {  	v12 =	vperm.xlane v11, v5;
	_ =	sdelay $0x1  }
0x143: {  	v11 =	vperm.xlane v11, v9;
	v12 =	vadd.s32 v8, v12;
	_ =	sdelay $0x1  }
0x144: {  	v11 =	vadd.s32 v8, v11;
	_ =	sdelay $0x1  }
0x145: {  	s23 =	simm.s32 $0x7980  }
0x146: {  	[tilespmem:s23], [sflag:$0x3] =	stream.indirect_vreg.gather [hbm4b:s3+s0], $0x80, v12, vm1, $0x2000b8;
	[tilespmem:$0x1A980] =	vst v63  }
0x147: {  	s24 =	simm.s32 $0x8180  }
0x148: {  	[tilespmem:s24], [sflag:$0x3] =	stream.indirect_vreg.gather [hbm4b:s3+s0], $0x80, v11, vm1, $0x2000b8;
	[tilespmem:$0x1A980] =	vst v63  }
0x149: {  	v11 =	vld [tilespmem:$0x38A0];
	_ =	sdelay $0x4  }
0x14a: {  	v50 =	vshll.u32 v11, $0x1  }
0x14b: {  	v11 =	vand.u32 $0x7, v11;
	v12 =	vand.u32 $0xFFFFFFF0, v50  }
0x14c: {  	v11 =	vor.u32 v11, v12  }
0x14d: {  	v12 =	vperm.xlane v11, v5;
	_ =	sdelay $0x1  }
0x14e: {  	v11 =	vperm.xlane v11, v9;
	v12 =	vadd.s32 v8, v12;
	_ =	sdelay $0x1  }
0x14f: {  	v11 =	vadd.s32 v8, v11;
	_ =	sdelay $0x1  }
0x150: {  	s25 =	simm.s32 $0x8980  }
0x151: {  	[tilespmem:s25], [sflag:$0x3] =	stream.indirect_vreg.gather [hbm4b:s3+s0], $0x80, v12, vm1, $0x2000b8;
	[tilespmem:$0x1A980] =	vst v63  }
0x152: {  	s26 =	simm.s32 $0x9180  }
0x153: {  	[tilespmem:s26], [sflag:$0x3] =	stream.indirect_vreg.gather [hbm4b:s3+s0], $0x80, v11, vm1, $0x2000b8;
	[tilespmem:$0x1A980] =	vst v63  }
0x154: {  	v11 =	vld [tilespmem:$0x38B0];
	_ =	sdelay $0x4  }
0x155: {  	v51 =	vshll.u32 v11, $0x1  }
0x156: {  	v11 =	vand.u32 $0x7, v11;
	v12 =	vand.u32 $0xFFFFFFF0, v51  }
0x157: {  	v11 =	vor.u32 v11, v12  }
0x158: {  	v12 =	vperm.xlane v11, v5;
	_ =	sdelay $0x1  }
0x159: {  	v11 =	vperm.xlane v11, v9;
	v12 =	vadd.s32 v8, v12;
	_ =	sdelay $0x1  }
0x15a: {  	v11 =	vadd.s32 v8, v11;
	_ =	sdelay $0x1  }
0x15b: {  	s28 =	simm.s32 $0x9980  }
0x15c: {  	[tilespmem:s28], [sflag:$0x3] =	stream.indirect_vreg.gather [hbm4b:s3+s0], $0x80, v12, vm1, $0x2000b8;
	[tilespmem:$0x1A980] =	vst v63  }
0x15d: {  	s29 =	simm.s32 $0xA180  }
0x15e: {  	[tilespmem:s29], [sflag:$0x3] =	stream.indirect_vreg.gather [hbm4b:s3+s0], $0x80, v11, vm1, $0x2000b8;
	[tilespmem:$0x1A980] =	vst v63  }
0x15f: {  	v11 =	vld [tilespmem:$0x38C0];
	_ =	sdelay $0x4  }
0x160: {  	v52 =	vshll.u32 v11, $0x1  }
0x161: {  	v11 =	vand.u32 $0x7, v11;
	v12 =	vand.u32 $0xFFFFFFF0, v52  }
0x162: {  	v11 =	vor.u32 v11, v12  }
0x163: {  	v12 =	vperm.xlane v11, v5;
	_ =	sdelay $0x1  }
0x164: {  	v11 =	vperm.xlane v11, v9;
	v12 =	vadd.s32 v8, v12;
	_ =	sdelay $0x1  }
0x165: {  	v11 =	vadd.s32 v8, v11;
	_ =	sdelay $0x1  }
0x166: {  	s30 =	simm.s32 $0xA980  }
0x167: {  	[tilespmem:s30], [sflag:$0x4] =	stream.indirect_vreg.gather [hbm4b:s3+s0], $0x80, v12, vm1, $0x2000b8;
	[tilespmem:$0x1A980] =	vst v63  }
0x168: {  	s31 =	simm.s32 $0xB180  }
0x169: {  	[tilespmem:s31], [sflag:$0x4] =	stream.indirect_vreg.gather [hbm4b:s3+s0], $0x80, v11, vm1, $0x2000b8;
	[tilespmem:$0x1A980] =	vst v63  }
0x16a: {  	v11 =	vld [tilespmem:$0x38D0];
	_ =	sdelay $0x4  }
0x16b: {  	v53 =	vshll.u32 v11, $0x1  }
0x16c: {  	v11 =	vand.u32 $0x7, v11;
	v12 =	vand.u32 $0xFFFFFFF0, v53  }
0x16d: {  	v11 =	vor.u32 v11, v12  }
0x16e: {  	v12 =	vperm.xlane v11, v5;
	_ =	sdelay $0x1  }
0x16f: {  	v11 =	vperm.xlane v11, v9;
	v12 =	vadd.s32 v8, v12;
	_ =	sdelay $0x1  }
0x170: {  	v11 =	vadd.s32 v8, v11;
	_ =	sdelay $0x1  }
0x171: {  	s6 =	simm.s32 $0xB980  }
0x172: {  	[tilespmem:s6], [sflag:$0x4] =	stream.indirect_vreg.gather [hbm4b:s3+s0], $0x80, v12, vm1, $0x2000b8;
	[tilespmem:$0x1A980] =	vst v63  }
0x173: {  	s10 =	simm.s32 $0xC180  }
0x174: {  	[tilespmem:s10], [sflag:$0x4] =	stream.indirect_vreg.gather [hbm4b:s3+s0], $0x80, v11, vm1, $0x2000b8;
	[tilespmem:$0x1A980] =	vst v63  }
0x175: {  	v11 =	vld [tilespmem:$0x38E0];
	_ =	sdelay $0x4  }
0x176: {  	v54 =	vshll.u32 v11, $0x1  }
0x177: {  	v11 =	vand.u32 $0x7, v11;
	v12 =	vand.u32 $0xFFFFFFF0, v54  }
0x178: {  	v11 =	vor.u32 v11, v12  }
0x179: {  	v12 =	vperm.xlane v11, v5;
	_ =	sdelay $0x1  }
0x17a: {  	v11 =	vperm.xlane v11, v9;
	v12 =	vadd.s32 v8, v12;
	_ =	sdelay $0x1  }
0x17b: {  	v11 =	vadd.s32 v8, v11;
	_ =	sdelay $0x1  }
0x17c: {  	s11 =	simm.s32 $0xC980  }
0x17d: {  	[tilespmem:s11], [sflag:$0x4] =	stream.indirect_vreg.gather [hbm4b:s3+s0], $0x80, v12, vm1, $0x2000b8;
	[tilespmem:$0x1A980] =	vst v63  }
0x17e: {  	s12 =	simm.s32 $0xD180  }
0x17f: {  	[tilespmem:s12], [sflag:$0x4] =	stream.indirect_vreg.gather [hbm4b:s3+s0], $0x80, v11, vm1, $0x2000b8;
	[tilespmem:$0x1A980] =	vst v63  }
0x180: {  	v11 =	vld [tilespmem:$0x38F0];
	_ =	sdelay $0x4  }
0x181: {  	v55 =	vshll.u32 v11, $0x1  }
0x182: {  	v11 =	vand.u32 $0x7, v11;
	v12 =	vand.u32 $0xFFFFFFF0, v55  }
0x183: {  	v11 =	vor.u32 v11, v12  }
0x184: {  	v12 =	vperm.xlane v11, v5;
	_ =	sdelay $0x1  }
0x185: {  	v11 =	vperm.xlane v11, v9;
	v12 =	vadd.s32 v8, v12;
	_ =	sdelay $0x1  }
0x186: {  	v11 =	vadd.s32 v8, v11;
	_ =	sdelay $0x1  }
0x187: {  	s13 =	simm.s32 $0xD980  }
0x188: {  	[tilespmem:s13], [sflag:$0x4] =	stream.indirect_vreg.gather [hbm4b:s3+s0], $0x80, v12, vm1, $0x2000b8;
	[tilespmem:$0x1A980] =	vst v63  }
0x189: {  	s15 =	simm.s32 $0xE180  }
0x18a: {  	[tilespmem:s15], [sflag:$0x4] =	stream.indirect_vreg.gather [hbm4b:s3+s0], $0x80, v11, vm1, $0x2000b8;
	[tilespmem:$0x1A980] =	vst v63  }
0x18b: {  	v11 =	vld [tilespmem:$0x3900];
	_ =	sdelay $0x4  }
0x18c: {  	v56 =	vshll.u32 v11, $0x1  }
0x18d: {  	v11 =	vand.u32 $0x7, v11;
	v12 =	vand.u32 $0xFFFFFFF0, v56  }
0x18e: {  	v11 =	vor.u32 v11, v12  }
0x18f: {  	v12 =	vperm.xlane v11, v5;
	_ =	sdelay $0x1  }
0x190: {  	v11 =	vperm.xlane v11, v9;
	v12 =	vadd.s32 v8, v12;
	_ =	sdelay $0x1  }
0x191: {  	v11 =	vadd.s32 v8, v11;
	_ =	sdelay $0x1  }
0x192: {  	s17 =	simm.s32 $0xE980  }
0x193: {  	[tilespmem:s17], [sflag:$0x5] =	stream.indirect_vreg.gather [hbm4b:s3+s0], $0x80, v12, vm1, $0x2000b8;
	[tilespmem:$0x1A980] =	vst v63  }
0x194: {  	s18 =	simm.s32 $0xF180  }
0x195: {  	[tilespmem:s18], [sflag:$0x5] =	stream.indirect_vreg.gather [hbm4b:s3+s0], $0x80, v11, vm1, $0x2000b8;
	[tilespmem:$0x1A980] =	vst v63  }
0x196: {  	v11 =	vld [tilespmem:$0x3910];
	_ =	sdelay $0x4  }
0x197: {  	v57 =	vshll.u32 v11, $0x1  }
0x198: {  	v11 =	vand.u32 $0x7, v11;
	v12 =	vand.u32 $0xFFFFFFF0, v57  }
0x199: {  	v11 =	vor.u32 v11, v12  }
0x19a: {  	v12 =	vperm.xlane v11, v5;
	_ =	sdelay $0x1  }
0x19b: {  	v11 =	vperm.xlane v11, v9;
	v12 =	vadd.s32 v8, v12;
	_ =	sdelay $0x1  }
0x19c: {  	v11 =	vadd.s32 v8, v11;
	_ =	sdelay $0x1  }
0x19d: {  	s19 =	simm.s32 $0xF980  }
0x19e: {  	[tilespmem:s19], [sflag:$0x5] =	stream.indirect_vreg.gather [hbm4b:s3+s0], $0x80, v12, vm1, $0x2000b8;
	[tilespmem:$0x1A980] =	vst v63  }
0x19f: {  	s20 =	simm.s32 $0x10180  }
0x1a0: {  	[tilespmem:s20], [sflag:$0x5] =	stream.indirect_vreg.gather [hbm4b:s3+s0], $0x80, v11, vm1, $0x2000b8;
	[tilespmem:$0x1A980] =	vst v63  }
0x1a1: {  	v11 =	vld [tilespmem:$0x3920];
	_ =	sdelay $0x4  }
0x1a2: {  	v58 =	vshll.u32 v11, $0x1  }
0x1a3: {  	v11 =	vand.u32 $0x7, v11;
	v12 =	vand.u32 $0xFFFFFFF0, v58  }
0x1a4: {  	v11 =	vor.u32 v11, v12  }
0x1a5: {  	v12 =	vperm.xlane v11, v5;
	_ =	sdelay $0x1  }
0x1a6: {  	v11 =	vperm.xlane v11, v9;
	v12 =	vadd.s32 v8, v12;
	_ =	sdelay $0x1  }
0x1a7: {  	v11 =	vadd.s32 v8, v11;
	_ =	sdelay $0x1  }
0x1a8: {  	s2 =	simm.s32 $0x10980  }
0x1a9: {  	[tilespmem:s2], [sflag:$0x5] =	stream.indirect_vreg.gather [hbm4b:s3+s0], $0x80, v12, vm1, $0x2000b8;
	[tilespmem:$0x1A980] =	vst v63  }
0x1aa: {  	s4 =	simm.s32 $0x11180  }
0x1ab: {  	[tilespmem:s4], [sflag:$0x5] =	stream.indirect_vreg.gather [hbm4b:s3+s0], $0x80, v11, vm1, $0x2000b8;
	[tilespmem:$0x1A980] =	vst v63  }
0x1ac: {  	v11 =	vld [tilespmem:$0x3930];
	_ =	sdelay $0x4  }
0x1ad: {  	v59 =	vshll.u32 v11, $0x1  }
0x1ae: {  	v11 =	vand.u32 $0x7, v11;
	v12 =	vand.u32 $0xFFFFFFF0, v59  }
0x1af: {  	v11 =	vor.u32 v11, v12  }
0x1b0: {  	v12 =	vperm.xlane v11, v5;
	_ =	sdelay $0x1  }
0x1b1: {  	v11 =	vperm.xlane v11, v9;
	v12 =	vadd.s32 v8, v12;
	_ =	sdelay $0x1  }
0x1b2: {  	v11 =	vadd.s32 v8, v11;
	_ =	sdelay $0x1  }
0x1b3: {  	s6 =	simm.s32 $0x11980  }
0x1b4: {  	[tilespmem:s6], [sflag:$0x5] =	stream.indirect_vreg.gather [hbm4b:s3+s0], $0x80, v12, vm1, $0x2000b8;
	[tilespmem:$0x1A980] =	vst v63  }
0x1b5: {  	s10 =	simm.s32 $0x12180  }
0x1b6: {  	[tilespmem:s10], [sflag:$0x5] =	stream.indirect_vreg.gather [hbm4b:s3+s0], $0x80, v11, vm1, $0x2000b8;
	[tilespmem:$0x1A980] =	vst v63  }
0x1b7: {  	v11 =	vld [tilespmem:$0x3940];
	_ =	sdelay $0x4  }
0x1b8: {  	v60 =	vshll.u32 v11, $0x1  }
0x1b9: {  	v11 =	vand.u32 $0x7, v11;
	v12 =	vand.u32 $0xFFFFFFF0, v60  }
0x1ba: {  	v11 =	vor.u32 v11, v12  }
0x1bb: {  	v12 =	vperm.xlane v11, v5;
	_ =	sdelay $0x1  }
0x1bc: {  	v11 =	vperm.xlane v11, v9;
	v12 =	vadd.s32 v8, v12;
	_ =	sdelay $0x1  }
0x1bd: {  	v11 =	vadd.s32 v8, v11;
	_ =	sdelay $0x1  }
0x1be: {  	s11 =	simm.s32 $0x12980  }
0x1bf: {  	[tilespmem:s11], [sflag:$0x6] =	stream.indirect_vreg.gather [hbm4b:s3+s0], $0x80, v12, vm1, $0x2000b8;
	[tilespmem:$0x1A980] =	vst v63  }
0x1c0: {  	s12 =	simm.s32 $0x13180  }
0x1c1: {  	[tilespmem:s12], [sflag:$0x6] =	stream.indirect_vreg.gather [hbm4b:s3+s0], $0x80, v11, vm1, $0x2000b8;
	[tilespmem:$0x1A980] =	vst v63  }
0x1c2: {  	v11 =	vld [tilespmem:$0x3950];
	_ =	sdelay $0x4  }
0x1c3: {  	v61 =	vshll.u32 v11, $0x1  }
0x1c4: {  	v11 =	vand.u32 $0x7, v11;
	v12 =	vand.u32 $0xFFFFFFF0, v61  }
0x1c5: {  	v11 =	vor.u32 v11, v12  }
0x1c6: {  	v12 =	vperm.xlane v11, v5;
	_ =	sdelay $0x1  }
0x1c7: {  	v11 =	vperm.xlane v11, v9;
	v12 =	vadd.s32 v8, v12;
	_ =	sdelay $0x1  }
0x1c8: {  	v11 =	vadd.s32 v8, v11;
	_ =	sdelay $0x1  }
0x1c9: {  	s13 =	simm.s32 $0x13980  }
0x1ca: {  	[tilespmem:s13], [sflag:$0x6] =	stream.indirect_vreg.gather [hbm4b:s3+s0], $0x80, v12, vm1, $0x2000b8;
	[tilespmem:$0x1A980] =	vst v63  }
0x1cb: {  	s15 =	simm.s32 $0x14180  }
0x1cc: {  	[tilespmem:s15], [sflag:$0x6] =	stream.indirect_vreg.gather [hbm4b:s3+s0], $0x80, v11, vm1, $0x2000b8;
	[tilespmem:$0x1A980] =	vst v63  }
0x1cd: {  	v11 =	vld [tilespmem:$0x3960];
	_ =	sdelay $0x4  }
0x1ce: {  	v62 =	vshll.u32 v11, $0x1  }
0x1cf: {  	v11 =	vand.u32 $0x7, v11;
	v12 =	vand.u32 $0xFFFFFFF0, v62  }
0x1d0: {  	v11 =	vor.u32 v11, v12  }
0x1d1: {  	v12 =	vperm.xlane v11, v5;
	_ =	sdelay $0x1  }
0x1d2: {  	v11 =	vperm.xlane v11, v9;
	v12 =	vadd.s32 v8, v12;
	_ =	sdelay $0x1  }
0x1d3: {  	v11 =	vadd.s32 v8, v11;
	_ =	sdelay $0x1  }
0x1d4: {  	s17 =	simm.s32 $0x14980  }
0x1d5: {  	[tilespmem:s17], [sflag:$0x6] =	stream.indirect_vreg.gather [hbm4b:s3+s0], $0x80, v12, vm1, $0x2000b8;
	[tilespmem:$0x1A980] =	vst v63  }
0x1d6: {  	s18 =	simm.s32 $0x15180  }
0x1d7: {  	[tilespmem:s18], [sflag:$0x6] =	stream.indirect_vreg.gather [hbm4b:s3+s0], $0x80, v11, vm1, $0x2000b8;
	[tilespmem:$0x1A980] =	vst v63  }
0x1d8: {  	v11 =	vld [tilespmem:$0x3970];
	_ =	sdelay $0x4  }
0x1d9: {  	v63 =	vshll.u32 v11, $0x1  }
0x1da: {  	v11 =	vand.u32 $0x7, v11;
	v12 =	vand.u32 $0xFFFFFFF0, v63  }
0x1db: {  	v11 =	vor.u32 v11, v12  }
0x1dc: {  	v12 =	vperm.xlane v11, v5;
	_ =	sdelay $0x1  }
0x1dd: {  	v11 =	vperm.xlane v11, v9;
	v12 =	vadd.s32 v8, v12;
	_ =	sdelay $0x1  }
0x1de: {  	v11 =	vadd.s32 v8, v11  }
.Ltmp7:
0x1df: {  	_ = 	snop;
	(pc) =	sbr.rel .LBB2_12-.Ltmp7, $4  }
0x1e0: {  	s19 =	simm.s32 $0x15980;
	s6 =	rddreg [dreg:$0x2]  }
0x1e1: {  	[tilespmem:s19], [sflag:$0x6] =	stream.indirect_vreg.gather [hbm4b:s3+s0], $0x80, v12, vm1, $0x2000b8;
	[tilespmem:$0x1A980] =	vst v63  }
0x1e2: {  	s20 =	simm.s32 $0x16180;
	s18 =	rddreg [dreg:$0x4]  }
0x1e3: {  	[tilespmem:s20], [sflag:$0x6] =	stream.indirect_vreg.gather [hbm4b:s3+s0], $0x80, v11, vm1, $0x2000b8;
	[tilespmem:$0x1A980] =	vst v63  }
.LBB2_111:
0x1e4: {  	s1 =	sadd.s32 s18, s11  }
0x1e5: {  	s1 =	sshll.u32 s1, $0x5  }
0x1e6: {  	s4 =	simm.s32 $0x16980;
	s2 =	sadd.s32 s6, s1  }
0x1e7: {  	[hbm4b:s2+s9] =	stream.strided.scatter [tilespmem:s4], [sflag:$0xC], $0x2000, s16, s9, $0x200038;
	[tilespmem:$0x1A980] =	vst v63  }
0x1e8: {  	s20 =	simm.s32 $0x18980;
	s1 =	sadd.s32 s1, s8  }
0x1e9: {  	[hbm4b:s1+s9] =	stream.strided.scatter [tilespmem:s20], [sflag:$0xC], $0x2000, s16, s9, $0x200038;
	[tilespmem:$0x1A980] =	vst v63  }
.LBB2_112:
0x1ea: {  	s0 =	sadd.s32 $0x1, s0  }
0x1eb: {  	p0 =	sne.s32 s0, $0x14  }
.Ltmp8:
0x1ec: {  	_ = 	snop;
	(pc) =	sbr.rel @!p0 .LBB2_113-.Ltmp8, $1  }
0x1ed: {  	_ =	sdelay $0x3  }
.LBB2_12:
0x1ee: {  	s15 =	smul.u32 $0x5, s0;
	_ =	sdelay $0x1  }
0x1ef: {  	p1 =	sge.u32 s15, s7  }
.Ltmp9:
0x1f0: {  	_ = 	snop;
	(pc) =	sbr.rel @p1 .LBB2_32-.Ltmp9, $3  }
0x1f1: {  	_ =	sdelay $0x1  }
0x1f2: {  	s11 =	sadd.s32 $0x4, s15  }
0x1f3: {  	p0 =	sge.u32 s11, s7  }
.Ltmp10:
0x1f4: {  	(pc) =	sbr.rel @p0 .LBB2_15-.Ltmp10, $4  }
0x1f5: {  	s1 =	simm.s32 $0x3  }
0x1f6: {  	_ =	swait.ge [sflag:s1], $0x4000  }
0x1f7: {  	[sflag:s1] =	ssyncset.done $0x0  }
0x1f8: {  	[sflag:s1] =	ssyncadd.s32 $0xFFFFC000  }
0x1f9: {  	p1 =	seq.s32 s0, $0x0  }
0x1fa: {  	s1 =	simm.s32 @!p1 $0xC  }
0x1fb: {  	_ =	swait.ge @!p1 [sflag:s1], $0x2000  }
0x1fc: {  	[sflag:s1] =	ssyncset.done @!p1 $0x0  }
0x1fd: {  	[sflag:s1] =	ssyncadd.s32 @!p1 $0xFFFFE000  }
0x1fe: {  	_ =	swait.ge @!p1 [sflag:s1], $0x2000  }
0x1ff: {  	s2 =	sshll.u32 s11, $0x6;
	[sflag:s1] =	ssyncset.done @!p1 $0x0  }
0x200: {  	s19 =	sand.u32 $0x3FFFFFC0, s2;
	[sflag:s1] =	ssyncadd.s32 @!p1 $0xFFFFE000  }
0x201: {  	v11 =	vld [tilespmem:s19+$0x3880];
	_ =	sdelay $0x4  }
0x202: {  	v12 =	vshll.u32 v11, $0x1  }
0x203: {  	v11 =	vand.u32 $0x7, v11;
	v12 =	vand.u32 $0xFFFFFFF0, v12  }
0x204: {  	v11 =	vor.u32 v11, v12  }
0x205: {  	v12 =	vperm.xlane v11, v5;
	_ =	sdelay $0x1  }
0x206: {  	v11 =	vperm.xlane v11, v9;
	v12 =	vadd.s32 v8, v12;
	_ =	sdelay $0x1  }
0x207: {  	v11 =	vadd.s32 v8, v11;
	_ =	sdelay $0x1  }
0x208: {  	s20 =	simm.s32 $0x16980  }
0x209: {  	[tilespmem:s20], [sflag:$0x7] =	stream.indirect_vreg.gather [hbm4b:s3+s5], $0x80, v12, vm1, $0x2000b8;
	[tilespmem:$0x1A980] =	vst v63  }
0x20a: {  	s4 =	simm.s32 $0x17180  }
0x20b: {  	[tilespmem:s4], [sflag:$0x7] =	stream.indirect_vreg.gather [hbm4b:s3+s5], $0x80, v11, vm1, $0x2000b8;
	[tilespmem:$0x1A980] =	vst v63  }
0x20c: {  	v11 =	vld [tilespmem:s19+$0x3890];
	_ =	sdelay $0x4  }
0x20d: {  	v61 =	vshll.u32 v11, $0x1  }
0x20e: {  	v11 =	vand.u32 $0x7, v11;
	v12 =	vand.u32 $0xFFFFFFF0, v61  }
0x20f: {  	v11 =	vor.u32 v11, v12  }
0x210: {  	v12 =	vperm.xlane v11, v5;
	_ =	sdelay $0x1  }
0x211: {  	v11 =	vperm.xlane v11, v9;
	v12 =	vadd.s32 v8, v12;
	_ =	sdelay $0x1  }
0x212: {  	v11 =	vadd.s32 v8, v11;
	_ =	sdelay $0x1  }
0x213: {  	s10 =	simm.s32 $0x17980  }
0x214: {  	[tilespmem:s10], [sflag:$0x7] =	stream.indirect_vreg.gather [hbm4b:s3+s5], $0x80, v12, vm1, $0x2000b8;
	[tilespmem:$0x1A980] =	vst v63  }
0x215: {  	s12 =	simm.s32 $0x18180  }
0x216: {  	[tilespmem:s12], [sflag:$0x7] =	stream.indirect_vreg.gather [hbm4b:s3+s5], $0x80, v11, vm1, $0x2000b8;
	[tilespmem:$0x1A980] =	vst v63  }
0x217: {  	v11 =	vld [tilespmem:s19+$0x38A0];
	_ =	sdelay $0x4  }
0x218: {  	v62 =	vshll.u32 v11, $0x1  }
0x219: {  	v11 =	vand.u32 $0x7, v11;
	v12 =	vand.u32 $0xFFFFFFF0, v62  }
0x21a: {  	v11 =	vor.u32 v11, v12  }
0x21b: {  	v12 =	vperm.xlane v11, v5;
	_ =	sdelay $0x1  }
0x21c: {  	v11 =	vperm.xlane v11, v9;
	v12 =	vadd.s32 v8, v12;
	_ =	sdelay $0x1  }
0x21d: {  	v11 =	vadd.s32 v8, v11;
	_ =	sdelay $0x1  }
0x21e: {  	s13 =	simm.s32 $0x18980  }
0x21f: {  	[tilespmem:s13], [sflag:$0x7] =	stream.indirect_vreg.gather [hbm4b:s3+s5], $0x80, v12, vm1, $0x2000b8;
	[tilespmem:$0x1A980] =	vst v63  }
0x220: {  	s17 =	simm.s32 $0x19180  }
0x221: {  	[tilespmem:s17], [sflag:$0x7] =	stream.indirect_vreg.gather [hbm4b:s3+s5], $0x80, v11, vm1, $0x2000b8;
	[tilespmem:$0x1A980] =	vst v63  }
0x222: {  	v11 =	vld [tilespmem:s19+$0x38B0];
	_ =	sdelay $0x4  }
0x223: {  	v63 =	vshll.u32 v11, $0x1  }
0x224: {  	v11 =	vand.u32 $0x7, v11;
	v12 =	vand.u32 $0xFFFFFFF0, v63  }
0x225: {  	v11 =	vor.u32 v11, v12  }
0x226: {  	v12 =	vperm.xlane v11, v5;
	_ =	sdelay $0x1  }
0x227: {  	v11 =	vperm.xlane v11, v9;
	v12 =	vadd.s32 v8, v12;
	_ =	sdelay $0x1  }
0x228: {  	v11 =	vadd.s32 v8, v11;
	_ =	sdelay $0x1  }
0x229: {  	s19 =	simm.s32 $0x19980  }
0x22a: {  	[tilespmem:s19], [sflag:$0x7] =	stream.indirect_vreg.gather [hbm4b:s3+s5], $0x80, v12, vm1, $0x2000b8;
	[tilespmem:$0x1A980] =	vst v63  }
0x22b: {  	s20 =	simm.s32 $0x1A180  }
0x22c: {  	[tilespmem:s20], [sflag:$0x7] =	stream.indirect_vreg.gather [hbm4b:s3+s5], $0x80, v11, vm1, $0x2000b8;
	[tilespmem:$0x1A980] =	vst v63  }
.LBB2_15:
0x22d: {  	s19 =	smul.u32 $0x140, s0;
	_ =	sdelay $0x1  }
0x22e: {  	v12 =	vld [tilespmem:s19+$0x5100];
	_ =	sdelay $0x1  }
0x22f: {  	v11 =	vmul.u32 $0xFFFFFFFF, v3;
	_ =	sdelay $0x1  }
0x230: {  	v11 =	vadd.s32 $0x1F, v11  }
0x231: {  	v12 =	vshrl.u32 v12, v11  }
0x232: {  	v12 =	vand.u32 v10, v12  }
0x233: {  	(xrf0) =	vadd.scan.msk.s32 $0xffff, v12;
	_ =	sdelay $0x5  }
0x234: {  	v12, _, _ =	vpop (xrf0)  }
0x235: {  	(v2sf) =	vpush v12, $0xF;
	_ =	sdelay $0xe  }
0x236: {  	s2 =	spop (v2sf)  }
0x237: {  	p1 =	seq.s32 s2, $0x0  }
.Ltmp11:
0x238: {  	_ = 	snop;
	(pc) =	sbr.rel @p1 .LBB2_19-.Ltmp11, $2  }
0x239: {  	_ =	sdelay $0x2  }
0x23a: {  	s10 =	simm.s32 $0x0  }
0x23b: {  	s1 =	sshrl.u32 s2, $0x0  }
0x23c: {  	s1 =	sand.u32 $0x1, s1  }
0x23d: {  	p1 =	seq.s32 s1, $0x0  }
0x23e: {  	s1 =	sand.u32 @!p1 $0x800, s10;
	s4 =	sand.u32 @!p1 $0x380, s10  }
0x23f: {  	v12 =	vimm.f32 @!p1 $0.0e+00;
	s13 =	sor.u32 @!p1 s4, s1;
	p1 =	por p1, p1  }
0x240: {  	[tilespmem:s13+$0x6DF0] =	vst @!p1 v12  }
0x241: {  	[tilespmem:s13+$0x6980] =	vst @!p1 v12  }
0x242: {  	[tilespmem:s13+$0x6990] =	vst @!p1 v12  }
0x243: {  	[tilespmem:s13+$0x69A0] =	vst @!p1 v12  }
0x244: {  	[tilespmem:s13+$0x69B0] =	vst @!p1 v12  }
0x245: {  	[tilespmem:s13+$0x69C0] =	vst @!p1 v12  }
0x246: {  	[tilespmem:s13+$0x69D0] =	vst @!p1 v12  }
0x247: {  	[tilespmem:s13+$0x69E0] =	vst @!p1 v12  }
0x248: {  	[tilespmem:s13+$0x69F0] =	vst @!p1 v12  }
0x249: {  	[tilespmem:s13+$0x6D80] =	vst @!p1 v12  }
0x24a: {  	s17 =	simm.s32 $0x80;
	s20 =	simm.s32 $0x1;
	[tilespmem:s13+$0x6D90] =	vst @!p1 v12  }
.LBB2_17:
0x24b: {  	s1 =	sshrl.u32 s2, s20;
	[tilespmem:s13+$0x6DA0] =	vst @!p1 v12;
	s4 =	smov.u32 s17;
	s17 =	sadd.s32 $0x80, s17  }
0x24c: {  	s1 =	sand.u32 $0x1, s1;
	p2 =	sne.s32 s17, $0x800;
	[tilespmem:s13+$0x6DB0] =	vst @!p1 v12  }
0x24d: {  	s10 =	sadd.s32 $0x100, s10;
	p3 =	seq.s32 s1, $0x0;
	[tilespmem:s13+$0x6DC0] =	vst @!p1 v12  }
0x24e: {  	s1 =	sand.u32 @!p3 $0x800, s10;
	s4 =	sand.u32 @!p3 $0x380, s4;
	[tilespmem:s13+$0x6DD0] =	vst @!p1 v12  }
0x24f: {  	[tilespmem:s13+$0x6DE0] =	vst @!p1 v12;
	v12 =	vimm.f32 @!p3 $0.0e+00;
	s13 =	sor.u32 @!p3 s4, s1;
	p1 =	por p3, p3  }
0x250: {  	[tilespmem:s13+$0x6DF0] =	vst @!p1 v12  }
0x251: {  	[tilespmem:s13+$0x6980] =	vst @!p1 v12  }
0x252: {  	[tilespmem:s13+$0x6990] =	vst @!p1 v12  }
0x253: {  	[tilespmem:s13+$0x69A0] =	vst @!p1 v12  }
0x254: {  	[tilespmem:s13+$0x69B0] =	vst @!p1 v12  }
0x255: {  	[tilespmem:s13+$0x69C0] =	vst @!p1 v12  }
.Ltmp12:
0x256: {  	[tilespmem:s13+$0x69D0] =	vst @!p1 v12;
	(pc) =	sbr.rel @p2 .LBB2_17-.Ltmp12, $4  }
0x257: {  	[tilespmem:s13+$0x69E0] =	vst @!p1 v12  }
0x258: {  	[tilespmem:s13+$0x69F0] =	vst @!p1 v12  }
0x259: {  	[tilespmem:s13+$0x6D80] =	vst @!p1 v12  }
0x25a: {  	s20 =	sadd.s32 $0x1, s20;
	[tilespmem:s13+$0x6D90] =	vst @!p1 v12  }
0x25b: {  	[tilespmem:s13+$0x6DA0] =	vst @!p1 v12  }
0x25c: {  	[tilespmem:s13+$0x6DB0] =	vst @!p1 v12  }
0x25d: {  	[tilespmem:s13+$0x6DC0] =	vst @!p1 v12  }
0x25e: {  	[tilespmem:s13+$0x6DD0] =	vst @!p1 v12  }
0x25f: {  	[tilespmem:s13+$0x6DE0] =	vst @!p1 v12  }
.LBB2_19:
0x260: {  	v12 =	vld [tilespmem:s19+$0x5110];
	_ =	sdelay $0x4  }
0x261: {  	v12 =	vshrl.u32 v12, v11  }
0x262: {  	v12 =	vand.u32 v10, v12  }
0x263: {  	(xrf0) =	vadd.scan.msk.s32 $0xffff, v12;
	_ =	sdelay $0x5  }
0x264: {  	v12, _, _ =	vpop (xrf0)  }
0x265: {  	(v2sf) =	vpush v12, $0xF;
	_ =	sdelay $0xe  }
0x266: {  	s2 =	spop (v2sf)  }
0x267: {  	p1 =	seq.s32 s2, $0x0  }
.Ltmp13:
0x268: {  	_ = 	snop;
	(pc) =	sbr.rel @p1 .LBB2_23-.Ltmp13, $2  }
0x269: {  	_ =	sdelay $0x2  }
0x26a: {  	s10 =	simm.s32 $0x0  }
0x26b: {  	s1 =	sshrl.u32 s2, $0x0  }
0x26c: {  	s1 =	sand.u32 $0x1, s1  }
0x26d: {  	p1 =	seq.s32 s1, $0x0  }
0x26e: {  	s1 =	sand.u32 @!p1 $0x800, s10;
	s4 =	sand.u32 @!p1 $0x380, s10  }
0x26f: {  	v12 =	vimm.f32 @!p1 $0.0e+00;
	s4 =	sor.u32 @!p1 s4, s1;
	p1 =	por p1, p1  }
0x270: {  	[tilespmem:s4+$0x7980] =	vst @!p1 v12  }
0x271: {  	[tilespmem:s4+$0x7990] =	vst @!p1 v12  }
0x272: {  	[tilespmem:s4+$0x79A0] =	vst @!p1 v12  }
0x273: {  	[tilespmem:s4+$0x79B0] =	vst @!p1 v12  }
0x274: {  	[tilespmem:s4+$0x79C0] =	vst @!p1 v12  }
0x275: {  	[tilespmem:s4+$0x79D0] =	vst @!p1 v12  }
0x276: {  	[tilespmem:s4+$0x79E0] =	vst @!p1 v12;
	s1 =	sor.u32 @!p1 s1, s10  }
0x277: {  	[tilespmem:s4+$0x79F0] =	vst @!p1 v12;
	s20 =	sor.u32 @!p1 $0x1400, s1  }
0x278: {  	[tilespmem:s20+$0x69F0] =	vst @!p1 v12  }
0x279: {  	[tilespmem:s20+$0x6980] =	vst @!p1 v12  }
0x27a: {  	s13 =	simm.s32 $0x80;
	s17 =	simm.s32 $0x1;
	[tilespmem:s20+$0x6990] =	vst @!p1 v12  }
.LBB2_21:
0x27b: {  	s1 =	sshrl.u32 s2, s17;
	[tilespmem:s20+$0x69A0] =	vst @!p1 v12;
	s4 =	smov.u32 s13  }
0x27c: {  	s1 =	sand.u32 $0x1, s1;
	[tilespmem:s20+$0x69B0] =	vst @!p1 v12  }
0x27d: {  	s10 =	sadd.s32 $0x100, s10;
	p2 =	seq.s32 s1, $0x0;
	[tilespmem:s20+$0x69C0] =	vst @!p1 v12  }
0x27e: {  	s1 =	sand.u32 @!p2 $0x800, s10;
	s12 =	sand.u32 @!p2 $0x380, s13;
	[tilespmem:s20+$0x69D0] =	vst @!p1 v12  }
0x27f: {  	s12 =	sor.u32 @!p2 s12, s1;
	[tilespmem:s20+$0x69E0] =	vst @!p1 v12;
	v12 =	vimm.f32 @!p2 $0.0e+00;
	p1 =	por p2, p2  }
0x280: {  	[tilespmem:s12+$0x7980] =	vst @!p1 v12  }
0x281: {  	[tilespmem:s12+$0x7990] =	vst @!p1 v12  }
0x282: {  	s13 =	sadd.s32 $0x80, s13;
	[tilespmem:s12+$0x79A0] =	vst @!p1 v12  }
0x283: {  	p2 =	sne.s32 s13, $0x800;
	[tilespmem:s12+$0x79B0] =	vst @!p1 v12  }
0x284: {  	[tilespmem:s12+$0x79C0] =	vst @!p1 v12  }
0x285: {  	[tilespmem:s12+$0x79D0] =	vst @!p1 v12  }
.Ltmp14:
0x286: {  	s1 =	sor.u32 @!p1 s1, s4;
	[tilespmem:s12+$0x79E0] =	vst @!p1 v12;
	(pc) =	sbr.rel @p2 .LBB2_21-.Ltmp14, $4  }
0x287: {  	s20 =	sor.u32 @!p1 $0x1400, s1;
	[tilespmem:s12+$0x79F0] =	vst @!p1 v12  }
0x288: {  	[tilespmem:s20+$0x69F0] =	vst @!p1 v12  }
0x289: {  	[tilespmem:s20+$0x6980] =	vst @!p1 v12  }
0x28a: {  	s17 =	sadd.s32 $0x1, s17;
	[tilespmem:s20+$0x6990] =	vst @!p1 v12  }
0x28b: {  	[tilespmem:s20+$0x69A0] =	vst @!p1 v12  }
0x28c: {  	[tilespmem:s20+$0x69B0] =	vst @!p1 v12  }
0x28d: {  	[tilespmem:s20+$0x69C0] =	vst @!p1 v12  }
0x28e: {  	[tilespmem:s20+$0x69D0] =	vst @!p1 v12  }
0x28f: {  	[tilespmem:s20+$0x69E0] =	vst @!p1 v12  }
.LBB2_23:
0x290: {  	v12 =	vld [tilespmem:s19+$0x5120];
	_ =	sdelay $0x4  }
0x291: {  	v12 =	vshrl.u32 v12, v11  }
0x292: {  	v12 =	vand.u32 v10, v12  }
0x293: {  	(xrf0) =	vadd.scan.msk.s32 $0xffff, v12;
	_ =	sdelay $0x5  }
0x294: {  	v12, _, _ =	vpop (xrf0)  }
0x295: {  	(v2sf) =	vpush v12, $0xF;
	_ =	sdelay $0xe  }
0x296: {  	s2 =	spop (v2sf)  }
0x297: {  	p1 =	seq.s32 s2, $0x0  }
.Ltmp15:
0x298: {  	_ = 	snop;
	(pc) =	sbr.rel @p1 .LBB2_27-.Ltmp15, $2  }
0x299: {  	_ =	sdelay $0x2  }
0x29a: {  	s10 =	simm.s32 $0x0  }
0x29b: {  	s1 =	sshrl.u32 s2, $0x0  }
0x29c: {  	s1 =	sand.u32 $0x1, s1  }
0x29d: {  	p1 =	seq.s32 s1, $0x0  }
0x29e: {  	s1 =	sand.u32 @!p1 $0x800, s10;
	s4 =	sand.u32 @!p1 $0x380, s10  }
0x29f: {  	v12 =	vimm.f32 @!p1 $0.0e+00;
	s4 =	sor.u32 @!p1 s4, s1;
	p1 =	por p1, p1  }
0x2a0: {  	[tilespmem:s4+$0x8980] =	vst @!p1 v12  }
0x2a1: {  	[tilespmem:s4+$0x8990] =	vst @!p1 v12  }
0x2a2: {  	[tilespmem:s4+$0x89A0] =	vst @!p1 v12  }
0x2a3: {  	[tilespmem:s4+$0x89B0] =	vst @!p1 v12  }
0x2a4: {  	[tilespmem:s4+$0x89C0] =	vst @!p1 v12  }
0x2a5: {  	[tilespmem:s4+$0x89D0] =	vst @!p1 v12  }
0x2a6: {  	[tilespmem:s4+$0x89E0] =	vst @!p1 v12;
	s1 =	sor.u32 @!p1 s1, s10  }
0x2a7: {  	[tilespmem:s4+$0x89F0] =	vst @!p1 v12;
	s20 =	sor.u32 @!p1 $0x2400, s1  }
0x2a8: {  	[tilespmem:s20+$0x69F0] =	vst @!p1 v12  }
0x2a9: {  	[tilespmem:s20+$0x6980] =	vst @!p1 v12  }
0x2aa: {  	s13 =	simm.s32 $0x80;
	s17 =	simm.s32 $0x1;
	[tilespmem:s20+$0x6990] =	vst @!p1 v12  }
.LBB2_25:
0x2ab: {  	s1 =	sshrl.u32 s2, s17;
	[tilespmem:s20+$0x69A0] =	vst @!p1 v12;
	s4 =	smov.u32 s13  }
0x2ac: {  	s1 =	sand.u32 $0x1, s1;
	[tilespmem:s20+$0x69B0] =	vst @!p1 v12  }
0x2ad: {  	s10 =	sadd.s32 $0x100, s10;
	p2 =	seq.s32 s1, $0x0;
	[tilespmem:s20+$0x69C0] =	vst @!p1 v12  }
0x2ae: {  	s1 =	sand.u32 @!p2 $0x800, s10;
	s12 =	sand.u32 @!p2 $0x380, s13;
	[tilespmem:s20+$0x69D0] =	vst @!p1 v12  }
0x2af: {  	s12 =	sor.u32 @!p2 s12, s1;
	[tilespmem:s20+$0x69E0] =	vst @!p1 v12;
	v12 =	vimm.f32 @!p2 $0.0e+00;
	p1 =	por p2, p2  }
0x2b0: {  	[tilespmem:s12+$0x8980] =	vst @!p1 v12  }
0x2b1: {  	[tilespmem:s12+$0x8990] =	vst @!p1 v12  }
0x2b2: {  	s13 =	sadd.s32 $0x80, s13;
	[tilespmem:s12+$0x89A0] =	vst @!p1 v12  }
0x2b3: {  	p2 =	sne.s32 s13, $0x800;
	[tilespmem:s12+$0x89B0] =	vst @!p1 v12  }
0x2b4: {  	[tilespmem:s12+$0x89C0] =	vst @!p1 v12  }
0x2b5: {  	[tilespmem:s12+$0x89D0] =	vst @!p1 v12  }
.Ltmp16:
0x2b6: {  	s1 =	sor.u32 @!p1 s1, s4;
	[tilespmem:s12+$0x89E0] =	vst @!p1 v12;
	(pc) =	sbr.rel @p2 .LBB2_25-.Ltmp16, $4  }
0x2b7: {  	s20 =	sor.u32 @!p1 $0x2400, s1;
	[tilespmem:s12+$0x89F0] =	vst @!p1 v12  }
0x2b8: {  	[tilespmem:s20+$0x69F0] =	vst @!p1 v12  }
0x2b9: {  	[tilespmem:s20+$0x6980] =	vst @!p1 v12  }
0x2ba: {  	s17 =	sadd.s32 $0x1, s17;
	[tilespmem:s20+$0x6990] =	vst @!p1 v12  }
0x2bb: {  	[tilespmem:s20+$0x69A0] =	vst @!p1 v12  }
0x2bc: {  	[tilespmem:s20+$0x69B0] =	vst @!p1 v12  }
0x2bd: {  	[tilespmem:s20+$0x69C0] =	vst @!p1 v12  }
0x2be: {  	[tilespmem:s20+$0x69D0] =	vst @!p1 v12  }
0x2bf: {  	[tilespmem:s20+$0x69E0] =	vst @!p1 v12  }
.LBB2_27:
0x2c0: {  	v12 =	vld [tilespmem:s19+$0x5130];
	_ =	sdelay $0x4  }
0x2c1: {  	v11 =	vshrl.u32 v12, v11  }
0x2c2: {  	v11 =	vand.u32 v10, v11  }
0x2c3: {  	(xrf0) =	vadd.scan.msk.s32 $0xffff, v11;
	_ =	sdelay $0x5  }
0x2c4: {  	v11, _, _ =	vpop (xrf0)  }
0x2c5: {  	(v2sf) =	vpush v11, $0xF;
	_ =	sdelay $0xe  }
0x2c6: {  	s2 =	spop (v2sf)  }
0x2c7: {  	p1 =	seq.s32 s2, $0x0  }
.Ltmp17:
0x2c8: {  	_ = 	snop;
	(pc) =	sbr.rel @p1 .LBB2_31-.Ltmp17, $2  }
0x2c9: {  	_ =	sdelay $0x2  }
0x2ca: {  	s10 =	simm.s32 $0x0  }
0x2cb: {  	s1 =	sshrl.u32 s2, $0x0  }
0x2cc: {  	s1 =	sand.u32 $0x1, s1  }
0x2cd: {  	p1 =	seq.s32 s1, $0x0  }
0x2ce: {  	s1 =	sand.u32 @!p1 $0x800, s10;
	s4 =	sand.u32 @!p1 $0x380, s10  }
0x2cf: {  	v11 =	vimm.f32 @!p1 $0.0e+00;
	s4 =	sor.u32 @!p1 s4, s1;
	p1 =	por p1, p1  }
0x2d0: {  	[tilespmem:s4+$0x9980] =	vst @!p1 v11  }
0x2d1: {  	[tilespmem:s4+$0x9990] =	vst @!p1 v11  }
0x2d2: {  	[tilespmem:s4+$0x99A0] =	vst @!p1 v11  }
0x2d3: {  	[tilespmem:s4+$0x99B0] =	vst @!p1 v11  }
0x2d4: {  	[tilespmem:s4+$0x99C0] =	vst @!p1 v11  }
0x2d5: {  	[tilespmem:s4+$0x99D0] =	vst @!p1 v11  }
0x2d6: {  	[tilespmem:s4+$0x99E0] =	vst @!p1 v11;
	s1 =	sor.u32 @!p1 s1, s10  }
0x2d7: {  	[tilespmem:s4+$0x99F0] =	vst @!p1 v11;
	s20 =	sor.u32 @!p1 $0x3400, s1  }
0x2d8: {  	[tilespmem:s20+$0x69F0] =	vst @!p1 v11  }
0x2d9: {  	[tilespmem:s20+$0x6980] =	vst @!p1 v11  }
0x2da: {  	s13 =	simm.s32 $0x80;
	s17 =	simm.s32 $0x1;
	[tilespmem:s20+$0x6990] =	vst @!p1 v11  }
.LBB2_29:
0x2db: {  	s1 =	sshrl.u32 s2, s17;
	[tilespmem:s20+$0x69A0] =	vst @!p1 v11;
	s4 =	smov.u32 s13  }
0x2dc: {  	s1 =	sand.u32 $0x1, s1;
	[tilespmem:s20+$0x69B0] =	vst @!p1 v11  }
0x2dd: {  	s10 =	sadd.s32 $0x100, s10;
	p2 =	seq.s32 s1, $0x0;
	[tilespmem:s20+$0x69C0] =	vst @!p1 v11  }
0x2de: {  	s1 =	sand.u32 @!p2 $0x800, s10;
	s12 =	sand.u32 @!p2 $0x380, s13;
	[tilespmem:s20+$0x69D0] =	vst @!p1 v11  }
0x2df: {  	s12 =	sor.u32 @!p2 s12, s1;
	[tilespmem:s20+$0x69E0] =	vst @!p1 v11;
	v11 =	vimm.f32 @!p2 $0.0e+00;
	p1 =	por p2, p2  }
0x2e0: {  	[tilespmem:s12+$0x9980] =	vst @!p1 v11  }
0x2e1: {  	[tilespmem:s12+$0x9990] =	vst @!p1 v11  }
0x2e2: {  	s13 =	sadd.s32 $0x80, s13;
	[tilespmem:s12+$0x99A0] =	vst @!p1 v11  }
0x2e3: {  	p2 =	sne.s32 s13, $0x800;
	[tilespmem:s12+$0x99B0] =	vst @!p1 v11  }
0x2e4: {  	[tilespmem:s12+$0x99C0] =	vst @!p1 v11  }
0x2e5: {  	[tilespmem:s12+$0x99D0] =	vst @!p1 v11  }
.Ltmp18:
0x2e6: {  	s1 =	sor.u32 @!p1 s1, s4;
	[tilespmem:s12+$0x99E0] =	vst @!p1 v11;
	(pc) =	sbr.rel @p2 .LBB2_29-.Ltmp18, $4  }
0x2e7: {  	s20 =	sor.u32 @!p1 $0x3400, s1;
	[tilespmem:s12+$0x99F0] =	vst @!p1 v11  }
0x2e8: {  	[tilespmem:s20+$0x69F0] =	vst @!p1 v11  }
0x2e9: {  	[tilespmem:s20+$0x6980] =	vst @!p1 v11  }
0x2ea: {  	s17 =	sadd.s32 $0x1, s17;
	[tilespmem:s20+$0x6990] =	vst @!p1 v11  }
0x2eb: {  	[tilespmem:s20+$0x69A0] =	vst @!p1 v11  }
0x2ec: {  	[tilespmem:s20+$0x69B0] =	vst @!p1 v11  }
0x2ed: {  	[tilespmem:s20+$0x69C0] =	vst @!p1 v11  }
0x2ee: {  	[tilespmem:s20+$0x69D0] =	vst @!p1 v11  }
0x2ef: {  	[tilespmem:s20+$0x69E0] =	vst @!p1 v11  }
.LBB2_31:
0x2f0: {  	s1 =	sadd.s32 s18, s19  }
0x2f1: {  	s1 =	sshll.u32 s1, $0x5  }
0x2f2: {  	s2 =	sadd.s32 s6, s1  }
0x2f3: {  	[hbm4b:s2+s9] =	stream.strided.scatter [tilespmem:s21], [sflag:$0x8], $0x2000, s16, s9, $0x200038;
	[tilespmem:$0x1A980] =	vst v63  }
0x2f4: {  	s1 =	sadd.s32 s1, s8  }
0x2f5: {  	[hbm4b:s1+s9] =	stream.strided.scatter [tilespmem:s25], [sflag:$0x8], $0x2000, s16, s9, $0x200038;
	[tilespmem:$0x1A980] =	vst v63  }
.LBB2_32:
0x2f6: {  	s2 =	sadd.s32 $0x1, s15  }
0x2f7: {  	p1 =	sge.u32 s2, s7  }
.Ltmp19:
0x2f8: {  	_ = 	snop;
	(pc) =	sbr.rel @p1 .LBB2_52-.Ltmp19, $1  }
0x2f9: {  	_ =	sdelay $0x3  }
0x2fa: {  	s10 =	sadd.s32 $0x5, s15  }
0x2fb: {  	p1 =	sge.u32 s10, s7  }
.Ltmp20:
0x2fc: {  	_ = 	snop;
	(pc) =	sbr.rel @p1 .LBB2_35-.Ltmp20, $4  }
0x2fd: {  	s1 =	simm.s32 $0x4  }
0x2fe: {  	_ =	swait.ge [sflag:s1], $0x4000  }
0x2ff: {  	[sflag:s1] =	ssyncset.done $0x0  }
0x300: {  	[sflag:s1] =	ssyncadd.s32 $0xFFFFC000  }
0x301: {  	s4 =	simm.s32 $0x8  }
0x302: {  	_ =	swait.ge [sflag:s4], $0x2000  }
0x303: {  	[sflag:s4] =	ssyncset.done $0x0  }
0x304: {  	[sflag:s4] =	ssyncadd.s32 $0xFFFFE000  }
0x305: {  	_ =	swait.ge [sflag:s4], $0x2000  }
0x306: {  	s1 =	sshll.u32 s10, $0x6;
	[sflag:s4] =	ssyncset.done $0x0  }
0x307: {  	s1 =	sand.u32 $0x3FFFFFC0, s1;
	[sflag:s4] =	ssyncadd.s32 $0xFFFFE000  }
0x308: {  	v11 =	vld [tilespmem:s1+$0x3880];
	_ =	sdelay $0x4  }
0x309: {  	v12 =	vshll.u32 v11, $0x1  }
0x30a: {  	v11 =	vand.u32 $0x7, v11;
	v12 =	vand.u32 $0xFFFFFFF0, v12  }
0x30b: {  	v11 =	vor.u32 v11, v12  }
0x30c: {  	v12 =	vperm.xlane v11, v5;
	_ =	sdelay $0x1  }
0x30d: {  	v11 =	vperm.xlane v11, v9;
	v12 =	vadd.s32 v8, v12;
	_ =	sdelay $0x1  }
0x30e: {  	v11 =	vadd.s32 v8, v11;
	_ =	sdelay $0x2  }
0x30f: {  	[tilespmem:s21], [sflag:$0x3] =	stream.indirect_vreg.gather [hbm4b:s3+s5], $0x80, v12, vm1, $0x2000b8;
	[tilespmem:$0x1A980] =	vst v63  }
0x310: {  	_ = 	snop  }
0x311: {  	[tilespmem:s22], [sflag:$0x3] =	stream.indirect_vreg.gather [hbm4b:s3+s5], $0x80, v11, vm1, $0x2000b8;
	[tilespmem:$0x1A980] =	vst v63  }
0x312: {  	v11 =	vld [tilespmem:s1+$0x3890];
	_ =	sdelay $0x4  }
0x313: {  	v61 =	vshll.u32 v11, $0x1  }
0x314: {  	v11 =	vand.u32 $0x7, v11;
	v12 =	vand.u32 $0xFFFFFFF0, v61  }
0x315: {  	v11 =	vor.u32 v11, v12  }
0x316: {  	v12 =	vperm.xlane v11, v5;
	_ =	sdelay $0x1  }
0x317: {  	v11 =	vperm.xlane v11, v9;
	v12 =	vadd.s32 v8, v12;
	_ =	sdelay $0x1  }
0x318: {  	v11 =	vadd.s32 v8, v11;
	_ =	sdelay $0x2  }
0x319: {  	[tilespmem:s23], [sflag:$0x3] =	stream.indirect_vreg.gather [hbm4b:s3+s5], $0x80, v12, vm1, $0x2000b8;
	[tilespmem:$0x1A980] =	vst v63  }
0x31a: {  	_ = 	snop  }
0x31b: {  	[tilespmem:s24], [sflag:$0x3] =	stream.indirect_vreg.gather [hbm4b:s3+s5], $0x80, v11, vm1, $0x2000b8;
	[tilespmem:$0x1A980] =	vst v63  }
0x31c: {  	v11 =	vld [tilespmem:s1+$0x38A0];
	_ =	sdelay $0x4  }
0x31d: {  	v62 =	vshll.u32 v11, $0x1  }
0x31e: {  	v11 =	vand.u32 $0x7, v11;
	v12 =	vand.u32 $0xFFFFFFF0, v62  }
0x31f: {  	v11 =	vor.u32 v11, v12  }
0x320: {  	v12 =	vperm.xlane v11, v5;
	_ =	sdelay $0x1  }
0x321: {  	v11 =	vperm.xlane v11, v9;
	v12 =	vadd.s32 v8, v12;
	_ =	sdelay $0x1  }
0x322: {  	v11 =	vadd.s32 v8, v11;
	_ =	sdelay $0x2  }
0x323: {  	[tilespmem:s25], [sflag:$0x3] =	stream.indirect_vreg.gather [hbm4b:s3+s5], $0x80, v12, vm1, $0x2000b8;
	[tilespmem:$0x1A980] =	vst v63  }
0x324: {  	_ = 	snop  }
0x325: {  	[tilespmem:s26], [sflag:$0x3] =	stream.indirect_vreg.gather [hbm4b:s3+s5], $0x80, v11, vm1, $0x2000b8;
	[tilespmem:$0x1A980] =	vst v63  }
0x326: {  	v11 =	vld [tilespmem:s1+$0x38B0];
	_ =	sdelay $0x4  }
0x327: {  	v63 =	vshll.u32 v11, $0x1  }
0x328: {  	v11 =	vand.u32 $0x7, v11;
	v12 =	vand.u32 $0xFFFFFFF0, v63  }
0x329: {  	v11 =	vor.u32 v11, v12  }
0x32a: {  	v12 =	vperm.xlane v11, v5;
	_ =	sdelay $0x1  }
0x32b: {  	v11 =	vperm.xlane v11, v9;
	v12 =	vadd.s32 v8, v12;
	_ =	sdelay $0x1  }
0x32c: {  	v11 =	vadd.s32 v8, v11;
	_ =	sdelay $0x2  }
0x32d: {  	[tilespmem:s28], [sflag:$0x3] =	stream.indirect_vreg.gather [hbm4b:s3+s5], $0x80, v12, vm1, $0x2000b8;
	[tilespmem:$0x1A980] =	vst v63  }
0x32e: {  	_ = 	snop  }
0x32f: {  	[tilespmem:s29], [sflag:$0x3] =	stream.indirect_vreg.gather [hbm4b:s3+s5], $0x80, v11, vm1, $0x2000b8;
	[tilespmem:$0x1A980] =	vst v63  }
.LBB2_35:
0x330: {  	s19 =	sshll.u32 s2, $0x6  }
0x331: {  	v12 =	vld [tilespmem:s19+$0x5100];
	_ =	sdelay $0x1  }
0x332: {  	v11 =	vmul.u32 $0xFFFFFFFF, v3;
	_ =	sdelay $0x1  }
0x333: {  	v11 =	vadd.s32 $0x1F, v11  }
0x334: {  	v12 =	vshrl.u32 v12, v11  }
0x335: {  	v12 =	vand.u32 v10, v12  }
0x336: {  	(xrf0) =	vadd.scan.msk.s32 $0xffff, v12;
	_ =	sdelay $0x5  }
0x337: {  	v12, _, _ =	vpop (xrf0)  }
0x338: {  	(v2sf) =	vpush v12, $0xF;
	_ =	sdelay $0xe  }
0x339: {  	s2 =	spop (v2sf)  }
0x33a: {  	p1 =	seq.s32 s2, $0x0  }
.Ltmp21:
0x33b: {  	_ = 	snop;
	(pc) =	sbr.rel @p1 .LBB2_39-.Ltmp21, $2  }
0x33c: {  	_ =	sdelay $0x2  }
0x33d: {  	s10 =	simm.s32 $0x0  }
0x33e: {  	s1 =	sshrl.u32 s2, $0x0  }
0x33f: {  	s1 =	sand.u32 $0x1, s1  }
0x340: {  	p1 =	seq.s32 s1, $0x0  }
0x341: {  	s1 =	sand.u32 @!p1 $0x800, s10;
	s4 =	sand.u32 @!p1 $0x380, s10  }
0x342: {  	v12 =	vimm.f32 @!p1 $0.0e+00;
	s13 =	sor.u32 @!p1 s4, s1;
	p1 =	por p1, p1  }
0x343: {  	[tilespmem:s13+$0xADF0] =	vst @!p1 v12  }
0x344: {  	[tilespmem:s13+$0xA980] =	vst @!p1 v12  }
0x345: {  	[tilespmem:s13+$0xA990] =	vst @!p1 v12  }
0x346: {  	[tilespmem:s13+$0xA9A0] =	vst @!p1 v12  }
0x347: {  	[tilespmem:s13+$0xA9B0] =	vst @!p1 v12  }
0x348: {  	[tilespmem:s13+$0xA9C0] =	vst @!p1 v12  }
0x349: {  	[tilespmem:s13+$0xA9D0] =	vst @!p1 v12  }
0x34a: {  	[tilespmem:s13+$0xA9E0] =	vst @!p1 v12  }
0x34b: {  	[tilespmem:s13+$0xA9F0] =	vst @!p1 v12  }
0x34c: {  	[tilespmem:s13+$0xAD80] =	vst @!p1 v12  }
0x34d: {  	s17 =	simm.s32 $0x80;
	s20 =	simm.s32 $0x1;
	[tilespmem:s13+$0xAD90] =	vst @!p1 v12  }
.LBB2_37:
0x34e: {  	s1 =	sshrl.u32 s2, s20;
	[tilespmem:s13+$0xADA0] =	vst @!p1 v12;
	s4 =	smov.u32 s17;
	s17 =	sadd.s32 $0x80, s17  }
0x34f: {  	s1 =	sand.u32 $0x1, s1;
	p2 =	sne.s32 s17, $0x800;
	[tilespmem:s13+$0xADB0] =	vst @!p1 v12  }
0x350: {  	s10 =	sadd.s32 $0x100, s10;
	p3 =	seq.s32 s1, $0x0;
	[tilespmem:s13+$0xADC0] =	vst @!p1 v12  }
0x351: {  	s1 =	sand.u32 @!p3 $0x800, s10;
	s4 =	sand.u32 @!p3 $0x380, s4;
	[tilespmem:s13+$0xADD0] =	vst @!p1 v12  }
0x352: {  	[tilespmem:s13+$0xADE0] =	vst @!p1 v12;
	v12 =	vimm.f32 @!p3 $0.0e+00;
	s13 =	sor.u32 @!p3 s4, s1;
	p1 =	por p3, p3  }
0x353: {  	[tilespmem:s13+$0xADF0] =	vst @!p1 v12  }
0x354: {  	[tilespmem:s13+$0xA980] =	vst @!p1 v12  }
0x355: {  	[tilespmem:s13+$0xA990] =	vst @!p1 v12  }
0x356: {  	[tilespmem:s13+$0xA9A0] =	vst @!p1 v12  }
0x357: {  	[tilespmem:s13+$0xA9B0] =	vst @!p1 v12  }
0x358: {  	[tilespmem:s13+$0xA9C0] =	vst @!p1 v12  }
.Ltmp22:
0x359: {  	[tilespmem:s13+$0xA9D0] =	vst @!p1 v12;
	(pc) =	sbr.rel @p2 .LBB2_37-.Ltmp22, $4  }
0x35a: {  	[tilespmem:s13+$0xA9E0] =	vst @!p1 v12  }
0x35b: {  	[tilespmem:s13+$0xA9F0] =	vst @!p1 v12  }
0x35c: {  	[tilespmem:s13+$0xAD80] =	vst @!p1 v12  }
0x35d: {  	s20 =	sadd.s32 $0x1, s20;
	[tilespmem:s13+$0xAD90] =	vst @!p1 v12  }
0x35e: {  	[tilespmem:s13+$0xADA0] =	vst @!p1 v12  }
0x35f: {  	[tilespmem:s13+$0xADB0] =	vst @!p1 v12  }
0x360: {  	[tilespmem:s13+$0xADC0] =	vst @!p1 v12  }
0x361: {  	[tilespmem:s13+$0xADD0] =	vst @!p1 v12  }
0x362: {  	[tilespmem:s13+$0xADE0] =	vst @!p1 v12  }
.LBB2_39:
0x363: {  	v12 =	vld [tilespmem:s19+$0x5110];
	_ =	sdelay $0x4  }
0x364: {  	v12 =	vshrl.u32 v12, v11  }
0x365: {  	v12 =	vand.u32 v10, v12  }
0x366: {  	(xrf0) =	vadd.scan.msk.s32 $0xffff, v12;
	_ =	sdelay $0x5  }
0x367: {  	v12, _, _ =	vpop (xrf0)  }
0x368: {  	(v2sf) =	vpush v12, $0xF;
	_ =	sdelay $0xe  }
0x369: {  	s2 =	spop (v2sf)  }
0x36a: {  	p1 =	seq.s32 s2, $0x0  }
.Ltmp23:
0x36b: {  	_ = 	snop;
	(pc) =	sbr.rel @p1 .LBB2_43-.Ltmp23, $2  }
0x36c: {  	_ =	sdelay $0x2  }
0x36d: {  	s10 =	simm.s32 $0x0  }
0x36e: {  	s1 =	sshrl.u32 s2, $0x0  }
0x36f: {  	s1 =	sand.u32 $0x1, s1  }
0x370: {  	p1 =	seq.s32 s1, $0x0  }
0x371: {  	s1 =	sand.u32 @!p1 $0x800, s10;
	s4 =	sand.u32 @!p1 $0x380, s10  }
0x372: {  	v12 =	vimm.f32 @!p1 $0.0e+00;
	s4 =	sor.u32 @!p1 s4, s1;
	p1 =	por p1, p1  }
0x373: {  	[tilespmem:s4+$0xB980] =	vst @!p1 v12  }
0x374: {  	[tilespmem:s4+$0xB990] =	vst @!p1 v12  }
0x375: {  	[tilespmem:s4+$0xB9A0] =	vst @!p1 v12  }
0x376: {  	[tilespmem:s4+$0xB9B0] =	vst @!p1 v12  }
0x377: {  	[tilespmem:s4+$0xB9C0] =	vst @!p1 v12  }
0x378: {  	[tilespmem:s4+$0xB9D0] =	vst @!p1 v12  }
0x379: {  	[tilespmem:s4+$0xB9E0] =	vst @!p1 v12;
	s1 =	sor.u32 @!p1 s1, s10  }
0x37a: {  	[tilespmem:s4+$0xB9F0] =	vst @!p1 v12;
	s20 =	sor.u32 @!p1 $0x1400, s1  }
0x37b: {  	[tilespmem:s20+$0xA9F0] =	vst @!p1 v12  }
0x37c: {  	[tilespmem:s20+$0xA980] =	vst @!p1 v12  }
0x37d: {  	s13 =	simm.s32 $0x80;
	s17 =	simm.s32 $0x1;
	[tilespmem:s20+$0xA990] =	vst @!p1 v12  }
.LBB2_41:
0x37e: {  	s1 =	sshrl.u32 s2, s17;
	[tilespmem:s20+$0xA9A0] =	vst @!p1 v12;
	s4 =	smov.u32 s13  }
0x37f: {  	s1 =	sand.u32 $0x1, s1;
	[tilespmem:s20+$0xA9B0] =	vst @!p1 v12  }
0x380: {  	s10 =	sadd.s32 $0x100, s10;
	p2 =	seq.s32 s1, $0x0;
	[tilespmem:s20+$0xA9C0] =	vst @!p1 v12  }
0x381: {  	s1 =	sand.u32 @!p2 $0x800, s10;
	s12 =	sand.u32 @!p2 $0x380, s13;
	[tilespmem:s20+$0xA9D0] =	vst @!p1 v12  }
0x382: {  	s12 =	sor.u32 @!p2 s12, s1;
	[tilespmem:s20+$0xA9E0] =	vst @!p1 v12;
	v12 =	vimm.f32 @!p2 $0.0e+00;
	p1 =	por p2, p2  }
0x383: {  	[tilespmem:s12+$0xB980] =	vst @!p1 v12  }
0x384: {  	[tilespmem:s12+$0xB990] =	vst @!p1 v12  }
0x385: {  	s13 =	sadd.s32 $0x80, s13;
	[tilespmem:s12+$0xB9A0] =	vst @!p1 v12  }
0x386: {  	p2 =	sne.s32 s13, $0x800;
	[tilespmem:s12+$0xB9B0] =	vst @!p1 v12  }
0x387: {  	[tilespmem:s12+$0xB9C0] =	vst @!p1 v12  }
0x388: {  	[tilespmem:s12+$0xB9D0] =	vst @!p1 v12  }
.Ltmp24:
0x389: {  	s1 =	sor.u32 @!p1 s1, s4;
	[tilespmem:s12+$0xB9E0] =	vst @!p1 v12;
	(pc) =	sbr.rel @p2 .LBB2_41-.Ltmp24, $4  }
0x38a: {  	s20 =	sor.u32 @!p1 $0x1400, s1;
	[tilespmem:s12+$0xB9F0] =	vst @!p1 v12  }
0x38b: {  	[tilespmem:s20+$0xA9F0] =	vst @!p1 v12  }
0x38c: {  	[tilespmem:s20+$0xA980] =	vst @!p1 v12  }
0x38d: {  	s17 =	sadd.s32 $0x1, s17;
	[tilespmem:s20+$0xA990] =	vst @!p1 v12  }
0x38e: {  	[tilespmem:s20+$0xA9A0] =	vst @!p1 v12  }
0x38f: {  	[tilespmem:s20+$0xA9B0] =	vst @!p1 v12  }
0x390: {  	[tilespmem:s20+$0xA9C0] =	vst @!p1 v12  }
0x391: {  	[tilespmem:s20+$0xA9D0] =	vst @!p1 v12  }
0x392: {  	[tilespmem:s20+$0xA9E0] =	vst @!p1 v12  }
.LBB2_43:
0x393: {  	v12 =	vld [tilespmem:s19+$0x5120];
	_ =	sdelay $0x4  }
0x394: {  	v12 =	vshrl.u32 v12, v11  }
0x395: {  	v12 =	vand.u32 v10, v12  }
0x396: {  	(xrf0) =	vadd.scan.msk.s32 $0xffff, v12;
	_ =	sdelay $0x5  }
0x397: {  	v12, _, _ =	vpop (xrf0)  }
0x398: {  	(v2sf) =	vpush v12, $0xF;
	_ =	sdelay $0xe  }
0x399: {  	s2 =	spop (v2sf)  }
0x39a: {  	p1 =	seq.s32 s2, $0x0  }
.Ltmp25:
0x39b: {  	_ = 	snop;
	(pc) =	sbr.rel @p1 .LBB2_47-.Ltmp25, $2  }
0x39c: {  	_ =	sdelay $0x2  }
0x39d: {  	s10 =	simm.s32 $0x0  }
0x39e: {  	s1 =	sshrl.u32 s2, $0x0  }
0x39f: {  	s1 =	sand.u32 $0x1, s1  }
0x3a0: {  	p1 =	seq.s32 s1, $0x0  }
0x3a1: {  	s1 =	sand.u32 @!p1 $0x800, s10;
	s4 =	sand.u32 @!p1 $0x380, s10  }
0x3a2: {  	v12 =	vimm.f32 @!p1 $0.0e+00;
	s4 =	sor.u32 @!p1 s4, s1;
	p1 =	por p1, p1  }
0x3a3: {  	[tilespmem:s4+$0xC980] =	vst @!p1 v12  }
0x3a4: {  	[tilespmem:s4+$0xC990] =	vst @!p1 v12  }
0x3a5: {  	[tilespmem:s4+$0xC9A0] =	vst @!p1 v12  }
0x3a6: {  	[tilespmem:s4+$0xC9B0] =	vst @!p1 v12  }
0x3a7: {  	[tilespmem:s4+$0xC9C0] =	vst @!p1 v12  }
0x3a8: {  	[tilespmem:s4+$0xC9D0] =	vst @!p1 v12  }
0x3a9: {  	[tilespmem:s4+$0xC9E0] =	vst @!p1 v12;
	s1 =	sor.u32 @!p1 s1, s10  }
0x3aa: {  	[tilespmem:s4+$0xC9F0] =	vst @!p1 v12;
	s20 =	sor.u32 @!p1 $0x2400, s1  }
0x3ab: {  	[tilespmem:s20+$0xA9F0] =	vst @!p1 v12  }
0x3ac: {  	[tilespmem:s20+$0xA980] =	vst @!p1 v12  }
0x3ad: {  	s13 =	simm.s32 $0x80;
	s17 =	simm.s32 $0x1;
	[tilespmem:s20+$0xA990] =	vst @!p1 v12  }
.LBB2_45:
0x3ae: {  	s1 =	sshrl.u32 s2, s17;
	[tilespmem:s20+$0xA9A0] =	vst @!p1 v12;
	s4 =	smov.u32 s13  }
0x3af: {  	s1 =	sand.u32 $0x1, s1;
	[tilespmem:s20+$0xA9B0] =	vst @!p1 v12  }
0x3b0: {  	s10 =	sadd.s32 $0x100, s10;
	p2 =	seq.s32 s1, $0x0;
	[tilespmem:s20+$0xA9C0] =	vst @!p1 v12  }
0x3b1: {  	s1 =	sand.u32 @!p2 $0x800, s10;
	s12 =	sand.u32 @!p2 $0x380, s13;
	[tilespmem:s20+$0xA9D0] =	vst @!p1 v12  }
0x3b2: {  	s12 =	sor.u32 @!p2 s12, s1;
	[tilespmem:s20+$0xA9E0] =	vst @!p1 v12;
	v12 =	vimm.f32 @!p2 $0.0e+00;
	p1 =	por p2, p2  }
0x3b3: {  	[tilespmem:s12+$0xC980] =	vst @!p1 v12  }
0x3b4: {  	[tilespmem:s12+$0xC990] =	vst @!p1 v12  }
0x3b5: {  	s13 =	sadd.s32 $0x80, s13;
	[tilespmem:s12+$0xC9A0] =	vst @!p1 v12  }
0x3b6: {  	p2 =	sne.s32 s13, $0x800;
	[tilespmem:s12+$0xC9B0] =	vst @!p1 v12  }
0x3b7: {  	[tilespmem:s12+$0xC9C0] =	vst @!p1 v12  }
0x3b8: {  	[tilespmem:s12+$0xC9D0] =	vst @!p1 v12  }
.Ltmp26:
0x3b9: {  	s1 =	sor.u32 @!p1 s1, s4;
	[tilespmem:s12+$0xC9E0] =	vst @!p1 v12;
	(pc) =	sbr.rel @p2 .LBB2_45-.Ltmp26, $4  }
0x3ba: {  	s20 =	sor.u32 @!p1 $0x2400, s1;
	[tilespmem:s12+$0xC9F0] =	vst @!p1 v12  }
0x3bb: {  	[tilespmem:s20+$0xA9F0] =	vst @!p1 v12  }
0x3bc: {  	[tilespmem:s20+$0xA980] =	vst @!p1 v12  }
0x3bd: {  	s17 =	sadd.s32 $0x1, s17;
	[tilespmem:s20+$0xA990] =	vst @!p1 v12  }
0x3be: {  	[tilespmem:s20+$0xA9A0] =	vst @!p1 v12  }
0x3bf: {  	[tilespmem:s20+$0xA9B0] =	vst @!p1 v12  }
0x3c0: {  	[tilespmem:s20+$0xA9C0] =	vst @!p1 v12  }
0x3c1: {  	[tilespmem:s20+$0xA9D0] =	vst @!p1 v12  }
0x3c2: {  	[tilespmem:s20+$0xA9E0] =	vst @!p1 v12  }
.LBB2_47:
0x3c3: {  	v12 =	vld [tilespmem:s19+$0x5130];
	_ =	sdelay $0x4  }
0x3c4: {  	v11 =	vshrl.u32 v12, v11  }
0x3c5: {  	v11 =	vand.u32 v10, v11  }
0x3c6: {  	(xrf0) =	vadd.scan.msk.s32 $0xffff, v11;
	_ =	sdelay $0x5  }
0x3c7: {  	v11, _, _ =	vpop (xrf0)  }
0x3c8: {  	(v2sf) =	vpush v11, $0xF;
	_ =	sdelay $0xe  }
0x3c9: {  	s2 =	spop (v2sf)  }
0x3ca: {  	p1 =	seq.s32 s2, $0x0  }
.Ltmp27:
0x3cb: {  	_ = 	snop;
	(pc) =	sbr.rel @p1 .LBB2_51-.Ltmp27, $2  }
0x3cc: {  	_ =	sdelay $0x2  }
0x3cd: {  	s10 =	simm.s32 $0x0  }
0x3ce: {  	s1 =	sshrl.u32 s2, $0x0  }
0x3cf: {  	s1 =	sand.u32 $0x1, s1  }
0x3d0: {  	p1 =	seq.s32 s1, $0x0  }
0x3d1: {  	s1 =	sand.u32 @!p1 $0x800, s10;
	s4 =	sand.u32 @!p1 $0x380, s10  }
0x3d2: {  	v11 =	vimm.f32 @!p1 $0.0e+00;
	s4 =	sor.u32 @!p1 s4, s1;
	p1 =	por p1, p1  }
0x3d3: {  	[tilespmem:s4+$0xD980] =	vst @!p1 v11  }
0x3d4: {  	[tilespmem:s4+$0xD990] =	vst @!p1 v11  }
0x3d5: {  	[tilespmem:s4+$0xD9A0] =	vst @!p1 v11  }
0x3d6: {  	[tilespmem:s4+$0xD9B0] =	vst @!p1 v11  }
0x3d7: {  	[tilespmem:s4+$0xD9C0] =	vst @!p1 v11  }
0x3d8: {  	[tilespmem:s4+$0xD9D0] =	vst @!p1 v11  }
0x3d9: {  	[tilespmem:s4+$0xD9E0] =	vst @!p1 v11;
	s1 =	sor.u32 @!p1 s1, s10  }
0x3da: {  	[tilespmem:s4+$0xD9F0] =	vst @!p1 v11;
	s20 =	sor.u32 @!p1 $0x3400, s1  }
0x3db: {  	[tilespmem:s20+$0xA9F0] =	vst @!p1 v11  }
0x3dc: {  	[tilespmem:s20+$0xA980] =	vst @!p1 v11  }
0x3dd: {  	s13 =	simm.s32 $0x80;
	s17 =	simm.s32 $0x1;
	[tilespmem:s20+$0xA990] =	vst @!p1 v11  }
.LBB2_49:
0x3de: {  	s1 =	sshrl.u32 s2, s17;
	[tilespmem:s20+$0xA9A0] =	vst @!p1 v11;
	s4 =	smov.u32 s13  }
0x3df: {  	s1 =	sand.u32 $0x1, s1;
	[tilespmem:s20+$0xA9B0] =	vst @!p1 v11  }
0x3e0: {  	s10 =	sadd.s32 $0x100, s10;
	p2 =	seq.s32 s1, $0x0;
	[tilespmem:s20+$0xA9C0] =	vst @!p1 v11  }
0x3e1: {  	s1 =	sand.u32 @!p2 $0x800, s10;
	s12 =	sand.u32 @!p2 $0x380, s13;
	[tilespmem:s20+$0xA9D0] =	vst @!p1 v11  }
0x3e2: {  	s12 =	sor.u32 @!p2 s12, s1;
	[tilespmem:s20+$0xA9E0] =	vst @!p1 v11;
	v11 =	vimm.f32 @!p2 $0.0e+00;
	p1 =	por p2, p2  }
0x3e3: {  	[tilespmem:s12+$0xD980] =	vst @!p1 v11  }
0x3e4: {  	[tilespmem:s12+$0xD990] =	vst @!p1 v11  }
0x3e5: {  	s13 =	sadd.s32 $0x80, s13;
	[tilespmem:s12+$0xD9A0] =	vst @!p1 v11  }
0x3e6: {  	p2 =	sne.s32 s13, $0x800;
	[tilespmem:s12+$0xD9B0] =	vst @!p1 v11  }
0x3e7: {  	[tilespmem:s12+$0xD9C0] =	vst @!p1 v11  }
0x3e8: {  	[tilespmem:s12+$0xD9D0] =	vst @!p1 v11  }
.Ltmp28:
0x3e9: {  	s1 =	sor.u32 @!p1 s1, s4;
	[tilespmem:s12+$0xD9E0] =	vst @!p1 v11;
	(pc) =	sbr.rel @p2 .LBB2_49-.Ltmp28, $4  }
0x3ea: {  	s20 =	sor.u32 @!p1 $0x3400, s1;
	[tilespmem:s12+$0xD9F0] =	vst @!p1 v11  }
0x3eb: {  	[tilespmem:s20+$0xA9F0] =	vst @!p1 v11  }
0x3ec: {  	[tilespmem:s20+$0xA980] =	vst @!p1 v11  }
0x3ed: {  	s17 =	sadd.s32 $0x1, s17;
	[tilespmem:s20+$0xA990] =	vst @!p1 v11  }
0x3ee: {  	[tilespmem:s20+$0xA9A0] =	vst @!p1 v11  }
0x3ef: {  	[tilespmem:s20+$0xA9B0] =	vst @!p1 v11  }
0x3f0: {  	[tilespmem:s20+$0xA9C0] =	vst @!p1 v11  }
0x3f1: {  	[tilespmem:s20+$0xA9D0] =	vst @!p1 v11  }
0x3f2: {  	[tilespmem:s20+$0xA9E0] =	vst @!p1 v11  }
.LBB2_51:
0x3f3: {  	s1 =	sadd.s32 s18, s19  }
0x3f4: {  	s1 =	sshll.u32 s1, $0x5  }
0x3f5: {  	s2 =	sadd.s32 s6, s1  }
0x3f6: {  	[hbm4b:s2+s9] =	stream.strided.scatter [tilespmem:s30], [sflag:$0x9], $0x2000, s16, s9, $0x200038;
	[tilespmem:$0x1A980] =	vst v63  }
0x3f7: {  	s20 =	simm.s32 $0xC980;
	s1 =	sadd.s32 s1, s8  }
0x3f8: {  	[hbm4b:s1+s9] =	stream.strided.scatter [tilespmem:s20], [sflag:$0x9], $0x2000, s16, s9, $0x200038;
	[tilespmem:$0x1A980] =	vst v63  }
.LBB2_52:
0x3f9: {  	s2 =	sadd.s32 $0x2, s15  }
0x3fa: {  	p1 =	sge.u32 s2, s7  }
.Ltmp29:
0x3fb: {  	_ = 	snop;
	(pc) =	sbr.rel @p1 .LBB2_72-.Ltmp29, $1  }
0x3fc: {  	_ =	sdelay $0x3  }
0x3fd: {  	s10 =	sadd.s32 $0x6, s15  }
0x3fe: {  	p1 =	sge.u32 s10, s7  }
.Ltmp30:
0x3ff: {  	_ = 	snop;
	(pc) =	sbr.rel @p1 .LBB2_55-.Ltmp30, $4  }
0x400: {  	s1 =	simm.s32 $0x5  }
0x401: {  	_ =	swait.ge [sflag:s1], $0x4000  }
0x402: {  	[sflag:s1] =	ssyncset.done $0x0  }
0x403: {  	[sflag:s1] =	ssyncadd.s32 $0xFFFFC000  }
0x404: {  	s4 =	simm.s32 $0x9  }
0x405: {  	_ =	swait.ge [sflag:s4], $0x2000  }
0x406: {  	[sflag:s4] =	ssyncset.done $0x0  }
0x407: {  	[sflag:s4] =	ssyncadd.s32 $0xFFFFE000  }
0x408: {  	_ =	swait.ge [sflag:s4], $0x2000  }
0x409: {  	s1 =	sshll.u32 s10, $0x6;
	[sflag:s4] =	ssyncset.done $0x0  }
0x40a: {  	s1 =	sand.u32 $0x3FFFFFC0, s1;
	[sflag:s4] =	ssyncadd.s32 $0xFFFFE000  }
0x40b: {  	v11 =	vld [tilespmem:s1+$0x3880];
	_ =	sdelay $0x4  }
0x40c: {  	v12 =	vshll.u32 v11, $0x1  }
0x40d: {  	v11 =	vand.u32 $0x7, v11;
	v12 =	vand.u32 $0xFFFFFFF0, v12  }
0x40e: {  	v11 =	vor.u32 v11, v12  }
0x40f: {  	v12 =	vperm.xlane v11, v5;
	_ =	sdelay $0x1  }
0x410: {  	v11 =	vperm.xlane v11, v9;
	v12 =	vadd.s32 v8, v12;
	_ =	sdelay $0x1  }
0x411: {  	v11 =	vadd.s32 v8, v11;
	_ =	sdelay $0x2  }
0x412: {  	[tilespmem:s30], [sflag:$0x4] =	stream.indirect_vreg.gather [hbm4b:s3+s5], $0x80, v12, vm1, $0x2000b8;
	[tilespmem:$0x1A980] =	vst v63  }
0x413: {  	_ = 	snop  }
0x414: {  	[tilespmem:s31], [sflag:$0x4] =	stream.indirect_vreg.gather [hbm4b:s3+s5], $0x80, v11, vm1, $0x2000b8;
	[tilespmem:$0x1A980] =	vst v63  }
0x415: {  	v11 =	vld [tilespmem:s1+$0x3890];
	_ =	sdelay $0x4  }
0x416: {  	v61 =	vshll.u32 v11, $0x1  }
0x417: {  	v11 =	vand.u32 $0x7, v11;
	v12 =	vand.u32 $0xFFFFFFF0, v61  }
0x418: {  	v11 =	vor.u32 v11, v12  }
0x419: {  	v12 =	vperm.xlane v11, v5;
	_ =	sdelay $0x1  }
0x41a: {  	v11 =	vperm.xlane v11, v9;
	v12 =	vadd.s32 v8, v12;
	_ =	sdelay $0x1  }
0x41b: {  	v11 =	vadd.s32 v8, v11;
	_ =	sdelay $0x1  }
0x41c: {  	s10 =	simm.s32 $0xB980  }
0x41d: {  	[tilespmem:s10], [sflag:$0x4] =	stream.indirect_vreg.gather [hbm4b:s3+s5], $0x80, v12, vm1, $0x2000b8;
	[tilespmem:$0x1A980] =	vst v63  }
0x41e: {  	s12 =	simm.s32 $0xC180  }
0x41f: {  	[tilespmem:s12], [sflag:$0x4] =	stream.indirect_vreg.gather [hbm4b:s3+s5], $0x80, v11, vm1, $0x2000b8;
	[tilespmem:$0x1A980] =	vst v63  }
0x420: {  	v11 =	vld [tilespmem:s1+$0x38A0];
	_ =	sdelay $0x4  }
0x421: {  	v62 =	vshll.u32 v11, $0x1  }
0x422: {  	v11 =	vand.u32 $0x7, v11;
	v12 =	vand.u32 $0xFFFFFFF0, v62  }
0x423: {  	v11 =	vor.u32 v11, v12  }
0x424: {  	v12 =	vperm.xlane v11, v5;
	_ =	sdelay $0x1  }
0x425: {  	v11 =	vperm.xlane v11, v9;
	v12 =	vadd.s32 v8, v12;
	_ =	sdelay $0x1  }
0x426: {  	v11 =	vadd.s32 v8, v11;
	_ =	sdelay $0x1  }
0x427: {  	s13 =	simm.s32 $0xC980  }
0x428: {  	[tilespmem:s13], [sflag:$0x4] =	stream.indirect_vreg.gather [hbm4b:s3+s5], $0x80, v12, vm1, $0x2000b8;
	[tilespmem:$0x1A980] =	vst v63  }
0x429: {  	s17 =	simm.s32 $0xD180  }
0x42a: {  	[tilespmem:s17], [sflag:$0x4] =	stream.indirect_vreg.gather [hbm4b:s3+s5], $0x80, v11, vm1, $0x2000b8;
	[tilespmem:$0x1A980] =	vst v63  }
0x42b: {  	v11 =	vld [tilespmem:s1+$0x38B0];
	_ =	sdelay $0x4  }
0x42c: {  	v63 =	vshll.u32 v11, $0x1  }
0x42d: {  	v11 =	vand.u32 $0x7, v11;
	v12 =	vand.u32 $0xFFFFFFF0, v63  }
0x42e: {  	v11 =	vor.u32 v11, v12  }
0x42f: {  	v12 =	vperm.xlane v11, v5;
	_ =	sdelay $0x1  }
0x430: {  	v11 =	vperm.xlane v11, v9;
	v12 =	vadd.s32 v8, v12;
	_ =	sdelay $0x1  }
0x431: {  	v11 =	vadd.s32 v8, v11;
	_ =	sdelay $0x1  }
0x432: {  	s19 =	simm.s32 $0xD980  }
0x433: {  	[tilespmem:s19], [sflag:$0x4] =	stream.indirect_vreg.gather [hbm4b:s3+s5], $0x80, v12, vm1, $0x2000b8;
	[tilespmem:$0x1A980] =	vst v63  }
0x434: {  	s20 =	simm.s32 $0xE180  }
0x435: {  	[tilespmem:s20], [sflag:$0x4] =	stream.indirect_vreg.gather [hbm4b:s3+s5], $0x80, v11, vm1, $0x2000b8;
	[tilespmem:$0x1A980] =	vst v63  }
.LBB2_55:
0x436: {  	s19 =	sshll.u32 s2, $0x6  }
0x437: {  	v12 =	vld [tilespmem:s19+$0x5100];
	_ =	sdelay $0x1  }
0x438: {  	v11 =	vmul.u32 $0xFFFFFFFF, v3;
	_ =	sdelay $0x1  }
0x439: {  	v11 =	vadd.s32 $0x1F, v11  }
0x43a: {  	v12 =	vshrl.u32 v12, v11  }
0x43b: {  	v12 =	vand.u32 v10, v12  }
0x43c: {  	(xrf0) =	vadd.scan.msk.s32 $0xffff, v12;
	_ =	sdelay $0x5  }
0x43d: {  	v12, _, _ =	vpop (xrf0)  }
0x43e: {  	(v2sf) =	vpush v12, $0xF;
	_ =	sdelay $0xe  }
0x43f: {  	s2 =	spop (v2sf)  }
0x440: {  	p1 =	seq.s32 s2, $0x0  }
.Ltmp31:
0x441: {  	_ = 	snop;
	(pc) =	sbr.rel @p1 .LBB2_59-.Ltmp31, $2  }
0x442: {  	_ =	sdelay $0x2  }
0x443: {  	s10 =	simm.s32 $0x0  }
0x444: {  	s1 =	sshrl.u32 s2, $0x0  }
0x445: {  	s1 =	sand.u32 $0x1, s1  }
0x446: {  	p1 =	seq.s32 s1, $0x0  }
0x447: {  	s1 =	sand.u32 @!p1 $0x800, s10;
	s4 =	sand.u32 @!p1 $0x380, s10  }
0x448: {  	v12 =	vimm.f32 @!p1 $0.0e+00;
	s13 =	sor.u32 @!p1 s4, s1;
	p1 =	por p1, p1  }
0x449: {  	[tilespmem:s13+$0xEDF0] =	vst @!p1 v12  }
0x44a: {  	[tilespmem:s13+$0xE980] =	vst @!p1 v12  }
0x44b: {  	[tilespmem:s13+$0xE990] =	vst @!p1 v12  }
0x44c: {  	[tilespmem:s13+$0xE9A0] =	vst @!p1 v12  }
0x44d: {  	[tilespmem:s13+$0xE9B0] =	vst @!p1 v12  }
0x44e: {  	[tilespmem:s13+$0xE9C0] =	vst @!p1 v12  }
0x44f: {  	[tilespmem:s13+$0xE9D0] =	vst @!p1 v12  }
0x450: {  	[tilespmem:s13+$0xE9E0] =	vst @!p1 v12  }
0x451: {  	[tilespmem:s13+$0xE9F0] =	vst @!p1 v12  }
0x452: {  	[tilespmem:s13+$0xED80] =	vst @!p1 v12  }
0x453: {  	s17 =	simm.s32 $0x80;
	s20 =	simm.s32 $0x1;
	[tilespmem:s13+$0xED90] =	vst @!p1 v12  }
.LBB2_57:
0x454: {  	s1 =	sshrl.u32 s2, s20;
	[tilespmem:s13+$0xEDA0] =	vst @!p1 v12;
	s4 =	smov.u32 s17;
	s17 =	sadd.s32 $0x80, s17  }
0x455: {  	s1 =	sand.u32 $0x1, s1;
	p2 =	sne.s32 s17, $0x800;
	[tilespmem:s13+$0xEDB0] =	vst @!p1 v12  }
0x456: {  	s10 =	sadd.s32 $0x100, s10;
	p3 =	seq.s32 s1, $0x0;
	[tilespmem:s13+$0xEDC0] =	vst @!p1 v12  }
0x457: {  	s1 =	sand.u32 @!p3 $0x800, s10;
	s4 =	sand.u32 @!p3 $0x380, s4;
	[tilespmem:s13+$0xEDD0] =	vst @!p1 v12  }
0x458: {  	[tilespmem:s13+$0xEDE0] =	vst @!p1 v12;
	v12 =	vimm.f32 @!p3 $0.0e+00;
	s13 =	sor.u32 @!p3 s4, s1;
	p1 =	por p3, p3  }
0x459: {  	[tilespmem:s13+$0xEDF0] =	vst @!p1 v12  }
0x45a: {  	[tilespmem:s13+$0xE980] =	vst @!p1 v12  }
0x45b: {  	[tilespmem:s13+$0xE990] =	vst @!p1 v12  }
0x45c: {  	[tilespmem:s13+$0xE9A0] =	vst @!p1 v12  }
0x45d: {  	[tilespmem:s13+$0xE9B0] =	vst @!p1 v12  }
0x45e: {  	[tilespmem:s13+$0xE9C0] =	vst @!p1 v12  }
.Ltmp32:
0x45f: {  	[tilespmem:s13+$0xE9D0] =	vst @!p1 v12;
	(pc) =	sbr.rel @p2 .LBB2_57-.Ltmp32, $4  }
0x460: {  	[tilespmem:s13+$0xE9E0] =	vst @!p1 v12  }
0x461: {  	[tilespmem:s13+$0xE9F0] =	vst @!p1 v12  }
0x462: {  	[tilespmem:s13+$0xED80] =	vst @!p1 v12  }
0x463: {  	s20 =	sadd.s32 $0x1, s20;
	[tilespmem:s13+$0xED90] =	vst @!p1 v12  }
0x464: {  	[tilespmem:s13+$0xEDA0] =	vst @!p1 v12  }
0x465: {  	[tilespmem:s13+$0xEDB0] =	vst @!p1 v12  }
0x466: {  	[tilespmem:s13+$0xEDC0] =	vst @!p1 v12  }
0x467: {  	[tilespmem:s13+$0xEDD0] =	vst @!p1 v12  }
0x468: {  	[tilespmem:s13+$0xEDE0] =	vst @!p1 v12  }
.LBB2_59:
0x469: {  	v12 =	vld [tilespmem:s19+$0x5110];
	_ =	sdelay $0x4  }
0x46a: {  	v12 =	vshrl.u32 v12, v11  }
0x46b: {  	v12 =	vand.u32 v10, v12  }
0x46c: {  	(xrf0) =	vadd.scan.msk.s32 $0xffff, v12;
	_ =	sdelay $0x5  }
0x46d: {  	v12, _, _ =	vpop (xrf0)  }
0x46e: {  	(v2sf) =	vpush v12, $0xF;
	_ =	sdelay $0xe  }
0x46f: {  	s2 =	spop (v2sf)  }
0x470: {  	p1 =	seq.s32 s2, $0x0  }
.Ltmp33:
0x471: {  	_ = 	snop;
	(pc) =	sbr.rel @p1 .LBB2_63-.Ltmp33, $2  }
0x472: {  	_ =	sdelay $0x2  }
0x473: {  	s10 =	simm.s32 $0x0  }
0x474: {  	s1 =	sshrl.u32 s2, $0x0  }
0x475: {  	s1 =	sand.u32 $0x1, s1  }
0x476: {  	p1 =	seq.s32 s1, $0x0  }
0x477: {  	s1 =	sand.u32 @!p1 $0x800, s10;
	s4 =	sand.u32 @!p1 $0x380, s10  }
0x478: {  	v12 =	vimm.f32 @!p1 $0.0e+00;
	s4 =	sor.u32 @!p1 s4, s1;
	p1 =	por p1, p1  }
0x479: {  	[tilespmem:s4+$0xF980] =	vst @!p1 v12  }
0x47a: {  	[tilespmem:s4+$0xF990] =	vst @!p1 v12  }
0x47b: {  	[tilespmem:s4+$0xF9A0] =	vst @!p1 v12  }
0x47c: {  	[tilespmem:s4+$0xF9B0] =	vst @!p1 v12  }
0x47d: {  	[tilespmem:s4+$0xF9C0] =	vst @!p1 v12  }
0x47e: {  	[tilespmem:s4+$0xF9D0] =	vst @!p1 v12  }
0x47f: {  	[tilespmem:s4+$0xF9E0] =	vst @!p1 v12;
	s1 =	sor.u32 @!p1 s1, s10  }
0x480: {  	[tilespmem:s4+$0xF9F0] =	vst @!p1 v12;
	s20 =	sor.u32 @!p1 $0x1400, s1  }
0x481: {  	[tilespmem:s20+$0xE9F0] =	vst @!p1 v12  }
0x482: {  	[tilespmem:s20+$0xE980] =	vst @!p1 v12  }
0x483: {  	s13 =	simm.s32 $0x80;
	s17 =	simm.s32 $0x1;
	[tilespmem:s20+$0xE990] =	vst @!p1 v12  }
.LBB2_61:
0x484: {  	s1 =	sshrl.u32 s2, s17;
	[tilespmem:s20+$0xE9A0] =	vst @!p1 v12;
	s4 =	smov.u32 s13  }
0x485: {  	s1 =	sand.u32 $0x1, s1;
	[tilespmem:s20+$0xE9B0] =	vst @!p1 v12  }
0x486: {  	s10 =	sadd.s32 $0x100, s10;
	p2 =	seq.s32 s1, $0x0;
	[tilespmem:s20+$0xE9C0] =	vst @!p1 v12  }
0x487: {  	s1 =	sand.u32 @!p2 $0x800, s10;
	s12 =	sand.u32 @!p2 $0x380, s13;
	[tilespmem:s20+$0xE9D0] =	vst @!p1 v12  }
0x488: {  	s12 =	sor.u32 @!p2 s12, s1;
	[tilespmem:s20+$0xE9E0] =	vst @!p1 v12;
	v12 =	vimm.f32 @!p2 $0.0e+00;
	p1 =	por p2, p2  }
0x489: {  	[tilespmem:s12+$0xF980] =	vst @!p1 v12  }
0x48a: {  	[tilespmem:s12+$0xF990] =	vst @!p1 v12  }
0x48b: {  	s13 =	sadd.s32 $0x80, s13;
	[tilespmem:s12+$0xF9A0] =	vst @!p1 v12  }
0x48c: {  	p2 =	sne.s32 s13, $0x800;
	[tilespmem:s12+$0xF9B0] =	vst @!p1 v12  }
0x48d: {  	[tilespmem:s12+$0xF9C0] =	vst @!p1 v12  }
0x48e: {  	[tilespmem:s12+$0xF9D0] =	vst @!p1 v12  }
.Ltmp34:
0x48f: {  	s1 =	sor.u32 @!p1 s1, s4;
	[tilespmem:s12+$0xF9E0] =	vst @!p1 v12;
	(pc) =	sbr.rel @p2 .LBB2_61-.Ltmp34, $4  }
0x490: {  	s20 =	sor.u32 @!p1 $0x1400, s1;
	[tilespmem:s12+$0xF9F0] =	vst @!p1 v12  }
0x491: {  	[tilespmem:s20+$0xE9F0] =	vst @!p1 v12  }
0x492: {  	[tilespmem:s20+$0xE980] =	vst @!p1 v12  }
0x493: {  	s17 =	sadd.s32 $0x1, s17;
	[tilespmem:s20+$0xE990] =	vst @!p1 v12  }
0x494: {  	[tilespmem:s20+$0xE9A0] =	vst @!p1 v12  }
0x495: {  	[tilespmem:s20+$0xE9B0] =	vst @!p1 v12  }
0x496: {  	[tilespmem:s20+$0xE9C0] =	vst @!p1 v12  }
0x497: {  	[tilespmem:s20+$0xE9D0] =	vst @!p1 v12  }
0x498: {  	[tilespmem:s20+$0xE9E0] =	vst @!p1 v12  }
.LBB2_63:
0x499: {  	v12 =	vld [tilespmem:s19+$0x5120];
	_ =	sdelay $0x4  }
0x49a: {  	v12 =	vshrl.u32 v12, v11  }
0x49b: {  	v12 =	vand.u32 v10, v12  }
0x49c: {  	(xrf0) =	vadd.scan.msk.s32 $0xffff, v12;
	_ =	sdelay $0x5  }
0x49d: {  	v12, _, _ =	vpop (xrf0)  }
0x49e: {  	(v2sf) =	vpush v12, $0xF;
	_ =	sdelay $0xe  }
0x49f: {  	s2 =	spop (v2sf)  }
0x4a0: {  	p1 =	seq.s32 s2, $0x0  }
.Ltmp35:
0x4a1: {  	_ = 	snop;
	(pc) =	sbr.rel @p1 .LBB2_67-.Ltmp35, $2  }
0x4a2: {  	_ =	sdelay $0x2  }
0x4a3: {  	s10 =	simm.s32 $0x0  }
0x4a4: {  	s1 =	sshrl.u32 s2, $0x0  }
0x4a5: {  	s1 =	sand.u32 $0x1, s1  }
0x4a6: {  	p1 =	seq.s32 s1, $0x0  }
0x4a7: {  	s1 =	sand.u32 @!p1 $0x800, s10;
	s4 =	sand.u32 @!p1 $0x380, s10  }
0x4a8: {  	s4 =	sor.u32 @!p1 s4, s1  }
0x4a9: {  	v12 =	vimm.f32 @!p1 $0.0e+00;
	s4 =	sadd.s32 @!p1 $0xE980, s4;
	p1 =	por p1, p1  }
0x4aa: {  	[tilespmem:s4+$0x2000] =	vst @!p1 v12  }
0x4ab: {  	[tilespmem:s4+$0x2010] =	vst @!p1 v12  }
0x4ac: {  	[tilespmem:s4+$0x2020] =	vst @!p1 v12  }
0x4ad: {  	[tilespmem:s4+$0x2030] =	vst @!p1 v12  }
0x4ae: {  	[tilespmem:s4+$0x2040] =	vst @!p1 v12  }
0x4af: {  	[tilespmem:s4+$0x2050] =	vst @!p1 v12  }
0x4b0: {  	[tilespmem:s4+$0x2060] =	vst @!p1 v12;
	s1 =	sor.u32 @!p1 s1, s10  }
0x4b1: {  	[tilespmem:s4+$0x2070] =	vst @!p1 v12;
	s20 =	sor.u32 @!p1 $0x2400, s1  }
0x4b2: {  	[tilespmem:s20+$0xE9F0] =	vst @!p1 v12  }
0x4b3: {  	s13 =	simm.s32 $0x80;
	s17 =	simm.s32 $0x1;
	[tilespmem:s20+$0xE980] =	vst @!p1 v12  }
.LBB2_65:
0x4b4: {  	s1 =	sshrl.u32 s2, s17;
	[tilespmem:s20+$0xE990] =	vst @!p1 v12;
	s4 =	smov.u32 s13  }
0x4b5: {  	s1 =	sand.u32 $0x1, s1;
	[tilespmem:s20+$0xE9A0] =	vst @!p1 v12  }
0x4b6: {  	s10 =	sadd.s32 $0x100, s10;
	p2 =	seq.s32 s1, $0x0;
	[tilespmem:s20+$0xE9B0] =	vst @!p1 v12  }
0x4b7: {  	s1 =	sand.u32 @!p2 $0x800, s10;
	s12 =	sand.u32 @!p2 $0x380, s13;
	[tilespmem:s20+$0xE9C0] =	vst @!p1 v12  }
0x4b8: {  	s12 =	sor.u32 @!p2 s12, s1;
	[tilespmem:s20+$0xE9D0] =	vst @!p1 v12  }
0x4b9: {  	s12 =	sadd.s32 @!p2 $0xE980, s12;
	[tilespmem:s20+$0xE9E0] =	vst @!p1 v12;
	v12 =	vimm.f32 @!p2 $0.0e+00;
	p1 =	por p2, p2  }
0x4ba: {  	[tilespmem:s12+$0x2000] =	vst @!p1 v12  }
0x4bb: {  	[tilespmem:s12+$0x2010] =	vst @!p1 v12  }
0x4bc: {  	s13 =	sadd.s32 $0x80, s13;
	[tilespmem:s12+$0x2020] =	vst @!p1 v12  }
0x4bd: {  	p2 =	sne.s32 s13, $0x800;
	[tilespmem:s12+$0x2030] =	vst @!p1 v12  }
0x4be: {  	[tilespmem:s12+$0x2040] =	vst @!p1 v12  }
.Ltmp36:
0x4bf: {  	[tilespmem:s12+$0x2050] =	vst @!p1 v12;
	(pc) =	sbr.rel @p2 .LBB2_65-.Ltmp36, $4  }
0x4c0: {  	s1 =	sor.u32 @!p1 s1, s4;
	[tilespmem:s12+$0x2060] =	vst @!p1 v12  }
0x4c1: {  	s20 =	sor.u32 @!p1 $0x2400, s1;
	[tilespmem:s12+$0x2070] =	vst @!p1 v12  }
0x4c2: {  	[tilespmem:s20+$0xE9F0] =	vst @!p1 v12  }
0x4c3: {  	s17 =	sadd.s32 $0x1, s17;
	[tilespmem:s20+$0xE980] =	vst @!p1 v12  }
0x4c4: {  	[tilespmem:s20+$0xE990] =	vst @!p1 v12  }
0x4c5: {  	[tilespmem:s20+$0xE9A0] =	vst @!p1 v12  }
0x4c6: {  	[tilespmem:s20+$0xE9B0] =	vst @!p1 v12  }
0x4c7: {  	[tilespmem:s20+$0xE9C0] =	vst @!p1 v12  }
0x4c8: {  	[tilespmem:s20+$0xE9D0] =	vst @!p1 v12  }
0x4c9: {  	[tilespmem:s20+$0xE9E0] =	vst @!p1 v12  }
.LBB2_67:
0x4ca: {  	v12 =	vld [tilespmem:s19+$0x5130];
	_ =	sdelay $0x4  }
0x4cb: {  	v11 =	vshrl.u32 v12, v11  }
0x4cc: {  	v11 =	vand.u32 v10, v11  }
0x4cd: {  	(xrf0) =	vadd.scan.msk.s32 $0xffff, v11;
	_ =	sdelay $0x5  }
0x4ce: {  	v11, _, _ =	vpop (xrf0)  }
0x4cf: {  	(v2sf) =	vpush v11, $0xF;
	_ =	sdelay $0xe  }
0x4d0: {  	s2 =	spop (v2sf)  }
0x4d1: {  	p1 =	seq.s32 s2, $0x0  }
.Ltmp37:
0x4d2: {  	_ = 	snop;
	(pc) =	sbr.rel @p1 .LBB2_71-.Ltmp37, $2  }
0x4d3: {  	_ =	sdelay $0x2  }
0x4d4: {  	s10 =	simm.s32 $0x0  }
0x4d5: {  	s1 =	sshrl.u32 s2, $0x0  }
0x4d6: {  	s1 =	sand.u32 $0x1, s1  }
0x4d7: {  	p1 =	seq.s32 s1, $0x0  }
0x4d8: {  	s1 =	sand.u32 @!p1 $0x800, s10;
	s4 =	sand.u32 @!p1 $0x380, s10  }
0x4d9: {  	s4 =	sor.u32 @!p1 s4, s1  }
0x4da: {  	v11 =	vimm.f32 @!p1 $0.0e+00;
	s4 =	sadd.s32 @!p1 $0xE980, s4;
	p1 =	por p1, p1  }
0x4db: {  	[tilespmem:s4+$0x3000] =	vst @!p1 v11  }
0x4dc: {  	[tilespmem:s4+$0x3010] =	vst @!p1 v11  }
0x4dd: {  	[tilespmem:s4+$0x3020] =	vst @!p1 v11  }
0x4de: {  	[tilespmem:s4+$0x3030] =	vst @!p1 v11  }
0x4df: {  	[tilespmem:s4+$0x3040] =	vst @!p1 v11  }
0x4e0: {  	[tilespmem:s4+$0x3050] =	vst @!p1 v11  }
0x4e1: {  	[tilespmem:s4+$0x3060] =	vst @!p1 v11;
	s1 =	sor.u32 @!p1 s1, s10  }
0x4e2: {  	[tilespmem:s4+$0x3070] =	vst @!p1 v11;
	s20 =	sor.u32 @!p1 $0x3400, s1  }
0x4e3: {  	[tilespmem:s20+$0xE9F0] =	vst @!p1 v11  }
0x4e4: {  	s13 =	simm.s32 $0x80;
	s17 =	simm.s32 $0x1;
	[tilespmem:s20+$0xE980] =	vst @!p1 v11  }
.LBB2_69:
0x4e5: {  	s1 =	sshrl.u32 s2, s17;
	[tilespmem:s20+$0xE990] =	vst @!p1 v11;
	s4 =	smov.u32 s13  }
0x4e6: {  	s1 =	sand.u32 $0x1, s1;
	[tilespmem:s20+$0xE9A0] =	vst @!p1 v11  }
0x4e7: {  	s10 =	sadd.s32 $0x100, s10;
	p2 =	seq.s32 s1, $0x0;
	[tilespmem:s20+$0xE9B0] =	vst @!p1 v11  }
0x4e8: {  	s1 =	sand.u32 @!p2 $0x800, s10;
	s12 =	sand.u32 @!p2 $0x380, s13;
	[tilespmem:s20+$0xE9C0] =	vst @!p1 v11  }
0x4e9: {  	s12 =	sor.u32 @!p2 s12, s1;
	[tilespmem:s20+$0xE9D0] =	vst @!p1 v11  }
0x4ea: {  	s12 =	sadd.s32 @!p2 $0xE980, s12;
	[tilespmem:s20+$0xE9E0] =	vst @!p1 v11;
	v11 =	vimm.f32 @!p2 $0.0e+00;
	p1 =	por p2, p2  }
0x4eb: {  	[tilespmem:s12+$0x3000] =	vst @!p1 v11  }
0x4ec: {  	[tilespmem:s12+$0x3010] =	vst @!p1 v11  }
0x4ed: {  	s13 =	sadd.s32 $0x80, s13;
	[tilespmem:s12+$0x3020] =	vst @!p1 v11  }
0x4ee: {  	p2 =	sne.s32 s13, $0x800;
	[tilespmem:s12+$0x3030] =	vst @!p1 v11  }
0x4ef: {  	[tilespmem:s12+$0x3040] =	vst @!p1 v11  }
.Ltmp38:
0x4f0: {  	[tilespmem:s12+$0x3050] =	vst @!p1 v11;
	(pc) =	sbr.rel @p2 .LBB2_69-.Ltmp38, $4  }
0x4f1: {  	s1 =	sor.u32 @!p1 s1, s4;
	[tilespmem:s12+$0x3060] =	vst @!p1 v11  }
0x4f2: {  	s20 =	sor.u32 @!p1 $0x3400, s1;
	[tilespmem:s12+$0x3070] =	vst @!p1 v11  }
0x4f3: {  	[tilespmem:s20+$0xE9F0] =	vst @!p1 v11  }
0x4f4: {  	s17 =	sadd.s32 $0x1, s17;
	[tilespmem:s20+$0xE980] =	vst @!p1 v11  }
0x4f5: {  	[tilespmem:s20+$0xE990] =	vst @!p1 v11  }
0x4f6: {  	[tilespmem:s20+$0xE9A0] =	vst @!p1 v11  }
0x4f7: {  	[tilespmem:s20+$0xE9B0] =	vst @!p1 v11  }
0x4f8: {  	[tilespmem:s20+$0xE9C0] =	vst @!p1 v11  }
0x4f9: {  	[tilespmem:s20+$0xE9D0] =	vst @!p1 v11  }
0x4fa: {  	[tilespmem:s20+$0xE9E0] =	vst @!p1 v11  }
.LBB2_71:
0x4fb: {  	s1 =	sadd.s32 s18, s19  }
0x4fc: {  	s1 =	sshll.u32 s1, $0x5  }
0x4fd: {  	s4 =	simm.s32 $0xE980;
	s2 =	sadd.s32 s6, s1  }
0x4fe: {  	[hbm4b:s2+s9] =	stream.strided.scatter [tilespmem:s4], [sflag:$0xA], $0x2000, s16, s9, $0x200038;
	[tilespmem:$0x1A980] =	vst v63  }
0x4ff: {  	s20 =	simm.s32 $0x10980;
	s1 =	sadd.s32 s1, s8  }
0x500: {  	[hbm4b:s1+s9] =	stream.strided.scatter [tilespmem:s20], [sflag:$0xA], $0x2000, s16, s9, $0x200038;
	[tilespmem:$0x1A980] =	vst v63  }
.LBB2_72:
0x501: {  	s2 =	sadd.s32 $0x3, s15  }
0x502: {  	p1 =	sge.u32 s2, s7  }
.Ltmp39:
0x503: {  	_ = 	snop;
	(pc) =	sbr.rel @p1 .LBB2_92-.Ltmp39, $1  }
0x504: {  	_ =	sdelay $0x3  }
0x505: {  	s10 =	sadd.s32 $0x7, s15  }
0x506: {  	p1 =	sge.u32 s10, s7  }
.Ltmp40:
0x507: {  	_ = 	snop;
	(pc) =	sbr.rel @p1 .LBB2_75-.Ltmp40, $4  }
0x508: {  	s1 =	simm.s32 $0x6  }
0x509: {  	_ =	swait.ge [sflag:s1], $0x4000  }
0x50a: {  	[sflag:s1] =	ssyncset.done $0x0  }
0x50b: {  	[sflag:s1] =	ssyncadd.s32 $0xFFFFC000  }
0x50c: {  	s4 =	simm.s32 $0xA  }
0x50d: {  	_ =	swait.ge [sflag:s4], $0x2000  }
0x50e: {  	[sflag:s4] =	ssyncset.done $0x0  }
0x50f: {  	[sflag:s4] =	ssyncadd.s32 $0xFFFFE000  }
0x510: {  	_ =	swait.ge [sflag:s4], $0x2000  }
0x511: {  	s1 =	sshll.u32 s10, $0x6;
	[sflag:s4] =	ssyncset.done $0x0  }
0x512: {  	s1 =	sand.u32 $0x3FFFFFC0, s1;
	[sflag:s4] =	ssyncadd.s32 $0xFFFFE000  }
0x513: {  	v11 =	vld [tilespmem:s1+$0x3880];
	_ =	sdelay $0x4  }
0x514: {  	v12 =	vshll.u32 v11, $0x1  }
0x515: {  	v11 =	vand.u32 $0x7, v11;
	v12 =	vand.u32 $0xFFFFFFF0, v12  }
0x516: {  	v11 =	vor.u32 v11, v12  }
0x517: {  	v12 =	vperm.xlane v11, v5;
	_ =	sdelay $0x1  }
0x518: {  	v11 =	vperm.xlane v11, v9;
	v12 =	vadd.s32 v8, v12;
	_ =	sdelay $0x1  }
0x519: {  	v11 =	vadd.s32 v8, v11;
	_ =	sdelay $0x1  }
0x51a: {  	s19 =	simm.s32 $0xE980  }
0x51b: {  	[tilespmem:s19], [sflag:$0x5] =	stream.indirect_vreg.gather [hbm4b:s3+s5], $0x80, v12, vm1, $0x2000b8;
	[tilespmem:$0x1A980] =	vst v63  }
0x51c: {  	s20 =	simm.s32 $0xF180  }
0x51d: {  	[tilespmem:s20], [sflag:$0x5] =	stream.indirect_vreg.gather [hbm4b:s3+s5], $0x80, v11, vm1, $0x2000b8;
	[tilespmem:$0x1A980] =	vst v63  }
0x51e: {  	v11 =	vld [tilespmem:s1+$0x3890];
	_ =	sdelay $0x4  }
0x51f: {  	v61 =	vshll.u32 v11, $0x1  }
0x520: {  	v11 =	vand.u32 $0x7, v11;
	v12 =	vand.u32 $0xFFFFFFF0, v61  }
0x521: {  	v11 =	vor.u32 v11, v12  }
0x522: {  	v12 =	vperm.xlane v11, v5;
	_ =	sdelay $0x1  }
0x523: {  	v11 =	vperm.xlane v11, v9;
	v12 =	vadd.s32 v8, v12;
	_ =	sdelay $0x1  }
0x524: {  	v11 =	vadd.s32 v8, v11;
	_ =	sdelay $0x1  }
0x525: {  	s10 =	simm.s32 $0xF980  }
0x526: {  	[tilespmem:s10], [sflag:$0x5] =	stream.indirect_vreg.gather [hbm4b:s3+s5], $0x80, v12, vm1, $0x2000b8;
	[tilespmem:$0x1A980] =	vst v63  }
0x527: {  	s12 =	simm.s32 $0x10180  }
0x528: {  	[tilespmem:s12], [sflag:$0x5] =	stream.indirect_vreg.gather [hbm4b:s3+s5], $0x80, v11, vm1, $0x2000b8;
	[tilespmem:$0x1A980] =	vst v63  }
0x529: {  	v11 =	vld [tilespmem:s1+$0x38A0];
	_ =	sdelay $0x4  }
0x52a: {  	v62 =	vshll.u32 v11, $0x1  }
0x52b: {  	v11 =	vand.u32 $0x7, v11;
	v12 =	vand.u32 $0xFFFFFFF0, v62  }
0x52c: {  	v11 =	vor.u32 v11, v12  }
0x52d: {  	v12 =	vperm.xlane v11, v5;
	_ =	sdelay $0x1  }
0x52e: {  	v11 =	vperm.xlane v11, v9;
	v12 =	vadd.s32 v8, v12;
	_ =	sdelay $0x1  }
0x52f: {  	v11 =	vadd.s32 v8, v11;
	_ =	sdelay $0x1  }
0x530: {  	s13 =	simm.s32 $0x10980  }
0x531: {  	[tilespmem:s13], [sflag:$0x5] =	stream.indirect_vreg.gather [hbm4b:s3+s5], $0x80, v12, vm1, $0x2000b8;
	[tilespmem:$0x1A980] =	vst v63  }
0x532: {  	s17 =	simm.s32 $0x11180  }
0x533: {  	[tilespmem:s17], [sflag:$0x5] =	stream.indirect_vreg.gather [hbm4b:s3+s5], $0x80, v11, vm1, $0x2000b8;
	[tilespmem:$0x1A980] =	vst v63  }
0x534: {  	v11 =	vld [tilespmem:s1+$0x38B0];
	_ =	sdelay $0x4  }
0x535: {  	v63 =	vshll.u32 v11, $0x1  }
0x536: {  	v11 =	vand.u32 $0x7, v11;
	v12 =	vand.u32 $0xFFFFFFF0, v63  }
0x537: {  	v11 =	vor.u32 v11, v12  }
0x538: {  	v12 =	vperm.xlane v11, v5;
	_ =	sdelay $0x1  }
0x539: {  	v11 =	vperm.xlane v11, v9;
	v12 =	vadd.s32 v8, v12;
	_ =	sdelay $0x1  }
0x53a: {  	v11 =	vadd.s32 v8, v11;
	_ =	sdelay $0x1  }
0x53b: {  	s19 =	simm.s32 $0x11980  }
0x53c: {  	[tilespmem:s19], [sflag:$0x5] =	stream.indirect_vreg.gather [hbm4b:s3+s5], $0x80, v12, vm1, $0x2000b8;
	[tilespmem:$0x1A980] =	vst v63  }
0x53d: {  	s20 =	simm.s32 $0x12180  }
0x53e: {  	[tilespmem:s20], [sflag:$0x5] =	stream.indirect_vreg.gather [hbm4b:s3+s5], $0x80, v11, vm1, $0x2000b8;
	[tilespmem:$0x1A980] =	vst v63  }
.LBB2_75:
0x53f: {  	s19 =	sshll.u32 s2, $0x6  }
0x540: {  	v12 =	vld [tilespmem:s19+$0x5100];
	_ =	sdelay $0x1  }
0x541: {  	v11 =	vmul.u32 $0xFFFFFFFF, v3;
	_ =	sdelay $0x1  }
0x542: {  	v11 =	vadd.s32 $0x1F, v11  }
0x543: {  	v12 =	vshrl.u32 v12, v11  }
0x544: {  	v12 =	vand.u32 v10, v12  }
0x545: {  	(xrf0) =	vadd.scan.msk.s32 $0xffff, v12;
	_ =	sdelay $0x5  }
0x546: {  	v12, _, _ =	vpop (xrf0)  }
0x547: {  	(v2sf) =	vpush v12, $0xF;
	_ =	sdelay $0xe  }
0x548: {  	s2 =	spop (v2sf)  }
0x549: {  	p1 =	seq.s32 s2, $0x0  }
.Ltmp41:
0x54a: {  	_ = 	snop;
	(pc) =	sbr.rel @p1 .LBB2_79-.Ltmp41, $2  }
0x54b: {  	_ =	sdelay $0x2  }
0x54c: {  	s10 =	simm.s32 $0x0  }
0x54d: {  	s1 =	sshrl.u32 s2, $0x0  }
0x54e: {  	s1 =	sand.u32 $0x1, s1  }
0x54f: {  	p1 =	seq.s32 s1, $0x0  }
0x550: {  	s1 =	sand.u32 @!p1 $0x800, s10;
	s4 =	sand.u32 @!p1 $0x380, s10  }
0x551: {  	v12 =	vimm.f32 @!p1 $0.0e+00;
	s1 =	sor.u32 @!p1 s4, s1;
	p1 =	por p1, p1  }
0x552: {  	s13 =	sadd.s32 @!p1 $0x12980, s1;
	[tilespmem:s1+$0x12980] =	vst @!p1 v12  }
0x553: {  	[tilespmem:s13+$0x10] =	vst @!p1 v12  }
0x554: {  	[tilespmem:s13+$0x20] =	vst @!p1 v12  }
0x555: {  	[tilespmem:s13+$0x30] =	vst @!p1 v12  }
0x556: {  	[tilespmem:s13+$0x40] =	vst @!p1 v12  }
0x557: {  	[tilespmem:s13+$0x50] =	vst @!p1 v12  }
0x558: {  	[tilespmem:s13+$0x60] =	vst @!p1 v12  }
0x559: {  	[tilespmem:s13+$0x70] =	vst @!p1 v12  }
0x55a: {  	[tilespmem:s13+$0x400] =	vst @!p1 v12  }
0x55b: {  	[tilespmem:s13+$0x410] =	vst @!p1 v12  }
0x55c: {  	s17 =	simm.s32 $0x80;
	s20 =	simm.s32 $0x1;
	[tilespmem:s13+$0x420] =	vst @!p1 v12  }
.LBB2_77:
0x55d: {  	s1 =	sshrl.u32 s2, s20;
	[tilespmem:s13+$0x430] =	vst @!p1 v12;
	s4 =	smov.u32 s17;
	s17 =	sadd.s32 $0x80, s17  }
0x55e: {  	s1 =	sand.u32 $0x1, s1;
	p2 =	sne.s32 s17, $0x800;
	[tilespmem:s13+$0x440] =	vst @!p1 v12  }
0x55f: {  	s10 =	sadd.s32 $0x100, s10;
	p3 =	seq.s32 s1, $0x0;
	[tilespmem:s13+$0x450] =	vst @!p1 v12  }
0x560: {  	s1 =	sand.u32 @!p3 $0x800, s10;
	s4 =	sand.u32 @!p3 $0x380, s4;
	[tilespmem:s13+$0x460] =	vst @!p1 v12  }
0x561: {  	s1 =	sor.u32 @!p3 s4, s1;
	[tilespmem:s13+$0x470] =	vst @!p1 v12;
	v12 =	vimm.f32 @!p3 $0.0e+00;
	p1 =	por p3, p3  }
0x562: {  	s13 =	sadd.s32 @!p1 $0x12980, s1;
	[tilespmem:s1+$0x12980] =	vst @!p1 v12  }
0x563: {  	[tilespmem:s13+$0x10] =	vst @!p1 v12  }
0x564: {  	[tilespmem:s13+$0x20] =	vst @!p1 v12  }
0x565: {  	[tilespmem:s13+$0x30] =	vst @!p1 v12  }
0x566: {  	[tilespmem:s13+$0x40] =	vst @!p1 v12  }
0x567: {  	[tilespmem:s13+$0x50] =	vst @!p1 v12  }
.Ltmp42:
0x568: {  	[tilespmem:s13+$0x60] =	vst @!p1 v12;
	(pc) =	sbr.rel @p2 .LBB2_77-.Ltmp42, $4  }
0x569: {  	[tilespmem:s13+$0x70] =	vst @!p1 v12  }
0x56a: {  	[tilespmem:s13+$0x400] =	vst @!p1 v12  }
0x56b: {  	[tilespmem:s13+$0x410] =	vst @!p1 v12  }
0x56c: {  	s20 =	sadd.s32 $0x1, s20;
	[tilespmem:s13+$0x420] =	vst @!p1 v12  }
0x56d: {  	[tilespmem:s13+$0x430] =	vst @!p1 v12  }
0x56e: {  	[tilespmem:s13+$0x440] =	vst @!p1 v12  }
0x56f: {  	[tilespmem:s13+$0x450] =	vst @!p1 v12  }
0x570: {  	[tilespmem:s13+$0x460] =	vst @!p1 v12  }
0x571: {  	[tilespmem:s13+$0x470] =	vst @!p1 v12  }
.LBB2_79:
0x572: {  	v12 =	vld [tilespmem:s19+$0x5110];
	_ =	sdelay $0x4  }
0x573: {  	v12 =	vshrl.u32 v12, v11  }
0x574: {  	v12 =	vand.u32 v10, v12  }
0x575: {  	(xrf0) =	vadd.scan.msk.s32 $0xffff, v12;
	_ =	sdelay $0x5  }
0x576: {  	v12, _, _ =	vpop (xrf0)  }
0x577: {  	(v2sf) =	vpush v12, $0xF;
	_ =	sdelay $0xe  }
0x578: {  	s2 =	spop (v2sf)  }
0x579: {  	p1 =	seq.s32 s2, $0x0  }
.Ltmp43:
0x57a: {  	_ = 	snop;
	(pc) =	sbr.rel @p1 .LBB2_83-.Ltmp43, $2  }
0x57b: {  	_ =	sdelay $0x2  }
0x57c: {  	s10 =	simm.s32 $0x0  }
0x57d: {  	s1 =	sshrl.u32 s2, $0x0  }
0x57e: {  	s1 =	sand.u32 $0x1, s1  }
0x57f: {  	p1 =	seq.s32 s1, $0x0  }
0x580: {  	s1 =	sand.u32 @!p1 $0x800, s10;
	s4 =	sand.u32 @!p1 $0x380, s10  }
0x581: {  	s4 =	sor.u32 @!p1 s4, s1  }
0x582: {  	v12 =	vimm.f32 @!p1 $0.0e+00;
	s4 =	sadd.s32 @!p1 $0x12980, s4;
	p1 =	por p1, p1  }
0x583: {  	[tilespmem:s4+$0x1000] =	vst @!p1 v12  }
0x584: {  	[tilespmem:s4+$0x1010] =	vst @!p1 v12  }
0x585: {  	[tilespmem:s4+$0x1020] =	vst @!p1 v12  }
0x586: {  	[tilespmem:s4+$0x1030] =	vst @!p1 v12  }
0x587: {  	[tilespmem:s4+$0x1040] =	vst @!p1 v12  }
0x588: {  	[tilespmem:s4+$0x1050] =	vst @!p1 v12  }
0x589: {  	[tilespmem:s4+$0x1060] =	vst @!p1 v12;
	s1 =	sor.u32 @!p1 s1, s10  }
0x58a: {  	[tilespmem:s4+$0x1070] =	vst @!p1 v12;
	s20 =	sor.u32 @!p1 $0x1400, s1  }
0x58b: {  	[tilespmem:s20+$0x129F0] =	vst @!p1 v12  }
0x58c: {  	s13 =	simm.s32 $0x80;
	s17 =	simm.s32 $0x1;
	[tilespmem:s20+$0x12980] =	vst @!p1 v12  }
.LBB2_81:
0x58d: {  	s1 =	sshrl.u32 s2, s17;
	[tilespmem:s20+$0x12990] =	vst @!p1 v12;
	s4 =	smov.u32 s13  }
0x58e: {  	s1 =	sand.u32 $0x1, s1;
	[tilespmem:s20+$0x129A0] =	vst @!p1 v12  }
0x58f: {  	s10 =	sadd.s32 $0x100, s10;
	p2 =	seq.s32 s1, $0x0;
	[tilespmem:s20+$0x129B0] =	vst @!p1 v12  }
0x590: {  	s1 =	sand.u32 @!p2 $0x800, s10;
	s12 =	sand.u32 @!p2 $0x380, s13;
	[tilespmem:s20+$0x129C0] =	vst @!p1 v12  }
0x591: {  	s12 =	sor.u32 @!p2 s12, s1;
	[tilespmem:s20+$0x129D0] =	vst @!p1 v12  }
0x592: {  	s12 =	sadd.s32 @!p2 $0x12980, s12;
	[tilespmem:s20+$0x129E0] =	vst @!p1 v12;
	v12 =	vimm.f32 @!p2 $0.0e+00;
	p1 =	por p2, p2  }
0x593: {  	[tilespmem:s12+$0x1000] =	vst @!p1 v12  }
0x594: {  	[tilespmem:s12+$0x1010] =	vst @!p1 v12  }
0x595: {  	s13 =	sadd.s32 $0x80, s13;
	[tilespmem:s12+$0x1020] =	vst @!p1 v12  }
0x596: {  	p2 =	sne.s32 s13, $0x800;
	[tilespmem:s12+$0x1030] =	vst @!p1 v12  }
0x597: {  	[tilespmem:s12+$0x1040] =	vst @!p1 v12  }
.Ltmp44:
0x598: {  	[tilespmem:s12+$0x1050] =	vst @!p1 v12;
	(pc) =	sbr.rel @p2 .LBB2_81-.Ltmp44, $4  }
0x599: {  	s1 =	sor.u32 @!p1 s1, s4;
	[tilespmem:s12+$0x1060] =	vst @!p1 v12  }
0x59a: {  	s20 =	sor.u32 @!p1 $0x1400, s1;
	[tilespmem:s12+$0x1070] =	vst @!p1 v12  }
0x59b: {  	[tilespmem:s20+$0x129F0] =	vst @!p1 v12  }
0x59c: {  	s17 =	sadd.s32 $0x1, s17;
	[tilespmem:s20+$0x12980] =	vst @!p1 v12  }
0x59d: {  	[tilespmem:s20+$0x12990] =	vst @!p1 v12  }
0x59e: {  	[tilespmem:s20+$0x129A0] =	vst @!p1 v12  }
0x59f: {  	[tilespmem:s20+$0x129B0] =	vst @!p1 v12  }
0x5a0: {  	[tilespmem:s20+$0x129C0] =	vst @!p1 v12  }
0x5a1: {  	[tilespmem:s20+$0x129D0] =	vst @!p1 v12  }
0x5a2: {  	[tilespmem:s20+$0x129E0] =	vst @!p1 v12  }
.LBB2_83:
0x5a3: {  	v12 =	vld [tilespmem:s19+$0x5120];
	_ =	sdelay $0x4  }
0x5a4: {  	v12 =	vshrl.u32 v12, v11  }
0x5a5: {  	v12 =	vand.u32 v10, v12  }
0x5a6: {  	(xrf0) =	vadd.scan.msk.s32 $0xffff, v12;
	_ =	sdelay $0x5  }
0x5a7: {  	v12, _, _ =	vpop (xrf0)  }
0x5a8: {  	(v2sf) =	vpush v12, $0xF;
	_ =	sdelay $0xe  }
0x5a9: {  	s2 =	spop (v2sf)  }
0x5aa: {  	p1 =	seq.s32 s2, $0x0  }
.Ltmp45:
0x5ab: {  	_ = 	snop;
	(pc) =	sbr.rel @p1 .LBB2_87-.Ltmp45, $2  }
0x5ac: {  	_ =	sdelay $0x2  }
0x5ad: {  	s10 =	simm.s32 $0x0  }
0x5ae: {  	s1 =	sshrl.u32 s2, $0x0  }
0x5af: {  	s1 =	sand.u32 $0x1, s1  }
0x5b0: {  	p1 =	seq.s32 s1, $0x0  }
0x5b1: {  	s1 =	sand.u32 @!p1 $0x800, s10;
	s4 =	sand.u32 @!p1 $0x380, s10  }
0x5b2: {  	s4 =	sor.u32 @!p1 s4, s1  }
0x5b3: {  	v12 =	vimm.f32 @!p1 $0.0e+00;
	s4 =	sadd.s32 @!p1 $0x12980, s4;
	p1 =	por p1, p1  }
0x5b4: {  	[tilespmem:s4+$0x2000] =	vst @!p1 v12  }
0x5b5: {  	[tilespmem:s4+$0x2010] =	vst @!p1 v12  }
0x5b6: {  	[tilespmem:s4+$0x2020] =	vst @!p1 v12  }
0x5b7: {  	[tilespmem:s4+$0x2030] =	vst @!p1 v12  }
0x5b8: {  	[tilespmem:s4+$0x2040] =	vst @!p1 v12  }
0x5b9: {  	[tilespmem:s4+$0x2050] =	vst @!p1 v12  }
0x5ba: {  	[tilespmem:s4+$0x2060] =	vst @!p1 v12;
	s1 =	sor.u32 @!p1 s1, s10  }
0x5bb: {  	[tilespmem:s4+$0x2070] =	vst @!p1 v12;
	s20 =	sor.u32 @!p1 $0x2400, s1  }
0x5bc: {  	[tilespmem:s20+$0x129F0] =	vst @!p1 v12  }
0x5bd: {  	s13 =	simm.s32 $0x80;
	s17 =	simm.s32 $0x1;
	[tilespmem:s20+$0x12980] =	vst @!p1 v12  }
.LBB2_85:
0x5be: {  	s1 =	sshrl.u32 s2, s17;
	[tilespmem:s20+$0x12990] =	vst @!p1 v12;
	s4 =	smov.u32 s13  }
0x5bf: {  	s1 =	sand.u32 $0x1, s1;
	[tilespmem:s20+$0x129A0] =	vst @!p1 v12  }
0x5c0: {  	s10 =	sadd.s32 $0x100, s10;
	p2 =	seq.s32 s1, $0x0;
	[tilespmem:s20+$0x129B0] =	vst @!p1 v12  }
0x5c1: {  	s1 =	sand.u32 @!p2 $0x800, s10;
	s12 =	sand.u32 @!p2 $0x380, s13;
	[tilespmem:s20+$0x129C0] =	vst @!p1 v12  }
0x5c2: {  	s12 =	sor.u32 @!p2 s12, s1;
	[tilespmem:s20+$0x129D0] =	vst @!p1 v12  }
0x5c3: {  	s12 =	sadd.s32 @!p2 $0x12980, s12;
	[tilespmem:s20+$0x129E0] =	vst @!p1 v12;
	v12 =	vimm.f32 @!p2 $0.0e+00;
	p1 =	por p2, p2  }
0x5c4: {  	[tilespmem:s12+$0x2000] =	vst @!p1 v12  }
0x5c5: {  	[tilespmem:s12+$0x2010] =	vst @!p1 v12  }
0x5c6: {  	s13 =	sadd.s32 $0x80, s13;
	[tilespmem:s12+$0x2020] =	vst @!p1 v12  }
0x5c7: {  	p2 =	sne.s32 s13, $0x800;
	[tilespmem:s12+$0x2030] =	vst @!p1 v12  }
0x5c8: {  	[tilespmem:s12+$0x2040] =	vst @!p1 v12  }
.Ltmp46:
0x5c9: {  	[tilespmem:s12+$0x2050] =	vst @!p1 v12;
	(pc) =	sbr.rel @p2 .LBB2_85-.Ltmp46, $4  }
0x5ca: {  	s1 =	sor.u32 @!p1 s1, s4;
	[tilespmem:s12+$0x2060] =	vst @!p1 v12  }
0x5cb: {  	s20 =	sor.u32 @!p1 $0x2400, s1;
	[tilespmem:s12+$0x2070] =	vst @!p1 v12  }
0x5cc: {  	[tilespmem:s20+$0x129F0] =	vst @!p1 v12  }
0x5cd: {  	s17 =	sadd.s32 $0x1, s17;
	[tilespmem:s20+$0x12980] =	vst @!p1 v12  }
0x5ce: {  	[tilespmem:s20+$0x12990] =	vst @!p1 v12  }
0x5cf: {  	[tilespmem:s20+$0x129A0] =	vst @!p1 v12  }
0x5d0: {  	[tilespmem:s20+$0x129B0] =	vst @!p1 v12  }
0x5d1: {  	[tilespmem:s20+$0x129C0] =	vst @!p1 v12  }
0x5d2: {  	[tilespmem:s20+$0x129D0] =	vst @!p1 v12  }
0x5d3: {  	[tilespmem:s20+$0x129E0] =	vst @!p1 v12  }
.LBB2_87:
0x5d4: {  	v12 =	vld [tilespmem:s19+$0x5130];
	_ =	sdelay $0x4  }
0x5d5: {  	v11 =	vshrl.u32 v12, v11  }
0x5d6: {  	v11 =	vand.u32 v10, v11  }
0x5d7: {  	(xrf0) =	vadd.scan.msk.s32 $0xffff, v11;
	_ =	sdelay $0x5  }
0x5d8: {  	v11, _, _ =	vpop (xrf0)  }
0x5d9: {  	(v2sf) =	vpush v11, $0xF;
	_ =	sdelay $0xe  }
0x5da: {  	s2 =	spop (v2sf)  }
0x5db: {  	p1 =	seq.s32 s2, $0x0  }
.Ltmp47:
0x5dc: {  	_ = 	snop;
	(pc) =	sbr.rel @p1 .LBB2_91-.Ltmp47, $2  }
0x5dd: {  	_ =	sdelay $0x2  }
0x5de: {  	s10 =	simm.s32 $0x0  }
0x5df: {  	s1 =	sshrl.u32 s2, $0x0  }
0x5e0: {  	s1 =	sand.u32 $0x1, s1  }
0x5e1: {  	p1 =	seq.s32 s1, $0x0  }
0x5e2: {  	s1 =	sand.u32 @!p1 $0x800, s10;
	s4 =	sand.u32 @!p1 $0x380, s10  }
0x5e3: {  	s4 =	sor.u32 @!p1 s4, s1  }
0x5e4: {  	v11 =	vimm.f32 @!p1 $0.0e+00;
	s4 =	sadd.s32 @!p1 $0x12980, s4;
	p1 =	por p1, p1  }
0x5e5: {  	[tilespmem:s4+$0x3000] =	vst @!p1 v11  }
0x5e6: {  	[tilespmem:s4+$0x3010] =	vst @!p1 v11  }
0x5e7: {  	[tilespmem:s4+$0x3020] =	vst @!p1 v11  }
0x5e8: {  	[tilespmem:s4+$0x3030] =	vst @!p1 v11  }
0x5e9: {  	[tilespmem:s4+$0x3040] =	vst @!p1 v11  }
0x5ea: {  	[tilespmem:s4+$0x3050] =	vst @!p1 v11  }
0x5eb: {  	[tilespmem:s4+$0x3060] =	vst @!p1 v11;
	s1 =	sor.u32 @!p1 s1, s10  }
0x5ec: {  	[tilespmem:s4+$0x3070] =	vst @!p1 v11;
	s20 =	sor.u32 @!p1 $0x3400, s1  }
0x5ed: {  	[tilespmem:s20+$0x129F0] =	vst @!p1 v11  }
0x5ee: {  	s13 =	simm.s32 $0x80;
	s17 =	simm.s32 $0x1;
	[tilespmem:s20+$0x12980] =	vst @!p1 v11  }
.LBB2_89:
0x5ef: {  	s1 =	sshrl.u32 s2, s17;
	[tilespmem:s20+$0x12990] =	vst @!p1 v11;
	s4 =	smov.u32 s13  }
0x5f0: {  	s1 =	sand.u32 $0x1, s1;
	[tilespmem:s20+$0x129A0] =	vst @!p1 v11  }
0x5f1: {  	s10 =	sadd.s32 $0x100, s10;
	p2 =	seq.s32 s1, $0x0;
	[tilespmem:s20+$0x129B0] =	vst @!p1 v11  }
0x5f2: {  	s1 =	sand.u32 @!p2 $0x800, s10;
	s12 =	sand.u32 @!p2 $0x380, s13;
	[tilespmem:s20+$0x129C0] =	vst @!p1 v11  }
0x5f3: {  	s12 =	sor.u32 @!p2 s12, s1;
	[tilespmem:s20+$0x129D0] =	vst @!p1 v11  }
0x5f4: {  	s12 =	sadd.s32 @!p2 $0x12980, s12;
	[tilespmem:s20+$0x129E0] =	vst @!p1 v11;
	v11 =	vimm.f32 @!p2 $0.0e+00;
	p1 =	por p2, p2  }
0x5f5: {  	[tilespmem:s12+$0x3000] =	vst @!p1 v11  }
0x5f6: {  	[tilespmem:s12+$0x3010] =	vst @!p1 v11  }
0x5f7: {  	s13 =	sadd.s32 $0x80, s13;
	[tilespmem:s12+$0x3020] =	vst @!p1 v11  }
0x5f8: {  	p2 =	sne.s32 s13, $0x800;
	[tilespmem:s12+$0x3030] =	vst @!p1 v11  }
0x5f9: {  	[tilespmem:s12+$0x3040] =	vst @!p1 v11  }
.Ltmp48:
0x5fa: {  	[tilespmem:s12+$0x3050] =	vst @!p1 v11;
	(pc) =	sbr.rel @p2 .LBB2_89-.Ltmp48, $4  }
0x5fb: {  	s1 =	sor.u32 @!p1 s1, s4;
	[tilespmem:s12+$0x3060] =	vst @!p1 v11  }
0x5fc: {  	s20 =	sor.u32 @!p1 $0x3400, s1;
	[tilespmem:s12+$0x3070] =	vst @!p1 v11  }
0x5fd: {  	[tilespmem:s20+$0x129F0] =	vst @!p1 v11  }
0x5fe: {  	s17 =	sadd.s32 $0x1, s17;
	[tilespmem:s20+$0x12980] =	vst @!p1 v11  }
0x5ff: {  	[tilespmem:s20+$0x12990] =	vst @!p1 v11  }
0x600: {  	[tilespmem:s20+$0x129A0] =	vst @!p1 v11  }
0x601: {  	[tilespmem:s20+$0x129B0] =	vst @!p1 v11  }
0x602: {  	[tilespmem:s20+$0x129C0] =	vst @!p1 v11  }
0x603: {  	[tilespmem:s20+$0x129D0] =	vst @!p1 v11  }
0x604: {  	[tilespmem:s20+$0x129E0] =	vst @!p1 v11  }
.LBB2_91:
0x605: {  	s1 =	sadd.s32 s18, s19  }
0x606: {  	s1 =	sshll.u32 s1, $0x5  }
0x607: {  	s4 =	simm.s32 $0x12980;
	s2 =	sadd.s32 s6, s1  }
0x608: {  	[hbm4b:s2+s9] =	stream.strided.scatter [tilespmem:s4], [sflag:$0xB], $0x2000, s16, s9, $0x200038;
	[tilespmem:$0x1A980] =	vst v63  }
0x609: {  	s20 =	simm.s32 $0x14980;
	s1 =	sadd.s32 s1, s8  }
0x60a: {  	[hbm4b:s1+s9] =	stream.strided.scatter [tilespmem:s20], [sflag:$0xB], $0x2000, s16, s9, $0x200038;
	[tilespmem:$0x1A980] =	vst v63  }
.LBB2_92:
.Ltmp49:
0x60b: {  	(pc) =	sbr.rel @p0 .LBB2_112-.Ltmp49, $1  }
0x60c: {  	_ =	sdelay $0x3  }
0x60d: {  	s2 =	sadd.s32 $0x8, s15  }
0x60e: {  	p0 =	sge.u32 s2, s7  }
.Ltmp50:
0x60f: {  	_ = 	snop;
	(pc) =	sbr.rel @p0 .LBB2_95-.Ltmp50, $4  }
0x610: {  	s1 =	simm.s32 $0x7  }
0x611: {  	_ =	swait.ge [sflag:s1], $0x4000  }
0x612: {  	[sflag:s1] =	ssyncset.done $0x0  }
0x613: {  	[sflag:s1] =	ssyncadd.s32 $0xFFFFC000  }
0x614: {  	s4 =	simm.s32 $0xB  }
0x615: {  	_ =	swait.ge [sflag:s4], $0x2000  }
0x616: {  	[sflag:s4] =	ssyncset.done $0x0  }
0x617: {  	[sflag:s4] =	ssyncadd.s32 $0xFFFFE000  }
0x618: {  	_ =	swait.ge [sflag:s4], $0x2000  }
0x619: {  	s1 =	sshll.u32 s2, $0x6;
	[sflag:s4] =	ssyncset.done $0x0  }
0x61a: {  	s1 =	sand.u32 $0x3FFFFFC0, s1;
	[sflag:s4] =	ssyncadd.s32 $0xFFFFE000  }
0x61b: {  	v11 =	vld [tilespmem:s1+$0x3880];
	_ =	sdelay $0x4  }
0x61c: {  	v12 =	vshll.u32 v11, $0x1  }
0x61d: {  	v11 =	vand.u32 $0x7, v11;
	v12 =	vand.u32 $0xFFFFFFF0, v12  }
0x61e: {  	v11 =	vor.u32 v11, v12  }
0x61f: {  	v12 =	vperm.xlane v11, v5;
	_ =	sdelay $0x1  }
0x620: {  	v11 =	vperm.xlane v11, v9;
	v12 =	vadd.s32 v8, v12;
	_ =	sdelay $0x1  }
0x621: {  	v11 =	vadd.s32 v8, v11;
	_ =	sdelay $0x1  }
0x622: {  	s4 =	simm.s32 $0x12980  }
0x623: {  	[tilespmem:s4], [sflag:$0x6] =	stream.indirect_vreg.gather [hbm4b:s3+s5], $0x80, v12, vm1, $0x2000b8;
	[tilespmem:$0x1A980] =	vst v63  }
0x624: {  	s10 =	simm.s32 $0x13180  }
0x625: {  	[tilespmem:s10], [sflag:$0x6] =	stream.indirect_vreg.gather [hbm4b:s3+s5], $0x80, v11, vm1, $0x2000b8;
	[tilespmem:$0x1A980] =	vst v63  }
0x626: {  	v11 =	vld [tilespmem:s1+$0x3890];
	_ =	sdelay $0x4  }
0x627: {  	v61 =	vshll.u32 v11, $0x1  }
0x628: {  	v11 =	vand.u32 $0x7, v11;
	v12 =	vand.u32 $0xFFFFFFF0, v61  }
0x629: {  	v11 =	vor.u32 v11, v12  }
0x62a: {  	v12 =	vperm.xlane v11, v5;
	_ =	sdelay $0x1  }
0x62b: {  	v11 =	vperm.xlane v11, v9;
	v12 =	vadd.s32 v8, v12;
	_ =	sdelay $0x1  }
0x62c: {  	v11 =	vadd.s32 v8, v11;
	_ =	sdelay $0x1  }
0x62d: {  	s12 =	simm.s32 $0x13980  }
0x62e: {  	[tilespmem:s12], [sflag:$0x6] =	stream.indirect_vreg.gather [hbm4b:s3+s5], $0x80, v12, vm1, $0x2000b8;
	[tilespmem:$0x1A980] =	vst v63  }
0x62f: {  	s13 =	simm.s32 $0x14180  }
0x630: {  	[tilespmem:s13], [sflag:$0x6] =	stream.indirect_vreg.gather [hbm4b:s3+s5], $0x80, v11, vm1, $0x2000b8;
	[tilespmem:$0x1A980] =	vst v63  }
0x631: {  	v11 =	vld [tilespmem:s1+$0x38A0];
	_ =	sdelay $0x4  }
0x632: {  	v62 =	vshll.u32 v11, $0x1  }
0x633: {  	v11 =	vand.u32 $0x7, v11;
	v12 =	vand.u32 $0xFFFFFFF0, v62  }
0x634: {  	v11 =	vor.u32 v11, v12  }
0x635: {  	v12 =	vperm.xlane v11, v5;
	_ =	sdelay $0x1  }
0x636: {  	v11 =	vperm.xlane v11, v9;
	v12 =	vadd.s32 v8, v12;
	_ =	sdelay $0x1  }
0x637: {  	v11 =	vadd.s32 v8, v11;
	_ =	sdelay $0x1  }
0x638: {  	s15 =	simm.s32 $0x14980  }
0x639: {  	[tilespmem:s15], [sflag:$0x6] =	stream.indirect_vreg.gather [hbm4b:s3+s5], $0x80, v12, vm1, $0x2000b8;
	[tilespmem:$0x1A980] =	vst v63  }
0x63a: {  	s17 =	simm.s32 $0x15180  }
0x63b: {  	[tilespmem:s17], [sflag:$0x6] =	stream.indirect_vreg.gather [hbm4b:s3+s5], $0x80, v11, vm1, $0x2000b8;
	[tilespmem:$0x1A980] =	vst v63  }
0x63c: {  	v11 =	vld [tilespmem:s1+$0x38B0];
	_ =	sdelay $0x4  }
0x63d: {  	v63 =	vshll.u32 v11, $0x1  }
0x63e: {  	v11 =	vand.u32 $0x7, v11;
	v12 =	vand.u32 $0xFFFFFFF0, v63  }
0x63f: {  	v11 =	vor.u32 v11, v12  }
0x640: {  	v12 =	vperm.xlane v11, v5;
	_ =	sdelay $0x1  }
0x641: {  	v11 =	vperm.xlane v11, v9;
	v12 =	vadd.s32 v8, v12;
	_ =	sdelay $0x1  }
0x642: {  	v11 =	vadd.s32 v8, v11;
	_ =	sdelay $0x1  }
0x643: {  	s19 =	simm.s32 $0x15980  }
0x644: {  	[tilespmem:s19], [sflag:$0x6] =	stream.indirect_vreg.gather [hbm4b:s3+s5], $0x80, v12, vm1, $0x2000b8;
	[tilespmem:$0x1A980] =	vst v63  }
0x645: {  	s20 =	simm.s32 $0x16180  }
0x646: {  	[tilespmem:s20], [sflag:$0x6] =	stream.indirect_vreg.gather [hbm4b:s3+s5], $0x80, v11, vm1, $0x2000b8;
	[tilespmem:$0x1A980] =	vst v63  }
.LBB2_95:
0x647: {  	s11 =	sshll.u32 s11, $0x6  }
0x648: {  	v12 =	vld [tilespmem:s11+$0x5100];
	_ =	sdelay $0x1  }
0x649: {  	v11 =	vmul.u32 $0xFFFFFFFF, v3;
	_ =	sdelay $0x1  }
0x64a: {  	v11 =	vadd.s32 $0x1F, v11  }
0x64b: {  	v12 =	vshrl.u32 v12, v11  }
0x64c: {  	v12 =	vand.u32 v10, v12  }
0x64d: {  	(xrf0) =	vadd.scan.msk.s32 $0xffff, v12;
	_ =	sdelay $0x5  }
0x64e: {  	v12, _, _ =	vpop (xrf0)  }
0x64f: {  	(v2sf) =	vpush v12, $0xF;
	_ =	sdelay $0xe  }
0x650: {  	s2 =	spop (v2sf)  }
0x651: {  	p0 =	seq.s32 s2, $0x0  }
.Ltmp51:
0x652: {  	_ = 	snop;
	(pc) =	sbr.rel @p0 .LBB2_99-.Ltmp51, $2  }
0x653: {  	_ =	sdelay $0x2  }
0x654: {  	s10 =	simm.s32 $0x0  }
0x655: {  	s1 =	sshrl.u32 s2, $0x0  }
0x656: {  	s1 =	sand.u32 $0x1, s1  }
0x657: {  	p0 =	seq.s32 s1, $0x0  }
0x658: {  	s1 =	sand.u32 @!p0 $0x800, s10;
	s4 =	sand.u32 @!p0 $0x380, s10  }
0x659: {  	v12 =	vimm.f32 @!p0 $0.0e+00;
	s1 =	sor.u32 @!p0 s4, s1;
	p0 =	por p0, p0  }
0x65a: {  	s13 =	sadd.s32 @!p0 $0x16980, s1;
	[tilespmem:s1+$0x16980] =	vst @!p0 v12  }
0x65b: {  	[tilespmem:s13+$0x10] =	vst @!p0 v12  }
0x65c: {  	[tilespmem:s13+$0x20] =	vst @!p0 v12  }
0x65d: {  	[tilespmem:s13+$0x30] =	vst @!p0 v12  }
0x65e: {  	[tilespmem:s13+$0x40] =	vst @!p0 v12  }
0x65f: {  	[tilespmem:s13+$0x50] =	vst @!p0 v12  }
0x660: {  	[tilespmem:s13+$0x60] =	vst @!p0 v12  }
0x661: {  	[tilespmem:s13+$0x70] =	vst @!p0 v12  }
0x662: {  	[tilespmem:s13+$0x400] =	vst @!p0 v12  }
0x663: {  	[tilespmem:s13+$0x410] =	vst @!p0 v12  }
0x664: {  	s15 =	simm.s32 $0x80;
	s17 =	simm.s32 $0x1;
	[tilespmem:s13+$0x420] =	vst @!p0 v12  }
.LBB2_97:
0x665: {  	s1 =	sshrl.u32 s2, s17;
	[tilespmem:s13+$0x430] =	vst @!p0 v12;
	s4 =	smov.u32 s15;
	s15 =	sadd.s32 $0x80, s15  }
0x666: {  	s1 =	sand.u32 $0x1, s1;
	p1 =	sne.s32 s15, $0x800;
	[tilespmem:s13+$0x440] =	vst @!p0 v12  }
0x667: {  	s10 =	sadd.s32 $0x100, s10;
	p2 =	seq.s32 s1, $0x0;
	[tilespmem:s13+$0x450] =	vst @!p0 v12  }
0x668: {  	s1 =	sand.u32 @!p2 $0x800, s10;
	s4 =	sand.u32 @!p2 $0x380, s4;
	[tilespmem:s13+$0x460] =	vst @!p0 v12  }
0x669: {  	s1 =	sor.u32 @!p2 s4, s1;
	[tilespmem:s13+$0x470] =	vst @!p0 v12;
	v12 =	vimm.f32 @!p2 $0.0e+00;
	p0 =	por p2, p2  }
0x66a: {  	s13 =	sadd.s32 @!p0 $0x16980, s1;
	[tilespmem:s1+$0x16980] =	vst @!p0 v12  }
0x66b: {  	[tilespmem:s13+$0x10] =	vst @!p0 v12  }
0x66c: {  	[tilespmem:s13+$0x20] =	vst @!p0 v12  }
0x66d: {  	[tilespmem:s13+$0x30] =	vst @!p0 v12  }
0x66e: {  	[tilespmem:s13+$0x40] =	vst @!p0 v12  }
0x66f: {  	[tilespmem:s13+$0x50] =	vst @!p0 v12  }
.Ltmp52:
0x670: {  	[tilespmem:s13+$0x60] =	vst @!p0 v12;
	(pc) =	sbr.rel @p1 .LBB2_97-.Ltmp52, $4  }
0x671: {  	[tilespmem:s13+$0x70] =	vst @!p0 v12  }
0x672: {  	[tilespmem:s13+$0x400] =	vst @!p0 v12  }
0x673: {  	[tilespmem:s13+$0x410] =	vst @!p0 v12  }
0x674: {  	s17 =	sadd.s32 $0x1, s17;
	[tilespmem:s13+$0x420] =	vst @!p0 v12  }
0x675: {  	[tilespmem:s13+$0x430] =	vst @!p0 v12  }
0x676: {  	[tilespmem:s13+$0x440] =	vst @!p0 v12  }
0x677: {  	[tilespmem:s13+$0x450] =	vst @!p0 v12  }
0x678: {  	[tilespmem:s13+$0x460] =	vst @!p0 v12  }
0x679: {  	[tilespmem:s13+$0x470] =	vst @!p0 v12  }
.LBB2_99:
0x67a: {  	v12 =	vld [tilespmem:s11+$0x5110];
	_ =	sdelay $0x4  }
0x67b: {  	v12 =	vshrl.u32 v12, v11  }
0x67c: {  	v12 =	vand.u32 v10, v12  }
0x67d: {  	(xrf0) =	vadd.scan.msk.s32 $0xffff, v12;
	_ =	sdelay $0x5  }
0x67e: {  	v12, _, _ =	vpop (xrf0)  }
0x67f: {  	(v2sf) =	vpush v12, $0xF;
	_ =	sdelay $0xe  }
0x680: {  	s2 =	spop (v2sf)  }
0x681: {  	p0 =	seq.s32 s2, $0x0  }
.Ltmp53:
0x682: {  	_ = 	snop;
	(pc) =	sbr.rel @p0 .LBB2_103-.Ltmp53, $2  }
0x683: {  	_ =	sdelay $0x2  }
0x684: {  	s10 =	simm.s32 $0x0  }
0x685: {  	s1 =	sshrl.u32 s2, $0x0  }
0x686: {  	s1 =	sand.u32 $0x1, s1  }
0x687: {  	p0 =	seq.s32 s1, $0x0  }
0x688: {  	s1 =	sand.u32 @!p0 $0x800, s10;
	s4 =	sand.u32 @!p0 $0x380, s10  }
0x689: {  	s4 =	sor.u32 @!p0 s4, s1  }
0x68a: {  	v12 =	vimm.f32 @!p0 $0.0e+00;
	s4 =	sadd.s32 @!p0 $0x16980, s4;
	p0 =	por p0, p0  }
0x68b: {  	[tilespmem:s4+$0x1000] =	vst @!p0 v12  }
0x68c: {  	[tilespmem:s4+$0x1010] =	vst @!p0 v12  }
0x68d: {  	[tilespmem:s4+$0x1020] =	vst @!p0 v12  }
0x68e: {  	[tilespmem:s4+$0x1030] =	vst @!p0 v12  }
0x68f: {  	[tilespmem:s4+$0x1040] =	vst @!p0 v12  }
0x690: {  	[tilespmem:s4+$0x1050] =	vst @!p0 v12  }
0x691: {  	[tilespmem:s4+$0x1060] =	vst @!p0 v12;
	s1 =	sor.u32 @!p0 s1, s10  }
0x692: {  	[tilespmem:s4+$0x1070] =	vst @!p0 v12;
	s17 =	sor.u32 @!p0 $0x1400, s1  }
0x693: {  	[tilespmem:s17+$0x169F0] =	vst @!p0 v12  }
0x694: {  	s13 =	simm.s32 $0x80;
	s15 =	simm.s32 $0x1;
	[tilespmem:s17+$0x16980] =	vst @!p0 v12  }
.LBB2_101:
0x695: {  	s1 =	sshrl.u32 s2, s15;
	[tilespmem:s17+$0x16990] =	vst @!p0 v12;
	s4 =	smov.u32 s13  }
0x696: {  	s1 =	sand.u32 $0x1, s1;
	[tilespmem:s17+$0x169A0] =	vst @!p0 v12  }
0x697: {  	s10 =	sadd.s32 $0x100, s10;
	p1 =	seq.s32 s1, $0x0;
	[tilespmem:s17+$0x169B0] =	vst @!p0 v12  }
0x698: {  	s1 =	sand.u32 @!p1 $0x800, s10;
	s12 =	sand.u32 @!p1 $0x380, s13;
	[tilespmem:s17+$0x169C0] =	vst @!p0 v12  }
0x699: {  	s12 =	sor.u32 @!p1 s12, s1;
	[tilespmem:s17+$0x169D0] =	vst @!p0 v12  }
0x69a: {  	s12 =	sadd.s32 @!p1 $0x16980, s12;
	[tilespmem:s17+$0x169E0] =	vst @!p0 v12;
	v12 =	vimm.f32 @!p1 $0.0e+00;
	p0 =	por p1, p1  }
0x69b: {  	[tilespmem:s12+$0x1000] =	vst @!p0 v12  }
0x69c: {  	[tilespmem:s12+$0x1010] =	vst @!p0 v12  }
0x69d: {  	s13 =	sadd.s32 $0x80, s13;
	[tilespmem:s12+$0x1020] =	vst @!p0 v12  }
0x69e: {  	p1 =	sne.s32 s13, $0x800;
	[tilespmem:s12+$0x1030] =	vst @!p0 v12  }
0x69f: {  	[tilespmem:s12+$0x1040] =	vst @!p0 v12  }
.Ltmp54:
0x6a0: {  	[tilespmem:s12+$0x1050] =	vst @!p0 v12;
	(pc) =	sbr.rel @p1 .LBB2_101-.Ltmp54, $4  }
0x6a1: {  	s1 =	sor.u32 @!p0 s1, s4;
	[tilespmem:s12+$0x1060] =	vst @!p0 v12  }
0x6a2: {  	s17 =	sor.u32 @!p0 $0x1400, s1;
	[tilespmem:s12+$0x1070] =	vst @!p0 v12  }
0x6a3: {  	[tilespmem:s17+$0x169F0] =	vst @!p0 v12  }
0x6a4: {  	s15 =	sadd.s32 $0x1, s15;
	[tilespmem:s17+$0x16980] =	vst @!p0 v12  }
0x6a5: {  	[tilespmem:s17+$0x16990] =	vst @!p0 v12  }
0x6a6: {  	[tilespmem:s17+$0x169A0] =	vst @!p0 v12  }
0x6a7: {  	[tilespmem:s17+$0x169B0] =	vst @!p0 v12  }
0x6a8: {  	[tilespmem:s17+$0x169C0] =	vst @!p0 v12  }
0x6a9: {  	[tilespmem:s17+$0x169D0] =	vst @!p0 v12  }
0x6aa: {  	[tilespmem:s17+$0x169E0] =	vst @!p0 v12  }
.LBB2_103:
0x6ab: {  	v12 =	vld [tilespmem:s11+$0x5120];
	_ =	sdelay $0x4  }
0x6ac: {  	v12 =	vshrl.u32 v12, v11  }
0x6ad: {  	v12 =	vand.u32 v10, v12  }
0x6ae: {  	(xrf0) =	vadd.scan.msk.s32 $0xffff, v12;
	_ =	sdelay $0x5  }
0x6af: {  	v12, _, _ =	vpop (xrf0)  }
0x6b0: {  	(v2sf) =	vpush v12, $0xF;
	_ =	sdelay $0xe  }
0x6b1: {  	s2 =	spop (v2sf)  }
0x6b2: {  	p0 =	seq.s32 s2, $0x0  }
.Ltmp55:
0x6b3: {  	_ = 	snop;
	(pc) =	sbr.rel @p0 .LBB2_107-.Ltmp55, $2  }
0x6b4: {  	_ =	sdelay $0x2  }
0x6b5: {  	s10 =	simm.s32 $0x0  }
0x6b6: {  	s1 =	sshrl.u32 s2, $0x0  }
0x6b7: {  	s1 =	sand.u32 $0x1, s1  }
0x6b8: {  	p0 =	seq.s32 s1, $0x0  }
0x6b9: {  	s1 =	sand.u32 @!p0 $0x800, s10;
	s4 =	sand.u32 @!p0 $0x380, s10  }
0x6ba: {  	s4 =	sor.u32 @!p0 s4, s1  }
0x6bb: {  	v12 =	vimm.f32 @!p0 $0.0e+00;
	s4 =	sadd.s32 @!p0 $0x16980, s4;
	p0 =	por p0, p0  }
0x6bc: {  	[tilespmem:s4+$0x2000] =	vst @!p0 v12  }
0x6bd: {  	[tilespmem:s4+$0x2010] =	vst @!p0 v12  }
0x6be: {  	[tilespmem:s4+$0x2020] =	vst @!p0 v12  }
0x6bf: {  	[tilespmem:s4+$0x2030] =	vst @!p0 v12  }
0x6c0: {  	[tilespmem:s4+$0x2040] =	vst @!p0 v12  }
0x6c1: {  	[tilespmem:s4+$0x2050] =	vst @!p0 v12  }
0x6c2: {  	[tilespmem:s4+$0x2060] =	vst @!p0 v12;
	s1 =	sor.u32 @!p0 s1, s10  }
0x6c3: {  	[tilespmem:s4+$0x2070] =	vst @!p0 v12;
	s17 =	sor.u32 @!p0 $0x2400, s1  }
0x6c4: {  	[tilespmem:s17+$0x169F0] =	vst @!p0 v12  }
0x6c5: {  	s13 =	simm.s32 $0x80;
	s15 =	simm.s32 $0x1;
	[tilespmem:s17+$0x16980] =	vst @!p0 v12  }
.LBB2_105:
0x6c6: {  	s1 =	sshrl.u32 s2, s15;
	[tilespmem:s17+$0x16990] =	vst @!p0 v12;
	s4 =	smov.u32 s13  }
0x6c7: {  	s1 =	sand.u32 $0x1, s1;
	[tilespmem:s17+$0x169A0] =	vst @!p0 v12  }
0x6c8: {  	s10 =	sadd.s32 $0x100, s10;
	p1 =	seq.s32 s1, $0x0;
	[tilespmem:s17+$0x169B0] =	vst @!p0 v12  }
0x6c9: {  	s1 =	sand.u32 @!p1 $0x800, s10;
	s12 =	sand.u32 @!p1 $0x380, s13;
	[tilespmem:s17+$0x169C0] =	vst @!p0 v12  }
0x6ca: {  	s12 =	sor.u32 @!p1 s12, s1;
	[tilespmem:s17+$0x169D0] =	vst @!p0 v12  }
0x6cb: {  	s12 =	sadd.s32 @!p1 $0x16980, s12;
	[tilespmem:s17+$0x169E0] =	vst @!p0 v12;
	v12 =	vimm.f32 @!p1 $0.0e+00;
	p0 =	por p1, p1  }
0x6cc: {  	[tilespmem:s12+$0x2000] =	vst @!p0 v12  }
0x6cd: {  	[tilespmem:s12+$0x2010] =	vst @!p0 v12  }
0x6ce: {  	s13 =	sadd.s32 $0x80, s13;
	[tilespmem:s12+$0x2020] =	vst @!p0 v12  }
0x6cf: {  	p1 =	sne.s32 s13, $0x800;
	[tilespmem:s12+$0x2030] =	vst @!p0 v12  }
0x6d0: {  	[tilespmem:s12+$0x2040] =	vst @!p0 v12  }
.Ltmp56:
0x6d1: {  	[tilespmem:s12+$0x2050] =	vst @!p0 v12;
	(pc) =	sbr.rel @p1 .LBB2_105-.Ltmp56, $4  }
0x6d2: {  	s1 =	sor.u32 @!p0 s1, s4;
	[tilespmem:s12+$0x2060] =	vst @!p0 v12  }
0x6d3: {  	s17 =	sor.u32 @!p0 $0x2400, s1;
	[tilespmem:s12+$0x2070] =	vst @!p0 v12  }
0x6d4: {  	[tilespmem:s17+$0x169F0] =	vst @!p0 v12  }
0x6d5: {  	s15 =	sadd.s32 $0x1, s15;
	[tilespmem:s17+$0x16980] =	vst @!p0 v12  }
0x6d6: {  	[tilespmem:s17+$0x16990] =	vst @!p0 v12  }
0x6d7: {  	[tilespmem:s17+$0x169A0] =	vst @!p0 v12  }
0x6d8: {  	[tilespmem:s17+$0x169B0] =	vst @!p0 v12  }
0x6d9: {  	[tilespmem:s17+$0x169C0] =	vst @!p0 v12  }
0x6da: {  	[tilespmem:s17+$0x169D0] =	vst @!p0 v12  }
0x6db: {  	[tilespmem:s17+$0x169E0] =	vst @!p0 v12  }
.LBB2_107:
0x6dc: {  	v12 =	vld [tilespmem:s11+$0x5130];
	_ =	sdelay $0x4  }
0x6dd: {  	v11 =	vshrl.u32 v12, v11  }
0x6de: {  	v11 =	vand.u32 v10, v11  }
0x6df: {  	(xrf0) =	vadd.scan.msk.s32 $0xffff, v11;
	_ =	sdelay $0x5  }
0x6e0: {  	v11, _, _ =	vpop (xrf0)  }
0x6e1: {  	(v2sf) =	vpush v11, $0xF;
	_ =	sdelay $0xe  }
0x6e2: {  	s2 =	spop (v2sf)  }
0x6e3: {  	p0 =	seq.s32 s2, $0x0  }
.Ltmp57:
0x6e4: {  	_ = 	snop;
	(pc) =	sbr.rel @p0 .LBB2_111-.Ltmp57, $2  }
0x6e5: {  	_ =	sdelay $0x2  }
0x6e6: {  	s10 =	simm.s32 $0x0  }
0x6e7: {  	s1 =	sshrl.u32 s2, $0x0  }
0x6e8: {  	s1 =	sand.u32 $0x1, s1  }
0x6e9: {  	p0 =	seq.s32 s1, $0x0  }
0x6ea: {  	s1 =	sand.u32 @!p0 $0x800, s10;
	s4 =	sand.u32 @!p0 $0x380, s10  }
0x6eb: {  	s4 =	sor.u32 @!p0 s4, s1  }
0x6ec: {  	v11 =	vimm.f32 @!p0 $0.0e+00;
	s4 =	sadd.s32 @!p0 $0x16980, s4;
	p0 =	por p0, p0  }
0x6ed: {  	[tilespmem:s4+$0x3000] =	vst @!p0 v11  }
0x6ee: {  	[tilespmem:s4+$0x3010] =	vst @!p0 v11  }
0x6ef: {  	[tilespmem:s4+$0x3020] =	vst @!p0 v11  }
0x6f0: {  	[tilespmem:s4+$0x3030] =	vst @!p0 v11  }
0x6f1: {  	[tilespmem:s4+$0x3040] =	vst @!p0 v11  }
0x6f2: {  	[tilespmem:s4+$0x3050] =	vst @!p0 v11  }
0x6f3: {  	[tilespmem:s4+$0x3060] =	vst @!p0 v11;
	s1 =	sor.u32 @!p0 s1, s10  }
0x6f4: {  	[tilespmem:s4+$0x3070] =	vst @!p0 v11;
	s17 =	sor.u32 @!p0 $0x3400, s1  }
0x6f5: {  	[tilespmem:s17+$0x169F0] =	vst @!p0 v11  }
0x6f6: {  	s13 =	simm.s32 $0x80;
	s15 =	simm.s32 $0x1;
	[tilespmem:s17+$0x16980] =	vst @!p0 v11  }
.LBB2_109:
0x6f7: {  	s1 =	sshrl.u32 s2, s15;
	[tilespmem:s17+$0x16990] =	vst @!p0 v11;
	s4 =	smov.u32 s13  }
0x6f8: {  	s1 =	sand.u32 $0x1, s1;
	[tilespmem:s17+$0x169A0] =	vst @!p0 v11  }
0x6f9: {  	s10 =	sadd.s32 $0x100, s10;
	p1 =	seq.s32 s1, $0x0;
	[tilespmem:s17+$0x169B0] =	vst @!p0 v11  }
0x6fa: {  	s1 =	sand.u32 @!p1 $0x800, s10;
	s12 =	sand.u32 @!p1 $0x380, s13;
	[tilespmem:s17+$0x169C0] =	vst @!p0 v11  }
0x6fb: {  	s12 =	sor.u32 @!p1 s12, s1;
	[tilespmem:s17+$0x169D0] =	vst @!p0 v11  }
0x6fc: {  	s12 =	sadd.s32 @!p1 $0x16980, s12;
	[tilespmem:s17+$0x169E0] =	vst @!p0 v11;
	v11 =	vimm.f32 @!p1 $0.0e+00;
	p0 =	por p1, p1  }
0x6fd: {  	[tilespmem:s12+$0x3000] =	vst @!p0 v11  }
0x6fe: {  	[tilespmem:s12+$0x3010] =	vst @!p0 v11  }
0x6ff: {  	s13 =	sadd.s32 $0x80, s13;
	[tilespmem:s12+$0x3020] =	vst @!p0 v11  }
0x700: {  	p1 =	sne.s32 s13, $0x800;
	[tilespmem:s12+$0x3030] =	vst @!p0 v11  }
0x701: {  	[tilespmem:s12+$0x3040] =	vst @!p0 v11  }
.Ltmp58:
0x702: {  	[tilespmem:s12+$0x3050] =	vst @!p0 v11;
	(pc) =	sbr.rel @p1 .LBB2_109-.Ltmp58, $4  }
0x703: {  	s1 =	sor.u32 @!p0 s1, s4;
	[tilespmem:s12+$0x3060] =	vst @!p0 v11  }
0x704: {  	s17 =	sor.u32 @!p0 $0x3400, s1;
	[tilespmem:s12+$0x3070] =	vst @!p0 v11  }
0x705: {  	[tilespmem:s17+$0x169F0] =	vst @!p0 v11  }
0x706: {  	s15 =	sadd.s32 $0x1, s15;
	[tilespmem:s17+$0x16980] =	vst @!p0 v11  }
0x707: {  	[tilespmem:s17+$0x16990] =	vst @!p0 v11  }
.Ltmp59:
0x708: {  	[tilespmem:s17+$0x169A0] =	vst @!p0 v11;
	(pc) =	sbr.rel .LBB2_111-.Ltmp59, $4  }
0x709: {  	[tilespmem:s17+$0x169B0] =	vst @!p0 v11  }
0x70a: {  	[tilespmem:s17+$0x169C0] =	vst @!p0 v11  }
0x70b: {  	[tilespmem:s17+$0x169D0] =	vst @!p0 v11  }
0x70c: {  	[tilespmem:s17+$0x169E0] =	vst @!p0 v11  }
.LBB2_114:
0x70d: {  	_ =	sfence.sel $0x180000  }
0x70e: {  	[bflag:$0x0] =	sbarrier.arrive $0xFFFF  }
0x70f: {  	_ =	strace $0x90000047  }
0x710: {  	s0 =	stileid.u32;
	[bflag:$0x2] =	sbarrier.arrive $0xFFFF  }
0x711: {  	p0 =	sne.s32 s0, $0x0;
	s0 =	rddreg [dreg:$0x3]  }
0x712: {  	s0 =	sadd.s32 @!p0 $0x100000, s0  }
0x713: {  	[sflag:s0] =	ssyncadd.tile.s32 @!p0 $0x1;
	_ =	shalt  }
.Lfunc_end2:
_tile_overlayer_lowered:
.L_overlay_start_2:
0x714: {  	(tag) =	ssettag $0x2  }
0x715: {  	s0 =	rddreg [dreg:$0x0];
	s2 =	stileid.u32  }
0x716: {  	s1 =	rddreg [dreg:$0x1];
	p0 =	sne.s32 s2, $0x0  }
0x717: {  	s3 =	rddreg [dreg:$0x2];
	[bflag:$0x3] =	sbarrier.arrive $0xFFFF;
	s2 =	simm.s32 @!p0 $0x1C0D  }
0x718: {  	[timem:s3], [sflag:s2] =	dma.local @!p0 [hbm:s0], s1  }
0x719: {  	s0 =	simm.s32 @!p0 $0xD  }
0x71a: {  	_ =	swait.ge @!p0 [sflag:s0], s1  }
0x71b: {  	s1 =	ssub.s32 @!p0 $0x0, s1;
	[sflag:s0] =	ssyncset.done @!p0 $0x0  }
0x71c: {  	[sflag:s0] =	ssyncadd.s32 @!p0 s1  }
0x71d: {  	[bflag:$0x3] =	sbarrier.arrive $0xFFFF  }
0x71e: {  	_ =	shalt  }

</sc_bundles>
